<compile_context>
chip_gen: v7x
topology: tpu7x:2x2x1
jax: 0.10.2.dev20260603
libtpu: 0.0.44.dev20260713+nightly
codegen_flags: <defaults>
</compile_context>

<pallas_src>
import functools

import jax
import jax.numpy as jnp
from jax import lax
from jax.experimental import pallas as pl
from jax.experimental.pallas import tpu as pltpu
from jax.experimental.pallas import tpu_sc as plsc

N = 10000
NP = 10240
D_IN = 128
DH = 32
E = 320000
CHUNK = 3200
E_HALF = E // 2
NCHUNK = E_HALF // CHUNK
D_SLICE = E_HALF // 16
NZV = NP // 16
BLK = 2048
RBLK = 2048

_mesh = plsc.VectorSubcoreMesh(core_axis_name="c", subcore_axis_name="s")


@functools.partial(
    pl.kernel,
    out_type=(
        jax.ShapeDtypeStruct((2, 16, NP), jnp.float32),
        jax.ShapeDtypeStruct((2, DH, NP), jnp.float32),
    ),
    mesh=_mesh,
    compiler_params=pltpu.CompilerParams(needs_layout_passes=False),
    scratch_types=[
        pltpu.VMEM((NP,), jnp.float32),
        pltpu.VMEM((NP,), jnp.float32),
        pltpu.VMEM((NP,), jnp.int32),
        pltpu.VMEM((NP,), jnp.float32),
        pltpu.VMEM((NP,), jnp.float32),
        pltpu.VMEM((NP,), jnp.float32),
        pltpu.VMEM((2 * CHUNK,), jnp.int32),
        pltpu.VMEM((2 * CHUNK,), jnp.int32),
        pltpu.VMEM((D_SLICE,), jnp.int32),
        pltpu.VMEM((D_SLICE,), jnp.int32),
        pltpu.SemaphoreType.DMA,
        pltpu.SemaphoreType.DMA,
        pltpu.SemaphoreType.DMA,
    ],
)
def _gat_aggregate(ei_hbm, a_s_hbm, a_d_hbm, hP_hbm,
                   denom_out, acc_out,
                   tabAS, tabAD, tabHP, acc0, acc1, denom,
                   srcb, dstb, dsrcb, ddstb, sem0, sem1, sem2):
    c = lax.axis_index("c")
    s = lax.axis_index("s")
    L = hP_hbm.shape[1]

    cp0 = pltpu.async_copy(a_s_hbm.at[0], tabAS.at[pl.ds(0, L)], sem0)
    cp1 = pltpu.async_copy(a_d_hbm.at[0], tabAD.at[pl.ds(0, L)], sem0)
    cp2 = pltpu.async_copy(hP_hbm.at[s], tabHP.at[pl.ds(0, L)], sem0)
    based = c * E_HALF + s * D_SLICE
    cp4 = pltpu.async_copy(ei_hbm.at[pl.ds(based, D_SLICE)], dsrcb, sem2)
    cp5 = pltpu.async_copy(ei_hbm.at[pl.ds(E + based, D_SLICE)], ddstb, sem2)

    zeros = jnp.zeros((16,), jnp.float32)

    @plsc.parallel_loop(0, NZV, unroll=4)
    def _zden(i):
        denom[pl.ds(i * 16, 16)] = zeros

    @pl.when(c == 1)
    def _zero():
        @plsc.parallel_loop(0, NZV, unroll=4)
        def _zbody(i):
            sl = pl.ds(i * 16, 16)
            acc0[sl] = zeros
            acc1[sl] = zeros

    cp0.wait()
    cp1.wait()
    cp2.wait()

    def _unpack(gp):
        h0 = plsc.bitcast(lax.shift_left(gp, 16), jnp.float32)
        h1 = plsc.bitcast(lax.bitwise_and(gp, jnp.int32(-65536)), jnp.float32)
        return h0, h1

    @pl.when(c == 0)
    def _selfpass():
        @plsc.parallel_loop(0, N // 16, unroll=4)
        def _sbody(i):
            sl = pl.ds(i * 16, 16)
            e = tabAS[sl] + tabAD[sl]
            e = jnp.where(e >= 0.0, e, e * 0.2)
            w = jnp.exp(e)
            h0, h1 = _unpack(tabHP[sl])
            acc0[sl] = w * h0
            acc1[sl] = w * h1

    @pl.when(jnp.logical_and(c == 0, s == 0))
    def _selfdenom():
        @plsc.parallel_loop(0, N // 16, unroll=4)
        def _sdbody(i):
            sl = pl.ds(i * 16, 16)
            e = tabAS[sl] + tabAD[sl]
            e = jnp.where(e >= 0.0, e, e * 0.2)
            denom[sl] = jnp.exp(e)

    base = c * E_HALF
    sems = (sem0, sem1)

    def _issue(g, b):
        off = base + g * CHUNK
        slot = pl.ds(b * CHUNK, CHUNK)
        pltpu.async_copy(ei_hbm.at[pl.ds(off, CHUNK)], srcb.at[slot], sems[b])
        pltpu.async_copy(ei_hbm.at[pl.ds(E + off, CHUNK)], dstb.at[slot], sems[b])

    def _wait(g, b):
        off = base + g * CHUNK
        slot = pl.ds(b * CHUNK, CHUNK)
        pltpu.make_async_copy(ei_hbm.at[pl.ds(off, CHUNK)], srcb.at[slot], sems[b]).wait()
        pltpu.make_async_copy(ei_hbm.at[pl.ds(E + off, CHUNK)], dstb.at[slot], sems[b]).wait()

    _issue(0, 0)
    _issue(1, 1)

    cp4.wait()
    cp5.wait()

    @plsc.parallel_loop(0, D_SLICE // 16, unroll=4)
    def _dbody(i):
        sl = pl.ds(i * 16, 16)
        sv = dsrcb[sl]
        dv = ddstb[sl]
        e = plsc.load_gather(tabAS, [sv]) + plsc.load_gather(tabAD, [dv])
        e = jnp.where(e >= 0.0, e, e * 0.2)
        plsc.addupdate_scatter(denom, [dv], jnp.exp(e))

    pltpu.sync_copy(denom, denom_out.at[c, s])

    def _compute(b):
        sbase = b * CHUNK

        @plsc.parallel_loop(0, CHUNK // 16, unroll=4)
        def _body(i):
            sl = pl.ds(sbase + i * 16, 16)
            sv = srcb[sl]
            dv = dstb[sl]
            ga = plsc.load_gather(tabAS, [sv])
            gd = plsc.load_gather(tabAD, [dv])
            h0, h1 = _unpack(plsc.load_gather(tabHP, [sv]))
            e = ga + gd
            e = jnp.where(e >= 0.0, e, e * 0.2)
            w = jnp.exp(e)
            plsc.addupdate_scatter(acc0, [dv], h0 * w)
            plsc.addupdate_scatter(acc1, [dv], h1 * w)

    def mbody(g2, carry):
        g = g2 * 2
        _wait(g, 0)
        _compute(0)
        _issue(g + 2, 0)
        _wait(g + 1, 1)
        _compute(1)
        _issue(g + 3, 1)
        return carry

    lax.fori_loop(0, NCHUNK // 2 - 1, mbody, 0)

    _wait(NCHUNK - 2, 0)
    _compute(0)
    _wait(NCHUNK - 1, 1)
    _compute(1)

    pltpu.sync_copy(acc0, acc_out.at[c, s])
    pltpu.sync_copy(acc1, acc_out.at[c, s + 16])


def _pack_pair(hT):
    lo = lax.convert_element_type(hT[:16, :], jnp.bfloat16)
    hi = lax.convert_element_type(hT[16:, :], jnp.bfloat16)
    lo32 = lax.convert_element_type(
        lax.bitcast_convert_type(lo, jnp.uint16), jnp.uint32)
    hi32 = lax.convert_element_type(
        lax.bitcast_convert_type(hi, jnp.uint16), jnp.uint32)
    return lax.bitcast_convert_type(
        lax.bitwise_or(lo32, lax.shift_left(hi32, jnp.uint32(16))), jnp.int32)


def _proj_body(x_ref, W_ref, att_s_ref, att_d_ref, hP_ref, as_ref, ad_ref):
    hT = lax.dot_general(W_ref[...], x_ref[...], (((0,), (1,)), ((), ())),
                         preferred_element_type=jnp.float32)
    hP_ref[...] = _pack_pair(hT)
    as_ref[...] = jnp.dot(att_s_ref[...], hT, preferred_element_type=jnp.float32)
    ad_ref[...] = jnp.dot(att_d_ref[...], hT, preferred_element_type=jnp.float32)


def _proj(x, W, att_s, att_d):
    return pl.pallas_call(
        _proj_body,
        grid=(pl.cdiv(N, RBLK),),
        in_specs=[
            pl.BlockSpec((RBLK, D_IN), lambda j: (j, 0)),
            pl.BlockSpec((D_IN, DH), lambda j: (0, 0)),
            pl.BlockSpec((1, DH), lambda j: (0, 0)),
            pl.BlockSpec((1, DH), lambda j: (0, 0)),
        ],
        out_specs=[
            pl.BlockSpec((16, RBLK), lambda j: (0, j)),
            pl.BlockSpec((1, RBLK), lambda j: (0, j)),
            pl.BlockSpec((1, RBLK), lambda j: (0, j)),
        ],
        out_shape=[
            jax.ShapeDtypeStruct((16, NP), jnp.int32),
            jax.ShapeDtypeStruct((1, NP), jnp.float32),
            jax.ShapeDtypeStruct((1, NP), jnp.float32),
        ],
    )(x, W, att_s, att_d)


def _norm_proj_body(acc_ref, den_ref, b_ref, WT_ref, att_s_ref, att_d_ref,
                    hP_ref, as_ref, ad_ref):
    accs = acc_ref[0] + acc_ref[1]
    den = jnp.sum(den_ref[0] + den_ref[1], axis=0, keepdims=True)
    h = jnp.maximum(accs / (den + 1e-16) + b_ref[...], 0.0)
    hT2 = jnp.dot(WT_ref[...], h, preferred_element_type=jnp.float32)
    hP_ref[...] = _pack_pair(hT2)
    as_ref[...] = jnp.dot(att_s_ref[...], hT2, preferred_element_type=jnp.float32)
    ad_ref[...] = jnp.dot(att_d_ref[...], hT2, preferred_element_type=jnp.float32)


def _norm_proj(acc, den, b, WT, att_s, att_d):
    return pl.pallas_call(
        _norm_proj_body,
        grid=(NP // BLK,),
        in_specs=[
            pl.BlockSpec((2, DH, BLK), lambda j: (0, 0, j)),
            pl.BlockSpec((2, 16, BLK), lambda j: (0, 0, j)),
            pl.BlockSpec((DH, 1), lambda j: (0, 0)),
            pl.BlockSpec((DH, DH), lambda j: (0, 0)),
            pl.BlockSpec((1, DH), lambda j: (0, 0)),
            pl.BlockSpec((1, DH), lambda j: (0, 0)),
        ],
        out_specs=[
            pl.BlockSpec((16, BLK), lambda j: (0, j)),
            pl.BlockSpec((1, BLK), lambda j: (0, j)),
            pl.BlockSpec((1, BLK), lambda j: (0, j)),
        ],
        out_shape=[
            jax.ShapeDtypeStruct((16, NP), jnp.int32),
            jax.ShapeDtypeStruct((1, NP), jnp.float32),
            jax.ShapeDtypeStruct((1, NP), jnp.float32),
        ],
    )(acc, den, b, WT, att_s, att_d)


def _final_body(acc_ref, den_ref, b_ref, Wf_ref, bf_ref, out_ref):
    accs = acc_ref[0] + acc_ref[1]
    den = jnp.sum(den_ref[0] + den_ref[1], axis=0, keepdims=True)
    h = jnp.maximum(accs / (den + 1e-16) + b_ref[...], 0.0)
    out_ref[...] = lax.dot_general(
        h, Wf_ref[...], (((0,), (0,)), ((), ())),
        preferred_element_type=jnp.float32) + bf_ref[...]


def _final(acc, den, b, Wf, bf):
    return pl.pallas_call(
        _final_body,
        grid=(pl.cdiv(N, RBLK),),
        in_specs=[
            pl.BlockSpec((2, DH, RBLK), lambda j: (0, 0, j)),
            pl.BlockSpec((2, 16, RBLK), lambda j: (0, 0, j)),
            pl.BlockSpec((DH, 1), lambda j: (0, 0)),
            pl.BlockSpec((DH, DH), lambda j: (0, 0)),
            pl.BlockSpec((1, DH), lambda j: (0, 0)),
        ],
        out_specs=pl.BlockSpec((RBLK, DH), lambda j: (j, 0)),
        out_shape=jax.ShapeDtypeStruct((N, DH), jnp.float32),
    )(acc, den, b, Wf, bf)


def kernel(x, edge_index, W1, att_src1, att_dst1, b1,
           W2, att_src2, att_dst2, b2, Wf, bf):
    hT1, as1, ad1 = _proj(x, W1, att_src1.reshape(1, DH), att_dst1.reshape(1, DH))
    ei = edge_index.reshape(2 * E)
    den1, acc1 = _gat_aggregate(ei, as1, ad1, hT1)

    hT2, as2, ad2 = _norm_proj(acc1, den1, b1.reshape(DH, 1), W2.T,
                               att_src2.reshape(1, DH), att_dst2.reshape(1, DH))
    den2, acc2 = _gat_aggregate(ei, as2, ad2, hT2)

    return _final(acc2, den2, b2.reshape(DH, 1), Wf, bf.reshape(1, DH))

# --- scband reference (transcript-rebuilt; emitter-appended) ---
"""Pipeline reference for scband-gat-interpolation-48198122995731 (READ-ONLY COPY).

The authoritative reference and input builder live on the scoring server;
editing this copy changes nothing except your own understanding.
"""

import jax, jax.numpy as jnp
import numpy as np

N_NODES = 10000
N_EDGES = 320000
D_IN = 128
D_HID = 32
D_OUT = 32


def setup_inputs(seed: int = 0) -> dict:
    key = jax.random.key(seed)
    ks = jax.random.split(key, 13)
    x = jax.random.normal(ks[0], (N_NODES, D_IN), dtype=jnp.float32)
    edge_index = jax.random.randint(ks[1], (2, N_EDGES), 0, N_NODES, dtype=jnp.int32)
    s = 0.1
    W1 = jax.random.normal(ks[2], (D_IN, D_HID), dtype=jnp.float32) * s
    att_src1 = jax.random.normal(ks[3], (D_HID,), dtype=jnp.float32) * s
    att_dst1 = jax.random.normal(ks[4], (D_HID,), dtype=jnp.float32) * s
    b1 = jnp.zeros((D_HID,), dtype=jnp.float32)
    W2 = jax.random.normal(ks[5], (D_HID, D_HID), dtype=jnp.float32) * s
    att_src2 = jax.random.normal(ks[6], (D_HID,), dtype=jnp.float32) * s
    att_dst2 = jax.random.normal(ks[7], (D_HID,), dtype=jnp.float32) * s
    b2 = jnp.zeros((D_HID,), dtype=jnp.float32)
    Wf = jax.random.normal(ks[8], (D_HID, D_OUT), dtype=jnp.float32) * s
    bf = jnp.zeros((D_OUT,), dtype=jnp.float32)
    return {"x": x, "edge_index": edge_index, "W1": W1, "att_src1": att_src1, "att_dst1": att_dst1, "b1": b1, "W2": W2, "att_src2": att_src2, "att_dst2": att_dst2, "b2": b2, "Wf": Wf, "bf": bf}


def gat_conv(x, src, dst, W, att_src, att_dst, b, n_nodes):
    # PyG GATConv, heads=1, add_self_loops=True, negative_slope=0.2, eval mode (no dropout)
    h = x @ W  # [N, d_out]
    a_s = h @ att_src  # [N]
    a_d = h @ att_dst  # [N]
    e = a_s[src] + a_d[dst]
    e = jax.nn.leaky_relu(e, negative_slope=0.2)
    m = jax.ops.segment_max(e, dst, num_segments=n_nodes)
    m = jnp.where(jnp.isfinite(m), m, 0.0)
    e = jnp.exp(e - m[dst])
    denom = jax.ops.segment_sum(e, dst, num_segments=n_nodes)
    alpha = e / (denom[dst] + 1e-16)
    out = jax.ops.segment_sum(alpha[:, None] * h[src], dst, num_segments=n_nodes)
    return out + b


def reference(x, edge_index, W1, att_src1, att_dst1, b1, W2, att_src2, att_dst2, b2, Wf, bf):
    n_nodes = x.shape[0]
    loop = jnp.arange(n_nodes, dtype=edge_index.dtype)
    src = jnp.concatenate([edge_index[0], loop])
    dst = jnp.concatenate([edge_index[1], loop])
    h = jax.nn.relu(gat_conv(x, src, dst, W1, att_src1, att_dst1, b1, n_nodes))
    h = jax.nn.relu(gat_conv(h, src, dst, W2, att_src2, att_dst2, b2, n_nodes))
    return h @ Wf + bf

if __name__ == "__main__":
    import jax
    _d = setup_inputs()
    print(jax.jit(kernel)(*tuple(_d.values())))

</pallas_src>

<mosaic_0001>
#map = affine_map<(d0, d1) -> (0)>
#map1 = affine_map<(d0, d1) -> (0, 0)>
#map2 = affine_map<(d0, d1) -> (0, 0, 0)>
module attributes {stable_mosaic.version = 14 : i64} {
  func.func @_gat_aggregate(%arg0: i32, %arg1: i32, %arg2: memref<640000xi32, #tpu.memory_space<hbm>>, %arg3: memref<1x10240xf32, #tpu.memory_space<hbm>>, %arg4: memref<1x10240xf32, #tpu.memory_space<hbm>>, %arg5: memref<16x10240xi32, #tpu.memory_space<hbm>>, %arg6: memref<2x16x10240xf32, #tpu.memory_space<hbm>>, %arg7: memref<2x32x10240xf32, #tpu.memory_space<hbm>>, %arg8: memref<10240xf32, #tpu.memory_space<vmem>>, %arg9: memref<10240xf32, #tpu.memory_space<vmem>>, %arg10: memref<10240xi32, #tpu.memory_space<vmem>>, %arg11: memref<10240xf32, #tpu.memory_space<vmem>>, %arg12: memref<10240xf32, #tpu.memory_space<vmem>>, %arg13: memref<10240xf32, #tpu.memory_space<vmem>>, %arg14: memref<6400xi32, #tpu.memory_space<vmem>>, %arg15: memref<6400xi32, #tpu.memory_space<vmem>>, %arg16: memref<10000xi32, #tpu.memory_space<vmem>>, %arg17: memref<10000xi32, #tpu.memory_space<vmem>>, %arg18: memref<!tpu.dma_semaphore, #tpu.memory_space<semaphore_mem>>, %arg19: memref<!tpu.dma_semaphore, #tpu.memory_space<semaphore_mem>>, %arg20: memref<!tpu.dma_semaphore, #tpu.memory_space<semaphore_mem>>) attributes {dimension_semantics = [#tpu.dimension_semantics<core_parallel>, #tpu.dimension_semantics<subcore_parallel>], iteration_bounds = array<i64: 2, 16>, scalar_prefetch = 0 : i64, scratch_operands = 13 : i64, tpu.core_type = #tpu.core_type<sc_vector_subcore>, window_params = [{transform_indices = #map}, {transform_indices = #map1}, {transform_indices = #map1}, {transform_indices = #map1}, {transform_indices = #map2}, {transform_indices = #map2}]} {
    %dma_start3A = arith.constant 0 : i32
    %dma_start3A_0 = arith.constant 0 : i32
    %dma_start3A_1 = tpu.memref_slice %arg8[%dma_start3A_0] : memref<10240xf32, #tpu.memory_space<vmem>> -> memref<10240xf32, #tpu.memory_space<vmem>>
    %dma_start3A_2 = arith.constant 0 : i32
    %dma_start3A_3 = tpu.memref_slice %arg3[%dma_start3A, %dma_start3A_2] : memref<1x10240xf32, #tpu.memory_space<hbm>> -> memref<1x10240xf32, #tpu.memory_space<hbm>>
    %dma_start3A_4 = tpu.memref_squeeze %dma_start3A_3 : memref<1x10240xf32, #tpu.memory_space<hbm>> -> memref<10240xf32, #tpu.memory_space<hbm>>
    %dma_start3A_5 = arith.constant 0 : i32
    %dma_start3A_6 = tpu.memref_slice %arg8[%dma_start3A_5] : memref<10240xf32, #tpu.memory_space<vmem>> -> memref<10240xf32, #tpu.memory_space<vmem>>
    %dma_start3A_7 = arith.constant 0 : i32
    %dma_start3A_8 = tpu.memref_slice %arg3[%dma_start3A, %dma_start3A_7] : memref<1x10240xf32, #tpu.memory_space<hbm>> -> memref<1x10240xf32, #tpu.memory_space<hbm>>
    %dma_start3A_9 = tpu.memref_squeeze %dma_start3A_8 : memref<1x10240xf32, #tpu.memory_space<hbm>> -> memref<10240xf32, #tpu.memory_space<hbm>>
    tpu.enqueue_dma source(%dma_start3A_9 : memref<10240xf32, #tpu.memory_space<hbm>>) target(%dma_start3A_6 : memref<10240xf32, #tpu.memory_space<vmem>>) target_semaphore(%arg18 : memref<!tpu.dma_semaphore, #tpu.memory_space<semaphore_mem>>)
    %dma_start3A_10 = arith.constant 0 : i32
    %dma_start3A_11 = arith.constant 0 : i32
    %dma_start3A_12 = tpu.memref_slice %arg9[%dma_start3A_11] : memref<10240xf32, #tpu.memory_space<vmem>> -> memref<10240xf32, #tpu.memory_space<vmem>>
    %dma_start3A_13 = arith.constant 0 : i32
    %dma_start3A_14 = tpu.memref_slice %arg4[%dma_start3A_10, %dma_start3A_13] : memref<1x10240xf32, #tpu.memory_space<hbm>> -> memref<1x10240xf32, #tpu.memory_space<hbm>>
    %dma_start3A_15 = tpu.memref_squeeze %dma_start3A_14 : memref<1x10240xf32, #tpu.memory_space<hbm>> -> memref<10240xf32, #tpu.memory_space<hbm>>
    %dma_start3A_16 = arith.constant 0 : i32
    %dma_start3A_17 = tpu.memref_slice %arg9[%dma_start3A_16] : memref<10240xf32, #tpu.memory_space<vmem>> -> memref<10240xf32, #tpu.memory_space<vmem>>
    %dma_start3A_18 = arith.constant 0 : i32
    %dma_start3A_19 = tpu.memref_slice %arg4[%dma_start3A_10, %dma_start3A_18] : memref<1x10240xf32, #tpu.memory_space<hbm>> -> memref<1x10240xf32, #tpu.memory_space<hbm>>
    %dma_start3A_20 = tpu.memref_squeeze %dma_start3A_19 : memref<1x10240xf32, #tpu.memory_space<hbm>> -> memref<10240xf32, #tpu.memory_space<hbm>>
    tpu.enqueue_dma source(%dma_start3A_20 : memref<10240xf32, #tpu.memory_space<hbm>>) target(%dma_start3A_17 : memref<10240xf32, #tpu.memory_space<vmem>>) target_semaphore(%arg18 : memref<!tpu.dma_semaphore, #tpu.memory_space<semaphore_mem>>)
    %dma_start3A_21 = arith.constant 0 : i32
    %dma_start3A_22 = tpu.memref_slice %arg10[%dma_start3A_21] : memref<10240xi32, #tpu.memory_space<vmem>> -> memref<10240xi32, #tpu.memory_space<vmem>>
    %dma_start3A_23 = arith.constant 0 : i32
    %dma_start3A_24 = tpu.memref_slice %arg5[%arg1, %dma_start3A_23] : memref<16x10240xi32, #tpu.memory_space<hbm>> -> memref<1x10240xi32, #tpu.memory_space<hbm>>
    %dma_start3A_25 = tpu.memref_squeeze %dma_start3A_24 : memref<1x10240xi32, #tpu.memory_space<hbm>> -> memref<10240xi32, #tpu.memory_space<hbm>>
    %dma_start3A_26 = arith.constant 0 : i32
    %dma_start3A_27 = tpu.memref_slice %arg10[%dma_start3A_26] : memref<10240xi32, #tpu.memory_space<vmem>> -> memref<10240xi32, #tpu.memory_space<vmem>>
    %dma_start3A_28 = arith.constant 0 : i32
    %dma_start3A_29 = tpu.memref_slice %arg5[%arg1, %dma_start3A_28] : memref<16x10240xi32, #tpu.memory_space<hbm>> -> memref<1x10240xi32, #tpu.memory_space<hbm>>
    %dma_start3A_30 = tpu.memref_squeeze %dma_start3A_29 : memref<1x10240xi32, #tpu.memory_space<hbm>> -> memref<10240xi32, #tpu.memory_space<hbm>>
    tpu.enqueue_dma source(%dma_start3A_30 : memref<10240xi32, #tpu.memory_space<hbm>>) target(%dma_start3A_27 : memref<10240xi32, #tpu.memory_space<vmem>>) target_semaphore(%arg18 : memref<!tpu.dma_semaphore, #tpu.memory_space<semaphore_mem>>)
    %mul3A = arith.constant 160000 : i32
    %mul3A_31 = arith.muli %arg0, %mul3A : i32
    %mul3A_32 = arith.constant 10000 : i32
    %mul3A_33 = arith.muli %arg1, %mul3A_32 : i32
    %add3A = arith.addi %mul3A_31, %mul3A_33 : i32
    %dma_start3A_34 = tpu.memref_slice %arg2[%add3A] : memref<640000xi32, #tpu.memory_space<hbm>> -> memref<10000xi32, #tpu.memory_space<hbm>>
    %dma_start3A_35 = tpu.memref_slice %arg2[%add3A] : memref<640000xi32, #tpu.memory_space<hbm>> -> memref<10000xi32, #tpu.memory_space<hbm>>
    tpu.enqueue_dma source(%dma_start3A_35 : memref<10000xi32, #tpu.memory_space<hbm>>) target(%arg16 : memref<10000xi32, #tpu.memory_space<vmem>>) target_semaphore(%arg20 : memref<!tpu.dma_semaphore, #tpu.memory_space<semaphore_mem>>)
    %add3A_36 = arith.constant 320000 : i32
    %add3A_37 = arith.addi %add3A_36, %add3A : i32
    %dma_start3A_38 = tpu.memref_slice %arg2[%add3A_37] : memref<640000xi32, #tpu.memory_space<hbm>> -> memref<10000xi32, #tpu.memory_space<hbm>>
    %dma_start3A_39 = tpu.memref_slice %arg2[%add3A_37] : memref<640000xi32, #tpu.memory_space<hbm>> -> memref<10000xi32, #tpu.memory_space<hbm>>
    tpu.enqueue_dma source(%dma_start3A_39 : memref<10000xi32, #tpu.memory_space<hbm>>) target(%arg17 : memref<10000xi32, #tpu.memory_space<vmem>>) target_semaphore(%arg20 : memref<!tpu.dma_semaphore, #tpu.memory_space<semaphore_mem>>)
    %broadcast_in_dim3A = arith.constant 0.000000e+00 : f32
    %broadcast_in_dim3A_40 = vector.broadcast %broadcast_in_dim3A : f32 to vector<16xf32>
    %parallel_loop3A = arith.constant 0 : i32
    %parallel_loop3A_41 = arith.constant 640 : i32
    %parallel_loop3A_42 = arith.constant 1 : i32
    scf.for %parallel_loop3A_174 = %parallel_loop3A to %parallel_loop3A_41 step %parallel_loop3A_42  : i32 {
      %parallel_loop3A_175 = arith.constant 16 : i32
      %parallel_loop3A_176 = arith.muli %parallel_loop3A_174, %parallel_loop3A_175 : i32
      %parallel_loop3A_177 = arith.index_cast %parallel_loop3A_176 : i32 to index
      %parallel_loop3A_178 = tpu.vector_load %arg13[%parallel_loop3A_177] {strides = array<i32>} : memref<10240xf32, #tpu.memory_space<vmem>>, vector<16xf32>,
      tpu.vector_store %arg13[%parallel_loop3A_177], %broadcast_in_dim3A_40 {strides = array<i32>} : memref<10240xf32, #tpu.memory_space<vmem>>, vector<16xf32>,
    } {sc.loop_unroll_factor = 4 : i64, sc.parallel_access}
    %eq3A = arith.constant 1 : i32
    %eq3A_43 = arith.cmpi eq, %arg0, %eq3A : i32
    %convert_element_type3A = arith.extui %eq3A_43 : i1 to i32
    %cond3A = arith.constant 0 : i32
    %cond3A_44 = arith.cmpi ne, %convert_element_type3A, %cond3A : i32
    scf.if %cond3A_44 {
      %parallel_loop3A_174 = arith.constant 0 : i32
      %parallel_loop3A_175 = arith.constant 640 : i32
      %parallel_loop3A_176 = arith.constant 1 : i32
      scf.for %parallel_loop3A_177 = %parallel_loop3A_174 to %parallel_loop3A_175 step %parallel_loop3A_176  : i32 {
        %parallel_loop3A_178 = arith.constant 16 : i32
        %parallel_loop3A_179 = arith.muli %parallel_loop3A_177, %parallel_loop3A_178 : i32
        %parallel_loop3A_180 = arith.index_cast %parallel_loop3A_179 : i32 to index
        %parallel_loop3A_181 = tpu.vector_load %arg11[%parallel_loop3A_180] {strides = array<i32>} : memref<10240xf32, #tpu.memory_space<vmem>>, vector<16xf32>,
        tpu.vector_store %arg11[%parallel_loop3A_180], %broadcast_in_dim3A_40 {strides = array<i32>} : memref<10240xf32, #tpu.memory_space<vmem>>, vector<16xf32>,
        %parallel_loop3A_182 = arith.index_cast %parallel_loop3A_179 : i32 to index
        %parallel_loop3A_183 = tpu.vector_load %arg12[%parallel_loop3A_182] {strides = array<i32>} : memref<10240xf32, #tpu.memory_space<vmem>>, vector<16xf32>,
        tpu.vector_store %arg12[%parallel_loop3A_182], %broadcast_in_dim3A_40 {strides = array<i32>} : memref<10240xf32, #tpu.memory_space<vmem>>, vector<16xf32>,
      } {sc.loop_unroll_factor = 4 : i64, sc.parallel_access}
    } else {
    }
    %dma_wait3A = arith.constant 0 : i32
    %dma_wait3A_45 = arith.constant 0 : i32
    %dma_wait3A_46 = tpu.memref_slice %arg8[%dma_wait3A_45] : memref<10240xf32, #tpu.memory_space<vmem>> -> memref<10240xf32, #tpu.memory_space<vmem>>
    %dma_wait3A_47 = arith.constant 0 : i32
    %dma_wait3A_48 = tpu.memref_slice %arg3[%dma_wait3A, %dma_wait3A_47] : memref<1x10240xf32, #tpu.memory_space<hbm>> -> memref<1x10240xf32, #tpu.memory_space<hbm>>
    %dma_wait3A_49 = tpu.memref_squeeze %dma_wait3A_48 : memref<1x10240xf32, #tpu.memory_space<hbm>> -> memref<10240xf32, #tpu.memory_space<hbm>>
    %dma_wait3A_50 = arith.constant 0 : i32
    %dma_wait3A_51 = tpu.memref_slice %arg8[%dma_wait3A_50] : memref<10240xf32, #tpu.memory_space<vmem>> -> memref<10240xf32, #tpu.memory_space<vmem>>
    %dma_wait3A_52 = arith.constant 0 : i32
    %dma_wait3A_53 = tpu.memref_slice %arg3[%dma_wait3A, %dma_wait3A_52] : memref<1x10240xf32, #tpu.memory_space<hbm>> -> memref<1x10240xf32, #tpu.memory_space<hbm>>
    %dma_wait3A_54 = tpu.memref_squeeze %dma_wait3A_53 : memref<1x10240xf32, #tpu.memory_space<hbm>> -> memref<10240xf32, #tpu.memory_space<hbm>>
    tpu.wait_dma2 semaphore(%arg18 : memref<!tpu.dma_semaphore, #tpu.memory_space<semaphore_mem>>) src(%dma_wait3A_54 : memref<10240xf32, #tpu.memory_space<hbm>>) dst(%dma_wait3A_51 : memref<10240xf32, #tpu.memory_space<vmem>>)
    %dma_wait3A_55 = arith.constant 0 : i32
    %dma_wait3A_56 = arith.constant 0 : i32
    %dma_wait3A_57 = tpu.memref_slice %arg9[%dma_wait3A_56] : memref<10240xf32, #tpu.memory_space<vmem>> -> memref<10240xf32, #tpu.memory_space<vmem>>
    %dma_wait3A_58 = arith.constant 0 : i32
    %dma_wait3A_59 = tpu.memref_slice %arg4[%dma_wait3A_55, %dma_wait3A_58] : memref<1x10240xf32, #tpu.memory_space<hbm>> -> memref<1x10240xf32, #tpu.memory_space<hbm>>
    %dma_wait3A_60 = tpu.memref_squeeze %dma_wait3A_59 : memref<1x10240xf32, #tpu.memory_space<hbm>> -> memref<10240xf32, #tpu.memory_space<hbm>>
    %dma_wait3A_61 = arith.constant 0 : i32
    %dma_wait3A_62 = tpu.memref_slice %arg9[%dma_wait3A_61] : memref<10240xf32, #tpu.memory_space<vmem>> -> memref<10240xf32, #tpu.memory_space<vmem>>
    %dma_wait3A_63 = arith.constant 0 : i32
    %dma_wait3A_64 = tpu.memref_slice %arg4[%dma_wait3A_55, %dma_wait3A_63] : memref<1x10240xf32, #tpu.memory_space<hbm>> -> memref<1x10240xf32, #tpu.memory_space<hbm>>
    %dma_wait3A_65 = tpu.memref_squeeze %dma_wait3A_64 : memref<1x10240xf32, #tpu.memory_space<hbm>> -> memref<10240xf32, #tpu.memory_space<hbm>>
    tpu.wait_dma2 semaphore(%arg18 : memref<!tpu.dma_semaphore, #tpu.memory_space<semaphore_mem>>) src(%dma_wait3A_65 : memref<10240xf32, #tpu.memory_space<hbm>>) dst(%dma_wait3A_62 : memref<10240xf32, #tpu.memory_space<vmem>>)
    %dma_wait3A_66 = arith.constant 0 : i32
    %dma_wait3A_67 = tpu.memref_slice %arg10[%dma_wait3A_66] : memref<10240xi32, #tpu.memory_space<vmem>> -> memref<10240xi32, #tpu.memory_space<vmem>>
    %dma_wait3A_68 = arith.constant 0 : i32
    %dma_wait3A_69 = tpu.memref_slice %arg5[%arg1, %dma_wait3A_68] : memref<16x10240xi32, #tpu.memory_space<hbm>> -> memref<1x10240xi32, #tpu.memory_space<hbm>>
    %dma_wait3A_70 = tpu.memref_squeeze %dma_wait3A_69 : memref<1x10240xi32, #tpu.memory_space<hbm>> -> memref<10240xi32, #tpu.memory_space<hbm>>
    %dma_wait3A_71 = arith.constant 0 : i32
    %dma_wait3A_72 = tpu.memref_slice %arg10[%dma_wait3A_71] : memref<10240xi32, #tpu.memory_space<vmem>> -> memref<10240xi32, #tpu.memory_space<vmem>>
    %dma_wait3A_73 = arith.constant 0 : i32
    %dma_wait3A_74 = tpu.memref_slice %arg5[%arg1, %dma_wait3A_73] : memref<16x10240xi32, #tpu.memory_space<hbm>> -> memref<1x10240xi32, #tpu.memory_space<hbm>>
    %dma_wait3A_75 = tpu.memref_squeeze %dma_wait3A_74 : memref<1x10240xi32, #tpu.memory_space<hbm>> -> memref<10240xi32, #tpu.memory_space<hbm>>
    tpu.wait_dma2 semaphore(%arg18 : memref<!tpu.dma_semaphore, #tpu.memory_space<semaphore_mem>>) src(%dma_wait3A_75 : memref<10240xi32, #tpu.memory_space<hbm>>) dst(%dma_wait3A_72 : memref<10240xi32, #tpu.memory_space<vmem>>)
    %eq3A_76 = arith.constant 0 : i32
    %eq3A_77 = arith.cmpi eq, %arg0, %eq3A_76 : i32
    %convert_element_type3A_78 = arith.extui %eq3A_77 : i1 to i32
    %cond3A_79 = arith.constant 0 : i32
    %cond3A_80 = arith.cmpi ne, %convert_element_type3A_78, %cond3A_79 : i32
    scf.if %cond3A_80 {
      %parallel_loop3A_174 = arith.constant 0 : i32
      %parallel_loop3A_175 = arith.constant 625 : i32
      %parallel_loop3A_176 = arith.constant 1 : i32
      scf.for %parallel_loop3A_177 = %parallel_loop3A_174 to %parallel_loop3A_175 step %parallel_loop3A_176  : i32 {
        %parallel_loop3A_178 = arith.constant 16 : i32
        %parallel_loop3A_179 = arith.muli %parallel_loop3A_177, %parallel_loop3A_178 : i32
        %parallel_loop3A_180 = arith.index_cast %parallel_loop3A_179 : i32 to index
        %parallel_loop3A_181 = tpu.vector_load %arg8[%parallel_loop3A_180] {strides = array<i32>} : memref<10240xf32, #tpu.memory_space<vmem>>, vector<16xf32>,
        %parallel_loop3A_182 = arith.index_cast %parallel_loop3A_179 : i32 to index
        %parallel_loop3A_183 = tpu.vector_load %arg9[%parallel_loop3A_182] {strides = array<i32>} : memref<10240xf32, #tpu.memory_space<vmem>>, vector<16xf32>,
        %parallel_loop3A_184 = arith.addf %parallel_loop3A_181, %parallel_loop3A_183 : vector<16xf32>
        %parallel_loop3A_185 = arith.constant 0.000000e+00 : f32
        %parallel_loop3A_186 = vector.broadcast %parallel_loop3A_185 : f32 to vector<16xf32>
        %parallel_loop3A_187 = arith.cmpf oge, %parallel_loop3A_184, %parallel_loop3A_186 : vector<16xf32>
        %parallel_loop3A_188 = arith.constant 2.000000e-01 : f32
        %parallel_loop3A_189 = vector.broadcast %parallel_loop3A_188 : f32 to vector<16xf32>
        %parallel_loop3A_190 = arith.mulf %parallel_loop3A_184, %parallel_loop3A_189 : vector<16xf32>
        %parallel_loop3A_191 = arith.select %parallel_loop3A_187, %parallel_loop3A_184, %parallel_loop3A_190 : vector<16xi1>, vector<16xf32>
        %parallel_loop3A_192 = math.exp %parallel_loop3A_191 : vector<16xf32>
        %parallel_loop3A_193 = arith.index_cast %parallel_loop3A_179 : i32 to index
        %parallel_loop3A_194 = tpu.vector_load %arg10[%parallel_loop3A_193] {strides = array<i32>} : memref<10240xi32, #tpu.memory_space<vmem>>, vector<16xi32>,
        %parallel_loop3A_195 = arith.constant 16 : i32
        %parallel_loop3A_196 = vector.broadcast %parallel_loop3A_195 : i32 to vector<16xi32>
        %parallel_loop3A_197 = arith.shli %parallel_loop3A_194, %parallel_loop3A_196 : vector<16xi32>
        %parallel_loop3A_198 = vector.bitcast %parallel_loop3A_197 : vector<16xi32> to vector<16xf32>
        %parallel_loop3A_199 = arith.constant -65536 : i32
        %parallel_loop3A_200 = vector.broadcast %parallel_loop3A_199 : i32 to vector<16xi32>
        %parallel_loop3A_201 = arith.andi %parallel_loop3A_194, %parallel_loop3A_200 : vector<16xi32>
        %parallel_loop3A_202 = vector.bitcast %parallel_loop3A_201 : vector<16xi32> to vector<16xf32>
        %parallel_loop3A_203 = arith.mulf %parallel_loop3A_192, %parallel_loop3A_198 : vector<16xf32>
        %parallel_loop3A_204 = arith.index_cast %parallel_loop3A_179 : i32 to index
        %parallel_loop3A_205 = tpu.vector_load %arg11[%parallel_loop3A_204] {strides = array<i32>} : memref<10240xf32, #tpu.memory_space<vmem>>, vector<16xf32>,
        tpu.vector_store %arg11[%parallel_loop3A_204], %parallel_loop3A_203 {strides = array<i32>} : memref<10240xf32, #tpu.memory_space<vmem>>, vector<16xf32>,
        %parallel_loop3A_206 = arith.mulf %parallel_loop3A_192, %parallel_loop3A_202 : vector<16xf32>
        %parallel_loop3A_207 = arith.index_cast %parallel_loop3A_179 : i32 to index
        %parallel_loop3A_208 = tpu.vector_load %arg12[%parallel_loop3A_207] {strides = array<i32>} : memref<10240xf32, #tpu.memory_space<vmem>>, vector<16xf32>,
        tpu.vector_store %arg12[%parallel_loop3A_207], %parallel_loop3A_206 {strides = array<i32>} : memref<10240xf32, #tpu.memory_space<vmem>>, vector<16xf32>,
      } {sc.loop_unroll_factor = 4 : i64, sc.parallel_access}
    } else {
    }
    %eq3A_81 = arith.constant 0 : i32
    %eq3A_82 = arith.cmpi eq, %arg0, %eq3A_81 : i32
    %eq3A_83 = arith.constant 0 : i32
    %eq3A_84 = arith.cmpi eq, %arg1, %eq3A_83 : i32
    %and3A = arith.andi %eq3A_82, %eq3A_84 : i1
    %convert_element_type3A_85 = arith.extui %and3A : i1 to i32
    %cond3A_86 = arith.constant 0 : i32
    %cond3A_87 = arith.cmpi ne, %convert_element_type3A_85, %cond3A_86 : i32
    scf.if %cond3A_87 {
      %parallel_loop3A_174 = arith.constant 0 : i32
      %parallel_loop3A_175 = arith.constant 625 : i32
      %parallel_loop3A_176 = arith.constant 1 : i32
      scf.for %parallel_loop3A_177 = %parallel_loop3A_174 to %parallel_loop3A_175 step %parallel_loop3A_176  : i32 {
        %parallel_loop3A_178 = arith.constant 16 : i32
        %parallel_loop3A_179 = arith.muli %parallel_loop3A_177, %parallel_loop3A_178 : i32
        %parallel_loop3A_180 = arith.index_cast %parallel_loop3A_179 : i32 to index
        %parallel_loop3A_181 = tpu.vector_load %arg8[%parallel_loop3A_180] {strides = array<i32>} : memref<10240xf32, #tpu.memory_space<vmem>>, vector<16xf32>,
        %parallel_loop3A_182 = arith.index_cast %parallel_loop3A_179 : i32 to index
        %parallel_loop3A_183 = tpu.vector_load %arg9[%parallel_loop3A_182] {strides = array<i32>} : memref<10240xf32, #tpu.memory_space<vmem>>, vector<16xf32>,
        %parallel_loop3A_184 = arith.addf %parallel_loop3A_181, %parallel_loop3A_183 : vector<16xf32>
        %parallel_loop3A_185 = arith.constant 0.000000e+00 : f32
        %parallel_loop3A_186 = vector.broadcast %parallel_loop3A_185 : f32 to vector<16xf32>
        %parallel_loop3A_187 = arith.cmpf oge, %parallel_loop3A_184, %parallel_loop3A_186 : vector<16xf32>
        %parallel_loop3A_188 = arith.constant 2.000000e-01 : f32
        %parallel_loop3A_189 = vector.broadcast %parallel_loop3A_188 : f32 to vector<16xf32>
        %parallel_loop3A_190 = arith.mulf %parallel_loop3A_184, %parallel_loop3A_189 : vector<16xf32>
        %parallel_loop3A_191 = arith.select %parallel_loop3A_187, %parallel_loop3A_184, %parallel_loop3A_190 : vector<16xi1>, vector<16xf32>
        %parallel_loop3A_192 = math.exp %parallel_loop3A_191 : vector<16xf32>
        %parallel_loop3A_193 = arith.index_cast %parallel_loop3A_179 : i32 to index
        %parallel_loop3A_194 = tpu.vector_load %arg13[%parallel_loop3A_193] {strides = array<i32>} : memref<10240xf32, #tpu.memory_space<vmem>>, vector<16xf32>,
        tpu.vector_store %arg13[%parallel_loop3A_193], %parallel_loop3A_192 {strides = array<i32>} : memref<10240xf32, #tpu.memory_space<vmem>>, vector<16xf32>,
      } {sc.loop_unroll_factor = 4 : i64, sc.parallel_access}
    } else {
    }
    %mul3A_88 = arith.constant 160000 : i32
    %mul3A_89 = arith.muli %arg0, %mul3A_88 : i32
    %add3A_90 = arith.constant 0 : i32
    %add3A_91 = arith.addi %mul3A_89, %add3A_90 : i32
    %dma_start3A_92 = arith.constant 0 : i32
    %dma_start3A_93 = tpu.memref_slice %arg14[%dma_start3A_92] : memref<6400xi32, #tpu.memory_space<vmem>> -> memref<3200xi32, #tpu.memory_space<vmem>>
    %dma_start3A_94 = tpu.memref_slice %arg2[%add3A_91] : memref<640000xi32, #tpu.memory_space<hbm>> -> memref<3200xi32, #tpu.memory_space<hbm>>
    %dma_start3A_95 = arith.constant 0 : i32
    %dma_start3A_96 = tpu.memref_slice %arg14[%dma_start3A_95] : memref<6400xi32, #tpu.memory_space<vmem>> -> memref<3200xi32, #tpu.memory_space<vmem>>
    %dma_start3A_97 = tpu.memref_slice %arg2[%add3A_91] : memref<640000xi32, #tpu.memory_space<hbm>> -> memref<3200xi32, #tpu.memory_space<hbm>>
    tpu.enqueue_dma source(%dma_start3A_97 : memref<3200xi32, #tpu.memory_space<hbm>>) target(%dma_start3A_96 : memref<3200xi32, #tpu.memory_space<vmem>>) target_semaphore(%arg18 : memref<!tpu.dma_semaphore, #tpu.memory_space<semaphore_mem>>)
    %add3A_98 = arith.constant 320000 : i32
    %add3A_99 = arith.addi %add3A_98, %add3A_91 : i32
    %dma_start3A_100 = arith.constant 0 : i32
    %dma_start3A_101 = tpu.memref_slice %arg15[%dma_start3A_100] : memref<6400xi32, #tpu.memory_space<vmem>> -> memref<3200xi32, #tpu.memory_space<vmem>>
    %dma_start3A_102 = tpu.memref_slice %arg2[%add3A_99] : memref<640000xi32, #tpu.memory_space<hbm>> -> memref<3200xi32, #tpu.memory_space<hbm>>
    %dma_start3A_103 = arith.constant 0 : i32
    %dma_start3A_104 = tpu.memref_slice %arg15[%dma_start3A_103] : memref<6400xi32, #tpu.memory_space<vmem>> -> memref<3200xi32, #tpu.memory_space<vmem>>
    %dma_start3A_105 = tpu.memref_slice %arg2[%add3A_99] : memref<640000xi32, #tpu.memory_space<hbm>> -> memref<3200xi32, #tpu.memory_space<hbm>>
    tpu.enqueue_dma source(%dma_start3A_105 : memref<3200xi32, #tpu.memory_space<hbm>>) target(%dma_start3A_104 : memref<3200xi32, #tpu.memory_space<vmem>>) target_semaphore(%arg18 : memref<!tpu.dma_semaphore, #tpu.memory_space<semaphore_mem>>)
    %add3A_106 = arith.constant 3200 : i32
    %add3A_107 = arith.addi %mul3A_89, %add3A_106 : i32
    %dma_start3A_108 = arith.constant 3200 : i32
    %dma_start3A_109 = tpu.memref_slice %arg14[%dma_start3A_108] : memref<6400xi32, #tpu.memory_space<vmem>> -> memref<3200xi32, #tpu.memory_space<vmem>>
    %dma_start3A_110 = tpu.memref_slice %arg2[%add3A_107] : memref<640000xi32, #tpu.memory_space<hbm>> -> memref<3200xi32, #tpu.memory_space<hbm>>
    %dma_start3A_111 = arith.constant 3200 : i32
    %dma_start3A_112 = tpu.memref_slice %arg14[%dma_start3A_111] : memref<6400xi32, #tpu.memory_space<vmem>> -> memref<3200xi32, #tpu.memory_space<vmem>>
    %dma_start3A_113 = tpu.memref_slice %arg2[%add3A_107] : memref<640000xi32, #tpu.memory_space<hbm>> -> memref<3200xi32, #tpu.memory_space<hbm>>
    tpu.enqueue_dma source(%dma_start3A_113 : memref<3200xi32, #tpu.memory_space<hbm>>) target(%dma_start3A_112 : memref<3200xi32, #tpu.memory_space<vmem>>) target_semaphore(%arg19 : memref<!tpu.dma_semaphore, #tpu.memory_space<semaphore_mem>>)
    %add3A_114 = arith.constant 320000 : i32
    %add3A_115 = arith.addi %add3A_114, %add3A_107 : i32
    %dma_start3A_116 = arith.constant 3200 : i32
    %dma_start3A_117 = tpu.memref_slice %arg15[%dma_start3A_116] : memref<6400xi32, #tpu.memory_space<vmem>> -> memref<3200xi32, #tpu.memory_space<vmem>>
    %dma_start3A_118 = tpu.memref_slice %arg2[%add3A_115] : memref<640000xi32, #tpu.memory_space<hbm>> -> memref<3200xi32, #tpu.memory_space<hbm>>
    %dma_start3A_119 = arith.constant 3200 : i32
    %dma_start3A_120 = tpu.memref_slice %arg15[%dma_start3A_119] : memref<6400xi32, #tpu.memory_space<vmem>> -> memref<3200xi32, #tpu.memory_space<vmem>>
    %dma_start3A_121 = tpu.memref_slice %arg2[%add3A_115] : memref<640000xi32, #tpu.memory_space<hbm>> -> memref<3200xi32, #tpu.memory_space<hbm>>
    tpu.enqueue_dma source(%dma_start3A_121 : memref<3200xi32, #tpu.memory_space<hbm>>) target(%dma_start3A_120 : memref<3200xi32, #tpu.memory_space<vmem>>) target_semaphore(%arg19 : memref<!tpu.dma_semaphore, #tpu.memory_space<semaphore_mem>>)
    %dma_wait3A_122 = tpu.memref_slice %arg2[%add3A] : memref<640000xi32, #tpu.memory_space<hbm>> -> memref<10000xi32, #tpu.memory_space<hbm>>
    %dma_wait3A_123 = tpu.memref_slice %arg2[%add3A] : memref<640000xi32, #tpu.memory_space<hbm>> -> memref<10000xi32, #tpu.memory_space<hbm>>
    tpu.wait_dma2 semaphore(%arg20 : memref<!tpu.dma_semaphore, #tpu.memory_space<semaphore_mem>>) src(%dma_wait3A_123 : memref<10000xi32, #tpu.memory_space<hbm>>) dst(%arg16 : memref<10000xi32, #tpu.memory_space<vmem>>)
    %dma_wait3A_124 = tpu.memref_slice %arg2[%add3A_37] : memref<640000xi32, #tpu.memory_space<hbm>> -> memref<10000xi32, #tpu.memory_space<hbm>>
    %dma_wait3A_125 = tpu.memref_slice %arg2[%add3A_37] : memref<640000xi32, #tpu.memory_space<hbm>> -> memref<10000xi32, #tpu.memory_space<hbm>>
    tpu.wait_dma2 semaphore(%arg20 : memref<!tpu.dma_semaphore, #tpu.memory_space<semaphore_mem>>) src(%dma_wait3A_125 : memref<10000xi32, #tpu.memory_space<hbm>>) dst(%arg17 : memref<10000xi32, #tpu.memory_space<vmem>>)
    %parallel_loop3A_126 = arith.constant 0 : i32
    %parallel_loop3A_127 = arith.constant 625 : i32
    %parallel_loop3A_128 = arith.constant 1 : i32
    scf.for %parallel_loop3A_174 = %parallel_loop3A_126 to %parallel_loop3A_127 step %parallel_loop3A_128  : i32 {
      %parallel_loop3A_175 = arith.constant 16 : i32
      %parallel_loop3A_176 = arith.muli %parallel_loop3A_174, %parallel_loop3A_175 : i32
      %parallel_loop3A_177 = arith.index_cast %parallel_loop3A_176 : i32 to index
      %parallel_loop3A_178 = tpu.vector_load %arg16[%parallel_loop3A_177] {strides = array<i32>} : memref<10000xi32, #tpu.memory_space<vmem>>, vector<16xi32>,
      %parallel_loop3A_179 = arith.index_cast %parallel_loop3A_176 : i32 to index
      %parallel_loop3A_180 = tpu.vector_load %arg17[%parallel_loop3A_179] {strides = array<i32>} : memref<10000xi32, #tpu.memory_space<vmem>>, vector<16xi32>,
      %parallel_loop3A_181 = tpu.vector_load_idx %arg8[%parallel_loop3A_178] : memref<10240xf32, #tpu.memory_space<vmem>>[vector<16xi32>], vector<16xf32>,
      %parallel_loop3A_182 = tpu.vector_load_idx %arg9[%parallel_loop3A_180] : memref<10240xf32, #tpu.memory_space<vmem>>[vector<16xi32>], vector<16xf32>,
      %parallel_loop3A_183 = arith.addf %parallel_loop3A_181, %parallel_loop3A_182 : vector<16xf32>
      %parallel_loop3A_184 = arith.constant 0.000000e+00 : f32
      %parallel_loop3A_185 = vector.broadcast %parallel_loop3A_184 : f32 to vector<16xf32>
      %parallel_loop3A_186 = arith.cmpf oge, %parallel_loop3A_183, %parallel_loop3A_185 : vector<16xf32>
      %parallel_loop3A_187 = arith.constant 2.000000e-01 : f32
      %parallel_loop3A_188 = vector.broadcast %parallel_loop3A_187 : f32 to vector<16xf32>
      %parallel_loop3A_189 = arith.mulf %parallel_loop3A_183, %parallel_loop3A_188 : vector<16xf32>
      %parallel_loop3A_190 = arith.select %parallel_loop3A_186, %parallel_loop3A_183, %parallel_loop3A_189 : vector<16xi1>, vector<16xf32>
      %parallel_loop3A_191 = math.exp %parallel_loop3A_190 : vector<16xf32>
      tpu.vector_store_idx %arg13[%parallel_loop3A_180], %parallel_loop3A_191 {add = true} : memref<10240xf32, #tpu.memory_space<vmem>>[vector<16xi32>], vector<16xf32>,
    } {sc.loop_unroll_factor = 4 : i64, sc.parallel_access}
    "tpu.region"() ({
      %run_scoped3A = tpu.sem_alloc : memref<!tpu.dma_semaphore, #tpu.memory_space<semaphore_mem>>
      %dma_start3A_174 = arith.constant 0 : i32
      %dma_start3A_175 = tpu.memref_slice %arg6[%arg0, %arg1, %dma_start3A_174] : memref<2x16x10240xf32, #tpu.memory_space<hbm>> -> memref<1x1x10240xf32, #tpu.memory_space<hbm>>
      %dma_start3A_176 = tpu.memref_squeeze %dma_start3A_175 : memref<1x1x10240xf32, #tpu.memory_space<hbm>> -> memref<10240xf32, #tpu.memory_space<hbm>>
      %dma_start3A_177 = arith.constant 0 : i32
      %dma_start3A_178 = tpu.memref_slice %arg6[%arg0, %arg1, %dma_start3A_177] : memref<2x16x10240xf32, #tpu.memory_space<hbm>> -> memref<1x1x10240xf32, #tpu.memory_space<hbm>>
      %dma_start3A_179 = tpu.memref_squeeze %dma_start3A_178 : memref<1x1x10240xf32, #tpu.memory_space<hbm>> -> memref<10240xf32, #tpu.memory_space<hbm>>
      tpu.enqueue_dma source(%arg13 : memref<10240xf32, #tpu.memory_space<vmem>>) target(%dma_start3A_179 : memref<10240xf32, #tpu.memory_space<hbm>>) target_semaphore(%run_scoped3A : memref<!tpu.dma_semaphore, #tpu.memory_space<semaphore_mem>>)
      %dma_wait3A_180 = arith.constant 0 : i32
      %dma_wait3A_181 = tpu.memref_slice %arg6[%arg0, %arg1, %dma_wait3A_180] : memref<2x16x10240xf32, #tpu.memory_space<hbm>> -> memref<1x1x10240xf32, #tpu.memory_space<hbm>>
      %dma_wait3A_182 = tpu.memref_squeeze %dma_wait3A_181 : memref<1x1x10240xf32, #tpu.memory_space<hbm>> -> memref<10240xf32, #tpu.memory_space<hbm>>
      %dma_wait3A_183 = arith.constant 0 : i32
      %dma_wait3A_184 = tpu.memref_slice %arg6[%arg0, %arg1, %dma_wait3A_183] : memref<2x16x10240xf32, #tpu.memory_space<hbm>> -> memref<1x1x10240xf32, #tpu.memory_space<hbm>>
      %dma_wait3A_185 = tpu.memref_squeeze %dma_wait3A_184 : memref<1x1x10240xf32, #tpu.memory_space<hbm>> -> memref<10240xf32, #tpu.memory_space<hbm>>
      tpu.wait_dma2 semaphore(%run_scoped3A : memref<!tpu.dma_semaphore, #tpu.memory_space<semaphore_mem>>) src(%arg13 : memref<10240xf32, #tpu.memory_space<vmem>>) dst(%dma_wait3A_185 : memref<10240xf32, #tpu.memory_space<hbm>>)
      tpu.yield
    }) : () -> ()
    %scan3A = arith.constant 0 : i32
    %scan3A_129 = arith.constant 0 : i32
    %scan3A_130 = arith.constant 24 : i32
    %scan3A_131 = arith.addi %scan3A_129, %scan3A_130 : i32
    %scan3A_132 = arith.constant 1 : i32
    scf.for %scan3A_174 = %scan3A_129 to %scan3A_131 step %scan3A_132  : i32 {
      %mul3A_175 = arith.constant 2 : i32
      %mul3A_176 = arith.muli %scan3A_174, %mul3A_175 : i32
      %mul3A_177 = arith.constant 3200 : i32
      %mul3A_178 = arith.muli %mul3A_176, %mul3A_177 : i32
      %add3A_179 = arith.addi %mul3A_89, %mul3A_178 : i32
      %dma_wait3A_180 = arith.constant 0 : i32
      %dma_wait3A_181 = tpu.memref_slice %arg14[%dma_wait3A_180] : memref<6400xi32, #tpu.memory_space<vmem>> -> memref<3200xi32, #tpu.memory_space<vmem>>
      %dma_wait3A_182 = tpu.memref_slice %arg2[%add3A_179] : memref<640000xi32, #tpu.memory_space<hbm>> -> memref<3200xi32, #tpu.memory_space<hbm>>
      %dma_wait3A_183 = arith.constant 0 : i32
      %dma_wait3A_184 = tpu.memref_slice %arg14[%dma_wait3A_183] : memref<6400xi32, #tpu.memory_space<vmem>> -> memref<3200xi32, #tpu.memory_space<vmem>>
      %dma_wait3A_185 = tpu.memref_slice %arg2[%add3A_179] : memref<640000xi32, #tpu.memory_space<hbm>> -> memref<3200xi32, #tpu.memory_space<hbm>>
      tpu.wait_dma2 semaphore(%arg18 : memref<!tpu.dma_semaphore, #tpu.memory_space<semaphore_mem>>) src(%dma_wait3A_185 : memref<3200xi32, #tpu.memory_space<hbm>>) dst(%dma_wait3A_184 : memref<3200xi32, #tpu.memory_space<vmem>>)
      %add3A_186 = arith.constant 320000 : i32
      %add3A_187 = arith.addi %add3A_186, %add3A_179 : i32
      %dma_wait3A_188 = arith.constant 0 : i32
      %dma_wait3A_189 = tpu.memref_slice %arg15[%dma_wait3A_188] : memref<6400xi32, #tpu.memory_space<vmem>> -> memref<3200xi32, #tpu.memory_space<vmem>>
      %dma_wait3A_190 = tpu.memref_slice %arg2[%add3A_187] : memref<640000xi32, #tpu.memory_space<hbm>> -> memref<3200xi32, #tpu.memory_space<hbm>>
      %dma_wait3A_191 = arith.constant 0 : i32
      %dma_wait3A_192 = tpu.memref_slice %arg15[%dma_wait3A_191] : memref<6400xi32, #tpu.memory_space<vmem>> -> memref<3200xi32, #tpu.memory_space<vmem>>
      %dma_wait3A_193 = tpu.memref_slice %arg2[%add3A_187] : memref<640000xi32, #tpu.memory_space<hbm>> -> memref<3200xi32, #tpu.memory_space<hbm>>
      tpu.wait_dma2 semaphore(%arg18 : memref<!tpu.dma_semaphore, #tpu.memory_space<semaphore_mem>>) src(%dma_wait3A_193 : memref<3200xi32, #tpu.memory_space<hbm>>) dst(%dma_wait3A_192 : memref<3200xi32, #tpu.memory_space<vmem>>)
      %parallel_loop3A_194 = arith.constant 0 : i32
      %parallel_loop3A_195 = arith.constant 200 : i32
      %parallel_loop3A_196 = arith.constant 1 : i32
      scf.for %parallel_loop3A_257 = %parallel_loop3A_194 to %parallel_loop3A_195 step %parallel_loop3A_196  : i32 {
        %parallel_loop3A_258 = arith.constant 16 : i32
        %parallel_loop3A_259 = arith.muli %parallel_loop3A_257, %parallel_loop3A_258 : i32
        %parallel_loop3A_260 = arith.constant 0 : i32
        %parallel_loop3A_261 = arith.addi %parallel_loop3A_260, %parallel_loop3A_259 : i32
        %parallel_loop3A_262 = arith.index_cast %parallel_loop3A_261 : i32 to index
        %parallel_loop3A_263 = tpu.vector_load %arg14[%parallel_loop3A_262] {strides = array<i32>} : memref<6400xi32, #tpu.memory_space<vmem>>, vector<16xi32>,
        %parallel_loop3A_264 = arith.index_cast %parallel_loop3A_261 : i32 to index
        %parallel_loop3A_265 = tpu.vector_load %arg15[%parallel_loop3A_264] {strides = array<i32>} : memref<6400xi32, #tpu.memory_space<vmem>>, vector<16xi32>,
        %parallel_loop3A_266 = tpu.vector_load_idx %arg8[%parallel_loop3A_263] : memref<10240xf32, #tpu.memory_space<vmem>>[vector<16xi32>], vector<16xf32>,
        %parallel_loop3A_267 = tpu.vector_load_idx %arg9[%parallel_loop3A_265] : memref<10240xf32, #tpu.memory_space<vmem>>[vector<16xi32>], vector<16xf32>,
        %parallel_loop3A_268 = tpu.vector_load_idx %arg10[%parallel_loop3A_263] : memref<10240xi32, #tpu.memory_space<vmem>>[vector<16xi32>], vector<16xi32>,
        %parallel_loop3A_269 = arith.constant 16 : i32
        %parallel_loop3A_270 = vector.broadcast %parallel_loop3A_269 : i32 to vector<16xi32>
        %parallel_loop3A_271 = arith.shli %parallel_loop3A_268, %parallel_loop3A_270 : vector<16xi32>
        %parallel_loop3A_272 = vector.bitcast %parallel_loop3A_271 : vector<16xi32> to vector<16xf32>
        %parallel_loop3A_273 = arith.constant -65536 : i32
        %parallel_loop3A_274 = vector.broadcast %parallel_loop3A_273 : i32 to vector<16xi32>
        %parallel_loop3A_275 = arith.andi %parallel_loop3A_268, %parallel_loop3A_274 : vector<16xi32>
        %parallel_loop3A_276 = vector.bitcast %parallel_loop3A_275 : vector<16xi32> to vector<16xf32>
        %parallel_loop3A_277 = arith.addf %parallel_loop3A_266, %parallel_loop3A_267 : vector<16xf32>
        %parallel_loop3A_278 = arith.constant 0.000000e+00 : f32
        %parallel_loop3A_279 = vector.broadcast %parallel_loop3A_278 : f32 to vector<16xf32>
        %parallel_loop3A_280 = arith.cmpf oge, %parallel_loop3A_277, %parallel_loop3A_279 : vector<16xf32>
        %parallel_loop3A_281 = arith.constant 2.000000e-01 : f32
        %parallel_loop3A_282 = vector.broadcast %parallel_loop3A_281 : f32 to vector<16xf32>
        %parallel_loop3A_283 = arith.mulf %parallel_loop3A_277, %parallel_loop3A_282 : vector<16xf32>
        %parallel_loop3A_284 = arith.select %parallel_loop3A_280, %parallel_loop3A_277, %parallel_loop3A_283 : vector<16xi1>, vector<16xf32>
        %parallel_loop3A_285 = math.exp %parallel_loop3A_284 : vector<16xf32>
        %parallel_loop3A_286 = arith.mulf %parallel_loop3A_272, %parallel_loop3A_285 : vector<16xf32>
        tpu.vector_store_idx %arg11[%parallel_loop3A_265], %parallel_loop3A_286 {add = true} : memref<10240xf32, #tpu.memory_space<vmem>>[vector<16xi32>], vector<16xf32>,
        %parallel_loop3A_287 = arith.mulf %parallel_loop3A_276, %parallel_loop3A_285 : vector<16xf32>
        tpu.vector_store_idx %arg12[%parallel_loop3A_265], %parallel_loop3A_287 {add = true} : memref<10240xf32, #tpu.memory_space<vmem>>[vector<16xi32>], vector<16xf32>,
      } {sc.loop_unroll_factor = 4 : i64, sc.parallel_access}
      %add3A_197 = arith.constant 2 : i32
      %add3A_198 = arith.addi %mul3A_176, %add3A_197 : i32
      %mul3A_199 = arith.constant 3200 : i32
      %mul3A_200 = arith.muli %add3A_198, %mul3A_199 : i32
      %add3A_201 = arith.addi %mul3A_89, %mul3A_200 : i32
      %dma_start3A_202 = arith.constant 0 : i32
      %dma_start3A_203 = tpu.memref_slice %arg14[%dma_start3A_202] : memref<6400xi32, #tpu.memory_space<vmem>> -> memref<3200xi32, #tpu.memory_space<vmem>>
      %dma_start3A_204 = tpu.memref_slice %arg2[%add3A_201] : memref<640000xi32, #tpu.memory_space<hbm>> -> memref<3200xi32, #tpu.memory_space<hbm>>
      %dma_start3A_205 = arith.constant 0 : i32
      %dma_start3A_206 = tpu.memref_slice %arg14[%dma_start3A_205] : memref<6400xi32, #tpu.memory_space<vmem>> -> memref<3200xi32, #tpu.memory_space<vmem>>
      %dma_start3A_207 = tpu.memref_slice %arg2[%add3A_201] : memref<640000xi32, #tpu.memory_space<hbm>> -> memref<3200xi32, #tpu.memory_space<hbm>>
      tpu.enqueue_dma source(%dma_start3A_207 : memref<3200xi32, #tpu.memory_space<hbm>>) target(%dma_start3A_206 : memref<3200xi32, #tpu.memory_space<vmem>>) target_semaphore(%arg18 : memref<!tpu.dma_semaphore, #tpu.memory_space<semaphore_mem>>)
      %add3A_208 = arith.constant 320000 : i32
      %add3A_209 = arith.addi %add3A_208, %add3A_201 : i32
      %dma_start3A_210 = arith.constant 0 : i32
      %dma_start3A_211 = tpu.memref_slice %arg15[%dma_start3A_210] : memref<6400xi32, #tpu.memory_space<vmem>> -> memref<3200xi32, #tpu.memory_space<vmem>>
      %dma_start3A_212 = tpu.memref_slice %arg2[%add3A_209] : memref<640000xi32, #tpu.memory_space<hbm>> -> memref<3200xi32, #tpu.memory_space<hbm>>
      %dma_start3A_213 = arith.constant 0 : i32
      %dma_start3A_214 = tpu.memref_slice %arg15[%dma_start3A_213] : memref<6400xi32, #tpu.memory_space<vmem>> -> memref<3200xi32, #tpu.memory_space<vmem>>
      %dma_start3A_215 = tpu.memref_slice %arg2[%add3A_209] : memref<640000xi32, #tpu.memory_space<hbm>> -> memref<3200xi32, #tpu.memory_space<hbm>>
      tpu.enqueue_dma source(%dma_start3A_215 : memref<3200xi32, #tpu.memory_space<hbm>>) target(%dma_start3A_214 : memref<3200xi32, #tpu.memory_space<vmem>>) target_semaphore(%arg18 : memref<!tpu.dma_semaphore, #tpu.memory_space<semaphore_mem>>)
      %add3A_216 = arith.constant 1 : i32
      %add3A_217 = arith.addi %mul3A_176, %add3A_216 : i32
      %mul3A_218 = arith.constant 3200 : i32
      %mul3A_219 = arith.muli %add3A_217, %mul3A_218 : i32
      %add3A_220 = arith.addi %mul3A_89, %mul3A_219 : i32
      %dma_wait3A_221 = arith.constant 3200 : i32
      %dma_wait3A_222 = tpu.memref_slice %arg14[%dma_wait3A_221] : memref<6400xi32, #tpu.memory_space<vmem>> -> memref<3200xi32, #tpu.memory_space<vmem>>
      %dma_wait3A_223 = tpu.memref_slice %arg2[%add3A_220] : memref<640000xi32, #tpu.memory_space<hbm>> -> memref<3200xi32, #tpu.memory_space<hbm>>
      %dma_wait3A_224 = arith.constant 3200 : i32
      %dma_wait3A_225 = tpu.memref_slice %arg14[%dma_wait3A_224] : memref<6400xi32, #tpu.memory_space<vmem>> -> memref<3200xi32, #tpu.memory_space<vmem>>
      %dma_wait3A_226 = tpu.memref_slice %arg2[%add3A_220] : memref<640000xi32, #tpu.memory_space<hbm>> -> memref<3200xi32, #tpu.memory_space<hbm>>
      tpu.wait_dma2 semaphore(%arg19 : memref<!tpu.dma_semaphore, #tpu.memory_space<semaphore_mem>>) src(%dma_wait3A_226 : memref<3200xi32, #tpu.memory_space<hbm>>) dst(%dma_wait3A_225 : memref<3200xi32, #tpu.memory_space<vmem>>)
      %add3A_227 = arith.constant 320000 : i32
      %add3A_228 = arith.addi %add3A_227, %add3A_220 : i32
      %dma_wait3A_229 = arith.constant 3200 : i32
      %dma_wait3A_230 = tpu.memref_slice %arg15[%dma_wait3A_229] : memref<6400xi32, #tpu.memory_space<vmem>> -> memref<3200xi32, #tpu.memory_space<vmem>>
      %dma_wait3A_231 = tpu.memref_slice %arg2[%add3A_228] : memref<640000xi32, #tpu.memory_space<hbm>> -> memref<3200xi32, #tpu.memory_space<hbm>>
      %dma_wait3A_232 = arith.constant 3200 : i32
      %dma_wait3A_233 = tpu.memref_slice %arg15[%dma_wait3A_232] : memref<6400xi32, #tpu.memory_space<vmem>> -> memref<3200xi32, #tpu.memory_space<vmem>>
      %dma_wait3A_234 = tpu.memref_slice %arg2[%add3A_228] : memref<640000xi32, #tpu.memory_space<hbm>> -> memref<3200xi32, #tpu.memory_space<hbm>>
      tpu.wait_dma2 semaphore(%arg19 : memref<!tpu.dma_semaphore, #tpu.memory_space<semaphore_mem>>) src(%dma_wait3A_234 : memref<3200xi32, #tpu.memory_space<hbm>>) dst(%dma_wait3A_233 : memref<3200xi32, #tpu.memory_space<vmem>>)
      %parallel_loop3A_235 = arith.constant 0 : i32
      %parallel_loop3A_236 = arith.constant 200 : i32
      %parallel_loop3A_237 = arith.constant 1 : i32
      scf.for %parallel_loop3A_257 = %parallel_loop3A_235 to %parallel_loop3A_236 step %parallel_loop3A_237  : i32 {
        %parallel_loop3A_258 = arith.constant 16 : i32
        %parallel_loop3A_259 = arith.muli %parallel_loop3A_257, %parallel_loop3A_258 : i32
        %parallel_loop3A_260 = arith.constant 3200 : i32
        %parallel_loop3A_261 = arith.addi %parallel_loop3A_260, %parallel_loop3A_259 : i32
        %parallel_loop3A_262 = arith.index_cast %parallel_loop3A_261 : i32 to index
        %parallel_loop3A_263 = tpu.vector_load %arg14[%parallel_loop3A_262] {strides = array<i32>} : memref<6400xi32, #tpu.memory_space<vmem>>, vector<16xi32>,
        %parallel_loop3A_264 = arith.index_cast %parallel_loop3A_261 : i32 to index
        %parallel_loop3A_265 = tpu.vector_load %arg15[%parallel_loop3A_264] {strides = array<i32>} : memref<6400xi32, #tpu.memory_space<vmem>>, vector<16xi32>,
        %parallel_loop3A_266 = tpu.vector_load_idx %arg8[%parallel_loop3A_263] : memref<10240xf32, #tpu.memory_space<vmem>>[vector<16xi32>], vector<16xf32>,
        %parallel_loop3A_267 = tpu.vector_load_idx %arg9[%parallel_loop3A_265] : memref<10240xf32, #tpu.memory_space<vmem>>[vector<16xi32>], vector<16xf32>,
        %parallel_loop3A_268 = tpu.vector_load_idx %arg10[%parallel_loop3A_263] : memref<10240xi32, #tpu.memory_space<vmem>>[vector<16xi32>], vector<16xi32>,
        %parallel_loop3A_269 = arith.constant 16 : i32
        %parallel_loop3A_270 = vector.broadcast %parallel_loop3A_269 : i32 to vector<16xi32>
        %parallel_loop3A_271 = arith.shli %parallel_loop3A_268, %parallel_loop3A_270 : vector<16xi32>
        %parallel_loop3A_272 = vector.bitcast %parallel_loop3A_271 : vector<16xi32> to vector<16xf32>
        %parallel_loop3A_273 = arith.constant -65536 : i32
        %parallel_loop3A_274 = vector.broadcast %parallel_loop3A_273 : i32 to vector<16xi32>
        %parallel_loop3A_275 = arith.andi %parallel_loop3A_268, %parallel_loop3A_274 : vector<16xi32>
        %parallel_loop3A_276 = vector.bitcast %parallel_loop3A_275 : vector<16xi32> to vector<16xf32>
        %parallel_loop3A_277 = arith.addf %parallel_loop3A_266, %parallel_loop3A_267 : vector<16xf32>
        %parallel_loop3A_278 = arith.constant 0.000000e+00 : f32
        %parallel_loop3A_279 = vector.broadcast %parallel_loop3A_278 : f32 to vector<16xf32>
        %parallel_loop3A_280 = arith.cmpf oge, %parallel_loop3A_277, %parallel_loop3A_279 : vector<16xf32>
        %parallel_loop3A_281 = arith.constant 2.000000e-01 : f32
        %parallel_loop3A_282 = vector.broadcast %parallel_loop3A_281 : f32 to vector<16xf32>
        %parallel_loop3A_283 = arith.mulf %parallel_loop3A_277, %parallel_loop3A_282 : vector<16xf32>
        %parallel_loop3A_284 = arith.select %parallel_loop3A_280, %parallel_loop3A_277, %parallel_loop3A_283 : vector<16xi1>, vector<16xf32>
        %parallel_loop3A_285 = math.exp %parallel_loop3A_284 : vector<16xf32>
        %parallel_loop3A_286 = arith.mulf %parallel_loop3A_272, %parallel_loop3A_285 : vector<16xf32>
        tpu.vector_store_idx %arg11[%parallel_loop3A_265], %parallel_loop3A_286 {add = true} : memref<10240xf32, #tpu.memory_space<vmem>>[vector<16xi32>], vector<16xf32>,
        %parallel_loop3A_287 = arith.mulf %parallel_loop3A_276, %parallel_loop3A_285 : vector<16xf32>
        tpu.vector_store_idx %arg12[%parallel_loop3A_265], %parallel_loop3A_287 {add = true} : memref<10240xf32, #tpu.memory_space<vmem>>[vector<16xi32>], vector<16xf32>,
      } {sc.loop_unroll_factor = 4 : i64, sc.parallel_access}
      %add3A_238 = arith.constant 3 : i32
      %add3A_239 = arith.addi %mul3A_176, %add3A_238 : i32
      %mul3A_240 = arith.constant 3200 : i32
      %mul3A_241 = arith.muli %add3A_239, %mul3A_240 : i32
      %add3A_242 = arith.addi %mul3A_89, %mul3A_241 : i32
      %dma_start3A_243 = arith.constant 3200 : i32
      %dma_start3A_244 = tpu.memref_slice %arg14[%dma_start3A_243] : memref<6400xi32, #tpu.memory_space<vmem>> -> memref<3200xi32, #tpu.memory_space<vmem>>
      %dma_start3A_245 = tpu.memref_slice %arg2[%add3A_242] : memref<640000xi32, #tpu.memory_space<hbm>> -> memref<3200xi32, #tpu.memory_space<hbm>>
      %dma_start3A_246 = arith.constant 3200 : i32
      %dma_start3A_247 = tpu.memref_slice %arg14[%dma_start3A_246] : memref<6400xi32, #tpu.memory_space<vmem>> -> memref<3200xi32, #tpu.memory_space<vmem>>
      %dma_start3A_248 = tpu.memref_slice %arg2[%add3A_242] : memref<640000xi32, #tpu.memory_space<hbm>> -> memref<3200xi32, #tpu.memory_space<hbm>>
      tpu.enqueue_dma source(%dma_start3A_248 : memref<3200xi32, #tpu.memory_space<hbm>>) target(%dma_start3A_247 : memref<3200xi32, #tpu.memory_space<vmem>>) target_semaphore(%arg19 : memref<!tpu.dma_semaphore, #tpu.memory_space<semaphore_mem>>)
      %add3A_249 = arith.constant 320000 : i32
      %add3A_250 = arith.addi %add3A_249, %add3A_242 : i32
      %dma_start3A_251 = arith.constant 3200 : i32
      %dma_start3A_252 = tpu.memref_slice %arg15[%dma_start3A_251] : memref<6400xi32, #tpu.memory_space<vmem>> -> memref<3200xi32, #tpu.memory_space<vmem>>
      %dma_start3A_253 = tpu.memref_slice %arg2[%add3A_250] : memref<640000xi32, #tpu.memory_space<hbm>> -> memref<3200xi32, #tpu.memory_space<hbm>>
      %dma_start3A_254 = arith.constant 3200 : i32
      %dma_start3A_255 = tpu.memref_slice %arg15[%dma_start3A_254] : memref<6400xi32, #tpu.memory_space<vmem>> -> memref<3200xi32, #tpu.memory_space<vmem>>
      %dma_start3A_256 = tpu.memref_slice %arg2[%add3A_250] : memref<640000xi32, #tpu.memory_space<hbm>> -> memref<3200xi32, #tpu.memory_space<hbm>>
      tpu.enqueue_dma source(%dma_start3A_256 : memref<3200xi32, #tpu.memory_space<hbm>>) target(%dma_start3A_255 : memref<3200xi32, #tpu.memory_space<vmem>>) target_semaphore(%arg19 : memref<!tpu.dma_semaphore, #tpu.memory_space<semaphore_mem>>)
    }
    %scan3A_133 = arith.constant 24 : i32
    %add3A_134 = arith.constant 153600 : i32
    %add3A_135 = arith.addi %mul3A_89, %add3A_134 : i32
    %dma_wait3A_136 = arith.constant 0 : i32
    %dma_wait3A_137 = tpu.memref_slice %arg14[%dma_wait3A_136] : memref<6400xi32, #tpu.memory_space<vmem>> -> memref<3200xi32, #tpu.memory_space<vmem>>
    %dma_wait3A_138 = tpu.memref_slice %arg2[%add3A_135] : memref<640000xi32, #tpu.memory_space<hbm>> -> memref<3200xi32, #tpu.memory_space<hbm>>
    %dma_wait3A_139 = arith.constant 0 : i32
    %dma_wait3A_140 = tpu.memref_slice %arg14[%dma_wait3A_139] : memref<6400xi32, #tpu.memory_space<vmem>> -> memref<3200xi32, #tpu.memory_space<vmem>>
    %dma_wait3A_141 = tpu.memref_slice %arg2[%add3A_135] : memref<640000xi32, #tpu.memory_space<hbm>> -> memref<3200xi32, #tpu.memory_space<hbm>>
    tpu.wait_dma2 semaphore(%arg18 : memref<!tpu.dma_semaphore, #tpu.memory_space<semaphore_mem>>) src(%dma_wait3A_141 : memref<3200xi32, #tpu.memory_space<hbm>>) dst(%dma_wait3A_140 : memref<3200xi32, #tpu.memory_space<vmem>>)
    %add3A_142 = arith.constant 320000 : i32
    %add3A_143 = arith.addi %add3A_142, %add3A_135 : i32
    %dma_wait3A_144 = arith.constant 0 : i32
    %dma_wait3A_145 = tpu.memref_slice %arg15[%dma_wait3A_144] : memref<6400xi32, #tpu.memory_space<vmem>> -> memref<3200xi32, #tpu.memory_space<vmem>>
    %dma_wait3A_146 = tpu.memref_slice %arg2[%add3A_143] : memref<640000xi32, #tpu.memory_space<hbm>> -> memref<3200xi32, #tpu.memory_space<hbm>>
    %dma_wait3A_147 = arith.constant 0 : i32
    %dma_wait3A_148 = tpu.memref_slice %arg15[%dma_wait3A_147] : memref<6400xi32, #tpu.memory_space<vmem>> -> memref<3200xi32, #tpu.memory_space<vmem>>
    %dma_wait3A_149 = tpu.memref_slice %arg2[%add3A_143] : memref<640000xi32, #tpu.memory_space<hbm>> -> memref<3200xi32, #tpu.memory_space<hbm>>
    tpu.wait_dma2 semaphore(%arg18 : memref<!tpu.dma_semaphore, #tpu.memory_space<semaphore_mem>>) src(%dma_wait3A_149 : memref<3200xi32, #tpu.memory_space<hbm>>) dst(%dma_wait3A_148 : memref<3200xi32, #tpu.memory_space<vmem>>)
    %parallel_loop3A_150 = arith.constant 0 : i32
    %parallel_loop3A_151 = arith.constant 200 : i32
    %parallel_loop3A_152 = arith.constant 1 : i32
    scf.for %parallel_loop3A_174 = %parallel_loop3A_150 to %parallel_loop3A_151 step %parallel_loop3A_152  : i32 {
      %parallel_loop3A_175 = arith.constant 16 : i32
      %parallel_loop3A_176 = arith.muli %parallel_loop3A_174, %parallel_loop3A_175 : i32
      %parallel_loop3A_177 = arith.constant 0 : i32
      %parallel_loop3A_178 = arith.addi %parallel_loop3A_177, %parallel_loop3A_176 : i32
      %parallel_loop3A_179 = arith.index_cast %parallel_loop3A_178 : i32 to index
      %parallel_loop3A_180 = tpu.vector_load %arg14[%parallel_loop3A_179] {strides = array<i32>} : memref<6400xi32, #tpu.memory_space<vmem>>, vector<16xi32>,
      %parallel_loop3A_181 = arith.index_cast %parallel_loop3A_178 : i32 to index
      %parallel_loop3A_182 = tpu.vector_load %arg15[%parallel_loop3A_181] {strides = array<i32>} : memref<6400xi32, #tpu.memory_space<vmem>>, vector<16xi32>,
      %parallel_loop3A_183 = tpu.vector_load_idx %arg8[%parallel_loop3A_180] : memref<10240xf32, #tpu.memory_space<vmem>>[vector<16xi32>], vector<16xf32>,
      %parallel_loop3A_184 = tpu.vector_load_idx %arg9[%parallel_loop3A_182] : memref<10240xf32, #tpu.memory_space<vmem>>[vector<16xi32>], vector<16xf32>,
      %parallel_loop3A_185 = tpu.vector_load_idx %arg10[%parallel_loop3A_180] : memref<10240xi32, #tpu.memory_space<vmem>>[vector<16xi32>], vector<16xi32>,
      %parallel_loop3A_186 = arith.constant 16 : i32
      %parallel_loop3A_187 = vector.broadcast %parallel_loop3A_186 : i32 to vector<16xi32>
      %parallel_loop3A_188 = arith.shli %parallel_loop3A_185, %parallel_loop3A_187 : vector<16xi32>
      %parallel_loop3A_189 = vector.bitcast %parallel_loop3A_188 : vector<16xi32> to vector<16xf32>
      %parallel_loop3A_190 = arith.constant -65536 : i32
      %parallel_loop3A_191 = vector.broadcast %parallel_loop3A_190 : i32 to vector<16xi32>
      %parallel_loop3A_192 = arith.andi %parallel_loop3A_185, %parallel_loop3A_191 : vector<16xi32>
      %parallel_loop3A_193 = vector.bitcast %parallel_loop3A_192 : vector<16xi32> to vector<16xf32>
      %parallel_loop3A_194 = arith.addf %parallel_loop3A_183, %parallel_loop3A_184 : vector<16xf32>
      %parallel_loop3A_195 = arith.constant 0.000000e+00 : f32
      %parallel_loop3A_196 = vector.broadcast %parallel_loop3A_195 : f32 to vector<16xf32>
      %parallel_loop3A_197 = arith.cmpf oge, %parallel_loop3A_194, %parallel_loop3A_196 : vector<16xf32>
      %parallel_loop3A_198 = arith.constant 2.000000e-01 : f32
      %parallel_loop3A_199 = vector.broadcast %parallel_loop3A_198 : f32 to vector<16xf32>
      %parallel_loop3A_200 = arith.mulf %parallel_loop3A_194, %parallel_loop3A_199 : vector<16xf32>
      %parallel_loop3A_201 = arith.select %parallel_loop3A_197, %parallel_loop3A_194, %parallel_loop3A_200 : vector<16xi1>, vector<16xf32>
      %parallel_loop3A_202 = math.exp %parallel_loop3A_201 : vector<16xf32>
      %parallel_loop3A_203 = arith.mulf %parallel_loop3A_189, %parallel_loop3A_202 : vector<16xf32>
      tpu.vector_store_idx %arg11[%parallel_loop3A_182], %parallel_loop3A_203 {add = true} : memref<10240xf32, #tpu.memory_space<vmem>>[vector<16xi32>], vector<16xf32>,
      %parallel_loop3A_204 = arith.mulf %parallel_loop3A_193, %parallel_loop3A_202 : vector<16xf32>
      tpu.vector_store_idx %arg12[%parallel_loop3A_182], %parallel_loop3A_204 {add = true} : memref<10240xf32, #tpu.memory_space<vmem>>[vector<16xi32>], vector<16xf32>,
    } {sc.loop_unroll_factor = 4 : i64, sc.parallel_access}
    %add3A_153 = arith.constant 156800 : i32
    %add3A_154 = arith.addi %mul3A_89, %add3A_153 : i32
    %dma_wait3A_155 = arith.constant 3200 : i32
    %dma_wait3A_156 = tpu.memref_slice %arg14[%dma_wait3A_155] : memref<6400xi32, #tpu.memory_space<vmem>> -> memref<3200xi32, #tpu.memory_space<vmem>>
    %dma_wait3A_157 = tpu.memref_slice %arg2[%add3A_154] : memref<640000xi32, #tpu.memory_space<hbm>> -> memref<3200xi32, #tpu.memory_space<hbm>>
    %dma_wait3A_158 = arith.constant 3200 : i32
    %dma_wait3A_159 = tpu.memref_slice %arg14[%dma_wait3A_158] : memref<6400xi32, #tpu.memory_space<vmem>> -> memref<3200xi32, #tpu.memory_space<vmem>>
    %dma_wait3A_160 = tpu.memref_slice %arg2[%add3A_154] : memref<640000xi32, #tpu.memory_space<hbm>> -> memref<3200xi32, #tpu.memory_space<hbm>>
    tpu.wait_dma2 semaphore(%arg19 : memref<!tpu.dma_semaphore, #tpu.memory_space<semaphore_mem>>) src(%dma_wait3A_160 : memref<3200xi32, #tpu.memory_space<hbm>>) dst(%dma_wait3A_159 : memref<3200xi32, #tpu.memory_space<vmem>>)
    %add3A_161 = arith.constant 320000 : i32
    %add3A_162 = arith.addi %add3A_161, %add3A_154 : i32
    %dma_wait3A_163 = arith.constant 3200 : i32
    %dma_wait3A_164 = tpu.memref_slice %arg15[%dma_wait3A_163] : memref<6400xi32, #tpu.memory_space<vmem>> -> memref<3200xi32, #tpu.memory_space<vmem>>
    %dma_wait3A_165 = tpu.memref_slice %arg2[%add3A_162] : memref<640000xi32, #tpu.memory_space<hbm>> -> memref<3200xi32, #tpu.memory_space<hbm>>
    %dma_wait3A_166 = arith.constant 3200 : i32
    %dma_wait3A_167 = tpu.memref_slice %arg15[%dma_wait3A_166] : memref<6400xi32, #tpu.memory_space<vmem>> -> memref<3200xi32, #tpu.memory_space<vmem>>
    %dma_wait3A_168 = tpu.memref_slice %arg2[%add3A_162] : memref<640000xi32, #tpu.memory_space<hbm>> -> memref<3200xi32, #tpu.memory_space<hbm>>
    tpu.wait_dma2 semaphore(%arg19 : memref<!tpu.dma_semaphore, #tpu.memory_space<semaphore_mem>>) src(%dma_wait3A_168 : memref<3200xi32, #tpu.memory_space<hbm>>) dst(%dma_wait3A_167 : memref<3200xi32, #tpu.memory_space<vmem>>)
    %parallel_loop3A_169 = arith.constant 0 : i32
    %parallel_loop3A_170 = arith.constant 200 : i32
    %parallel_loop3A_171 = arith.constant 1 : i32
    scf.for %parallel_loop3A_174 = %parallel_loop3A_169 to %parallel_loop3A_170 step %parallel_loop3A_171  : i32 {
      %parallel_loop3A_175 = arith.constant 16 : i32
      %parallel_loop3A_176 = arith.muli %parallel_loop3A_174, %parallel_loop3A_175 : i32
      %parallel_loop3A_177 = arith.constant 3200 : i32
      %parallel_loop3A_178 = arith.addi %parallel_loop3A_177, %parallel_loop3A_176 : i32
      %parallel_loop3A_179 = arith.index_cast %parallel_loop3A_178 : i32 to index
      %parallel_loop3A_180 = tpu.vector_load %arg14[%parallel_loop3A_179] {strides = array<i32>} : memref<6400xi32, #tpu.memory_space<vmem>>, vector<16xi32>,
      %parallel_loop3A_181 = arith.index_cast %parallel_loop3A_178 : i32 to index
      %parallel_loop3A_182 = tpu.vector_load %arg15[%parallel_loop3A_181] {strides = array<i32>} : memref<6400xi32, #tpu.memory_space<vmem>>, vector<16xi32>,
      %parallel_loop3A_183 = tpu.vector_load_idx %arg8[%parallel_loop3A_180] : memref<10240xf32, #tpu.memory_space<vmem>>[vector<16xi32>], vector<16xf32>,
      %parallel_loop3A_184 = tpu.vector_load_idx %arg9[%parallel_loop3A_182] : memref<10240xf32, #tpu.memory_space<vmem>>[vector<16xi32>], vector<16xf32>,
      %parallel_loop3A_185 = tpu.vector_load_idx %arg10[%parallel_loop3A_180] : memref<10240xi32, #tpu.memory_space<vmem>>[vector<16xi32>], vector<16xi32>,
      %parallel_loop3A_186 = arith.constant 16 : i32
      %parallel_loop3A_187 = vector.broadcast %parallel_loop3A_186 : i32 to vector<16xi32>
      %parallel_loop3A_188 = arith.shli %parallel_loop3A_185, %parallel_loop3A_187 : vector<16xi32>
      %parallel_loop3A_189 = vector.bitcast %parallel_loop3A_188 : vector<16xi32> to vector<16xf32>
      %parallel_loop3A_190 = arith.constant -65536 : i32
      %parallel_loop3A_191 = vector.broadcast %parallel_loop3A_190 : i32 to vector<16xi32>
      %parallel_loop3A_192 = arith.andi %parallel_loop3A_185, %parallel_loop3A_191 : vector<16xi32>
      %parallel_loop3A_193 = vector.bitcast %parallel_loop3A_192 : vector<16xi32> to vector<16xf32>
      %parallel_loop3A_194 = arith.addf %parallel_loop3A_183, %parallel_loop3A_184 : vector<16xf32>
      %parallel_loop3A_195 = arith.constant 0.000000e+00 : f32
      %parallel_loop3A_196 = vector.broadcast %parallel_loop3A_195 : f32 to vector<16xf32>
      %parallel_loop3A_197 = arith.cmpf oge, %parallel_loop3A_194, %parallel_loop3A_196 : vector<16xf32>
      %parallel_loop3A_198 = arith.constant 2.000000e-01 : f32
      %parallel_loop3A_199 = vector.broadcast %parallel_loop3A_198 : f32 to vector<16xf32>
      %parallel_loop3A_200 = arith.mulf %parallel_loop3A_194, %parallel_loop3A_199 : vector<16xf32>
      %parallel_loop3A_201 = arith.select %parallel_loop3A_197, %parallel_loop3A_194, %parallel_loop3A_200 : vector<16xi1>, vector<16xf32>
      %parallel_loop3A_202 = math.exp %parallel_loop3A_201 : vector<16xf32>
      %parallel_loop3A_203 = arith.mulf %parallel_loop3A_189, %parallel_loop3A_202 : vector<16xf32>
      tpu.vector_store_idx %arg11[%parallel_loop3A_182], %parallel_loop3A_203 {add = true} : memref<10240xf32, #tpu.memory_space<vmem>>[vector<16xi32>], vector<16xf32>,
      %parallel_loop3A_204 = arith.mulf %parallel_loop3A_193, %parallel_loop3A_202 : vector<16xf32>
      tpu.vector_store_idx %arg12[%parallel_loop3A_182], %parallel_loop3A_204 {add = true} : memref<10240xf32, #tpu.memory_space<vmem>>[vector<16xi32>], vector<16xf32>,
    } {sc.loop_unroll_factor = 4 : i64, sc.parallel_access}
    "tpu.region"() ({
      %run_scoped3A = tpu.sem_alloc : memref<!tpu.dma_semaphore, #tpu.memory_space<semaphore_mem>>
      %dma_start3A_174 = arith.constant 0 : i32
      %dma_start3A_175 = tpu.memref_slice %arg7[%arg0, %arg1, %dma_start3A_174] : memref<2x32x10240xf32, #tpu.memory_space<hbm>> -> memref<1x1x10240xf32, #tpu.memory_space<hbm>>
      %dma_start3A_176 = tpu.memref_squeeze %dma_start3A_175 : memref<1x1x10240xf32, #tpu.memory_space<hbm>> -> memref<10240xf32, #tpu.memory_space<hbm>>
      %dma_start3A_177 = arith.constant 0 : i32
      %dma_start3A_178 = tpu.memref_slice %arg7[%arg0, %arg1, %dma_start3A_177] : memref<2x32x10240xf32, #tpu.memory_space<hbm>> -> memref<1x1x10240xf32, #tpu.memory_space<hbm>>
      %dma_start3A_179 = tpu.memref_squeeze %dma_start3A_178 : memref<1x1x10240xf32, #tpu.memory_space<hbm>> -> memref<10240xf32, #tpu.memory_space<hbm>>
      tpu.enqueue_dma source(%arg11 : memref<10240xf32, #tpu.memory_space<vmem>>) target(%dma_start3A_179 : memref<10240xf32, #tpu.memory_space<hbm>>) target_semaphore(%run_scoped3A : memref<!tpu.dma_semaphore, #tpu.memory_space<semaphore_mem>>)
      %dma_wait3A_180 = arith.constant 0 : i32
      %dma_wait3A_181 = tpu.memref_slice %arg7[%arg0, %arg1, %dma_wait3A_180] : memref<2x32x10240xf32, #tpu.memory_space<hbm>> -> memref<1x1x10240xf32, #tpu.memory_space<hbm>>
      %dma_wait3A_182 = tpu.memref_squeeze %dma_wait3A_181 : memref<1x1x10240xf32, #tpu.memory_space<hbm>> -> memref<10240xf32, #tpu.memory_space<hbm>>
      %dma_wait3A_183 = arith.constant 0 : i32
      %dma_wait3A_184 = tpu.memref_slice %arg7[%arg0, %arg1, %dma_wait3A_183] : memref<2x32x10240xf32, #tpu.memory_space<hbm>> -> memref<1x1x10240xf32, #tpu.memory_space<hbm>>
      %dma_wait3A_185 = tpu.memref_squeeze %dma_wait3A_184 : memref<1x1x10240xf32, #tpu.memory_space<hbm>> -> memref<10240xf32, #tpu.memory_space<hbm>>
      tpu.wait_dma2 semaphore(%run_scoped3A : memref<!tpu.dma_semaphore, #tpu.memory_space<semaphore_mem>>) src(%arg11 : memref<10240xf32, #tpu.memory_space<vmem>>) dst(%dma_wait3A_185 : memref<10240xf32, #tpu.memory_space<hbm>>)
      tpu.yield
    }) : () -> ()
    %add3A_172 = arith.constant 16 : i32
    %add3A_173 = arith.addi %arg1, %add3A_172 : i32
    "tpu.region"() ({
      %run_scoped3A = tpu.sem_alloc : memref<!tpu.dma_semaphore, #tpu.memory_space<semaphore_mem>>
      %dma_start3A_174 = arith.constant 0 : i32
      %dma_start3A_175 = tpu.memref_slice %arg7[%arg0, %add3A_173, %dma_start3A_174] : memref<2x32x10240xf32, #tpu.memory_space<hbm>> -> memref<1x1x10240xf32, #tpu.memory_space<hbm>>
      %dma_start3A_176 = tpu.memref_squeeze %dma_start3A_175 : memref<1x1x10240xf32, #tpu.memory_space<hbm>> -> memref<10240xf32, #tpu.memory_space<hbm>>
      %dma_start3A_177 = arith.constant 0 : i32
      %dma_start3A_178 = tpu.memref_slice %arg7[%arg0, %add3A_173, %dma_start3A_177] : memref<2x32x10240xf32, #tpu.memory_space<hbm>> -> memref<1x1x10240xf32, #tpu.memory_space<hbm>>
      %dma_start3A_179 = tpu.memref_squeeze %dma_start3A_178 : memref<1x1x10240xf32, #tpu.memory_space<hbm>> -> memref<10240xf32, #tpu.memory_space<hbm>>
      tpu.enqueue_dma source(%arg12 : memref<10240xf32, #tpu.memory_space<vmem>>) target(%dma_start3A_179 : memref<10240xf32, #tpu.memory_space<hbm>>) target_semaphore(%run_scoped3A : memref<!tpu.dma_semaphore, #tpu.memory_space<semaphore_mem>>)
      %dma_wait3A_180 = arith.constant 0 : i32
      %dma_wait3A_181 = tpu.memref_slice %arg7[%arg0, %add3A_173, %dma_wait3A_180] : memref<2x32x10240xf32, #tpu.memory_space<hbm>> -> memref<1x1x10240xf32, #tpu.memory_space<hbm>>
      %dma_wait3A_182 = tpu.memref_squeeze %dma_wait3A_181 : memref<1x1x10240xf32, #tpu.memory_space<hbm>> -> memref<10240xf32, #tpu.memory_space<hbm>>
      %dma_wait3A_183 = arith.constant 0 : i32
      %dma_wait3A_184 = tpu.memref_slice %arg7[%arg0, %add3A_173, %dma_wait3A_183] : memref<2x32x10240xf32, #tpu.memory_space<hbm>> -> memref<1x1x10240xf32, #tpu.memory_space<hbm>>
      %dma_wait3A_185 = tpu.memref_squeeze %dma_wait3A_184 : memref<1x1x10240xf32, #tpu.memory_space<hbm>> -> memref<10240xf32, #tpu.memory_space<hbm>>
      tpu.wait_dma2 semaphore(%run_scoped3A : memref<!tpu.dma_semaphore, #tpu.memory_space<semaphore_mem>>) src(%arg12 : memref<10240xf32, #tpu.memory_space<vmem>>) dst(%dma_wait3A_185 : memref<10240xf32, #tpu.memory_space<hbm>>)
      tpu.yield
    }) : () -> ()
    return
  }
}

#map = affine_map<(d0, d1) -> (0)>
#map1 = affine_map<(d0, d1) -> (0, 0)>
#map2 = affine_map<(d0, d1) -> (0, 0, 0)>
module attributes {stable_mosaic.version = 14 : i64} {
  func.func @_gat_aggregate(%arg0: i32, %arg1: i32, %arg2: memref<640000xi32, #tpu.memory_space<hbm>>, %arg3: memref<1x10240xf32, #tpu.memory_space<hbm>>, %arg4: memref<1x10240xf32, #tpu.memory_space<hbm>>, %arg5: memref<16x10240xi32, #tpu.memory_space<hbm>>, %arg6: memref<2x16x10240xf32, #tpu.memory_space<hbm>>, %arg7: memref<2x32x10240xf32, #tpu.memory_space<hbm>>, %arg8: memref<10240xf32, #tpu.memory_space<vmem>>, %arg9: memref<10240xf32, #tpu.memory_space<vmem>>, %arg10: memref<10240xi32, #tpu.memory_space<vmem>>, %arg11: memref<10240xf32, #tpu.memory_space<vmem>>, %arg12: memref<10240xf32, #tpu.memory_space<vmem>>, %arg13: memref<10240xf32, #tpu.memory_space<vmem>>, %arg14: memref<6400xi32, #tpu.memory_space<vmem>>, %arg15: memref<6400xi32, #tpu.memory_space<vmem>>, %arg16: memref<10000xi32, #tpu.memory_space<vmem>>, %arg17: memref<10000xi32, #tpu.memory_space<vmem>>, %arg18: memref<!tpu.dma_semaphore, #tpu.memory_space<semaphore_mem>>, %arg19: memref<!tpu.dma_semaphore, #tpu.memory_space<semaphore_mem>>, %arg20: memref<!tpu.dma_semaphore, #tpu.memory_space<semaphore_mem>>) attributes {dimension_semantics = [#tpu.dimension_semantics<core_parallel>, #tpu.dimension_semantics<subcore_parallel>], iteration_bounds = array<i64: 2, 16>, scalar_prefetch = 0 : i64, scratch_operands = 13 : i64, tpu.core_type = #tpu.core_type<sc_vector_subcore>, window_params = [{transform_indices = #map}, {transform_indices = #map1}, {transform_indices = #map1}, {transform_indices = #map1}, {transform_indices = #map2}, {transform_indices = #map2}]} {
    %dma_start3A = arith.constant 0 : i32
    %dma_start3A_0 = arith.constant 0 : i32
    %dma_start3A_1 = tpu.memref_slice %arg8[%dma_start3A_0] : memref<10240xf32, #tpu.memory_space<vmem>> -> memref<10240xf32, #tpu.memory_space<vmem>>
    %dma_start3A_2 = arith.constant 0 : i32
    %dma_start3A_3 = tpu.memref_slice %arg3[%dma_start3A, %dma_start3A_2] : memref<1x10240xf32, #tpu.memory_space<hbm>> -> memref<1x10240xf32, #tpu.memory_space<hbm>>
    %dma_start3A_4 = tpu.memref_squeeze %dma_start3A_3 : memref<1x10240xf32, #tpu.memory_space<hbm>> -> memref<10240xf32, #tpu.memory_space<hbm>>
    %dma_start3A_5 = arith.constant 0 : i32
    %dma_start3A_6 = tpu.memref_slice %arg8[%dma_start3A_5] : memref<10240xf32, #tpu.memory_space<vmem>> -> memref<10240xf32, #tpu.memory_space<vmem>>
    %dma_start3A_7 = arith.constant 0 : i32
    %dma_start3A_8 = tpu.memref_slice %arg3[%dma_start3A, %dma_start3A_7] : memref<1x10240xf32, #tpu.memory_space<hbm>> -> memref<1x10240xf32, #tpu.memory_space<hbm>>
    %dma_start3A_9 = tpu.memref_squeeze %dma_start3A_8 : memref<1x10240xf32, #tpu.memory_space<hbm>> -> memref<10240xf32, #tpu.memory_space<hbm>>
    tpu.enqueue_dma source(%dma_start3A_9 : memref<10240xf32, #tpu.memory_space<hbm>>) target(%dma_start3A_6 : memref<10240xf32, #tpu.memory_space<vmem>>) target_semaphore(%arg18 : memref<!tpu.dma_semaphore, #tpu.memory_space<semaphore_mem>>)
    %dma_start3A_10 = arith.constant 0 : i32
    %dma_start3A_11 = arith.constant 0 : i32
    %dma_start3A_12 = tpu.memref_slice %arg9[%dma_start3A_11] : memref<10240xf32, #tpu.memory_space<vmem>> -> memref<10240xf32, #tpu.memory_space<vmem>>
    %dma_start3A_13 = arith.constant 0 : i32
    %dma_start3A_14 = tpu.memref_slice %arg4[%dma_start3A_10, %dma_start3A_13] : memref<1x10240xf32, #tpu.memory_space<hbm>> -> memref<1x10240xf32, #tpu.memory_space<hbm>>
    %dma_start3A_15 = tpu.memref_squeeze %dma_start3A_14 : memref<1x10240xf32, #tpu.memory_space<hbm>> -> memref<10240xf32, #tpu.memory_space<hbm>>
    %dma_start3A_16 = arith.constant 0 : i32
    %dma_start3A_17 = tpu.memref_slice %arg9[%dma_start3A_16] : memref<10240xf32, #tpu.memory_space<vmem>> -> memref<10240xf32, #tpu.memory_space<vmem>>
    %dma_start3A_18 = arith.constant 0 : i32
    %dma_start3A_19 = tpu.memref_slice %arg4[%dma_start3A_10, %dma_start3A_18] : memref<1x10240xf32, #tpu.memory_space<hbm>> -> memref<1x10240xf32, #tpu.memory_space<hbm>>
    %dma_start3A_20 = tpu.memref_squeeze %dma_start3A_19 : memref<1x10240xf32, #tpu.memory_space<hbm>> -> memref<10240xf32, #tpu.memory_space<hbm>>
    tpu.enqueue_dma source(%dma_start3A_20 : memref<10240xf32, #tpu.memory_space<hbm>>) target(%dma_start3A_17 : memref<10240xf32, #tpu.memory_space<vmem>>) target_semaphore(%arg18 : memref<!tpu.dma_semaphore, #tpu.memory_space<semaphore_mem>>)
    %dma_start3A_21 = arith.constant 0 : i32
    %dma_start3A_22 = tpu.memref_slice %arg10[%dma_start3A_21] : memref<10240xi32, #tpu.memory_space<vmem>> -> memref<10240xi32, #tpu.memory_space<vmem>>
    %dma_start3A_23 = arith.constant 0 : i32
    %dma_start3A_24 = tpu.memref_slice %arg5[%arg1, %dma_start3A_23] : memref<16x10240xi32, #tpu.memory_space<hbm>> -> memref<1x10240xi32, #tpu.memory_space<hbm>>
    %dma_start3A_25 = tpu.memref_squeeze %dma_start3A_24 : memref<1x10240xi32, #tpu.memory_space<hbm>> -> memref<10240xi32, #tpu.memory_space<hbm>>
    %dma_start3A_26 = arith.constant 0 : i32
    %dma_start3A_27 = tpu.memref_slice %arg10[%dma_start3A_26] : memref<10240xi32, #tpu.memory_space<vmem>> -> memref<10240xi32, #tpu.memory_space<vmem>>
    %dma_start3A_28 = arith.constant 0 : i32
    %dma_start3A_29 = tpu.memref_slice %arg5[%arg1, %dma_start3A_28] : memref<16x10240xi32, #tpu.memory_space<hbm>> -> memref<1x10240xi32, #tpu.memory_space<hbm>>
    %dma_start3A_30 = tpu.memref_squeeze %dma_start3A_29 : memref<1x10240xi32, #tpu.memory_space<hbm>> -> memref<10240xi32, #tpu.memory_space<hbm>>
    tpu.enqueue_dma source(%dma_start3A_30 : memref<10240xi32, #tpu.memory_space<hbm>>) target(%dma_start3A_27 : memref<10240xi32, #tpu.memory_space<vmem>>) target_semaphore(%arg18 : memref<!tpu.dma_semaphore, #tpu.memory_space<semaphore_mem>>)
    %mul3A = arith.constant 160000 : i32
    %mul3A_31 = arith.muli %arg0, %mul3A : i32
    %mul3A_32 = arith.constant 10000 : i32
    %mul3A_33 = arith.muli %arg1, %mul3A_32 : i32
    %add3A = arith.addi %mul3A_31, %mul3A_33 : i32
    %dma_start3A_34 = tpu.memref_slice %arg2[%add3A] : memref<640000xi32, #tpu.memory_space<hbm>> -> memref<10000xi32, #tpu.memory_space<hbm>>
    %dma_start3A_35 = tpu.memref_slice %arg2[%add3A] : memref<640000xi32, #tpu.memory_space<hbm>> -> memref<10000xi32, #tpu.memory_space<hbm>>
    tpu.enqueue_dma source(%dma_start3A_35 : memref<10000xi32, #tpu.memory_space<hbm>>) target(%arg16 : memref<10000xi32, #tpu.memory_space<vmem>>) target_semaphore(%arg20 : memref<!tpu.dma_semaphore, #tpu.memory_space<semaphore_mem>>)
    %add3A_36 = arith.constant 320000 : i32
    %add3A_37 = arith.addi %add3A_36, %add3A : i32
    %dma_start3A_38 = tpu.memref_slice %arg2[%add3A_37] : memref<640000xi32, #tpu.memory_space<hbm>> -> memref<10000xi32, #tpu.memory_space<hbm>>
    %dma_start3A_39 = tpu.memref_slice %arg2[%add3A_37] : memref<640000xi32, #tpu.memory_space<hbm>> -> memref<10000xi32, #tpu.memory_space<hbm>>
    tpu.enqueue_dma source(%dma_start3A_39 : memref<10000xi32, #tpu.memory_space<hbm>>) target(%arg17 : memref<10000xi32, #tpu.memory_space<vmem>>) target_semaphore(%arg20 : memref<!tpu.dma_semaphore, #tpu.memory_space<semaphore_mem>>)
    %broadcast_in_dim3A = arith.constant 0.000000e+00 : f32
    %broadcast_in_dim3A_40 = vector.broadcast %broadcast_in_dim3A : f32 to vector<16xf32>
    %parallel_loop3A = arith.constant 0 : i32
    %parallel_loop3A_41 = arith.constant 640 : i32
    %parallel_loop3A_42 = arith.constant 1 : i32
    scf.for %parallel_loop3A_174 = %parallel_loop3A to %parallel_loop3A_41 step %parallel_loop3A_42  : i32 {
      %parallel_loop3A_175 = arith.constant 16 : i32
      %parallel_loop3A_176 = arith.muli %parallel_loop3A_174, %parallel_loop3A_175 : i32
      %parallel_loop3A_177 = arith.index_cast %parallel_loop3A_176 : i32 to index
      %parallel_loop3A_178 = tpu.vector_load %arg13[%parallel_loop3A_177] {strides = array<i32>} : memref<10240xf32, #tpu.memory_space<vmem>>, vector<16xf32>,
      tpu.vector_store %arg13[%parallel_loop3A_177], %broadcast_in_dim3A_40 {strides = array<i32>} : memref<10240xf32, #tpu.memory_space<vmem>>, vector<16xf32>,
    } {sc.loop_unroll_factor = 4 : i64, sc.parallel_access}
    %eq3A = arith.constant 1 : i32
    %eq3A_43 = arith.cmpi eq, %arg0, %eq3A : i32
    %convert_element_type3A = arith.extui %eq3A_43 : i1 to i32
    %cond3A = arith.constant 0 : i32
    %cond3A_44 = arith.cmpi ne, %convert_element_type3A, %cond3A : i32
    scf.if %cond3A_44 {
      %parallel_loop3A_174 = arith.constant 0 : i32
      %parallel_loop3A_175 = arith.constant 640 : i32
      %parallel_loop3A_176 = arith.constant 1 : i32
      scf.for %parallel_loop3A_177 = %parallel_loop3A_174 to %parallel_loop3A_175 step %parallel_loop3A_176  : i32 {
        %parallel_loop3A_178 = arith.constant 16 : i32
        %parallel_loop3A_179 = arith.muli %parallel_loop3A_177, %parallel_loop3A_178 : i32
        %parallel_loop3A_180 = arith.index_cast %parallel_loop3A_179 : i32 to index
        %parallel_loop3A_181 = tpu.vector_load %arg11[%parallel_loop3A_180] {strides = array<i32>} : memref<10240xf32, #tpu.memory_space<vmem>>, vector<16xf32>,
        tpu.vector_store %arg11[%parallel_loop3A_180], %broadcast_in_dim3A_40 {strides = array<i32>} : memref<10240xf32, #tpu.memory_space<vmem>>, vector<16xf32>,
        %parallel_loop3A_182 = arith.index_cast %parallel_loop3A_179 : i32 to index
        %parallel_loop3A_183 = tpu.vector_load %arg12[%parallel_loop3A_182] {strides = array<i32>} : memref<10240xf32, #tpu.memory_space<vmem>>, vector<16xf32>,
        tpu.vector_store %arg12[%parallel_loop3A_182], %broadcast_in_dim3A_40 {strides = array<i32>} : memref<10240xf32, #tpu.memory_space<vmem>>, vector<16xf32>,
      } {sc.loop_unroll_factor = 4 : i64, sc.parallel_access}
    } else {
    }
    %dma_wait3A = arith.constant 0 : i32
    %dma_wait3A_45 = arith.constant 0 : i32
    %dma_wait3A_46 = tpu.memref_slice %arg8[%dma_wait3A_45] : memref<10240xf32, #tpu.memory_space<vmem>> -> memref<10240xf32, #tpu.memory_space<vmem>>
    %dma_wait3A_47 = arith.constant 0 : i32
    %dma_wait3A_48 = tpu.memref_slice %arg3[%dma_wait3A, %dma_wait3A_47] : memref<1x10240xf32, #tpu.memory_space<hbm>> -> memref<1x10240xf32, #tpu.memory_space<hbm>>
    %dma_wait3A_49 = tpu.memref_squeeze %dma_wait3A_48 : memref<1x10240xf32, #tpu.memory_space<hbm>> -> memref<10240xf32, #tpu.memory_space<hbm>>
    %dma_wait3A_50 = arith.constant 0 : i32
    %dma_wait3A_51 = tpu.memref_slice %arg8[%dma_wait3A_50] : memref<10240xf32, #tpu.memory_space<vmem>> -> memref<10240xf32, #tpu.memory_space<vmem>>
    %dma_wait3A_52 = arith.constant 0 : i32
    %dma_wait3A_53 = tpu.memref_slice %arg3[%dma_wait3A, %dma_wait3A_52] : memref<1x10240xf32, #tpu.memory_space<hbm>> -> memref<1x10240xf32, #tpu.memory_space<hbm>>
    %dma_wait3A_54 = tpu.memref_squeeze %dma_wait3A_53 : memref<1x10240xf32, #tpu.memory_space<hbm>> -> memref<10240xf32, #tpu.memory_space<hbm>>
    tpu.wait_dma2 semaphore(%arg18 : memref<!tpu.dma_semaphore, #tpu.memory_space<semaphore_mem>>) src(%dma_wait3A_54 : memref<10240xf32, #tpu.memory_space<hbm>>) dst(%dma_wait3A_51 : memref<10240xf32, #tpu.memory_space<vmem>>)
    %dma_wait3A_55 = arith.constant 0 : i32
    %dma_wait3A_56 = arith.constant 0 : i32
    %dma_wait3A_57 = tpu.memref_slice %arg9[%dma_wait3A_56] : memref<10240xf32, #tpu.memory_space<vmem>> -> memref<10240xf32, #tpu.memory_space<vmem>>
    %dma_wait3A_58 = arith.constant 0 : i32
    %dma_wait3A_59 = tpu.memref_slice %arg4[%dma_wait3A_55, %dma_wait3A_58] : memref<1x10240xf32, #tpu.memory_space<hbm>> -> memref<1x10240xf32, #tpu.memory_space<hbm>>
    %dma_wait3A_60 = tpu.memref_squeeze %dma_wait3A_59 : memref<1x10240xf32, #tpu.memory_space<hbm>> -> memref<10240xf32, #tpu.memory_space<hbm>>
    %dma_wait3A_61 = arith.constant 0 : i32
    %dma_wait3A_62 = tpu.memref_slice %arg9[%dma_wait3A_61] : memref<10240xf32, #tpu.memory_space<vmem>> -> memref<10240xf32, #tpu.memory_space<vmem>>
    %dma_wait3A_63 = arith.constant 0 : i32
    %dma_wait3A_64 = tpu.memref_slice %arg4[%dma_wait3A_55, %dma_wait3A_63] : memref<1x10240xf32, #tpu.memory_space<hbm>> -> memref<1x10240xf32, #tpu.memory_space<hbm>>
    %dma_wait3A_65 = tpu.memref_squeeze %dma_wait3A_64 : memref<1x10240xf32, #tpu.memory_space<hbm>> -> memref<10240xf32, #tpu.memory_space<hbm>>
    tpu.wait_dma2 semaphore(%arg18 : memref<!tpu.dma_semaphore, #tpu.memory_space<semaphore_mem>>) src(%dma_wait3A_65 : memref<10240xf32, #tpu.memory_space<hbm>>) dst(%dma_wait3A_62 : memref<10240xf32, #tpu.memory_space<vmem>>)
    %dma_wait3A_66 = arith.constant 0 : i32
    %dma_wait3A_67 = tpu.memref_slice %arg10[%dma_wait3A_66] : memref<10240xi32, #tpu.memory_space<vmem>> -> memref<10240xi32, #tpu.memory_space<vmem>>
    %dma_wait3A_68 = arith.constant 0 : i32
    %dma_wait3A_69 = tpu.memref_slice %arg5[%arg1, %dma_wait3A_68] : memref<16x10240xi32, #tpu.memory_space<hbm>> -> memref<1x10240xi32, #tpu.memory_space<hbm>>
    %dma_wait3A_70 = tpu.memref_squeeze %dma_wait3A_69 : memref<1x10240xi32, #tpu.memory_space<hbm>> -> memref<10240xi32, #tpu.memory_space<hbm>>
    %dma_wait3A_71 = arith.constant 0 : i32
    %dma_wait3A_72 = tpu.memref_slice %arg10[%dma_wait3A_71] : memref<10240xi32, #tpu.memory_space<vmem>> -> memref<10240xi32, #tpu.memory_space<vmem>>
    %dma_wait3A_73 = arith.constant 0 : i32
    %dma_wait3A_74 = tpu.memref_slice %arg5[%arg1, %dma_wait3A_73] : memref<16x10240xi32, #tpu.memory_space<hbm>> -> memref<1x10240xi32, #tpu.memory_space<hbm>>
    %dma_wait3A_75 = tpu.memref_squeeze %dma_wait3A_74 : memref<1x10240xi32, #tpu.memory_space<hbm>> -> memref<10240xi32, #tpu.memory_space<hbm>>
    tpu.wait_dma2 semaphore(%arg18 : memref<!tpu.dma_semaphore, #tpu.memory_space<semaphore_mem>>) src(%dma_wait3A_75 : memref<10240xi32, #tpu.memory_space<hbm>>) dst(%dma_wait3A_72 : memref<10240xi32, #tpu.memory_space<vmem>>)
    %eq3A_76 = arith.constant 0 : i32
    %eq3A_77 = arith.cmpi eq, %arg0, %eq3A_76 : i32
    %convert_element_type3A_78 = arith.extui %eq3A_77 : i1 to i32
    %cond3A_79 = arith.constant 0 : i32
    %cond3A_80 = arith.cmpi ne, %convert_element_type3A_78, %cond3A_79 : i32
    scf.if %cond3A_80 {
      %parallel_loop3A_174 = arith.constant 0 : i32
      %parallel_loop3A_175 = arith.constant 625 : i32
      %parallel_loop3A_176 = arith.constant 1 : i32
      scf.for %parallel_loop3A_177 = %parallel_loop3A_174 to %parallel_loop3A_175 step %parallel_loop3A_176  : i32 {
        %parallel_loop3A_178 = arith.constant 16 : i32
        %parallel_loop3A_179 = arith.muli %parallel_loop3A_177, %parallel_loop3A_178 : i32
        %parallel_loop3A_180 = arith.index_cast %parallel_loop3A_179 : i32 to index
        %parallel_loop3A_181 = tpu.vector_load %arg8[%parallel_loop3A_180] {strides = array<i32>} : memref<10240xf32, #tpu.memory_space<vmem>>, vector<16xf32>,
        %parallel_loop3A_182 = arith.index_cast %parallel_loop3A_179 : i32 to index
        %parallel_loop3A_183 = tpu.vector_load %arg9[%parallel_loop3A_182] {strides = array<i32>} : memref<10240xf32, #tpu.memory_space<vmem>>, vector<16xf32>,
        %parallel_loop3A_184 = arith.addf %parallel_loop3A_181, %parallel_loop3A_183 : vector<16xf32>
        %parallel_loop3A_185 = arith.constant 0.000000e+00 : f32
        %parallel_loop3A_186 = vector.broadcast %parallel_loop3A_185 : f32 to vector<16xf32>
        %parallel_loop3A_187 = arith.cmpf oge, %parallel_loop3A_184, %parallel_loop3A_186 : vector<16xf32>
        %parallel_loop3A_188 = arith.constant 2.000000e-01 : f32
        %parallel_loop3A_189 = vector.broadcast %parallel_loop3A_188 : f32 to vector<16xf32>
        %parallel_loop3A_190 = arith.mulf %parallel_loop3A_184, %parallel_loop3A_189 : vector<16xf32>
        %parallel_loop3A_191 = arith.select %parallel_loop3A_187, %parallel_loop3A_184, %parallel_loop3A_190 : vector<16xi1>, vector<16xf32>
        %parallel_loop3A_192 = math.exp %parallel_loop3A_191 : vector<16xf32>
        %parallel_loop3A_193 = arith.index_cast %parallel_loop3A_179 : i32 to index
        %parallel_loop3A_194 = tpu.vector_load %arg10[%parallel_loop3A_193] {strides = array<i32>} : memref<10240xi32, #tpu.memory_space<vmem>>, vector<16xi32>,
        %parallel_loop3A_195 = arith.constant 16 : i32
        %parallel_loop3A_196 = vector.broadcast %parallel_loop3A_195 : i32 to vector<16xi32>
        %parallel_loop3A_197 = arith.shli %parallel_loop3A_194, %parallel_loop3A_196 : vector<16xi32>
        %parallel_loop3A_198 = vector.bitcast %parallel_loop3A_197 : vector<16xi32> to vector<16xf32>
        %parallel_loop3A_199 = arith.constant -65536 : i32
        %parallel_loop3A_200 = vector.broadcast %parallel_loop3A_199 : i32 to vector<16xi32>
        %parallel_loop3A_201 = arith.andi %parallel_loop3A_194, %parallel_loop3A_200 : vector<16xi32>
        %parallel_loop3A_202 = vector.bitcast %parallel_loop3A_201 : vector<16xi32> to vector<16xf32>
        %parallel_loop3A_203 = arith.mulf %parallel_loop3A_192, %parallel_loop3A_198 : vector<16xf32>
        %parallel_loop3A_204 = arith.index_cast %parallel_loop3A_179 : i32 to index
        %parallel_loop3A_205 = tpu.vector_load %arg11[%parallel_loop3A_204] {strides = array<i32>} : memref<10240xf32, #tpu.memory_space<vmem>>, vector<16xf32>,
        tpu.vector_store %arg11[%parallel_loop3A_204], %parallel_loop3A_203 {strides = array<i32>} : memref<10240xf32, #tpu.memory_space<vmem>>, vector<16xf32>,
        %parallel_loop3A_206 = arith.mulf %parallel_loop3A_192, %parallel_loop3A_202 : vector<16xf32>
        %parallel_loop3A_207 = arith.index_cast %parallel_loop3A_179 : i32 to index
        %parallel_loop3A_208 = tpu.vector_load %arg12[%parallel_loop3A_207] {strides = array<i32>} : memref<10240xf32, #tpu.memory_space<vmem>>, vector<16xf32>,
        tpu.vector_store %arg12[%parallel_loop3A_207], %parallel_loop3A_206 {strides = array<i32>} : memref<10240xf32, #tpu.memory_space<vmem>>, vector<16xf32>,
      } {sc.loop_unroll_factor = 4 : i64, sc.parallel_access}
    } else {
    }
    %eq3A_81 = arith.constant 0 : i32
    %eq3A_82 = arith.cmpi eq, %arg0, %eq3A_81 : i32
    %eq3A_83 = arith.constant 0 : i32
    %eq3A_84 = arith.cmpi eq, %arg1, %eq3A_83 : i32
    %and3A = arith.andi %eq3A_82, %eq3A_84 : i1
    %convert_element_type3A_85 = arith.extui %and3A : i1 to i32
    %cond3A_86 = arith.constant 0 : i32
    %cond3A_87 = arith.cmpi ne, %convert_element_type3A_85, %cond3A_86 : i32
    scf.if %cond3A_87 {
      %parallel_loop3A_174 = arith.constant 0 : i32
      %parallel_loop3A_175 = arith.constant 625 : i32
      %parallel_loop3A_176 = arith.constant 1 : i32
      scf.for %parallel_loop3A_177 = %parallel_loop3A_174 to %parallel_loop3A_175 step %parallel_loop3A_176  : i32 {
        %parallel_loop3A_178 = arith.constant 16 : i32
        %parallel_loop3A_179 = arith.muli %parallel_loop3A_177, %parallel_loop3A_178 : i32
        %parallel_loop3A_180 = arith.index_cast %parallel_loop3A_179 : i32 to index
        %parallel_loop3A_181 = tpu.vector_load %arg8[%parallel_loop3A_180] {strides = array<i32>} : memref<10240xf32, #tpu.memory_space<vmem>>, vector<16xf32>,
        %parallel_loop3A_182 = arith.index_cast %parallel_loop3A_179 : i32 to index
        %parallel_loop3A_183 = tpu.vector_load %arg9[%parallel_loop3A_182] {strides = array<i32>} : memref<10240xf32, #tpu.memory_space<vmem>>, vector<16xf32>,
        %parallel_loop3A_184 = arith.addf %parallel_loop3A_181, %parallel_loop3A_183 : vector<16xf32>
        %parallel_loop3A_185 = arith.constant 0.000000e+00 : f32
        %parallel_loop3A_186 = vector.broadcast %parallel_loop3A_185 : f32 to vector<16xf32>
        %parallel_loop3A_187 = arith.cmpf oge, %parallel_loop3A_184, %parallel_loop3A_186 : vector<16xf32>
        %parallel_loop3A_188 = arith.constant 2.000000e-01 : f32
        %parallel_loop3A_189 = vector.broadcast %parallel_loop3A_188 : f32 to vector<16xf32>
        %parallel_loop3A_190 = arith.mulf %parallel_loop3A_184, %parallel_loop3A_189 : vector<16xf32>
        %parallel_loop3A_191 = arith.select %parallel_loop3A_187, %parallel_loop3A_184, %parallel_loop3A_190 : vector<16xi1>, vector<16xf32>
        %parallel_loop3A_192 = math.exp %parallel_loop3A_191 : vector<16xf32>
        %parallel_loop3A_193 = arith.index_cast %parallel_loop3A_179 : i32 to index
        %parallel_loop3A_194 = tpu.vector_load %arg13[%parallel_loop3A_193] {strides = array<i32>} : memref<10240xf32, #tpu.memory_space<vmem>>, vector<16xf32>,
        tpu.vector_store %arg13[%parallel_loop3A_193], %parallel_loop3A_192 {strides = array<i32>} : memref<10240xf32, #tpu.memory_space<vmem>>, vector<16xf32>,
      } {sc.loop_unroll_factor = 4 : i64, sc.parallel_access}
    } else {
    }
    %mul3A_88 = arith.constant 160000 : i32
    %mul3A_89 = arith.muli %arg0, %mul3A_88 : i32
    %add3A_90 = arith.constant 0 : i32
    %add3A_91 = arith.addi %mul3A_89, %add3A_90 : i32
    %dma_start3A_92 = arith.constant 0 : i32
    %dma_start3A_93 = tpu.memref_slice %arg14[%dma_start3A_92] : memref<6400xi32, #tpu.memory_space<vmem>> -> memref<3200xi32, #tpu.memory_space<vmem>>
    %dma_start3A_94 = tpu.memref_slice %arg2[%add3A_91] : memref<640000xi32, #tpu.memory_space<hbm>> -> memref<3200xi32, #tpu.memory_space<hbm>>
    %dma_start3A_95 = arith.constant 0 : i32
    %dma_start3A_96 = tpu.memref_slice %arg14[%dma_start3A_95] : memref<6400xi32, #tpu.memory_space<vmem>> -> memref<3200xi32, #tpu.memory_space<vmem>>
    %dma_start3A_97 = tpu.memref_slice %arg2[%add3A_91] : memref<640000xi32, #tpu.memory_space<hbm>> -> memref<3200xi32, #tpu.memory_space<hbm>>
    tpu.enqueue_dma source(%dma_start3A_97 : memref<3200xi32, #tpu.memory_space<hbm>>) target(%dma_start3A_96 : memref<3200xi32, #tpu.memory_space<vmem>>) target_semaphore(%arg18 : memref<!tpu.dma_semaphore, #tpu.memory_space<semaphore_mem>>)
    %add3A_98 = arith.constant 320000 : i32
    %add3A_99 = arith.addi %add3A_98, %add3A_91 : i32
    %dma_start3A_100 = arith.constant 0 : i32
    %dma_start3A_101 = tpu.memref_slice %arg15[%dma_start3A_100] : memref<6400xi32, #tpu.memory_space<vmem>> -> memref<3200xi32, #tpu.memory_space<vmem>>
    %dma_start3A_102 = tpu.memref_slice %arg2[%add3A_99] : memref<640000xi32, #tpu.memory_space<hbm>> -> memref<3200xi32, #tpu.memory_space<hbm>>
    %dma_start3A_103 = arith.constant 0 : i32
    %dma_start3A_104 = tpu.memref_slice %arg15[%dma_start3A_103] : memref<6400xi32, #tpu.memory_space<vmem>> -> memref<3200xi32, #tpu.memory_space<vmem>>
    %dma_start3A_105 = tpu.memref_slice %arg2[%add3A_99] : memref<640000xi32, #tpu.memory_space<hbm>> -> memref<3200xi32, #tpu.memory_space<hbm>>
    tpu.enqueue_dma source(%dma_start3A_105 : memref<3200xi32, #tpu.memory_space<hbm>>) target(%dma_start3A_104 : memref<3200xi32, #tpu.memory_space<vmem>>) target_semaphore(%arg18 : memref<!tpu.dma_semaphore, #tpu.memory_space<semaphore_mem>>)
    %add3A_106 = arith.constant 3200 : i32
    %add3A_107 = arith.addi %mul3A_89, %add3A_106 : i32
    %dma_start3A_108 = arith.constant 3200 : i32
    %dma_start3A_109 = tpu.memref_slice %arg14[%dma_start3A_108] : memref<6400xi32, #tpu.memory_space<vmem>> -> memref<3200xi32, #tpu.memory_space<vmem>>
    %dma_start3A_110 = tpu.memref_slice %arg2[%add3A_107] : memref<640000xi32, #tpu.memory_space<hbm>> -> memref<3200xi32, #tpu.memory_space<hbm>>
    %dma_start3A_111 = arith.constant 3200 : i32
    %dma_start3A_112 = tpu.memref_slice %arg14[%dma_start3A_111] : memref<6400xi32, #tpu.memory_space<vmem>> -> memref<3200xi32, #tpu.memory_space<vmem>>
    %dma_start3A_113 = tpu.memref_slice %arg2[%add3A_107] : memref<640000xi32, #tpu.memory_space<hbm>> -> memref<3200xi32, #tpu.memory_space<hbm>>
    tpu.enqueue_dma source(%dma_start3A_113 : memref<3200xi32, #tpu.memory_space<hbm>>) target(%dma_start3A_112 : memref<3200xi32, #tpu.memory_space<vmem>>) target_semaphore(%arg19 : memref<!tpu.dma_semaphore, #tpu.memory_space<semaphore_mem>>)
    %add3A_114 = arith.constant 320000 : i32
    %add3A_115 = arith.addi %add3A_114, %add3A_107 : i32
    %dma_start3A_116 = arith.constant 3200 : i32
    %dma_start3A_117 = tpu.memref_slice %arg15[%dma_start3A_116] : memref<6400xi32, #tpu.memory_space<vmem>> -> memref<3200xi32, #tpu.memory_space<vmem>>
    %dma_start3A_118 = tpu.memref_slice %arg2[%add3A_115] : memref<640000xi32, #tpu.memory_space<hbm>> -> memref<3200xi32, #tpu.memory_space<hbm>>
    %dma_start3A_119 = arith.constant 3200 : i32
    %dma_start3A_120 = tpu.memref_slice %arg15[%dma_start3A_119] : memref<6400xi32, #tpu.memory_space<vmem>> -> memref<3200xi32, #tpu.memory_space<vmem>>
    %dma_start3A_121 = tpu.memref_slice %arg2[%add3A_115] : memref<640000xi32, #tpu.memory_space<hbm>> -> memref<3200xi32, #tpu.memory_space<hbm>>
    tpu.enqueue_dma source(%dma_start3A_121 : memref<3200xi32, #tpu.memory_space<hbm>>) target(%dma_start3A_120 : memref<3200xi32, #tpu.memory_space<vmem>>) target_semaphore(%arg19 : memref<!tpu.dma_semaphore, #tpu.memory_space<semaphore_mem>>)
    %dma_wait3A_122 = tpu.memref_slice %arg2[%add3A] : memref<640000xi32, #tpu.memory_space<hbm>> -> memref<10000xi32, #tpu.memory_space<hbm>>
    %dma_wait3A_123 = tpu.memref_slice %arg2[%add3A] : memref<640000xi32, #tpu.memory_space<hbm>> -> memref<10000xi32, #tpu.memory_space<hbm>>
    tpu.wait_dma2 semaphore(%arg20 : memref<!tpu.dma_semaphore, #tpu.memory_space<semaphore_mem>>) src(%dma_wait3A_123 : memref<10000xi32, #tpu.memory_space<hbm>>) dst(%arg16 : memref<10000xi32, #tpu.memory_space<vmem>>)
    %dma_wait3A_124 = tpu.memref_slice %arg2[%add3A_37] : memref<640000xi32, #tpu.memory_space<hbm>> -> memref<10000xi32, #tpu.memory_space<hbm>>
    %dma_wait3A_125 = tpu.memref_slice %arg2[%add3A_37] : memref<640000xi32, #tpu.memory_space<hbm>> -> memref<10000xi32, #tpu.memory_space<hbm>>
    tpu.wait_dma2 semaphore(%arg20 : memref<!tpu.dma_semaphore, #tpu.memory_space<semaphore_mem>>) src(%dma_wait3A_125 : memref<10000xi32, #tpu.memory_space<hbm>>) dst(%arg17 : memref<10000xi32, #tpu.memory_space<vmem>>)
    %parallel_loop3A_126 = arith.constant 0 : i32
    %parallel_loop3A_127 = arith.constant 625 : i32
    %parallel_loop3A_128 = arith.constant 1 : i32
    scf.for %parallel_loop3A_174 = %parallel_loop3A_126 to %parallel_loop3A_127 step %parallel_loop3A_128  : i32 {
      %parallel_loop3A_175 = arith.constant 16 : i32
      %parallel_loop3A_176 = arith.muli %parallel_loop3A_174, %parallel_loop3A_175 : i32
      %parallel_loop3A_177 = arith.index_cast %parallel_loop3A_176 : i32 to index
      %parallel_loop3A_178 = tpu.vector_load %arg16[%parallel_loop3A_177] {strides = array<i32>} : memref<10000xi32, #tpu.memory_space<vmem>>, vector<16xi32>,
      %parallel_loop3A_179 = arith.index_cast %parallel_loop3A_176 : i32 to index
      %parallel_loop3A_180 = tpu.vector_load %arg17[%parallel_loop3A_179] {strides = array<i32>} : memref<10000xi32, #tpu.memory_space<vmem>>, vector<16xi32>,
      %parallel_loop3A_181 = tpu.vector_load_idx %arg8[%parallel_loop3A_178] : memref<10240xf32, #tpu.memory_space<vmem>>[vector<16xi32>], vector<16xf32>,
      %parallel_loop3A_182 = tpu.vector_load_idx %arg9[%parallel_loop3A_180] : memref<10240xf32, #tpu.memory_space<vmem>>[vector<16xi32>], vector<16xf32>,
      %parallel_loop3A_183 = arith.addf %parallel_loop3A_181, %parallel_loop3A_182 : vector<16xf32>
      %parallel_loop3A_184 = arith.constant 0.000000e+00 : f32
      %parallel_loop3A_185 = vector.broadcast %parallel_loop3A_184 : f32 to vector<16xf32>
      %parallel_loop3A_186 = arith.cmpf oge, %parallel_loop3A_183, %parallel_loop3A_185 : vector<16xf32>
      %parallel_loop3A_187 = arith.constant 2.000000e-01 : f32
      %parallel_loop3A_188 = vector.broadcast %parallel_loop3A_187 : f32 to vector<16xf32>
      %parallel_loop3A_189 = arith.mulf %parallel_loop3A_183, %parallel_loop3A_188 : vector<16xf32>
      %parallel_loop3A_190 = arith.select %parallel_loop3A_186, %parallel_loop3A_183, %parallel_loop3A_189 : vector<16xi1>, vector<16xf32>
      %parallel_loop3A_191 = math.exp %parallel_loop3A_190 : vector<16xf32>
      tpu.vector_store_idx %arg13[%parallel_loop3A_180], %parallel_loop3A_191 {add = true} : memref<10240xf32, #tpu.memory_space<vmem>>[vector<16xi32>], vector<16xf32>,
    } {sc.loop_unroll_factor = 4 : i64, sc.parallel_access}
    "tpu.region"() ({
      %run_scoped3A = tpu.sem_alloc : memref<!tpu.dma_semaphore, #tpu.memory_space<semaphore_mem>>
      %dma_start3A_174 = arith.constant 0 : i32
      %dma_start3A_175 = tpu.memref_slice %arg6[%arg0, %arg1, %dma_start3A_174] : memref<2x16x10240xf32, #tpu.memory_space<hbm>> -> memref<1x1x10240xf32, #tpu.memory_space<hbm>>
      %dma_start3A_176 = tpu.memref_squeeze %dma_start3A_175 : memref<1x1x10240xf32, #tpu.memory_space<hbm>> -> memref<10240xf32, #tpu.memory_space<hbm>>
      %dma_start3A_177 = arith.constant 0 : i32
      %dma_start3A_178 = tpu.memref_slice %arg6[%arg0, %arg1, %dma_start3A_177] : memref<2x16x10240xf32, #tpu.memory_space<hbm>> -> memref<1x1x10240xf32, #tpu.memory_space<hbm>>
      %dma_start3A_179 = tpu.memref_squeeze %dma_start3A_178 : memref<1x1x10240xf32, #tpu.memory_space<hbm>> -> memref<10240xf32, #tpu.memory_space<hbm>>
      tpu.enqueue_dma source(%arg13 : memref<10240xf32, #tpu.memory_space<vmem>>) target(%dma_start3A_179 : memref<10240xf32, #tpu.memory_space<hbm>>) target_semaphore(%run_scoped3A : memref<!tpu.dma_semaphore, #tpu.memory_space<semaphore_mem>>)
      %dma_wait3A_180 = arith.constant 0 : i32
      %dma_wait3A_181 = tpu.memref_slice %arg6[%arg0, %arg1, %dma_wait3A_180] : memref<2x16x10240xf32, #tpu.memory_space<hbm>> -> memref<1x1x10240xf32, #tpu.memory_space<hbm>>
      %dma_wait3A_182 = tpu.memref_squeeze %dma_wait3A_181 : memref<1x1x10240xf32, #tpu.memory_space<hbm>> -> memref<10240xf32, #tpu.memory_space<hbm>>
      %dma_wait3A_183 = arith.constant 0 : i32
      %dma_wait3A_184 = tpu.memref_slice %arg6[%arg0, %arg1, %dma_wait3A_183] : memref<2x16x10240xf32, #tpu.memory_space<hbm>> -> memref<1x1x10240xf32, #tpu.memory_space<hbm>>
      %dma_wait3A_185 = tpu.memref_squeeze %dma_wait3A_184 : memref<1x1x10240xf32, #tpu.memory_space<hbm>> -> memref<10240xf32, #tpu.memory_space<hbm>>
      tpu.wait_dma2 semaphore(%run_scoped3A : memref<!tpu.dma_semaphore, #tpu.memory_space<semaphore_mem>>) src(%arg13 : memref<10240xf32, #tpu.memory_space<vmem>>) dst(%dma_wait3A_185 : memref<10240xf32, #tpu.memory_space<hbm>>)
      tpu.yield
    }) : () -> ()
    %scan3A = arith.constant 0 : i32
    %scan3A_129 = arith.constant 0 : i32
    %scan3A_130 = arith.constant 24 : i32
    %scan3A_131 = arith.addi %scan3A_129, %scan3A_130 : i32
    %scan3A_132 = arith.constant 1 : i32
    scf.for %scan3A_174 = %scan3A_129 to %scan3A_131 step %scan3A_132  : i32 {
      %mul3A_175 = arith.constant 2 : i32
      %mul3A_176 = arith.muli %scan3A_174, %mul3A_175 : i32
      %mul3A_177 = arith.constant 3200 : i32
      %mul3A_178 = arith.muli %mul3A_176, %mul3A_177 : i32
      %add3A_179 = arith.addi %mul3A_89, %mul3A_178 : i32
      %dma_wait3A_180 = arith.constant 0 : i32
      %dma_wait3A_181 = tpu.memref_slice %arg14[%dma_wait3A_180] : memref<6400xi32, #tpu.memory_space<vmem>> -> memref<3200xi32, #tpu.memory_space<vmem>>
      %dma_wait3A_182 = tpu.memref_slice %arg2[%add3A_179] : memref<640000xi32, #tpu.memory_space<hbm>> -> memref<3200xi32, #tpu.memory_space<hbm>>
      %dma_wait3A_183 = arith.constant 0 : i32
      %dma_wait3A_184 = tpu.memref_slice %arg14[%dma_wait3A_183] : memref<6400xi32, #tpu.memory_space<vmem>> -> memref<3200xi32, #tpu.memory_space<vmem>>
      %dma_wait3A_185 = tpu.memref_slice %arg2[%add3A_179] : memref<640000xi32, #tpu.memory_space<hbm>> -> memref<3200xi32, #tpu.memory_space<hbm>>
      tpu.wait_dma2 semaphore(%arg18 : memref<!tpu.dma_semaphore, #tpu.memory_space<semaphore_mem>>) src(%dma_wait3A_185 : memref<3200xi32, #tpu.memory_space<hbm>>) dst(%dma_wait3A_184 : memref<3200xi32, #tpu.memory_space<vmem>>)
      %add3A_186 = arith.constant 320000 : i32
      %add3A_187 = arith.addi %add3A_186, %add3A_179 : i32
      %dma_wait3A_188 = arith.constant 0 : i32
      %dma_wait3A_189 = tpu.memref_slice %arg15[%dma_wait3A_188] : memref<6400xi32, #tpu.memory_space<vmem>> -> memref<3200xi32, #tpu.memory_space<vmem>>
      %dma_wait3A_190 = tpu.memref_slice %arg2[%add3A_187] : memref<640000xi32, #tpu.memory_space<hbm>> -> memref<3200xi32, #tpu.memory_space<hbm>>
      %dma_wait3A_191 = arith.constant 0 : i32
      %dma_wait3A_192 = tpu.memref_slice %arg15[%dma_wait3A_191] : memref<6400xi32, #tpu.memory_space<vmem>> -> memref<3200xi32, #tpu.memory_space<vmem>>
      %dma_wait3A_193 = tpu.memref_slice %arg2[%add3A_187] : memref<640000xi32, #tpu.memory_space<hbm>> -> memref<3200xi32, #tpu.memory_space<hbm>>
      tpu.wait_dma2 semaphore(%arg18 : memref<!tpu.dma_semaphore, #tpu.memory_space<semaphore_mem>>) src(%dma_wait3A_193 : memref<3200xi32, #tpu.memory_space<hbm>>) dst(%dma_wait3A_192 : memref<3200xi32, #tpu.memory_space<vmem>>)
      %parallel_loop3A_194 = arith.constant 0 : i32
      %parallel_loop3A_195 = arith.constant 200 : i32
      %parallel_loop3A_196 = arith.constant 1 : i32
      scf.for %parallel_loop3A_257 = %parallel_loop3A_194 to %parallel_loop3A_195 step %parallel_loop3A_196  : i32 {
        %parallel_loop3A_258 = arith.constant 16 : i32
        %parallel_loop3A_259 = arith.muli %parallel_loop3A_257, %parallel_loop3A_258 : i32
        %parallel_loop3A_260 = arith.constant 0 : i32
        %parallel_loop3A_261 = arith.addi %parallel_loop3A_260, %parallel_loop3A_259 : i32
        %parallel_loop3A_262 = arith.index_cast %parallel_loop3A_261 : i32 to index
        %parallel_loop3A_263 = tpu.vector_load %arg14[%parallel_loop3A_262] {strides = array<i32>} : memref<6400xi32, #tpu.memory_space<vmem>>, vector<16xi32>,
        %parallel_loop3A_264 = arith.index_cast %parallel_loop3A_261 : i32 to index
        %parallel_loop3A_265 = tpu.vector_load %arg15[%parallel_loop3A_264] {strides = array<i32>} : memref<6400xi32, #tpu.memory_space<vmem>>, vector<16xi32>,
        %parallel_loop3A_266 = tpu.vector_load_idx %arg8[%parallel_loop3A_263] : memref<10240xf32, #tpu.memory_space<vmem>>[vector<16xi32>], vector<16xf32>,
        %parallel_loop3A_267 = tpu.vector_load_idx %arg9[%parallel_loop3A_265] : memref<10240xf32, #tpu.memory_space<vmem>>[vector<16xi32>], vector<16xf32>,
        %parallel_loop3A_268 = tpu.vector_load_idx %arg10[%parallel_loop3A_263] : memref<10240xi32, #tpu.memory_space<vmem>>[vector<16xi32>], vector<16xi32>,
        %parallel_loop3A_269 = arith.constant 16 : i32
        %parallel_loop3A_270 = vector.broadcast %parallel_loop3A_269 : i32 to vector<16xi32>
        %parallel_loop3A_271 = arith.shli %parallel_loop3A_268, %parallel_loop3A_270 : vector<16xi32>
        %parallel_loop3A_272 = vector.bitcast %parallel_loop3A_271 : vector<16xi32> to vector<16xf32>
        %parallel_loop3A_273 = arith.constant -65536 : i32
        %parallel_loop3A_274 = vector.broadcast %parallel_loop3A_273 : i32 to vector<16xi32>
        %parallel_loop3A_275 = arith.andi %parallel_loop3A_268, %parallel_loop3A_274 : vector<16xi32>
        %parallel_loop3A_276 = vector.bitcast %parallel_loop3A_275 : vector<16xi32> to vector<16xf32>
        %parallel_loop3A_277 = arith.addf %parallel_loop3A_266, %parallel_loop3A_267 : vector<16xf32>
        %parallel_loop3A_278 = arith.constant 0.000000e+00 : f32
        %parallel_loop3A_279 = vector.broadcast %parallel_loop3A_278 : f32 to vector<16xf32>
        %parallel_loop3A_280 = arith.cmpf oge, %parallel_loop3A_277, %parallel_loop3A_279 : vector<16xf32>
        %parallel_loop3A_281 = arith.constant 2.000000e-01 : f32
        %parallel_loop3A_282 = vector.broadcast %parallel_loop3A_281 : f32 to vector<16xf32>
        %parallel_loop3A_283 = arith.mulf %parallel_loop3A_277, %parallel_loop3A_282 : vector<16xf32>
        %parallel_loop3A_284 = arith.select %parallel_loop3A_280, %parallel_loop3A_277, %parallel_loop3A_283 : vector<16xi1>, vector<16xf32>
        %parallel_loop3A_285 = math.exp %parallel_loop3A_284 : vector<16xf32>
        %parallel_loop3A_286 = arith.mulf %parallel_loop3A_272, %parallel_loop3A_285 : vector<16xf32>
        tpu.vector_store_idx %arg11[%parallel_loop3A_265], %parallel_loop3A_286 {add = true} : memref<10240xf32, #tpu.memory_space<vmem>>[vector<16xi32>], vector<16xf32>,
        %parallel_loop3A_287 = arith.mulf %parallel_loop3A_276, %parallel_loop3A_285 : vector<16xf32>
        tpu.vector_store_idx %arg12[%parallel_loop3A_265], %parallel_loop3A_287 {add = true} : memref<10240xf32, #tpu.memory_space<vmem>>[vector<16xi32>], vector<16xf32>,
      } {sc.loop_unroll_factor = 4 : i64, sc.parallel_access}
      %add3A_197 = arith.constant 2 : i32
      %add3A_198 = arith.addi %mul3A_176, %add3A_197 : i32
      %mul3A_199 = arith.constant 3200 : i32
      %mul3A_200 = arith.muli %add3A_198, %mul3A_199 : i32
      %add3A_201 = arith.addi %mul3A_89, %mul3A_200 : i32
      %dma_start3A_202 = arith.constant 0 : i32
      %dma_start3A_203 = tpu.memref_slice %arg14[%dma_start3A_202] : memref<6400xi32, #tpu.memory_space<vmem>> -> memref<3200xi32, #tpu.memory_space<vmem>>
      %dma_start3A_204 = tpu.memref_slice %arg2[%add3A_201] : memref<640000xi32, #tpu.memory_space<hbm>> -> memref<3200xi32, #tpu.memory_space<hbm>>
      %dma_start3A_205 = arith.constant 0 : i32
      %dma_start3A_206 = tpu.memref_slice %arg14[%dma_start3A_205] : memref<6400xi32, #tpu.memory_space<vmem>> -> memref<3200xi32, #tpu.memory_space<vmem>>
      %dma_start3A_207 = tpu.memref_slice %arg2[%add3A_201] : memref<640000xi32, #tpu.memory_space<hbm>> -> memref<3200xi32, #tpu.memory_space<hbm>>
      tpu.enqueue_dma source(%dma_start3A_207 : memref<3200xi32, #tpu.memory_space<hbm>>) target(%dma_start3A_206 : memref<3200xi32, #tpu.memory_space<vmem>>) target_semaphore(%arg18 : memref<!tpu.dma_semaphore, #tpu.memory_space<semaphore_mem>>)
      %add3A_208 = arith.constant 320000 : i32
      %add3A_209 = arith.addi %add3A_208, %add3A_201 : i32
      %dma_start3A_210 = arith.constant 0 : i32
      %dma_start3A_211 = tpu.memref_slice %arg15[%dma_start3A_210] : memref<6400xi32, #tpu.memory_space<vmem>> -> memref<3200xi32, #tpu.memory_space<vmem>>
      %dma_start3A_212 = tpu.memref_slice %arg2[%add3A_209] : memref<640000xi32, #tpu.memory_space<hbm>> -> memref<3200xi32, #tpu.memory_space<hbm>>
      %dma_start3A_213 = arith.constant 0 : i32
      %dma_start3A_214 = tpu.memref_slice %arg15[%dma_start3A_213] : memref<6400xi32, #tpu.memory_space<vmem>> -> memref<3200xi32, #tpu.memory_space<vmem>>
      %dma_start3A_215 = tpu.memref_slice %arg2[%add3A_209] : memref<640000xi32, #tpu.memory_space<hbm>> -> memref<3200xi32, #tpu.memory_space<hbm>>
      tpu.enqueue_dma source(%dma_start3A_215 : memref<3200xi32, #tpu.memory_space<hbm>>) target(%dma_start3A_214 : memref<3200xi32, #tpu.memory_space<vmem>>) target_semaphore(%arg18 : memref<!tpu.dma_semaphore, #tpu.memory_space<semaphore_mem>>)
      %add3A_216 = arith.constant 1 : i32
      %add3A_217 = arith.addi %mul3A_176, %add3A_216 : i32
      %mul3A_218 = arith.constant 3200 : i32
      %mul3A_219 = arith.muli %add3A_217, %mul3A_218 : i32
      %add3A_220 = arith.addi %mul3A_89, %mul3A_219 : i32
      %dma_wait3A_221 = arith.constant 3200 : i32
      %dma_wait3A_222 = tpu.memref_slice %arg14[%dma_wait3A_221] : memref<6400xi32, #tpu.memory_space<vmem>> -> memref<3200xi32, #tpu.memory_space<vmem>>
      %dma_wait3A_223 = tpu.memref_slice %arg2[%add3A_220] : memref<640000xi32, #tpu.memory_space<hbm>> -> memref<3200xi32, #tpu.memory_space<hbm>>
      %dma_wait3A_224 = arith.constant 3200 : i32
      %dma_wait3A_225 = tpu.memref_slice %arg14[%dma_wait3A_224] : memref<6400xi32, #tpu.memory_space<vmem>> -> memref<3200xi32, #tpu.memory_space<vmem>>
      %dma_wait3A_226 = tpu.memref_slice %arg2[%add3A_220] : memref<640000xi32, #tpu.memory_space<hbm>> -> memref<3200xi32, #tpu.memory_space<hbm>>
      tpu.wait_dma2 semaphore(%arg19 : memref<!tpu.dma_semaphore, #tpu.memory_space<semaphore_mem>>) src(%dma_wait3A_226 : memref<3200xi32, #tpu.memory_space<hbm>>) dst(%dma_wait3A_225 : memref<3200xi32, #tpu.memory_space<vmem>>)
      %add3A_227 = arith.constant 320000 : i32
      %add3A_228 = arith.addi %add3A_227, %add3A_220 : i32
      %dma_wait3A_229 = arith.constant 3200 : i32
      %dma_wait3A_230 = tpu.memref_slice %arg15[%dma_wait3A_229] : memref<6400xi32, #tpu.memory_space<vmem>> -> memref<3200xi32, #tpu.memory_space<vmem>>
      %dma_wait3A_231 = tpu.memref_slice %arg2[%add3A_228] : memref<640000xi32, #tpu.memory_space<hbm>> -> memref<3200xi32, #tpu.memory_space<hbm>>
      %dma_wait3A_232 = arith.constant 3200 : i32
      %dma_wait3A_233 = tpu.memref_slice %arg15[%dma_wait3A_232] : memref<6400xi32, #tpu.memory_space<vmem>> -> memref<3200xi32, #tpu.memory_space<vmem>>
      %dma_wait3A_234 = tpu.memref_slice %arg2[%add3A_228] : memref<640000xi32, #tpu.memory_space<hbm>> -> memref<3200xi32, #tpu.memory_space<hbm>>
      tpu.wait_dma2 semaphore(%arg19 : memref<!tpu.dma_semaphore, #tpu.memory_space<semaphore_mem>>) src(%dma_wait3A_234 : memref<3200xi32, #tpu.memory_space<hbm>>) dst(%dma_wait3A_233 : memref<3200xi32, #tpu.memory_space<vmem>>)
      %parallel_loop3A_235 = arith.constant 0 : i32
      %parallel_loop3A_236 = arith.constant 200 : i32
      %parallel_loop3A_237 = arith.constant 1 : i32
      scf.for %parallel_loop3A_257 = %parallel_loop3A_235 to %parallel_loop3A_236 step %parallel_loop3A_237  : i32 {
        %parallel_loop3A_258 = arith.constant 16 : i32
        %parallel_loop3A_259 = arith.muli %parallel_loop3A_257, %parallel_loop3A_258 : i32
        %parallel_loop3A_260 = arith.constant 3200 : i32
        %parallel_loop3A_261 = arith.addi %parallel_loop3A_260, %parallel_loop3A_259 : i32
        %parallel_loop3A_262 = arith.index_cast %parallel_loop3A_261 : i32 to index
        %parallel_loop3A_263 = tpu.vector_load %arg14[%parallel_loop3A_262] {strides = array<i32>} : memref<6400xi32, #tpu.memory_space<vmem>>, vector<16xi32>,
        %parallel_loop3A_264 = arith.index_cast %parallel_loop3A_261 : i32 to index
        %parallel_loop3A_265 = tpu.vector_load %arg15[%parallel_loop3A_264] {strides = array<i32>} : memref<6400xi32, #tpu.memory_space<vmem>>, vector<16xi32>,
        %parallel_loop3A_266 = tpu.vector_load_idx %arg8[%parallel_loop3A_263] : memref<10240xf32, #tpu.memory_space<vmem>>[vector<16xi32>], vector<16xf32>,
        %parallel_loop3A_267 = tpu.vector_load_idx %arg9[%parallel_loop3A_265] : memref<10240xf32, #tpu.memory_space<vmem>>[vector<16xi32>], vector<16xf32>,
        %parallel_loop3A_268 = tpu.vector_load_idx %arg10[%parallel_loop3A_263] : memref<10240xi32, #tpu.memory_space<vmem>>[vector<16xi32>], vector<16xi32>,
        %parallel_loop3A_269 = arith.constant 16 : i32
        %parallel_loop3A_270 = vector.broadcast %parallel_loop3A_269 : i32 to vector<16xi32>
        %parallel_loop3A_271 = arith.shli %parallel_loop3A_268, %parallel_loop3A_270 : vector<16xi32>
        %parallel_loop3A_272 = vector.bitcast %parallel_loop3A_271 : vector<16xi32> to vector<16xf32>
        %parallel_loop3A_273 = arith.constant -65536 : i32
        %parallel_loop3A_274 = vector.broadcast %parallel_loop3A_273 : i32 to vector<16xi32>
        %parallel_loop3A_275 = arith.andi %parallel_loop3A_268, %parallel_loop3A_274 : vector<16xi32>
        %parallel_loop3A_276 = vector.bitcast %parallel_loop3A_275 : vector<16xi32> to vector<16xf32>
        %parallel_loop3A_277 = arith.addf %parallel_loop3A_266, %parallel_loop3A_267 : vector<16xf32>
        %parallel_loop3A_278 = arith.constant 0.000000e+00 : f32
        %parallel_loop3A_279 = vector.broadcast %parallel_loop3A_278 : f32 to vector<16xf32>
        %parallel_loop3A_280 = arith.cmpf oge, %parallel_loop3A_277, %parallel_loop3A_279 : vector<16xf32>
        %parallel_loop3A_281 = arith.constant 2.000000e-01 : f32
        %parallel_loop3A_282 = vector.broadcast %parallel_loop3A_281 : f32 to vector<16xf32>
        %parallel_loop3A_283 = arith.mulf %parallel_loop3A_277, %parallel_loop3A_282 : vector<16xf32>
        %parallel_loop3A_284 = arith.select %parallel_loop3A_280, %parallel_loop3A_277, %parallel_loop3A_283 : vector<16xi1>, vector<16xf32>
        %parallel_loop3A_285 = math.exp %parallel_loop3A_284 : vector<16xf32>
        %parallel_loop3A_286 = arith.mulf %parallel_loop3A_272, %parallel_loop3A_285 : vector<16xf32>
        tpu.vector_store_idx %arg11[%parallel_loop3A_265], %parallel_loop3A_286 {add = true} : memref<10240xf32, #tpu.memory_space<vmem>>[vector<16xi32>], vector<16xf32>,
        %parallel_loop3A_287 = arith.mulf %parallel_loop3A_276, %parallel_loop3A_285 : vector<16xf32>
        tpu.vector_store_idx %arg12[%parallel_loop3A_265], %parallel_loop3A_287 {add = true} : memref<10240xf32, #tpu.memory_space<vmem>>[vector<16xi32>], vector<16xf32>,
      } {sc.loop_unroll_factor = 4 : i64, sc.parallel_access}
      %add3A_238 = arith.constant 3 : i32
      %add3A_239 = arith.addi %mul3A_176, %add3A_238 : i32
      %mul3A_240 = arith.constant 3200 : i32
      %mul3A_241 = arith.muli %add3A_239, %mul3A_240 : i32
      %add3A_242 = arith.addi %mul3A_89, %mul3A_241 : i32
      %dma_start3A_243 = arith.constant 3200 : i32
      %dma_start3A_244 = tpu.memref_slice %arg14[%dma_start3A_243] : memref<6400xi32, #tpu.memory_space<vmem>> -> memref<3200xi32, #tpu.memory_space<vmem>>
      %dma_start3A_245 = tpu.memref_slice %arg2[%add3A_242] : memref<640000xi32, #tpu.memory_space<hbm>> -> memref<3200xi32, #tpu.memory_space<hbm>>
      %dma_start3A_246 = arith.constant 3200 : i32
      %dma_start3A_247 = tpu.memref_slice %arg14[%dma_start3A_246] : memref<6400xi32, #tpu.memory_space<vmem>> -> memref<3200xi32, #tpu.memory_space<vmem>>
      %dma_start3A_248 = tpu.memref_slice %arg2[%add3A_242] : memref<640000xi32, #tpu.memory_space<hbm>> -> memref<3200xi32, #tpu.memory_space<hbm>>
      tpu.enqueue_dma source(%dma_start3A_248 : memref<3200xi32, #tpu.memory_space<hbm>>) target(%dma_start3A_247 : memref<3200xi32, #tpu.memory_space<vmem>>) target_semaphore(%arg19 : memref<!tpu.dma_semaphore, #tpu.memory_space<semaphore_mem>>)
      %add3A_249 = arith.constant 320000 : i32
      %add3A_250 = arith.addi %add3A_249, %add3A_242 : i32
      %dma_start3A_251 = arith.constant 3200 : i32
      %dma_start3A_252 = tpu.memref_slice %arg15[%dma_start3A_251] : memref<6400xi32, #tpu.memory_space<vmem>> -> memref<3200xi32, #tpu.memory_space<vmem>>
      %dma_start3A_253 = tpu.memref_slice %arg2[%add3A_250] : memref<640000xi32, #tpu.memory_space<hbm>> -> memref<3200xi32, #tpu.memory_space<hbm>>
      %dma_start3A_254 = arith.constant 3200 : i32
      %dma_start3A_255 = tpu.memref_slice %arg15[%dma_start3A_254] : memref<6400xi32, #tpu.memory_space<vmem>> -> memref<3200xi32, #tpu.memory_space<vmem>>
      %dma_start3A_256 = tpu.memref_slice %arg2[%add3A_250] : memref<640000xi32, #tpu.memory_space<hbm>> -> memref<3200xi32, #tpu.memory_space<hbm>>
      tpu.enqueue_dma source(%dma_start3A_256 : memref<3200xi32, #tpu.memory_space<hbm>>) target(%dma_start3A_255 : memref<3200xi32, #tpu.memory_space<vmem>>) target_semaphore(%arg19 : memref<!tpu.dma_semaphore, #tpu.memory_space<semaphore_mem>>)
    }
    %scan3A_133 = arith.constant 24 : i32
    %add3A_134 = arith.constant 153600 : i32
    %add3A_135 = arith.addi %mul3A_89, %add3A_134 : i32
    %dma_wait3A_136 = arith.constant 0 : i32
    %dma_wait3A_137 = tpu.memref_slice %arg14[%dma_wait3A_136] : memref<6400xi32, #tpu.memory_space<vmem>> -> memref<3200xi32, #tpu.memory_space<vmem>>
    %dma_wait3A_138 = tpu.memref_slice %arg2[%add3A_135] : memref<640000xi32, #tpu.memory_space<hbm>> -> memref<3200xi32, #tpu.memory_space<hbm>>
    %dma_wait3A_139 = arith.constant 0 : i32
    %dma_wait3A_140 = tpu.memref_slice %arg14[%dma_wait3A_139] : memref<6400xi32, #tpu.memory_space<vmem>> -> memref<3200xi32, #tpu.memory_space<vmem>>
    %dma_wait3A_141 = tpu.memref_slice %arg2[%add3A_135] : memref<640000xi32, #tpu.memory_space<hbm>> -> memref<3200xi32, #tpu.memory_space<hbm>>
    tpu.wait_dma2 semaphore(%arg18 : memref<!tpu.dma_semaphore, #tpu.memory_space<semaphore_mem>>) src(%dma_wait3A_141 : memref<3200xi32, #tpu.memory_space<hbm>>) dst(%dma_wait3A_140 : memref<3200xi32, #tpu.memory_space<vmem>>)
    %add3A_142 = arith.constant 320000 : i32
    %add3A_143 = arith.addi %add3A_142, %add3A_135 : i32
    %dma_wait3A_144 = arith.constant 0 : i32
    %dma_wait3A_145 = tpu.memref_slice %arg15[%dma_wait3A_144] : memref<6400xi32, #tpu.memory_space<vmem>> -> memref<3200xi32, #tpu.memory_space<vmem>>
    %dma_wait3A_146 = tpu.memref_slice %arg2[%add3A_143] : memref<640000xi32, #tpu.memory_space<hbm>> -> memref<3200xi32, #tpu.memory_space<hbm>>
    %dma_wait3A_147 = arith.constant 0 : i32
    %dma_wait3A_148 = tpu.memref_slice %arg15[%dma_wait3A_147] : memref<6400xi32, #tpu.memory_space<vmem>> -> memref<3200xi32, #tpu.memory_space<vmem>>
    %dma_wait3A_149 = tpu.memref_slice %arg2[%add3A_143] : memref<640000xi32, #tpu.memory_space<hbm>> -> memref<3200xi32, #tpu.memory_space<hbm>>
    tpu.wait_dma2 semaphore(%arg18 : memref<!tpu.dma_semaphore, #tpu.memory_space<semaphore_mem>>) src(%dma_wait3A_149 : memref<3200xi32, #tpu.memory_space<hbm>>) dst(%dma_wait3A_148 : memref<3200xi32, #tpu.memory_space<vmem>>)
    %parallel_loop3A_150 = arith.constant 0 : i32
    %parallel_loop3A_151 = arith.constant 200 : i32
    %parallel_loop3A_152 = arith.constant 1 : i32
    scf.for %parallel_loop3A_174 = %parallel_loop3A_150 to %parallel_loop3A_151 step %parallel_loop3A_152  : i32 {
      %parallel_loop3A_175 = arith.constant 16 : i32
      %parallel_loop3A_176 = arith.muli %parallel_loop3A_174, %parallel_loop3A_175 : i32
      %parallel_loop3A_177 = arith.constant 0 : i32
      %parallel_loop3A_178 = arith.addi %parallel_loop3A_177, %parallel_loop3A_176 : i32
      %parallel_loop3A_179 = arith.index_cast %parallel_loop3A_178 : i32 to index
      %parallel_loop3A_180 = tpu.vector_load %arg14[%parallel_loop3A_179] {strides = array<i32>} : memref<6400xi32, #tpu.memory_space<vmem>>, vector<16xi32>,
      %parallel_loop3A_181 = arith.index_cast %parallel_loop3A_178 : i32 to index
      %parallel_loop3A_182 = tpu.vector_load %arg15[%parallel_loop3A_181] {strides = array<i32>} : memref<6400xi32, #tpu.memory_space<vmem>>, vector<16xi32>,
      %parallel_loop3A_183 = tpu.vector_load_idx %arg8[%parallel_loop3A_180] : memref<10240xf32, #tpu.memory_space<vmem>>[vector<16xi32>], vector<16xf32>,
      %parallel_loop3A_184 = tpu.vector_load_idx %arg9[%parallel_loop3A_182] : memref<10240xf32, #tpu.memory_space<vmem>>[vector<16xi32>], vector<16xf32>,
      %parallel_loop3A_185 = tpu.vector_load_idx %arg10[%parallel_loop3A_180] : memref<10240xi32, #tpu.memory_space<vmem>>[vector<16xi32>], vector<16xi32>,
      %parallel_loop3A_186 = arith.constant 16 : i32
      %parallel_loop3A_187 = vector.broadcast %parallel_loop3A_186 : i32 to vector<16xi32>
      %parallel_loop3A_188 = arith.shli %parallel_loop3A_185, %parallel_loop3A_187 : vector<16xi32>
      %parallel_loop3A_189 = vector.bitcast %parallel_loop3A_188 : vector<16xi32> to vector<16xf32>
      %parallel_loop3A_190 = arith.constant -65536 : i32
      %parallel_loop3A_191 = vector.broadcast %parallel_loop3A_190 : i32 to vector<16xi32>
      %parallel_loop3A_192 = arith.andi %parallel_loop3A_185, %parallel_loop3A_191 : vector<16xi32>
      %parallel_loop3A_193 = vector.bitcast %parallel_loop3A_192 : vector<16xi32> to vector<16xf32>
      %parallel_loop3A_194 = arith.addf %parallel_loop3A_183, %parallel_loop3A_184 : vector<16xf32>
      %parallel_loop3A_195 = arith.constant 0.000000e+00 : f32
      %parallel_loop3A_196 = vector.broadcast %parallel_loop3A_195 : f32 to vector<16xf32>
      %parallel_loop3A_197 = arith.cmpf oge, %parallel_loop3A_194, %parallel_loop3A_196 : vector<16xf32>
      %parallel_loop3A_198 = arith.constant 2.000000e-01 : f32
      %parallel_loop3A_199 = vector.broadcast %parallel_loop3A_198 : f32 to vector<16xf32>
      %parallel_loop3A_200 = arith.mulf %parallel_loop3A_194, %parallel_loop3A_199 : vector<16xf32>
      %parallel_loop3A_201 = arith.select %parallel_loop3A_197, %parallel_loop3A_194, %parallel_loop3A_200 : vector<16xi1>, vector<16xf32>
      %parallel_loop3A_202 = math.exp %parallel_loop3A_201 : vector<16xf32>
      %parallel_loop3A_203 = arith.mulf %parallel_loop3A_189, %parallel_loop3A_202 : vector<16xf32>
      tpu.vector_store_idx %arg11[%parallel_loop3A_182], %parallel_loop3A_203 {add = true} : memref<10240xf32, #tpu.memory_space<vmem>>[vector<16xi32>], vector<16xf32>,
      %parallel_loop3A_204 = arith.mulf %parallel_loop3A_193, %parallel_loop3A_202 : vector<16xf32>
      tpu.vector_store_idx %arg12[%parallel_loop3A_182], %parallel_loop3A_204 {add = true} : memref<10240xf32, #tpu.memory_space<vmem>>[vector<16xi32>], vector<16xf32>,
    } {sc.loop_unroll_factor = 4 : i64, sc.parallel_access}
    %add3A_153 = arith.constant 156800 : i32
    %add3A_154 = arith.addi %mul3A_89, %add3A_153 : i32
    %dma_wait3A_155 = arith.constant 3200 : i32
    %dma_wait3A_156 = tpu.memref_slice %arg14[%dma_wait3A_155] : memref<6400xi32, #tpu.memory_space<vmem>> -> memref<3200xi32, #tpu.memory_space<vmem>>
    %dma_wait3A_157 = tpu.memref_slice %arg2[%add3A_154] : memref<640000xi32, #tpu.memory_space<hbm>> -> memref<3200xi32, #tpu.memory_space<hbm>>
    %dma_wait3A_158 = arith.constant 3200 : i32
    %dma_wait3A_159 = tpu.memref_slice %arg14[%dma_wait3A_158] : memref<6400xi32, #tpu.memory_space<vmem>> -> memref<3200xi32, #tpu.memory_space<vmem>>
    %dma_wait3A_160 = tpu.memref_slice %arg2[%add3A_154] : memref<640000xi32, #tpu.memory_space<hbm>> -> memref<3200xi32, #tpu.memory_space<hbm>>
    tpu.wait_dma2 semaphore(%arg19 : memref<!tpu.dma_semaphore, #tpu.memory_space<semaphore_mem>>) src(%dma_wait3A_160 : memref<3200xi32, #tpu.memory_space<hbm>>) dst(%dma_wait3A_159 : memref<3200xi32, #tpu.memory_space<vmem>>)
    %add3A_161 = arith.constant 320000 : i32
    %add3A_162 = arith.addi %add3A_161, %add3A_154 : i32
    %dma_wait3A_163 = arith.constant 3200 : i32
    %dma_wait3A_164 = tpu.memref_slice %arg15[%dma_wait3A_163] : memref<6400xi32, #tpu.memory_space<vmem>> -> memref<3200xi32, #tpu.memory_space<vmem>>
    %dma_wait3A_165 = tpu.memref_slice %arg2[%add3A_162] : memref<640000xi32, #tpu.memory_space<hbm>> -> memref<3200xi32, #tpu.memory_space<hbm>>
    %dma_wait3A_166 = arith.constant 3200 : i32
    %dma_wait3A_167 = tpu.memref_slice %arg15[%dma_wait3A_166] : memref<6400xi32, #tpu.memory_space<vmem>> -> memref<3200xi32, #tpu.memory_space<vmem>>
    %dma_wait3A_168 = tpu.memref_slice %arg2[%add3A_162] : memref<640000xi32, #tpu.memory_space<hbm>> -> memref<3200xi32, #tpu.memory_space<hbm>>
    tpu.wait_dma2 semaphore(%arg19 : memref<!tpu.dma_semaphore, #tpu.memory_space<semaphore_mem>>) src(%dma_wait3A_168 : memref<3200xi32, #tpu.memory_space<hbm>>) dst(%dma_wait3A_167 : memref<3200xi32, #tpu.memory_space<vmem>>)
    %parallel_loop3A_169 = arith.constant 0 : i32
    %parallel_loop3A_170 = arith.constant 200 : i32
    %parallel_loop3A_171 = arith.constant 1 : i32
    scf.for %parallel_loop3A_174 = %parallel_loop3A_169 to %parallel_loop3A_170 step %parallel_loop3A_171  : i32 {
      %parallel_loop3A_175 = arith.constant 16 : i32
      %parallel_loop3A_176 = arith.muli %parallel_loop3A_174, %parallel_loop3A_175 : i32
      %parallel_loop3A_177 = arith.constant 3200 : i32
      %parallel_loop3A_178 = arith.addi %parallel_loop3A_177, %parallel_loop3A_176 : i32
      %parallel_loop3A_179 = arith.index_cast %parallel_loop3A_178 : i32 to index
      %parallel_loop3A_180 = tpu.vector_load %arg14[%parallel_loop3A_179] {strides = array<i32>} : memref<6400xi32, #tpu.memory_space<vmem>>, vector<16xi32>,
      %parallel_loop3A_181 = arith.index_cast %parallel_loop3A_178 : i32 to index
      %parallel_loop3A_182 = tpu.vector_load %arg15[%parallel_loop3A_181] {strides = array<i32>} : memref<6400xi32, #tpu.memory_space<vmem>>, vector<16xi32>,
      %parallel_loop3A_183 = tpu.vector_load_idx %arg8[%parallel_loop3A_180] : memref<10240xf32, #tpu.memory_space<vmem>>[vector<16xi32>], vector<16xf32>,
      %parallel_loop3A_184 = tpu.vector_load_idx %arg9[%parallel_loop3A_182] : memref<10240xf32, #tpu.memory_space<vmem>>[vector<16xi32>], vector<16xf32>,
      %parallel_loop3A_185 = tpu.vector_load_idx %arg10[%parallel_loop3A_180] : memref<10240xi32, #tpu.memory_space<vmem>>[vector<16xi32>], vector<16xi32>,
      %parallel_loop3A_186 = arith.constant 16 : i32
      %parallel_loop3A_187 = vector.broadcast %parallel_loop3A_186 : i32 to vector<16xi32>
      %parallel_loop3A_188 = arith.shli %parallel_loop3A_185, %parallel_loop3A_187 : vector<16xi32>
      %parallel_loop3A_189 = vector.bitcast %parallel_loop3A_188 : vector<16xi32> to vector<16xf32>
      %parallel_loop3A_190 = arith.constant -65536 : i32
      %parallel_loop3A_191 = vector.broadcast %parallel_loop3A_190 : i32 to vector<16xi32>
      %parallel_loop3A_192 = arith.andi %parallel_loop3A_185, %parallel_loop3A_191 : vector<16xi32>
      %parallel_loop3A_193 = vector.bitcast %parallel_loop3A_192 : vector<16xi32> to vector<16xf32>
      %parallel_loop3A_194 = arith.addf %parallel_loop3A_183, %parallel_loop3A_184 : vector<16xf32>
      %parallel_loop3A_195 = arith.constant 0.000000e+00 : f32
      %parallel_loop3A_196 = vector.broadcast %parallel_loop3A_195 : f32 to vector<16xf32>
      %parallel_loop3A_197 = arith.cmpf oge, %parallel_loop3A_194, %parallel_loop3A_196 : vector<16xf32>
      %parallel_loop3A_198 = arith.constant 2.000000e-01 : f32
      %parallel_loop3A_199 = vector.broadcast %parallel_loop3A_198 : f32 to vector<16xf32>
      %parallel_loop3A_200 = arith.mulf %parallel_loop3A_194, %parallel_loop3A_199 : vector<16xf32>
      %parallel_loop3A_201 = arith.select %parallel_loop3A_197, %parallel_loop3A_194, %parallel_loop3A_200 : vector<16xi1>, vector<16xf32>
      %parallel_loop3A_202 = math.exp %parallel_loop3A_201 : vector<16xf32>
      %parallel_loop3A_203 = arith.mulf %parallel_loop3A_189, %parallel_loop3A_202 : vector<16xf32>
      tpu.vector_store_idx %arg11[%parallel_loop3A_182], %parallel_loop3A_203 {add = true} : memref<10240xf32, #tpu.memory_space<vmem>>[vector<16xi32>], vector<16xf32>,
      %parallel_loop3A_204 = arith.mulf %parallel_loop3A_193, %parallel_loop3A_202 : vector<16xf32>
      tpu.vector_store_idx %arg12[%parallel_loop3A_182], %parallel_loop3A_204 {add = true} : memref<10240xf32, #tpu.memory_space<vmem>>[vector<16xi32>], vector<16xf32>,
    } {sc.loop_unroll_factor = 4 : i64, sc.parallel_access}
    "tpu.region"() ({
      %run_scoped3A = tpu.sem_alloc : memref<!tpu.dma_semaphore, #tpu.memory_space<semaphore_mem>>
      %dma_start3A_174 = arith.constant 0 : i32
      %dma_start3A_175 = tpu.memref_slice %arg7[%arg0, %arg1, %dma_start3A_174] : memref<2x32x10240xf32, #tpu.memory_space<hbm>> -> memref<1x1x10240xf32, #tpu.memory_space<hbm>>
      %dma_start3A_176 = tpu.memref_squeeze %dma_start3A_175 : memref<1x1x10240xf32, #tpu.memory_space<hbm>> -> memref<10240xf32, #tpu.memory_space<hbm>>
      %dma_start3A_177 = arith.constant 0 : i32
      %dma_start3A_178 = tpu.memref_slice %arg7[%arg0, %arg1, %dma_start3A_177] : memref<2x32x10240xf32, #tpu.memory_space<hbm>> -> memref<1x1x10240xf32, #tpu.memory_space<hbm>>
      %dma_start3A_179 = tpu.memref_squeeze %dma_start3A_178 : memref<1x1x10240xf32, #tpu.memory_space<hbm>> -> memref<10240xf32, #tpu.memory_space<hbm>>
      tpu.enqueue_dma source(%arg11 : memref<10240xf32, #tpu.memory_space<vmem>>) target(%dma_start3A_179 : memref<10240xf32, #tpu.memory_space<hbm>>) target_semaphore(%run_scoped3A : memref<!tpu.dma_semaphore, #tpu.memory_space<semaphore_mem>>)
      %dma_wait3A_180 = arith.constant 0 : i32
      %dma_wait3A_181 = tpu.memref_slice %arg7[%arg0, %arg1, %dma_wait3A_180] : memref<2x32x10240xf32, #tpu.memory_space<hbm>> -> memref<1x1x10240xf32, #tpu.memory_space<hbm>>
      %dma_wait3A_182 = tpu.memref_squeeze %dma_wait3A_181 : memref<1x1x10240xf32, #tpu.memory_space<hbm>> -> memref<10240xf32, #tpu.memory_space<hbm>>
      %dma_wait3A_183 = arith.constant 0 : i32
      %dma_wait3A_184 = tpu.memref_slice %arg7[%arg0, %arg1, %dma_wait3A_183] : memref<2x32x10240xf32, #tpu.memory_space<hbm>> -> memref<1x1x10240xf32, #tpu.memory_space<hbm>>
      %dma_wait3A_185 = tpu.memref_squeeze %dma_wait3A_184 : memref<1x1x10240xf32, #tpu.memory_space<hbm>> -> memref<10240xf32, #tpu.memory_space<hbm>>
      tpu.wait_dma2 semaphore(%run_scoped3A : memref<!tpu.dma_semaphore, #tpu.memory_space<semaphore_mem>>) src(%arg11 : memref<10240xf32, #tpu.memory_space<vmem>>) dst(%dma_wait3A_185 : memref<10240xf32, #tpu.memory_space<hbm>>)
      tpu.yield
    }) : () -> ()
    %add3A_172 = arith.constant 16 : i32
    %add3A_173 = arith.addi %arg1, %add3A_172 : i32
    "tpu.region"() ({
      %run_scoped3A = tpu.sem_alloc : memref<!tpu.dma_semaphore, #tpu.memory_space<semaphore_mem>>
      %dma_start3A_174 = arith.constant 0 : i32
      %dma_start3A_175 = tpu.memref_slice %arg7[%arg0, %add3A_173, %dma_start3A_174] : memref<2x32x10240xf32, #tpu.memory_space<hbm>> -> memref<1x1x10240xf32, #tpu.memory_space<hbm>>
      %dma_start3A_176 = tpu.memref_squeeze %dma_start3A_175 : memref<1x1x10240xf32, #tpu.memory_space<hbm>> -> memref<10240xf32, #tpu.memory_space<hbm>>
      %dma_start3A_177 = arith.constant 0 : i32
      %dma_start3A_178 = tpu.memref_slice %arg7[%arg0, %add3A_173, %dma_start3A_177] : memref<2x32x10240xf32, #tpu.memory_space<hbm>> -> memref<1x1x10240xf32, #tpu.memory_space<hbm>>
      %dma_start3A_179 = tpu.memref_squeeze %dma_start3A_178 : memref<1x1x10240xf32, #tpu.memory_space<hbm>> -> memref<10240xf32, #tpu.memory_space<hbm>>
      tpu.enqueue_dma source(%arg12 : memref<10240xf32, #tpu.memory_space<vmem>>) target(%dma_start3A_179 : memref<10240xf32, #tpu.memory_space<hbm>>) target_semaphore(%run_scoped3A : memref<!tpu.dma_semaphore, #tpu.memory_space<semaphore_mem>>)
      %dma_wait3A_180 = arith.constant 0 : i32
      %dma_wait3A_181 = tpu.memref_slice %arg7[%arg0, %add3A_173, %dma_wait3A_180] : memref<2x32x10240xf32, #tpu.memory_space<hbm>> -> memref<1x1x10240xf32, #tpu.memory_space<hbm>>
      %dma_wait3A_182 = tpu.memref_squeeze %dma_wait3A_181 : memref<1x1x10240xf32, #tpu.memory_space<hbm>> -> memref<10240xf32, #tpu.memory_space<hbm>>
      %dma_wait3A_183 = arith.constant 0 : i32
      %dma_wait3A_184 = tpu.memref_slice %arg7[%arg0, %add3A_173, %dma_wait3A_183] : memref<2x32x10240xf32, #tpu.memory_space<hbm>> -> memref<1x1x10240xf32, #tpu.memory_space<hbm>>
      %dma_wait3A_185 = tpu.memref_squeeze %dma_wait3A_184 : memref<1x1x10240xf32, #tpu.memory_space<hbm>> -> memref<10240xf32, #tpu.memory_space<hbm>>
      tpu.wait_dma2 semaphore(%run_scoped3A : memref<!tpu.dma_semaphore, #tpu.memory_space<semaphore_mem>>) src(%arg12 : memref<10240xf32, #tpu.memory_space<vmem>>) dst(%dma_wait3A_185 : memref<10240xf32, #tpu.memory_space<hbm>>)
      tpu.yield
    }) : () -> ()
    return
  }
}

module attributes {stable_mosaic.version = 14 : i64} {
  func.func @_proj_body(%arg0: i32, %arg1: memref<2048x128xf32, #tpu.memory_space<vmem>>, %arg2: memref<128x32xf32, #tpu.memory_space<vmem>>, %arg3: memref<1x32xf32, #tpu.memory_space<vmem>>, %arg4: memref<1x32xf32, #tpu.memory_space<vmem>>, %arg5: memref<16x2048xi32, #tpu.memory_space<vmem>>, %arg6: memref<1x2048xf32, #tpu.memory_space<vmem>>, %arg7: memref<1x2048xf32, #tpu.memory_space<vmem>>) attributes {dimension_semantics = [#tpu.dimension_semantics<arbitrary>], iteration_bounds = array<i64: 5>, scalar_prefetch = 0 : i64, scratch_operands = 0 : i64, tpu.core_type = #tpu.core_type<tc>, window_params = [{transform_indices = @transform_0, window_bounds = array<i64: 2048, 128>}, {pipeline_mode = #tpu.pipeline_mode<synchronous>, transform_indices = @transform_1, window_bounds = array<i64: 128, 32>}, {pipeline_mode = #tpu.pipeline_mode<synchronous>, transform_indices = @transform_2, window_bounds = array<i64: 1, 32>}, {pipeline_mode = #tpu.pipeline_mode<synchronous>, transform_indices = @transform_3, window_bounds = array<i64: 1, 32>}, {transform_indices = @transform_4, window_bounds = array<i64: 16, 2048>}, {transform_indices = @transform_5, window_bounds = array<i64: 1, 2048>}, {transform_indices = @transform_6, window_bounds = array<i64: 1, 2048>}]} {
    %get3A = arith.constant 0 : index
    %get3A_0 = arith.constant 0 : index
    %get3A_1 = vector.load %arg2[%get3A, %get3A_0] : memref<128x32xf32, #tpu.memory_space<vmem>>, vector<128x32xf32>
    %get3A_2 = arith.constant 0 : index
    %get3A_3 = arith.constant 0 : index
    %get3A_4 = vector.load %arg1[%get3A_2, %get3A_3] : memref<2048x128xf32, #tpu.memory_space<vmem>>, vector<2048x128xf32>
    %dot_general3A = arith.constant dense<0.000000e+00> : vector<32x2048xf32>
    %dot_general3A_5 = tpu.matmul %get3A_1, %get3A_4, %dot_general3A {dimension_numbers = #tpu.dot_dimension_numbers<[0], [1], [1], [0], [0, 1, 1, 0], [], []>, transpose_lhs_hint = false} : vector<128x32xf32>, vector<2048x128xf32>, vector<32x2048xf32> -> vector<32x2048xf32>
    %slice3A = vector.extract_strided_slice %dot_general3A_5 {offsets = [0, 0], sizes = [16, 2048], strides = [1, 1]} : vector<32x2048xf32> to vector<16x2048xf32>
    %convert_element_type3A = arith.truncf %slice3A : vector<16x2048xf32> to vector<16x2048xbf16>
    %slice3A_6 = vector.extract_strided_slice %dot_general3A_5 {offsets = [16, 0], sizes = [16, 2048], strides = [1, 1]} : vector<32x2048xf32> to vector<16x2048xf32>
    %convert_element_type3A_7 = arith.truncf %slice3A_6 : vector<16x2048xf32> to vector<16x2048xbf16>
    %bitcast_convert_type3A = tpu.bitcast %convert_element_type3A : vector<16x2048xbf16> -> vector<16x2048xi16>
    %convert_element_type3A_8 = arith.extui %bitcast_convert_type3A : vector<16x2048xi16> to vector<16x2048xi32>
    %bitcast_convert_type3A_9 = tpu.bitcast %convert_element_type3A_7 : vector<16x2048xbf16> -> vector<16x2048xi16>
    %convert_element_type3A_10 = arith.extui %bitcast_convert_type3A_9 : vector<16x2048xi16> to vector<16x2048xi32>
    %shift_left3A = arith.constant 16 : i32
    %shift_left3A_11 = vector.broadcast %shift_left3A : i32 to vector<16x2048xi32>
    %shift_left3A_12 = arith.shli %convert_element_type3A_10, %shift_left3A_11 : vector<16x2048xi32>
    %or3A = arith.ori %convert_element_type3A_8, %shift_left3A_12 : vector<16x2048xi32>
    %bitcast_convert_type3A_13 = tpu.bitcast %or3A : vector<16x2048xi32> -> vector<16x2048xi32>
    %swap3A = arith.constant 0 : index
    %swap3A_14 = arith.constant 0 : index
    %swap3A_15 = vector.load %arg5[%swap3A, %swap3A_14] : memref<16x2048xi32, #tpu.memory_space<vmem>>, vector<16x2048xi32>
    tpu.vector_store %arg5[%swap3A, %swap3A_14], %bitcast_convert_type3A_13 {strides = array<i32>} : memref<16x2048xi32, #tpu.memory_space<vmem>>, vector<16x2048xi32>,
    %get3A_16 = arith.constant 0 : index
    %get3A_17 = arith.constant 0 : index
    %get3A_18 = vector.load %arg3[%get3A_16, %get3A_17] : memref<1x32xf32, #tpu.memory_space<vmem>>, vector<1x32xf32>
    %dot_general3A_19 = arith.constant dense<0.000000e+00> : vector<1x2048xf32>
    %dot_general3A_20 = tpu.matmul %get3A_18, %dot_general3A_5, %dot_general3A_19 {dimension_numbers = #tpu.dot_dimension_numbers<[1], [0], [0], [1], [0, 0, 1, 1], [], []>, transpose_lhs_hint = false} : vector<1x32xf32>, vector<32x2048xf32>, vector<1x2048xf32> -> vector<1x2048xf32>
    %swap3A_21 = arith.constant 0 : index
    %swap3A_22 = arith.constant 0 : index
    %swap3A_23 = vector.load %arg6[%swap3A_21, %swap3A_22] : memref<1x2048xf32, #tpu.memory_space<vmem>>, vector<1x2048xf32>
    tpu.vector_store %arg6[%swap3A_21, %swap3A_22], %dot_general3A_20 {strides = array<i32>} : memref<1x2048xf32, #tpu.memory_space<vmem>>, vector<1x2048xf32>,
    %get3A_24 = arith.constant 0 : index
    %get3A_25 = arith.constant 0 : index
    %get3A_26 = vector.load %arg4[%get3A_24, %get3A_25] : memref<1x32xf32, #tpu.memory_space<vmem>>, vector<1x32xf32>
    %dot_general3A_27 = arith.constant dense<0.000000e+00> : vector<1x2048xf32>
    %dot_general3A_28 = tpu.matmul %get3A_26, %dot_general3A_5, %dot_general3A_27 {dimension_numbers = #tpu.dot_dimension_numbers<[1], [0], [0], [1], [0, 0, 1, 1], [], []>, transpose_lhs_hint = false} : vector<1x32xf32>, vector<32x2048xf32>, vector<1x2048xf32> -> vector<1x2048xf32>
    %swap3A_29 = arith.constant 0 : index
    %swap3A_30 = arith.constant 0 : index
    %swap3A_31 = vector.load %arg7[%swap3A_29, %swap3A_30] : memref<1x2048xf32, #tpu.memory_space<vmem>>, vector<1x2048xf32>
    tpu.vector_store %arg7[%swap3A_29, %swap3A_30], %dot_general3A_28 {strides = array<i32>} : memref<1x2048xf32, #tpu.memory_space<vmem>>, vector<1x2048xf32>,
    return
  }
  func.func @transform_0(%arg0: i32) -> (i32, i32) {
    %c0_i32 = arith.constant 0 : i32
    %c0_i32_0 = arith.constant 0 : i32
    return %arg0, %c0_i32 : i32, i32
  }
  func.func @transform_1(%arg0: i32) -> (i32, i32) {
    %c0_i32 = arith.constant 0 : i32
    %c0_i32_0 = arith.constant 0 : i32
    %c0_i32_1 = arith.constant 0 : i32
    return %c0_i32, %c0_i32_0 : i32, i32
  }
  func.func @transform_2(%arg0: i32) -> (i32, i32) {
    %c0_i32 = arith.constant 0 : i32
    %c0_i32_0 = arith.constant 0 : i32
    %c0_i32_1 = arith.constant 0 : i32
    return %c0_i32, %c0_i32_0 : i32, i32
  }
  func.func @transform_3(%arg0: i32) -> (i32, i32) {
    %c0_i32 = arith.constant 0 : i32
    %c0_i32_0 = arith.constant 0 : i32
    %c0_i32_1 = arith.constant 0 : i32
    return %c0_i32, %c0_i32_0 : i32, i32
  }
  func.func @transform_4(%arg0: i32) -> (i32, i32) {
    %c0_i32 = arith.constant 0 : i32
    %c0_i32_0 = arith.constant 0 : i32
    return %c0_i32, %arg0 : i32, i32
  }
  func.func @transform_5(%arg0: i32) -> (i32, i32) {
    %c0_i32 = arith.constant 0 : i32
    %c0_i32_0 = arith.constant 0 : i32
    return %c0_i32, %arg0 : i32, i32
  }
  func.func @transform_6(%arg0: i32) -> (i32, i32) {
    %c0_i32 = arith.constant 0 : i32
    %c0_i32_0 = arith.constant 0 : i32
    return %c0_i32, %arg0 : i32, i32
  }
}

module attributes {stable_mosaic.version = 14 : i64} {
  func.func @_norm_proj_body(%arg0: i32, %arg1: memref<2x32x2048xf32, #tpu.memory_space<vmem>>, %arg2: memref<2x16x2048xf32, #tpu.memory_space<vmem>>, %arg3: memref<32x1xf32, #tpu.memory_space<vmem>>, %arg4: memref<32x32xf32, #tpu.memory_space<vmem>>, %arg5: memref<1x32xf32, #tpu.memory_space<vmem>>, %arg6: memref<1x32xf32, #tpu.memory_space<vmem>>, %arg7: memref<16x2048xi32, #tpu.memory_space<vmem>>, %arg8: memref<1x2048xf32, #tpu.memory_space<vmem>>, %arg9: memref<1x2048xf32, #tpu.memory_space<vmem>>) attributes {dimension_semantics = [#tpu.dimension_semantics<arbitrary>], iteration_bounds = array<i64: 5>, scalar_prefetch = 0 : i64, scratch_operands = 0 : i64, tpu.core_type = #tpu.core_type<tc>, window_params = [{transform_indices = @transform_0, window_bounds = array<i64: 2, 32, 2048>}, {transform_indices = @transform_1, window_bounds = array<i64: 2, 16, 2048>}, {pipeline_mode = #tpu.pipeline_mode<synchronous>, transform_indices = @transform_2, window_bounds = array<i64: 32, 1>}, {pipeline_mode = #tpu.pipeline_mode<synchronous>, transform_indices = @transform_3, window_bounds = array<i64: 32, 32>}, {pipeline_mode = #tpu.pipeline_mode<synchronous>, transform_indices = @transform_4, window_bounds = array<i64: 1, 32>}, {pipeline_mode = #tpu.pipeline_mode<synchronous>, transform_indices = @transform_5, window_bounds = array<i64: 1, 32>}, {transform_indices = @transform_6, window_bounds = array<i64: 16, 2048>}, {transform_indices = @transform_7, window_bounds = array<i64: 1, 2048>}, {transform_indices = @transform_8, window_bounds = array<i64: 1, 2048>}]} {
    %get3A = arith.constant 0 : index
    %get3A_0 = arith.constant 0 : index
    %get3A_1 = arith.constant 0 : index
    %get3A_2 = vector.load %arg1[%get3A, %get3A_0, %get3A_1] : memref<2x32x2048xf32, #tpu.memory_space<vmem>>, vector<1x32x2048xf32>
    %get3A_3 = vector.shape_cast %get3A_2 : vector<1x32x2048xf32> to vector<32x2048xf32>
    %get3A_4 = arith.constant 1 : index
    %get3A_5 = arith.constant 0 : index
    %get3A_6 = arith.constant 0 : index
    %get3A_7 = vector.load %arg1[%get3A_4, %get3A_5, %get3A_6] : memref<2x32x2048xf32, #tpu.memory_space<vmem>>, vector<1x32x2048xf32>
    %get3A_8 = vector.shape_cast %get3A_7 : vector<1x32x2048xf32> to vector<32x2048xf32>
    %add3A = arith.addf %get3A_3, %get3A_8 : vector<32x2048xf32>
    %get3A_9 = arith.constant 0 : index
    %get3A_10 = arith.constant 0 : index
    %get3A_11 = arith.constant 0 : index
    %get3A_12 = vector.load %arg2[%get3A_9, %get3A_10, %get3A_11] : memref<2x16x2048xf32, #tpu.memory_space<vmem>>, vector<1x16x2048xf32>
    %get3A_13 = vector.shape_cast %get3A_12 : vector<1x16x2048xf32> to vector<16x2048xf32>
    %get3A_14 = arith.constant 1 : index
    %get3A_15 = arith.constant 0 : index
    %get3A_16 = arith.constant 0 : index
    %get3A_17 = vector.load %arg2[%get3A_14, %get3A_15, %get3A_16] : memref<2x16x2048xf32, #tpu.memory_space<vmem>>, vector<1x16x2048xf32>
    %get3A_18 = vector.shape_cast %get3A_17 : vector<1x16x2048xf32> to vector<16x2048xf32>
    %add3A_19 = arith.addf %get3A_13, %get3A_18 : vector<16x2048xf32>
    %reduce_sum3A = arith.constant dense<0.000000e+00> : vector<2048xf32>
    %reduce_sum3A_20 = vector.multi_reduction <add>, %add3A_19, %reduce_sum3A [0] : vector<16x2048xf32> to vector<2048xf32>
    %broadcast_in_dim3A = vector.shape_cast %reduce_sum3A_20 : vector<2048xf32> to vector<1x2048xf32>
    %add3A_21 = arith.constant 1.000000e-16 : f32
    %add3A_22 = vector.broadcast %add3A_21 : f32 to vector<1x2048xf32>
    %add3A_23 = arith.addf %broadcast_in_dim3A, %add3A_22 : vector<1x2048xf32>
    %div3A = vector.broadcast %add3A_23 : vector<1x2048xf32> to vector<32x2048xf32>
    %div3A_24 = arith.divf %add3A, %div3A : vector<32x2048xf32>
    %get3A_25 = arith.constant 0 : index
    %get3A_26 = arith.constant 0 : index
    %get3A_27 = vector.load %arg3[%get3A_25, %get3A_26] : memref<32x1xf32, #tpu.memory_space<vmem>>, vector<32x1xf32>
    %add3A_28 = vector.broadcast %get3A_27 : vector<32x1xf32> to vector<32x2048xf32>
    %add3A_29 = arith.addf %div3A_24, %add3A_28 : vector<32x2048xf32>
    %max3A = arith.constant 0.000000e+00 : f32
    %max3A_30 = vector.broadcast %max3A : f32 to vector<32x2048xf32>
    %max3A_31 = arith.maximumf %add3A_29, %max3A_30 : vector<32x2048xf32>
    %get3A_32 = arith.constant 0 : index
    %get3A_33 = arith.constant 0 : index
    %get3A_34 = vector.load %arg4[%get3A_32, %get3A_33] : memref<32x32xf32, #tpu.memory_space<vmem>>, vector<32x32xf32>
    %dot_general3A = arith.constant dense<0.000000e+00> : vector<32x2048xf32>
    %dot_general3A_35 = tpu.matmul %get3A_34, %max3A_31, %dot_general3A {dimension_numbers = #tpu.dot_dimension_numbers<[1], [0], [0], [1], [0, 0, 1, 1], [], []>, transpose_lhs_hint = false} : vector<32x32xf32>, vector<32x2048xf32>, vector<32x2048xf32> -> vector<32x2048xf32>
    %slice3A = vector.extract_strided_slice %dot_general3A_35 {offsets = [0, 0], sizes = [16, 2048], strides = [1, 1]} : vector<32x2048xf32> to vector<16x2048xf32>
    %convert_element_type3A = arith.truncf %slice3A : vector<16x2048xf32> to vector<16x2048xbf16>
    %slice3A_36 = vector.extract_strided_slice %dot_general3A_35 {offsets = [16, 0], sizes = [16, 2048], strides = [1, 1]} : vector<32x2048xf32> to vector<16x2048xf32>
    %convert_element_type3A_37 = arith.truncf %slice3A_36 : vector<16x2048xf32> to vector<16x2048xbf16>
    %bitcast_convert_type3A = tpu.bitcast %convert_element_type3A : vector<16x2048xbf16> -> vector<16x2048xi16>
    %convert_element_type3A_38 = arith.extui %bitcast_convert_type3A : vector<16x2048xi16> to vector<16x2048xi32>
    %bitcast_convert_type3A_39 = tpu.bitcast %convert_element_type3A_37 : vector<16x2048xbf16> -> vector<16x2048xi16>
    %convert_element_type3A_40 = arith.extui %bitcast_convert_type3A_39 : vector<16x2048xi16> to vector<16x2048xi32>
    %shift_left3A = arith.constant 16 : i32
    %shift_left3A_41 = vector.broadcast %shift_left3A : i32 to vector<16x2048xi32>
    %shift_left3A_42 = arith.shli %convert_element_type3A_40, %shift_left3A_41 : vector<16x2048xi32>
    %or3A = arith.ori %convert_element_type3A_38, %shift_left3A_42 : vector<16x2048xi32>
    %bitcast_convert_type3A_43 = tpu.bitcast %or3A : vector<16x2048xi32> -> vector<16x2048xi32>
    %swap3A = arith.constant 0 : index
    %swap3A_44 = arith.constant 0 : index
    %swap3A_45 = vector.load %arg7[%swap3A, %swap3A_44] : memref<16x2048xi32, #tpu.memory_space<vmem>>, vector<16x2048xi32>
    tpu.vector_store %arg7[%swap3A, %swap3A_44], %bitcast_convert_type3A_43 {strides = array<i32>} : memref<16x2048xi32, #tpu.memory_space<vmem>>, vector<16x2048xi32>,
    %get3A_46 = arith.constant 0 : index
    %get3A_47 = arith.constant 0 : index
    %get3A_48 = vector.load %arg5[%get3A_46, %get3A_47] : memref<1x32xf32, #tpu.memory_space<vmem>>, vector<1x32xf32>
    %dot_general3A_49 = arith.constant dense<0.000000e+00> : vector<1x2048xf32>
    %dot_general3A_50 = tpu.matmul %get3A_48, %dot_general3A_35, %dot_general3A_49 {dimension_numbers = #tpu.dot_dimension_numbers<[1], [0], [0], [1], [0, 0, 1, 1], [], []>, transpose_lhs_hint = false} : vector<1x32xf32>, vector<32x2048xf32>, vector<1x2048xf32> -> vector<1x2048xf32>
    %swap3A_51 = arith.constant 0 : index
    %swap3A_52 = arith.constant 0 : index
    %swap3A_53 = vector.load %arg8[%swap3A_51, %swap3A_52] : memref<1x2048xf32, #tpu.memory_space<vmem>>, vector<1x2048xf32>
    tpu.vector_store %arg8[%swap3A_51, %swap3A_52], %dot_general3A_50 {strides = array<i32>} : memref<1x2048xf32, #tpu.memory_space<vmem>>, vector<1x2048xf32>,
    %get3A_54 = arith.constant 0 : index
    %get3A_55 = arith.constant 0 : index
    %get3A_56 = vector.load %arg6[%get3A_54, %get3A_55] : memref<1x32xf32, #tpu.memory_space<vmem>>, vector<1x32xf32>
    %dot_general3A_57 = arith.constant dense<0.000000e+00> : vector<1x2048xf32>
    %dot_general3A_58 = tpu.matmul %get3A_56, %dot_general3A_35, %dot_general3A_57 {dimension_numbers = #tpu.dot_dimension_numbers<[1], [0], [0], [1], [0, 0, 1, 1], [], []>, transpose_lhs_hint = false} : vector<1x32xf32>, vector<32x2048xf32>, vector<1x2048xf32> -> vector<1x2048xf32>
    %swap3A_59 = arith.constant 0 : index
    %swap3A_60 = arith.constant 0 : index
    %swap3A_61 = vector.load %arg9[%swap3A_59, %swap3A_60] : memref<1x2048xf32, #tpu.memory_space<vmem>>, vector<1x2048xf32>
    tpu.vector_store %arg9[%swap3A_59, %swap3A_60], %dot_general3A_58 {strides = array<i32>} : memref<1x2048xf32, #tpu.memory_space<vmem>>, vector<1x2048xf32>,
    return
  }
  func.func @transform_0(%arg0: i32) -> (i32, i32, i32) {
    %c0_i32 = arith.constant 0 : i32
    %c0_i32_0 = arith.constant 0 : i32
    %c0_i32_1 = arith.constant 0 : i32
    return %c0_i32, %c0_i32_0, %arg0 : i32, i32, i32
  }
  func.func @transform_1(%arg0: i32) -> (i32, i32, i32) {
    %c0_i32 = arith.constant 0 : i32
    %c0_i32_0 = arith.constant 0 : i32
    %c0_i32_1 = arith.constant 0 : i32
    return %c0_i32, %c0_i32_0, %arg0 : i32, i32, i32
  }
  func.func @transform_2(%arg0: i32) -> (i32, i32) {
    %c0_i32 = arith.constant 0 : i32
    %c0_i32_0 = arith.constant 0 : i32
    %c0_i32_1 = arith.constant 0 : i32
    return %c0_i32, %c0_i32_0 : i32, i32
  }
  func.func @transform_3(%arg0: i32) -> (i32, i32) {
    %c0_i32 = arith.constant 0 : i32
    %c0_i32_0 = arith.constant 0 : i32
    %c0_i32_1 = arith.constant 0 : i32
    return %c0_i32, %c0_i32_0 : i32, i32
  }
  func.func @transform_4(%arg0: i32) -> (i32, i32) {
    %c0_i32 = arith.constant 0 : i32
    %c0_i32_0 = arith.constant 0 : i32
    %c0_i32_1 = arith.constant 0 : i32
    return %c0_i32, %c0_i32_0 : i32, i32
  }
  func.func @transform_5(%arg0: i32) -> (i32, i32) {
    %c0_i32 = arith.constant 0 : i32
    %c0_i32_0 = arith.constant 0 : i32
    %c0_i32_1 = arith.constant 0 : i32
    return %c0_i32, %c0_i32_0 : i32, i32
  }
  func.func @transform_6(%arg0: i32) -> (i32, i32) {
    %c0_i32 = arith.constant 0 : i32
    %c0_i32_0 = arith.constant 0 : i32
    return %c0_i32, %arg0 : i32, i32
  }
  func.func @transform_7(%arg0: i32) -> (i32, i32) {
    %c0_i32 = arith.constant 0 : i32
    %c0_i32_0 = arith.constant 0 : i32
    return %c0_i32, %arg0 : i32, i32
  }
  func.func @transform_8(%arg0: i32) -> (i32, i32) {
    %c0_i32 = arith.constant 0 : i32
    %c0_i32_0 = arith.constant 0 : i32
    return %c0_i32, %arg0 : i32, i32
  }
}

module attributes {stable_mosaic.version = 14 : i64} {
  func.func @_final_body(%arg0: i32, %arg1: memref<2x32x2048xf32, #tpu.memory_space<vmem>>, %arg2: memref<2x16x2048xf32, #tpu.memory_space<vmem>>, %arg3: memref<32x1xf32, #tpu.memory_space<vmem>>, %arg4: memref<32x32xf32, #tpu.memory_space<vmem>>, %arg5: memref<1x32xf32, #tpu.memory_space<vmem>>, %arg6: memref<2048x32xf32, #tpu.memory_space<vmem>>) attributes {dimension_semantics = [#tpu.dimension_semantics<arbitrary>], iteration_bounds = array<i64: 5>, scalar_prefetch = 0 : i64, scratch_operands = 0 : i64, tpu.core_type = #tpu.core_type<tc>, window_params = [{transform_indices = @transform_0, window_bounds = array<i64: 2, 32, 2048>}, {transform_indices = @transform_1, window_bounds = array<i64: 2, 16, 2048>}, {pipeline_mode = #tpu.pipeline_mode<synchronous>, transform_indices = @transform_2, window_bounds = array<i64: 32, 1>}, {pipeline_mode = #tpu.pipeline_mode<synchronous>, transform_indices = @transform_3, window_bounds = array<i64: 32, 32>}, {pipeline_mode = #tpu.pipeline_mode<synchronous>, transform_indices = @transform_4, window_bounds = array<i64: 1, 32>}, {transform_indices = @transform_5, window_bounds = array<i64: 2048, 32>}]} {
    %get3A = arith.constant 0 : index
    %get3A_0 = arith.constant 0 : index
    %get3A_1 = arith.constant 0 : index
    %get3A_2 = vector.load %arg1[%get3A, %get3A_0, %get3A_1] : memref<2x32x2048xf32, #tpu.memory_space<vmem>>, vector<1x32x2048xf32>
    %get3A_3 = vector.shape_cast %get3A_2 : vector<1x32x2048xf32> to vector<32x2048xf32>
    %get3A_4 = arith.constant 1 : index
    %get3A_5 = arith.constant 0 : index
    %get3A_6 = arith.constant 0 : index
    %get3A_7 = vector.load %arg1[%get3A_4, %get3A_5, %get3A_6] : memref<2x32x2048xf32, #tpu.memory_space<vmem>>, vector<1x32x2048xf32>
    %get3A_8 = vector.shape_cast %get3A_7 : vector<1x32x2048xf32> to vector<32x2048xf32>
    %add3A = arith.addf %get3A_3, %get3A_8 : vector<32x2048xf32>
    %get3A_9 = arith.constant 0 : index
    %get3A_10 = arith.constant 0 : index
    %get3A_11 = arith.constant 0 : index
    %get3A_12 = vector.load %arg2[%get3A_9, %get3A_10, %get3A_11] : memref<2x16x2048xf32, #tpu.memory_space<vmem>>, vector<1x16x2048xf32>
    %get3A_13 = vector.shape_cast %get3A_12 : vector<1x16x2048xf32> to vector<16x2048xf32>
    %get3A_14 = arith.constant 1 : index
    %get3A_15 = arith.constant 0 : index
    %get3A_16 = arith.constant 0 : index
    %get3A_17 = vector.load %arg2[%get3A_14, %get3A_15, %get3A_16] : memref<2x16x2048xf32, #tpu.memory_space<vmem>>, vector<1x16x2048xf32>
    %get3A_18 = vector.shape_cast %get3A_17 : vector<1x16x2048xf32> to vector<16x2048xf32>
    %add3A_19 = arith.addf %get3A_13, %get3A_18 : vector<16x2048xf32>
    %reduce_sum3A = arith.constant dense<0.000000e+00> : vector<2048xf32>
    %reduce_sum3A_20 = vector.multi_reduction <add>, %add3A_19, %reduce_sum3A [0] : vector<16x2048xf32> to vector<2048xf32>
    %broadcast_in_dim3A = vector.shape_cast %reduce_sum3A_20 : vector<2048xf32> to vector<1x2048xf32>
    %add3A_21 = arith.constant 1.000000e-16 : f32
    %add3A_22 = vector.broadcast %add3A_21 : f32 to vector<1x2048xf32>
    %add3A_23 = arith.addf %broadcast_in_dim3A, %add3A_22 : vector<1x2048xf32>
    %div3A = vector.broadcast %add3A_23 : vector<1x2048xf32> to vector<32x2048xf32>
    %div3A_24 = arith.divf %add3A, %div3A : vector<32x2048xf32>
    %get3A_25 = arith.constant 0 : index
    %get3A_26 = arith.constant 0 : index
    %get3A_27 = vector.load %arg3[%get3A_25, %get3A_26] : memref<32x1xf32, #tpu.memory_space<vmem>>, vector<32x1xf32>
    %add3A_28 = vector.broadcast %get3A_27 : vector<32x1xf32> to vector<32x2048xf32>
    %add3A_29 = arith.addf %div3A_24, %add3A_28 : vector<32x2048xf32>
    %max3A = arith.constant 0.000000e+00 : f32
    %max3A_30 = vector.broadcast %max3A : f32 to vector<32x2048xf32>
    %max3A_31 = arith.maximumf %add3A_29, %max3A_30 : vector<32x2048xf32>
    %get3A_32 = arith.constant 0 : index
    %get3A_33 = arith.constant 0 : index
    %get3A_34 = vector.load %arg4[%get3A_32, %get3A_33] : memref<32x32xf32, #tpu.memory_space<vmem>>, vector<32x32xf32>
    %dot_general3A = arith.constant dense<0.000000e+00> : vector<2048x32xf32>
    %dot_general3A_35 = tpu.matmul %max3A_31, %get3A_34, %dot_general3A {dimension_numbers = #tpu.dot_dimension_numbers<[0], [0], [1], [1], [0, 1, 1, 1], [], []>, transpose_lhs_hint = false} : vector<32x2048xf32>, vector<32x32xf32>, vector<2048x32xf32> -> vector<2048x32xf32>
    %get3A_36 = arith.constant 0 : index
    %get3A_37 = arith.constant 0 : index
    %get3A_38 = vector.load %arg5[%get3A_36, %get3A_37] : memref<1x32xf32, #tpu.memory_space<vmem>>, vector<1x32xf32>
    %add3A_39 = vector.broadcast %get3A_38 : vector<1x32xf32> to vector<2048x32xf32>
    %add3A_40 = arith.addf %dot_general3A_35, %add3A_39 : vector<2048x32xf32>
    %swap3A = arith.constant 0 : index
    %swap3A_41 = arith.constant 0 : index
    %swap3A_42 = vector.load %arg6[%swap3A, %swap3A_41] : memref<2048x32xf32, #tpu.memory_space<vmem>>, vector<2048x32xf32>
    tpu.vector_store %arg6[%swap3A, %swap3A_41], %add3A_40 {strides = array<i32>} : memref<2048x32xf32, #tpu.memory_space<vmem>>, vector<2048x32xf32>,
    return
  }
  func.func @transform_0(%arg0: i32) -> (i32, i32, i32) {
    %c0_i32 = arith.constant 0 : i32
    %c0_i32_0 = arith.constant 0 : i32
    %c0_i32_1 = arith.constant 0 : i32
    return %c0_i32, %c0_i32_0, %arg0 : i32, i32, i32
  }
  func.func @transform_1(%arg0: i32) -> (i32, i32, i32) {
    %c0_i32 = arith.constant 0 : i32
    %c0_i32_0 = arith.constant 0 : i32
    %c0_i32_1 = arith.constant 0 : i32
    return %c0_i32, %c0_i32_0, %arg0 : i32, i32, i32
  }
  func.func @transform_2(%arg0: i32) -> (i32, i32) {
    %c0_i32 = arith.constant 0 : i32
    %c0_i32_0 = arith.constant 0 : i32
    %c0_i32_1 = arith.constant 0 : i32
    return %c0_i32, %c0_i32_0 : i32, i32
  }
  func.func @transform_3(%arg0: i32) -> (i32, i32) {
    %c0_i32 = arith.constant 0 : i32
    %c0_i32_0 = arith.constant 0 : i32
    %c0_i32_1 = arith.constant 0 : i32
    return %c0_i32, %c0_i32_0 : i32, i32
  }
  func.func @transform_4(%arg0: i32) -> (i32, i32) {
    %c0_i32 = arith.constant 0 : i32
    %c0_i32_0 = arith.constant 0 : i32
    %c0_i32_1 = arith.constant 0 : i32
    return %c0_i32, %c0_i32_0 : i32, i32
  }
  func.func @transform_5(%arg0: i32) -> (i32, i32) {
    %c0_i32 = arith.constant 0 : i32
    %c0_i32_0 = arith.constant 0 : i32
    return %arg0, %c0_i32 : i32, i32
  }
}

</mosaic_0001>

<sc_bundles>
// kernel: kernel.10.cloned.1.call-start
scs
__scs_entry_jumppad:
0x0: {  	(pc) =	sbr.rel $0x88, $3  }
0x1: {  	(tag) =	ssettag $0x0;
	lr =	simm.s32 $0x1  }
0x2: {  	[smem:$0x3F95] =	sst lr;
	_ =	strace $0xD0000000  }
0x3: {  	_ = 	snop  }
0x4: {  	_ = 	snop  }
0x5: {  	_ = 	snop  }
0x6: {  	_ = 	snop  }
0x7: {  	_ = 	snop  }
__scs_overlays_trampoline_lowered:
0x8: {  	[smem:$0x3FA4] =	sst s0  }
0x9: {  	[smem:$0x3FA5] =	sst s1  }
0xa: {  	[smem:$0x3FA6] =	sst s2  }
0xb: {  	[smem:$0x3FA7] =	sst s3  }
0xc: {  	[smem:$0x3FA8] =	sst s4  }
0xd: {  	[smem:$0x3FA9] =	sst s5  }
0xe: {  	[smem:$0x3FAA] =	sst s6  }
0xf: {  	[smem:$0x3FAB] =	sst s7  }
0x10: {  	[smem:$0x3FAC] =	sst s8  }
0x11: {  	[smem:$0x3FAD] =	sst s9;
	s0 =	simm.s32 @!p0 $0x0  }
0x12: {  	s1 =	sld [smem:$0x3F93];
	s0 =	simm.s32 @p0 $0x1  }
0x13: {  	[smem:$0x3FAE] =	sst s0;
	s0 =	simm.s32 @!p1 $0x0  }
0x14: {  	s2 =	sld [smem:$0x3F92];
	s0 =	simm.s32 @p1 $0x1  }
0x15: {  	[smem:$0x3FAF] =	sst s0;
	s0 =	simm.s32 @!p2 $0x0  }
0x16: {  	s3 =	sld [smem:$0x3FDB];
	s0 =	simm.s32 @p2 $0x1  }
0x17: {  	s4 =	simm.s32 $0x1BF5;
	[smem:$0x3FB1] =	sst s0  }
0x18: {  	s0 =	sld [smem:$0x3F94];
	_ =	swait.ge [sflag:s4], $0x0  }
0x19: {  	s7 =	sld [smem:$0x3F95]  }
0x1a: {  	s8 =	sadd.s32 $0xFFFFE003, lr  }
0x1b: {  	s9 =	sadd.s32 $0xFFFFFEF7, lr;
	s5 =	simm.s32 $0xFFFFFFFF;
	p2 =	slt.u32 s8, $0xFFFFF086  }
0x1c: {  	p1 =	slt.u32 s9, $0xF7A;
	s5 =	simm.s32 @!p2 $0x0  }
0x1d: {  	s5 =	simm.s32 @p1 $0x1;
	p0 =	seq.s32 s7, s2  }
0x1e: {  	s7 =	smul.u32 @!p0 $0xF7A, s2;
	p2 =	seq.s32 @!p0 s5, $0x0  }
0x1f: {  	s9 =	smul.u32 $0xF7A, s1;
	s8 =	simm.s32 @!p0 $0x1BF5;
	p2 =	por !p2, p0  }
0x20: {  	[sflag:s8] =	ssyncset.s32 @!p0 $0xFFFFF086;
	s6 =	sadd.s32 @!p0 s3, s7;
	s7 =	simm.s32 @!p0 $0x108  }
0x21: {  	s3 =	sadd.s32 s3, s9;
	s6 =	sadd.s32 @!p0 $0x88, s6;
	s7 =	simm.s32 @p2 $0x1082  }
0x22: {  	[simem:s7], [sflag:s8] =	dma.local @!p0 [hbm:s6], $0xF7A  }
0x23: {  	s9 =	sor.u32 $0xD0000000, s2;
	s6 =	simm.s32 $0x108;
	_ =	swait.ge @!p0 [sflag:s8], $0x0  }
0x24: {  	s3 =	sadd.s32 $0x88, s3;
	s6 =	simm.s32 @!p1 $0x1082;
	[sflag:s4] =	ssyncset.s32 $0xFFFFF086  }
0x25: {  	[simem:s6], [sflag:s4] =	dma.local [hbm:s3], $0xF7A  }
0x26: {  	[smem:$0x3F95] =	sst s1;
	(tag) =	ssettag s2;
	_ =	strace s9  }
0x27: {  	s1 =	sld [smem:$0x3FA5]  }
0x28: {  	s2 =	sld [smem:$0x3FA6]  }
0x29: {  	s4 =	sld [smem:$0x3FA8]  }
0x2a: {  	p0 =	seq.s32 s5, $0x0;
	s5 =	sld [smem:$0x3FA9]  }
0x2b: {  	s6 =	sld [smem:$0x3FAA]  }
0x2c: {  	s7 =	sld [smem:$0x3FAB]  }
0x2d: {  	s3 =	simm.s32 $0x108;
	s8 =	sld [smem:$0x3FAC]  }
0x2e: {  	s3 =	simm.s32 @!p0 $0x1082;
	s9 =	sld [smem:$0x3FAD]  }
0x2f: {  	lr =	sadd.s32 s0, s3;
	s0 =	sld [smem:$0x3FA4]  }
0x30: {  	s3 =	sld [smem:$0x3FA7]  }
0x31: {  	[smem:$0x3FB0] =	sst s10  }
0x32: {  	s10 =	sld [smem:$0x3FAE];
	_ =	sdelay $0x3  }
0x33: {  	p0 =	seq.s32 s10, $0x1;
	s10 =	sld [smem:$0x3FB0];
	_ =	sdelay $0x3  }
0x34: {  	[smem:$0x3FB0] =	sst s10  }
0x35: {  	s10 =	sld [smem:$0x3FAF];
	_ =	sdelay $0x3  }
0x36: {  	p1 =	seq.s32 s10, $0x1;
	s10 =	sld [smem:$0x3FB0];
	_ =	sdelay $0x3  }
0x37: {  	[smem:$0x3FB0] =	sst s10  }
0x38: {  	s10 =	sld [smem:$0x3FB1]  }
0x39: {  	_ = 	snop;
	(pc) =	sbr.ind lr, $3  }
0x3a: {  	_ = 	snop  }
0x3b: {  	_ = 	snop  }
0x3c: {  	p2 =	seq.s32 s10, $0x1;
	s10 =	sld [smem:$0x3FB0]  }
0x3d: {  	_ =	shalt  }
0x3e: {  	_ =	shalt  }
0x3f: {  	_ =	shalt  }
0x40: {  	_ =	shalt  }
0x41: {  	_ =	shalt  }
0x42: {  	_ =	shalt  }
0x43: {  	_ =	shalt  }
0x44: {  	_ =	shalt  }
0x45: {  	_ =	shalt  }
0x46: {  	_ =	shalt  }
0x47: {  	_ =	shalt  }
0x48: {  	_ =	shalt  }
0x49: {  	_ =	shalt  }
0x4a: {  	_ =	shalt  }
0x4b: {  	_ =	shalt  }
0x4c: {  	_ =	shalt  }
0x4d: {  	_ =	shalt  }
0x4e: {  	_ =	shalt  }
0x4f: {  	_ =	shalt  }
0x50: {  	_ =	shalt  }
0x51: {  	_ =	shalt  }
0x52: {  	_ =	shalt  }
0x53: {  	_ =	shalt  }
0x54: {  	_ =	shalt  }
0x55: {  	_ =	shalt  }
0x56: {  	_ =	shalt  }
0x57: {  	_ =	shalt  }
0x58: {  	_ =	shalt  }
0x59: {  	_ =	shalt  }
0x5a: {  	_ =	shalt  }
0x5b: {  	_ =	shalt  }
0x5c: {  	_ =	shalt  }
0x5d: {  	_ =	shalt  }
0x5e: {  	_ =	shalt  }
0x5f: {  	_ =	shalt  }
0x60: {  	_ =	shalt  }
0x61: {  	_ =	shalt  }
0x62: {  	_ =	shalt  }
0x63: {  	_ =	shalt  }
0x64: {  	_ =	shalt  }
0x65: {  	_ =	shalt  }
0x66: {  	_ =	shalt  }
0x67: {  	_ =	shalt  }
0x68: {  	_ =	shalt  }
0x69: {  	_ =	shalt  }
0x6a: {  	_ =	shalt  }
0x6b: {  	_ =	shalt  }
0x6c: {  	_ =	shalt  }
0x6d: {  	_ =	shalt  }
0x6e: {  	_ =	shalt  }
0x6f: {  	_ =	shalt  }
0x70: {  	_ =	shalt  }
0x71: {  	_ =	shalt  }
0x72: {  	_ =	shalt  }
0x73: {  	_ =	shalt  }
0x74: {  	_ =	shalt  }
0x75: {  	_ =	shalt  }
0x76: {  	_ =	shalt  }
0x77: {  	_ =	shalt  }
0x78: {  	_ =	shalt  }
0x79: {  	_ =	shalt  }
0x7a: {  	_ =	shalt  }
0x7b: {  	_ =	shalt  }
0x7c: {  	_ =	shalt  }
0x7d: {  	_ =	shalt  }
0x7e: {  	_ =	shalt  }
0x7f: {  	_ =	shalt  }
0x80: {  	_ =	shalt  }
0x81: {  	_ =	shalt  }
0x82: {  	_ =	shalt  }
0x83: {  	_ =	shalt  }
0x84: {  	_ =	shalt  }
0x85: {  	_ =	shalt  }
0x86: {  	_ =	shalt  }
0x87: {  	_ =	shalt  }
.Lfunc_end0:
.L_simem_size_0:
called_computation.1_lowered:
.L_overlay_start_0:
0x88: {  	s2 =	sld [smem:$0x3FD9]  }
0x89: {  	s3 =	sld [smem:$0x3FFE];
	_ =	sdelay $0x1  }
0x8a: {  	s1 =	srdreg.scid  }
0x8b: {  	s0 =	sand.u32 $0x1, s1  }
0x8c: {  	s17 =	sshll.u32 s0, $0xA;
	s2 =	sadd.s32 s3, s2  }
0x8d: {  	s2 =	sadd.s32 s2, s17  }
0x8e: {  	[smem:$0x3FBC] =	sst s2  }
0x8f: {  	_ = 	snop  }
0x90: {  	s2 =	sld [smem:$0x3FD0];
	(tm) =	ssettm $0x1  }
0x91: {  	s18 =	sld [smem:$0x3FFB];
	_ =	sdelay $0x3  }
0x92: {  	_ =	strace s18  }
0x93: {  	s3 =	sld [smem:$0x3FFC];
	_ =	sdelay $0x3  }
0x94: {  	_ =	strace s3  }
0x95: {  	s3 =	sld [smem:$0x3FFD];
	_ =	sdelay $0x3  }
0x96: {  	_ =	strace s3  }
0x97: {  	_ =	strace $0x8FFFFFFF  }
0x98: {  	s19 =	sld [smem:$0x3FDB];
	_ =	sdelay $0x1  }
0x99: {  	s4 =	simm.s32 $_scs_section_size  }
0x9a: {  	s5 =	simm.s32 $_size__tile_overlayer_lowered;
	s6 =	simm.s32 $_tile_overlayer_lowered  }
0x9b: {  	s22 =	simm.s32 $0x1BFF;
	s21 =	sshll.u32 s6, $0x1;
	s3 =	sadd.s32 s4, s19  }
0x9c: {  	s7 =	simm.s32 $0x0;
	s20 =	sshll.u32 s5, $0x1;
	s5 =	sadd.s32 s21, s3  }
0x9d: {  	[timem:s7], [sflag:s22] =	dma.local [hbm:s5], s20  }
0x9e: {  	_ =	swait.ge [sflag:s22], s20  }
0x9f: {  	s4 =	ssub.s32 $0x0, s20;
	[sflag:s22] =	ssyncset.done $0x0  }
0xa0: {  	[sflag:s22] =	ssyncadd.s32 s4;
	_ =	sdelay $0x1  }
0xa1: {  	s23 =	simm.s32 $0x1B8B  }
0xa2: {  	_ =	swait.ge [sflag:s23], $0x1  }
0xa3: {  	[sflag:s23] =	ssyncset.done $0x0  }
0xa4: {  	s25 =	simm.s32 $0x1B8E;
	s24 =	sld [smem:$0x3FFE];
	[sflag:s23] =	ssyncadd.s32 $0xFFFFFFFF  }
0xa5: {  	s26 =	simm.s32 $execute0_lowered;
	[smem:$0x3FD2] =	sst s25  }
0xa6: {  	s5 =	sshll.u32 s26, $0x1;
	_ =	strace $0x80000049;
	[dreg:$0x1] =	wrdreg $0xFFFFFFFF  }
0xa7: {  	s28 =	simm.s32 $_size_execute0_lowered;
	s3 =	sadd.s32 s3, s5;
	[dreg:$0x0] =	wrdreg $0x0  }
0xa8: {  	s5 =	sshll.u32 s28, $0x1;
	[dreg:$0x2] =	wrdreg s3  }
0xa9: {  	[dreg:$0x3] =	wrdreg s5  }
0xaa: {  	[dreg:$0x4] =	wrdreg $0xC0  }
0xab: {  	_ =	task [dreg:s7], $0x5FFFF  }
0xac: {  	[dreg:$0x1] =	wrdreg $0xFFFFFFFF  }
0xad: {  	[dreg:$0x0] =	wrdreg $0x60  }
0xae: {  	[dreg:$0x2] =	wrdreg s24  }
0xaf: {  	[dreg:$0x3] =	wrdreg s2  }
0xb0: {  	[dreg:$0x4] =	wrdreg $0x9  }
0xb1: {  	_ =	task.clear_ibuf [dreg:s7], $0x5FFFF;
	_ =	strace $0x90000049  }
0xb2: {  	s29 =	simm.s32 $0x9;
	_ =	strace $0x8000004B  }
0xb3: {  	_ =	swait.ge [sflag:s29], $0x1  }
0xb4: {  	[sflag:s29] =	ssyncadd.s32 $0xFFFFFFFF  }
0xb5: {  	_ =	strace $0x9000004B  }
0xb6: {  	_ =	sfence  }
0xb7: {  	s30 =	sld [smem:$0x0];
	_ =	sdelay $0x2  }
0xb8: {  	s31 =	sshll.u32 s1, $0xD;
	s1 =	sshrl.u32 s1, $0x2  }
0xb9: {  	s3 =	sand.u32 $0x4000, s31;
	s1 =	sadd.s32 s1, s30  }
0xba: {  	s0 =	sor.u32 s3, s0;
	s1 =	sshll.u32 s1, $0x11  }
0xbb: {  	s0 =	sor.u32 s1, s0  }
0xbc: {  	s0 =	sadd.s32 $0x8F2B, s0  }
0xbd: {  	[sflag:s0] =	ssyncadd.remote.s32 $0x1  }
0xbe: {  	_ =	sfence.sel $0xFFFF  }
0xbf: {  	[dreg:$0x0] =	wrdreg $0xFFFFFFFF;
	(pc) =	sbr.abs _section_cstart, $3  }
0xc0: {  	[dreg:$0x1] =	wrdreg $0xFFFFFFFF  }
0xc1: {  	_ =	task.clear_ibuf [dreg:s7], $0x2FFFF;
	_ =	strace $0x9FFFFFFF  }
0xc2: {  	(tm) =	ssettm $0x7FFFFFFF  }
0xc3: {  	_ =	shalt  }
tec
execute0_lowered:
.L_overlay_start_1:
0x0: {  	(tag) =	ssettag $0x1  }
0x1: {  	s14 =	stileid.u32;
	s0 =	rddreg [dreg:$0x0]  }
0x2: {  	s1 =	srdreg.scid;
	s4 =	rddreg [dreg:$0x1]  }
0x3: {  	s28 =	simm.s32 $0x10900;
	s29 =	simm.s32 $0xFC80;
	s30 =	simm.s32 $0x11580  }
0x4: {  	s2 =	sshrl.u32 s14, $0x3;
	s1 =	sand.u32 $0x1, s1;
	s9 =	smul.u32 $0x2710, s14  }
0x5: {  	s6 =	sshll.u32 s14, $0x7;
	s17 =	sadd.s32 $0x17600, s0;
	s5 =	smul.u32 $0x14000, s2  }
0x6: {  	s18 =	sadd.s32 $0x17C00, s0;
	s2 =	simm.s32 $0x0;
	s3 =	smul.u32 $0x28000, s1  }
0x7: {  	s7 =	sand.u32 $0x380, s6;
	s8 =	smul.u32 $0x27100, s1;
	s13 =	ssub.s32 $0x2, s1  }
0x8: {  	p0 =	seq.s32 s1, $0x0;
	[smem:$0x7FF] =	sst s2;
	s11 =	sshrl.u32 s13, $0x1  }
0x9: {  	_ =	strace $0x8000004A;
	s12 =	sadd.s32 s3, s5;
	s3 =	sadd.s32 $0x3C00, s0  }
0xa: {  	s9 =	sadd.s32 s9, s8;
	s11 =	ssub.s32 s13, s11;
	s15 =	sor.u32 s7, s5  }
0xb: {  	s13 =	smul.u32 $0x50000, s1;
	s16 =	sshrl.u32 s8, $0x3;
	s6 =	sor.u32 s7, s12  }
0xc: {  	s9 =	sshrl.u32 s9, $0x3;
	s12 =	sshrl.u32 s15, $0x3;
	s21 =	sadd.s32 s3, s16  }
0xd: {  	s15 =	sadd.s32 $0x2580, s8;
	s26 =	smax.u32 s11, $0x1;
	s16 =	simm.s32 $0x400  }
0xe: {  	s6 =	sshrl.u32 s6, $0x3;
	s19 =	sadd.s32 s13, s5;
	s31 =	sadd.s32 $0x9C40, s21  }
0xf: {  	s22 =	sadd.s32 $0x190, s21;
	s23 =	sadd.s32 $0x9DD0, s21;
	[dreg:$0x8] =	wrdreg s26  }
0x10: {  	s13 =	simm.s32 $0x80;
	s26 =	simm.s32 $0xF000;
	s10 =	sadd.s32 s6, s0  }
0x11: {  	s0 =	sadd.s32 $0x18200, s0;
	s6 =	sadd.s32 s3, s9;
	s9 =	sadd.s32 s4, s12  }
0x12: {  	s12 =	sor.u32 s14, s1;
	[dreg:$0x3] =	wrdreg s22;
	s4 =	sor.u32 s7, s19  }
0x13: {  	[dreg:$0x4] =	wrdreg s23;
	s14 =	sadd.s32 $0x1900, s8;
	s19 =	simm.s32 $0x2800  }
0x14: {  	s22 =	simm.s32 $0x5000;
	s1 =	simm.s32 $0xC800;
	s23 =	simm.s32 $0x7800  }
0x15: {  	s20 =	sadd.s32 $0x9C40, s6;
	s24 =	sadd.s32 $0x2C200, s10;
	s25 =	sadd.s32 $0x28000, s4  }
0x16: {  	s4 =	sshrl.u32 s4, $0x3;
	p1 =	sne.s32 s12, $0x0;
	[dreg:$0x5] =	wrdreg s24  }
0x17: {  	s5 =	sshrl.u32 s25, $0x3;
	s4 =	sadd.s32 s0, s4;
	s25 =	simm.s32 $0x1  }
0x18: {  	s24 =	simm.s32 $0xA000;
	[dreg:$0x6] =	wrdreg s4;
	s0 =	sadd.s32 s0, s5  }
0x19: {  	v0 =	vimm.f32 $0.0e+00;
	s4 =	simm.s32 $0x2;
	s5 =	simm.s32 $0x0;
	[dreg:$0x7] =	wrdreg s0  }
.LBB2_1:
0x1a: {  	[tilespmem:s2], [sflag:$0x1] =	stream.linear.gather [hbm4b:s17+s2], $0x2800, $0x38;
	[tilespmem:$0x17100] =	vst v63  }
0x1b: {  	_ = 	snop  }
0x1c: {  	[tilespmem:s19], [sflag:$0x1] =	stream.linear.gather [hbm4b:s18+s2], $0x2800, $0x38;
	[tilespmem:$0x17100] =	vst v63  }
0x1d: {  	_ = 	snop  }
0x1e: {  	[tilespmem:s22], [sflag:$0x1] =	stream.strided.gather [hbm4b:s9+s13], $0x2800, s16, s13, $0x38;
	[tilespmem:$0x17100] =	vst v63  }
0x1f: {  	s0 =	simm.s32 $0x12200  }
0x20: {  	[tilespmem:s0], [sflag:$0x3] =	stream.linear.gather [hbm4b:s6+s2], $0x2710, $0x38;
	[tilespmem:$0x17100] =	vst v63  }
0x21: {  	s12 =	simm.s32 $0x14980;
	s7 =	simm.s32 $0xC820  }
0x22: {  	[tilespmem:s12], [sflag:$0x3] =	stream.linear.gather [hbm4b:s20+s2], $0x2710, $0x38;
	[tilespmem:$0x17100] =	vst v63  }
0x23: {  	[tilespmem:s7+$0xFFFFFFE0] =	vst v0  }
0x24: {  	[tilespmem:s7+$0x10] =	vst v0  }
0x25: {  	s8 =	simm.s32 $0x0;
	[tilespmem:s7+$0x0] =	vst v0  }
.LBB2_2:
0x26: {  	s8 =	sadd.s32 $0x4, s8  }
0x27: {  	[tilespmem:s7+$0xFFFFFFF0] =	vst v0;
	s7 =	sadd.s32 $0x40, s7;
	p2 =	slt.u32 s8, $0x27C  }
.Ltmp0:
0x28: {  	[tilespmem:s7+$0xFFFFFFE0] =	vst v0;
	(pc) =	sbr.rel @p2 .LBB2_2-.Ltmp0, $3  }
0x29: {  	_ =	sdelay $0x1  }
0x2a: {  	[tilespmem:s7+$0x10] =	vst v0  }
0x2b: {  	[tilespmem:s7+$0x0] =	vst v0  }
.Ltmp1:
0x2c: {  	(pc) =	sbr.rel @!p0 .LBB2_4-.Ltmp1, $2  }
0x2d: {  	_ =	sdelay $0x2  }
0x2e: {  	[tilespmem:s7+$0xFFFFFFF0] =	vst v0  }
0x2f: {  	_ =	swait.ge [sflag:s25], $0x2800  }
0x30: {  	[sflag:s25] =	ssyncset.done $0x0  }
0x31: {  	[sflag:s25] =	ssyncadd.s32 $0xFFFFD800  }
0x32: {  	_ =	swait.ge [sflag:s25], $0x2800  }
0x33: {  	[sflag:s25] =	ssyncset.done $0x0  }
0x34: {  	[sflag:s25] =	ssyncadd.s32 $0xFFFFD800  }
0x35: {  	_ =	swait.ge [sflag:s25], $0x2800  }
0x36: {  	[sflag:s25] =	ssyncset.done $0x0  }
0x37: {  	s7 =	simm.s32 $0x20;
	[sflag:s25] =	ssyncadd.s32 $0xFFFFD800  }
0x38: {  	s8 =	simm.s32 $0x2820;
	v1 =	vld [tilespmem:s7+$0x10]  }
0x39: {  	v2 =	vld [tilespmem:s8+$0x10]  }
0x3a: {  	v4 =	vld [tilespmem:s7+$0xFFFFFFF0]  }
0x3b: {  	v5 =	vld [tilespmem:s8+$0xFFFFFFF0]  }
0x3c: {  	v3 =	vld [tilespmem:s8+$0xFFFFFFE0]  }
0x3d: {  	v6 =	vld [tilespmem:s8+$0x0]  }
0x3e: {  	v8 =	vld [tilespmem:s7+$0xFFFFFFE0];
	v1 =	vadd.f32 v2, v1  }
0x3f: {  	v2 =	vld [tilespmem:s7+$0x0]  }
0x40: {  	s13 =	simm.s32 $0x60;
	v4 =	vadd.f32 v5, v4;
	v7 =	vmul.f32 $2.000000030e-01, v1  }
0x41: {  	s16 =	simm.s32 $0x2860;
	v5 =	vld [tilespmem:s13+$0x10];
	vm0 =	vge.f32 v1, $0.0e+00  }
0x42: {  	v9 =	vmul.f32 $2.000000030e-01, v4;
	v1 =	vsel vm0, v1, v7;
	v7 =	vld [tilespmem:s16+$0x10]  }
0x43: {  	vm0 =	vge.f32 v4, $0.0e+00;
	v1 =	vmul.f32 $1.442695020e+00, v1  }
0x44: {  	s10 =	simm.s32 $0x5020;
	v11 =	vld [tilespmem:s16+$0xFFFFFFF0];
	v3 =	vadd.f32 v3, v8;
	v2 =	vadd.f32 v6, v2;
	v4 =	vsel vm0, v4, v9  }
0x45: {  	v6 =	vld [tilespmem:s10+$0x10];
	v4 =	vmul.f32 $1.442695020e+00, v4;
	(erf) = vpow2.f32 v1  }
0x46: {  	v10 =	vmul.f32 $2.000000030e-01, v3;
	v9 =	vld [tilespmem:s13+$0xFFFFFFF0];
	v8 =	vmul.f32 $2.000000030e-01, v2  }
0x47: {  	vm0 =	vge.f32 v2, $0.0e+00;
	(erf) = vpow2.f32 v4;
	v4 =	vld [tilespmem:s16+$0x0];
	v5 =	vadd.f32 v7, v5  }
0x48: {  	vm1 =	vge.f32 v3, $0.0e+00;
	v2 =	vsel vm0, v2, v8;
	v8 =	vld [tilespmem:s13+$0x0]  }
0x49: {  	v3 =	vsel vm1, v3, v10;
	v1 =	vld [tilespmem:s16+$0xFFFFFFE0];
	v2 =	vmul.f32 $1.442695020e+00, v2;
	v10 =	vmul.f32 $2.000000030e-01, v5  }
0x4a: {  	v3 =	vmul.f32 $1.442695020e+00, v3;
	v7 =	vld [tilespmem:s13+$0xFFFFFFE0];
	vm0 =	vge.f32 v5, $0.0e+00  }
0x4b: {  	s8 =	simm.s32 $0x5060;
	v9 =	vadd.f32 v11, v9;
	(erf) = vpow2.f32 v2;
	v2 =	vsel vm0, v5, v10  }
0x4c: {  	v57 =	vld [tilespmem:s8+$0x10];
	(erf) = vpow2.f32 v3;
	v2 =	vmul.f32 $1.442695020e+00, v2  }
0x4d: {  	v11 =	vld [tilespmem:s10+$0xFFFFFFF0];
	v12 =	vmul.f32 $2.000000030e-01, v9;
	v3 =	vshll.u32 v6, $0x10;
	v4 =	vadd.f32 v4, v8  }
0x4e: {  	s0 =	smov.u32 s31;
	s31 =	smov.u32 s21;
	s21 =	smov.u32 s20;
	v10 =	vld [tilespmem:s10+$0xFFFFFFE0];
	v6 =	vand.u32 $0xFFFF0000, v6;
	vm0 =	vge.f32 v9, $0.0e+00;
	v5 =	vpop (erf);
	(erf) = vpow2.f32 v2  }
0x4f: {  	s20 =	smov.u32 s9;
	s9 =	smov.u32 s6;
	v8 =	vld [tilespmem:s10+$0x0];
	v1 =	vadd.f32 v1, v7;
	s10 =	simm.s32 $0x28A0;
	v2 =	vmul.f32 v6, v5;
	v6 =	vmul.f32 $2.000000030e-01, v4  }
0x50: {  	s6 =	smov.u32 s18;
	s18 =	smov.u32 s17;
	s17 =	simm.s32 $0xA0;
	v7 =	vsel vm0, v9, v12;
	v9 =	vld [tilespmem:s10+$0x10]  }
0x51: {  	vm0 =	vge.f32 v4, $0.0e+00;
	v56 =	vmul.f32 $2.000000030e-01, v1;
	v3 =	vmul.f32 v3, v5;
	v5 =	vld [tilespmem:s17+$0x10]  }
0x52: {  	v19 =	vld [tilespmem:s17+$0x0];
	v7 =	vmul.f32 $1.442695020e+00, v7;
	vm1 =	vge.f32 v1, $0.0e+00;
	v4 =	vsel vm0, v4, v6  }
0x53: {  	v58 =	vld [tilespmem:s17+$0xFFFFFFE0];
	v59 =	vshll.u32 v57, $0x10;
	v1 =	vsel vm1, v1, v56;
	v4 =	vmul.f32 $1.442695020e+00, v4;
	v6 =	vpop (erf)  }
0x54: {  	v17 =	vshll.u32 v11, $0x10;
	v18 =	vld [tilespmem:s10+$0xFFFFFFF0];
	v1 =	vmul.f32 $1.442695020e+00, v1;
	v15 =	vpop (erf);
	(erf) = vpow2.f32 v7  }
0x55: {  	s11 =	simm.s32 $0x7820;
	v11 =	vand.u32 $0xFFFF0000, v11;
	v14 =	vshll.u32 v10, $0x10;
	v7 =	vld [tilespmem:s17+$0xFFFFFFF0];
	v16 =	vpop (erf);
	(erf) = vpow2.f32 v4  }
0x56: {  	s13 =	simm.s32 $0xA020;
	v13 =	vld [tilespmem:s10+$0xFFFFFFE0];
	[tilespmem:s11+$0x10] =	vst v3;
	v3 =	vadd.f32 v9, v5;
	(erf) = vpow2.f32 v1;
	v1 =	vmul.f32 v14, v16  }
0x57: {  	v10 =	vand.u32 $0xFFFF0000, v10;
	[tilespmem:s13+$0x10] =	vst v2;
	v9 =	vld [tilespmem:s10+$0x0];
	v5 =	vmul.f32 v17, v6;
	v11 =	vmul.f32 v11, v6  }
0x58: {  	v4 =	vmul.f32 v10, v16;
	v10 =	vmul.f32 $2.000000030e-01, v3;
	v60 =	vpop (erf);
	[tilespmem:s11+$0xFFFFFFE0] =	vst v1;
	v1 =	vand.u32 $0xFFFF0000, v57  }
0x59: {  	v62 =	vand.u32 $0xFFFF0000, v8;
	vm0 =	vge.f32 v3, $0.0e+00;
	[tilespmem:s11+$0xFFFFFFF0] =	vst v5;
	v1 =	vmul.f32 v1, v60  }
0x5a: {  	[tilespmem:s13+$0xFFFFFFF0] =	vst v11;
	v61 =	vmul.f32 v59, v60;
	v3 =	vsel vm0, v3, v10;
	v6 =	vadd.f32 v18, v7  }
0x5b: {  	s7 =	simm.s32 $0x7860;
	v2 =	vshll.u32 v8, $0x10;
	v8 =	vadd.f32 v13, v58;
	[tilespmem:s13+$0xFFFFFFE0] =	vst v4;
	v4 =	vld [tilespmem:s8+$0xFFFFFFE0];
	v63 =	vmul.f32 $1.442695020e+00, v3  }
0x5c: {  	s12 =	simm.s32 $0xA060;
	v5 =	vmul.f32 v2, v15;
	v2 =	vld [tilespmem:s8+$0x0];
	v7 =	vadd.f32 v9, v19;
	[tilespmem:s7+$0x10] =	vst v61;
	v10 =	vmul.f32 $2.000000030e-01, v6  }
0x5d: {  	s16 =	simm.s32 $0x8;
	s17 =	simm.s32 $0xE0;
	v3 =	vld [tilespmem:s8+$0xFFFFFFF0];
	v9 =	vmul.f32 v62, v15;
	vm0 =	vge.f32 v6, $0.0e+00;
	[tilespmem:s12+$0x10] =	vst v1;
	v1 =	vpop (erf);
	(erf) = vpow2.f32 v63  }
.LBB2_8:
0x5e: {  	v11 =	vld [tilespmem:s17+$0x10];
	v6 =	vsel vm0, v6, v10;
	vm0 =	vge.f32 v7, $0.0e+00;
	v10 =	vmul.f32 $2.000000030e-01, v7;
	s10 =	sadd.s32 $0x40, s10;
	v12 =	vpop (erf);
	[tilespmem:s11+$0x0] =	vst v5;
	s11 =	smov.u32 s7  }
0x5f: {  	v5 =	vld [tilespmem:s10+$0x10];
	vm1 =	vge.f32 v8, $0.0e+00;
	v13 =	vmul.f32 $2.000000030e-01, v8;
	v6 =	vmul.f32 $1.442695020e+00, v6;
	v14 =	vpop (erf);
	[tilespmem:s13+$0x0] =	vst v9;
	s13 =	smov.u32 s12  }
0x60: {  	s16 =	sadd.s32 $0x4, s16;
	s8 =	sadd.s32 $0x40, s8;
	v9 =	vld [tilespmem:s10+$0xFFFFFFE0];
	v7 =	vsel vm0, v7, v10;
	v10 =	vshll.u32 v4, $0x10;
	v4 =	vand.u32 $0xFFFF0000, v4  }
0x61: {  	p2 =	slt.u32 s16, $0x26C;
	v8 =	vsel vm1, v8, v13;
	v7 =	vmul.f32 $1.442695020e+00, v7;
	v13 =	vld [tilespmem:s8+$0x10];
	(erf) = vpow2.f32 v6  }
0x62: {  	v15 =	vshll.u32 v3, $0x10;
	v3 =	vand.u32 $0xFFFF0000, v3;
	v6 =	vld [tilespmem:s17+$0xFFFFFFF0];
	v8 =	vmul.f32 $1.442695020e+00, v8  }
0x63: {  	v17 =	vand.u32 $0xFFFF0000, v2;
	v16 =	vld [tilespmem:s10+$0xFFFFFFF0];
	(erf) = vpow2.f32 v7;
	v7 =	vshll.u32 v2, $0x10  }
0x64: {  	v18 =	vld [tilespmem:s17+$0x0];
	v2 =	vadd.f32 v5, v11;
	(erf) = vpow2.f32 v8;
	v5 =	vmul.f32 v10, v14  }
0x65: {  	v10 =	vmul.f32 v4, v14;
	v11 =	vmul.f32 v15, v1;
	v8 =	vld [tilespmem:s10+$0x0]  }
0x66: {  	v21 =	vmul.f32 v3, v1;
	v14 =	vld [tilespmem:s17+$0xFFFFFFE0];
	v15 =	vmul.f32 $2.000000030e-01, v2;
	v19 =	vshll.u32 v13, $0x10;
	v20 =	vpop (erf);
	[tilespmem:s7+$0xFFFFFFE0] =	vst v5  }
.Ltmp2:
0x67: {  	vm0 =	vge.f32 v2, $0.0e+00;
	v1 =	vand.u32 $0xFFFF0000, v13;
	v4 =	vld [tilespmem:s8+$0xFFFFFFE0];
	v5 =	vmul.f32 v19, v20;
	[tilespmem:s12+$0xFFFFFFE0] =	vst v10;
	(pc) =	sbr.rel @p2 .LBB2_8-.Ltmp2, $4  }
0x68: {  	s7 =	sadd.s32 $0x40, s7;
	v13 =	vmul.f32 v1, v20;
	v6 =	vadd.f32 v16, v6;
	v2 =	vsel vm0, v2, v15;
	v3 =	vld [tilespmem:s8+$0xFFFFFFF0];
	[tilespmem:s11+$0xFFFFFFF0] =	vst v11  }
0x69: {  	s12 =	sadd.s32 $0x40, s12;
	v11 =	vmul.f32 $1.442695020e+00, v2;
	v2 =	vld [tilespmem:s8+$0x0];
	[tilespmem:s7+$0x10] =	vst v5;
	v5 =	vmul.f32 v7, v12  }
0x6a: {  	vm0 =	vge.f32 v6, $0.0e+00;
	v10 =	vmul.f32 $2.000000030e-01, v6;
	v7 =	vadd.f32 v8, v18;
	[tilespmem:s12+$0x10] =	vst v13;
	v1 =	vpop (erf)  }
0x6b: {  	s17 =	sadd.s32 $0x40, s17;
	v8 =	vadd.f32 v9, v14;
	(erf) = vpow2.f32 v11;
	[tilespmem:s13+$0xFFFFFFF0] =	vst v21;
	v9 =	vmul.f32 v17, v12  }
0x6c: {  	v11 =	vmul.f32 $2.000000030e-01, v7  }
0x6d: {  	v6 =	vsel vm0, v6, v10;
	vm14 =	vge.f32 v7, $0.0e+00;
	v44 =	vmul.f32 $2.000000030e-01, v8  }
0x6e: {  	vm1 =	vge.f32 v8, $0.0e+00;
	v6 =	vmul.f32 $1.442695020e+00, v6;
	v7 =	vsel vm14, v7, v11  }
0x6f: {  	v8 =	vsel vm1, v8, v44;
	v7 =	vmul.f32 $1.442695020e+00, v7  }
0x70: {  	(erf) = vpow2.f32 v6;
	v45 =	vmul.f32 $1.442695020e+00, v8  }
0x71: {  	v47 =	vpop (erf);
	(erf) = vpow2.f32 v7  }
0x72: {  	s8 =	sadd.s32 $0x40, s8;
	v49 =	vshll.u32 v4, $0x10;
	v48 =	vpop (erf);
	(erf) = vpow2.f32 v45  }
0x73: {  	[tilespmem:s11+$0x0] =	vst v5;
	v46 =	vld [tilespmem:s8+$0x10];
	v52 =	vshll.u32 v3, $0x10;
	v51 =	vmul.f32 v49, v48  }
0x74: {  	v50 =	vand.u32 $0xFFFF0000, v4;
	[tilespmem:s13+$0x0] =	vst v9;
	v53 =	vmul.f32 v52, v1  }
0x75: {  	v3 =	vand.u32 $0xFFFF0000, v3;
	v57 =	vld [tilespmem:s8+$0xFFFFFFF0];
	v4 =	vmul.f32 v50, v48;
	[tilespmem:s7+$0xFFFFFFE0] =	vst v51  }
0x76: {  	v56 =	vld [tilespmem:s8+$0xFFFFFFE0];
	v58 =	vshll.u32 v2, $0x10;
	v1 =	vmul.f32 v3, v1;
	[tilespmem:s7+$0xFFFFFFF0] =	vst v53  }
0x77: {  	v2 =	vand.u32 $0xFFFF0000, v2;
	v6 =	vmul.f32 v58, v47;
	[tilespmem:s12+$0xFFFFFFE0] =	vst v4  }
0x78: {  	[tilespmem:s12+$0xFFFFFFF0] =	vst v1;
	v1 =	vmul.f32 v2, v47;
	v54 =	vshll.u32 v46, $0x10;
	v55 =	vpop (erf)  }
0x79: {  	v59 =	vld [tilespmem:s8+$0x0];
	[tilespmem:s7+$0x0] =	vst v6;
	v8 =	vand.u32 $0xFFFF0000, v46;
	v9 =	vmul.f32 v54, v55;
	v3 =	vpop (erf)  }
0x7a: {  	s10 =	sadd.s32 $0x40, s7;
	[tilespmem:s12+$0x0] =	vst v1;
	v1 =	vshll.u32 v57, $0x10;
	v8 =	vmul.f32 v8, v55;
	v60 =	vpop (erf)  }
0x7b: {  	s17 =	sadd.s32 $0x40, s12;
	v61 =	vshll.u32 v56, $0x10;
	[tilespmem:s10+$0x10] =	vst v9;
	v1 =	vmul.f32 v1, v3;
	v2 =	vpop (erf)  }
0x7c: {  	v5 =	vand.u32 $0xFFFF0000, v56;
	[tilespmem:s17+$0x10] =	vst v8;
	v62 =	vmul.f32 v61, v2  }
0x7d: {  	v4 =	vand.u32 $0xFFFF0000, v57;
	[tilespmem:s10+$0xFFFFFFF0] =	vst v1;
	v2 =	vmul.f32 v5, v2  }
0x7e: {  	v63 =	vshll.u32 v59, $0x10;
	v3 =	vmul.f32 v4, v3;
	[tilespmem:s10+$0xFFFFFFE0] =	vst v62  }
0x7f: {  	v1 =	vmul.f32 v63, v60;
	[tilespmem:s17+$0xFFFFFFE0] =	vst v2;
	v2 =	vand.u32 $0xFFFF0000, v59  }
0x80: {  	[tilespmem:s17+$0xFFFFFFF0] =	vst v3;
	v2 =	vmul.f32 v2, v60  }
0x81: {  	[tilespmem:s10+$0x0] =	vst v1  }
0x82: {  	[tilespmem:s17+$0x0] =	vst v2  }
0x83: {  	v1 =	vld [tilespmem:$0x2700]  }
0x84: {  	v2 =	vld [tilespmem:$0x4F00];
	_ =	sdelay $0x4  }
0x85: {  	v1 =	vadd.f32 v2, v1;
	_ =	sdelay $0x1  }
0x86: {  	v2 =	vmul.f32 $2.000000030e-01, v1  }
0x87: {  	vm15 =	vge.f32 v1, $0.0e+00  }
0x88: {  	v1 =	vsel vm15, v1, v2  }
0x89: {  	v1 =	vmul.f32 $1.442695020e+00, v1;
	_ =	sdelay $0x1  }
0x8a: {  	(erf) = vpow2.f32 v1;
	_ =	sdelay $0x3  }
0x8b: {  	v1 =	vld [tilespmem:$0x7700];
	_ =	sdelay $0x4  }
.Ltmp3:
0x8c: {  	v3 =	vshll.u32 v1, $0x10;
	v2 =	vpop (erf);
	(pc) =	sbr.rel .LBB2_10-.Ltmp3, $4  }
0x8d: {  	v1 =	vand.u32 $0xFFFF0000, v1;
	v3 =	vmul.f32 v3, v2  }
0x8e: {  	s16 =	simm.s32 $0x400;
	s13 =	simm.s32 $0x80;
	s17 =	smov.u32 s18;
	v1 =	vmul.f32 v1, v2  }
0x8f: {  	s18 =	smov.u32 s6;
	s6 =	smov.u32 s9;
	s9 =	smov.u32 s20;
	[tilespmem:$0x9F00] =	vst v3  }
0x90: {  	s20 =	smov.u32 s21;
	s21 =	smov.u32 s31;
	s31 =	smov.u32 s0;
	[tilespmem:$0xC700] =	vst v1  }
.LBB2_4:
0x91: {  	s8 =	simm.s32 $0x7820  }
0x92: {  	[tilespmem:s8+$0xFFFFFFF0] =	vst v0  }
0x93: {  	[tilespmem:s8+$0x0] =	vst v0  }
0x94: {  	[tilespmem:s8+$0x10] =	vst v0  }
0x95: {  	s7 =	simm.s32 $0xA020;
	[tilespmem:s8+$0xFFFFFFE0] =	vst v0  }
0x96: {  	[tilespmem:s7+$0xFFFFFFF0] =	vst v0  }
0x97: {  	[tilespmem:s7+$0x0] =	vst v0  }
0x98: {  	[tilespmem:s7+$0x10] =	vst v0  }
0x99: {  	s10 =	simm.s32 $0x7860;
	s8 =	simm.s32 $0x0;
	[tilespmem:s7+$0xFFFFFFE0] =	vst v0  }
.LBB2_5:
0x9a: {  	[tilespmem:s10+$0xFFFFFFF0] =	vst v0;
	s7 =	sadd.s32 $0x40, s7  }
0x9b: {  	s8 =	sadd.s32 $0x4, s8;
	[tilespmem:s7+$0xFFFFFFF0] =	vst v0  }
0x9c: {  	p2 =	slt.u32 s8, $0x27C;
	[tilespmem:s10+$0x0] =	vst v0  }
.Ltmp4:
0x9d: {  	[tilespmem:s7+$0x0] =	vst v0;
	(pc) =	sbr.rel @p2 .LBB2_5-.Ltmp4, $4  }
0x9e: {  	[tilespmem:s10+$0x10] =	vst v0  }
0x9f: {  	[tilespmem:s7+$0x10] =	vst v0  }
0xa0: {  	[tilespmem:s10+$0xFFFFFFE0] =	vst v0  }
0xa1: {  	s10 =	sadd.s32 $0x40, s10;
	[tilespmem:s7+$0xFFFFFFE0] =	vst v0  }
0xa2: {  	_ =	swait.ge [sflag:s25], $0x2800  }
0xa3: {  	[sflag:s25] =	ssyncset.done $0x0  }
0xa4: {  	[sflag:s25] =	ssyncadd.s32 $0xFFFFD800  }
0xa5: {  	_ =	swait.ge [sflag:s25], $0x2800  }
0xa6: {  	[sflag:s25] =	ssyncset.done $0x0  }
0xa7: {  	[sflag:s25] =	ssyncadd.s32 $0xFFFFD800  }
0xa8: {  	_ =	swait.ge [sflag:s25], $0x2800  }
0xa9: {  	[sflag:s25] =	ssyncset.done $0x0  }
0xaa: {  	[sflag:s25] =	ssyncadd.s32 $0xFFFFD800  }
.LBB2_10:
.Ltmp5:
0xab: {  	(pc) =	sbr.rel @p1 .LBB2_14-.Ltmp5, $1  }
0xac: {  	_ =	sdelay $0x3  }
0xad: {  	s7 =	simm.s32 $0x20  }
0xae: {  	s8 =	simm.s32 $0x2820;
	v1 =	vld [tilespmem:s7+$0x10]  }
0xaf: {  	v2 =	vld [tilespmem:s8+$0x10]  }
0xb0: {  	v3 =	vld [tilespmem:s8+$0xFFFFFFE0]  }
0xb1: {  	v4 =	vld [tilespmem:s7+$0xFFFFFFF0]  }
0xb2: {  	v5 =	vld [tilespmem:s8+$0xFFFFFFF0]  }
0xb3: {  	v6 =	vld [tilespmem:s7+$0x0]  }
0xb4: {  	s0 =	simm.s32 $0x60;
	v7 =	vld [tilespmem:s8+$0x0]  }
0xb5: {  	s10 =	simm.s32 $0x2860;
	v8 =	vld [tilespmem:s0+$0x10]  }
0xb6: {  	v10 =	vld [tilespmem:s10+$0x10]  }
0xb7: {  	v1 =	vadd.f32 v2, v1;
	v2 =	vld [tilespmem:s7+$0xFFFFFFE0];
	_ =	sdelay $0x1  }
0xb8: {  	v11 =	vld [tilespmem:s10+$0xFFFFFFF0];
	v9 =	vmul.f32 $2.000000030e-01, v1  }
0xb9: {  	v13 =	vld [tilespmem:s0+$0xFFFFFFE0];
	v4 =	vadd.f32 v5, v4;
	vm0 =	vge.f32 v1, $0.0e+00  }
0xba: {  	v5 =	vld [tilespmem:s10+$0xFFFFFFE0];
	v6 =	vadd.f32 v7, v6;
	v8 =	vadd.f32 v10, v8;
	v1 =	vsel vm0, v1, v9  }
0xbb: {  	v7 =	vmul.f32 $2.000000030e-01, v4;
	v9 =	vld [tilespmem:s0+$0xFFFFFFF0];
	v1 =	vmul.f32 $1.442695020e+00, v1;
	v2 =	vadd.f32 v3, v2  }
0xbc: {  	vm1 =	vge.f32 v6, $0.0e+00;
	v12 =	vmul.f32 $2.000000030e-01, v6;
	v58 =	vmul.f32 $2.000000030e-01, v8;
	v3 =	vld [tilespmem:s0+$0x0]  }
0xbd: {  	s11 =	simm.s32 $0xA0;
	vm0 =	vge.f32 v4, $0.0e+00;
	(erf) = vpow2.f32 v1;
	v1 =	vld [tilespmem:s10+$0x0];
	v10 =	vmul.f32 $2.000000030e-01, v2  }
0xbe: {  	s12 =	simm.s32 $0x28A0;
	v6 =	vsel vm1, v6, v12;
	v4 =	vsel vm0, v4, v7;
	v7 =	vld [tilespmem:s11+$0x10];
	vm2 =	vge.f32 v2, $0.0e+00  }
0xbf: {  	vm0 =	vge.f32 v8, $0.0e+00;
	v4 =	vmul.f32 $1.442695020e+00, v4;
	v2 =	vsel vm2, v2, v10;
	v10 =	vld [tilespmem:s12+$0x10]  }
0xc0: {  	v6 =	vmul.f32 $1.442695020e+00, v6;
	v5 =	vadd.f32 v5, v13;
	v9 =	vadd.f32 v11, v9  }
0xc1: {  	v60 =	vld [tilespmem:s11+$0x0];
	v8 =	vsel vm0, v8, v58;
	(erf) = vpow2.f32 v4;
	v2 =	vmul.f32 $1.442695020e+00, v2  }
0xc2: {  	v4 =	vld [tilespmem:s11+$0xFFFFFFF0];
	vm2 =	vge.f32 v5, $0.0e+00;
	v59 =	vmul.f32 $2.000000030e-01, v9;
	v1 =	vadd.f32 v1, v3  }
0xc3: {  	vm0 =	vge.f32 v9, $0.0e+00;
	v3 =	vmul.f32 $1.442695020e+00, v8;
	v8 =	vld [tilespmem:s12+$0xFFFFFFF0];
	(erf) = vpow2.f32 v2  }
0xc4: {  	v14 =	vld [tilespmem:s11+$0xFFFFFFE0];
	v9 =	vsel vm0, v9, v59;
	v2 =	vmul.f32 $2.000000030e-01, v1;
	v7 =	vadd.f32 v10, v7  }
0xc5: {  	v11 =	vld [tilespmem:s12+$0xFFFFFFE0];
	vm1 =	vge.f32 v1, $0.0e+00;
	(erf) = vpow2.f32 v3;
	v10 =	vmul.f32 $2.000000030e-01, v5  }
0xc6: {  	v3 =	vld [tilespmem:s12+$0x0];
	(erf) = vpow2.f32 v6;
	v2 =	vsel vm1, v1, v2;
	v6 =	vmul.f32 $2.000000030e-01, v7  }
0xc7: {  	s12 =	simm.s32 $0xE0;
	v1 =	vsel vm2, v5, v10;
	v5 =	vmul.f32 $1.442695020e+00, v9;
	vm0 =	vge.f32 v7, $0.0e+00  }
0xc8: {  	s10 =	simm.s32 $0x28E0;
	v61 =	vld [tilespmem:s12+$0x10];
	v15 =	vadd.f32 v8, v4;
	v4 =	vsel vm0, v7, v6  }
0xc9: {  	v9 =	vld [tilespmem:s10+$0x10];
	v7 =	vmul.f32 $1.442695020e+00, v4  }
0xca: {  	v8 =	vmul.f32 $1.442695020e+00, v1;
	v1 =	vld [tilespmem:s10+$0xFFFFFFE0];
	(erf) = vpow2.f32 v5;
	v6 =	vadd.f32 v11, v14  }
0xcb: {  	s7 =	simm.s32 $0xC820;
	v16 =	vmul.f32 $1.442695020e+00, v2;
	v2 =	vld [tilespmem:s12+$0xFFFFFFF0];
	v17 =	vmul.f32 $2.000000030e-01, v15;
	v13 =	vadd.f32 v3, v60;
	v5 =	vpop (erf)  }
0xcc: {  	v4 =	vld [tilespmem:s10+$0xFFFFFFF0];
	(erf) = vpow2.f32 v8;
	v10 =	vmul.f32 $2.000000030e-01, v6;
	[tilespmem:s7+$0x10] =	vst v5;
	v3 =	vpop (erf)  }
0xcd: {  	vm1 =	vge.f32 v15, $0.0e+00;
	v62 =	vmul.f32 $2.000000030e-01, v13;
	(erf) = vpow2.f32 v7;
	v5 =	vld [tilespmem:s10+$0x0];
	[tilespmem:s7+$0xFFFFFFF0] =	vst v3;
	v7 =	vpop (erf)  }
0xce: {  	s8 =	simm.s32 $0xC860;
	vm2 =	vge.f32 v13, $0.0e+00;
	v8 =	vadd.f32 v9, v61;
	v3 =	vld [tilespmem:s12+$0x0];
	(erf) = vpow2.f32 v16;
	v63 =	vpop (erf);
	[tilespmem:s7+$0xFFFFFFE0] =	vst v7  }
0xcf: {  	s11 =	simm.s32 $0xC;
	vm0 =	vge.f32 v6, $0.0e+00;
	v11 =	vsel vm1, v15, v17;
	v9 =	vsel vm2, v13, v62;
	v7 =	vld [tilespmem:s12+$0xFFFFFFE0];
	s12 =	simm.s32 $0x120;
	[tilespmem:s8+$0x10] =	vst v63  }
.LBB2_12:
0xd0: {  	v12 =	vld [tilespmem:s12+$0x10];
	v13 =	vmul.f32 $2.000000030e-01, v8;
	s10 =	sadd.s32 $0x40, s10;
	v6 =	vsel vm0, v6, v10;
	v10 =	vmul.f32 $1.442695020e+00, v11;
	v11 =	vpop (erf)  }
0xd1: {  	s11 =	sadd.s32 $0x4, s11;
	vm0 =	vge.f32 v8, $0.0e+00;
	v14 =	vld [tilespmem:s10+$0x10];
	v15 =	vadd.f32 v4, v2;
	v16 =	vmul.f32 $1.442695020e+00, v6;
	[tilespmem:s7+$0x0] =	vst v11;
	s7 =	smov.u32 s8  }
0xd2: {  	p2 =	slt.u32 s11, $0x26C;
	v17 =	vld [tilespmem:s10+$0xFFFFFFE0];
	v4 =	vsel vm0, v8, v13;
	v13 =	vmul.f32 $1.442695020e+00, v9;
	(erf) = vpow2.f32 v10  }
.Ltmp6:
0xd3: {  	v2 =	vld [tilespmem:s12+$0xFFFFFFF0];
	v9 =	vmul.f32 $2.000000030e-01, v15;
	v18 =	vadd.f32 v5, v3;
	v5 =	vmul.f32 $1.442695020e+00, v4;
	v3 =	vpop (erf);
	(pc) =	sbr.rel @p2 .LBB2_12-.Ltmp6, $4  }
0xd4: {  	vm1 =	vge.f32 v15, $0.0e+00;
	v4 =	vld [tilespmem:s10+$0xFFFFFFF0];
	v6 =	vadd.f32 v1, v7;
	(erf) = vpow2.f32 v16;
	[tilespmem:s8+$0xFFFFFFF0] =	vst v3  }
0xd5: {  	v3 =	vld [tilespmem:s12+$0x0];
	vm2 =	vge.f32 v18, $0.0e+00;
	v16 =	vmul.f32 $2.000000030e-01, v18;
	(erf) = vpow2.f32 v5;
	v7 =	vpop (erf)  }
0xd6: {  	s8 =	sadd.s32 $0x40, s8;
	v5 =	vld [tilespmem:s10+$0x0];
	v8 =	vadd.f32 v14, v12;
	vm0 =	vge.f32 v6, $0.0e+00;
	v10 =	vmul.f32 $2.000000030e-01, v6;
	v12 =	vpop (erf);
	[tilespmem:s7+$0xFFFFFFE0] =	vst v7  }
0xd7: {  	v11 =	vsel vm1, v15, v9;
	v7 =	vld [tilespmem:s12+$0xFFFFFFE0];
	s12 =	sadd.s32 $0x40, s12;
	v9 =	vsel vm2, v18, v16;
	[tilespmem:s8+$0x10] =	vst v12;
	(erf) = vpow2.f32 v13;
	v1 =	vmovc v17  }
0xd8: {  	_ =	sdelay $0x1  }
0xd9: {  	v12 =	vmul.f32 $2.000000030e-01, v8;
	v6 =	vsel vm0, v6, v10;
	v56 =	vmul.f32 $1.442695020e+00, v11  }
0xda: {  	vm13 =	vge.f32 v8, $0.0e+00;
	v59 =	vmul.f32 $1.442695020e+00, v9;
	v2 =	vadd.f32 v4, v2  }
0xdb: {  	v57 =	vmul.f32 $1.442695020e+00, v6;
	v58 =	vsel vm13, v8, v12;
	v1 =	vadd.f32 v1, v7  }
0xdc: {  	(erf) = vpow2.f32 v56;
	v3 =	vadd.f32 v5, v3;
	v60 =	vmul.f32 $2.000000030e-01, v2  }
0xdd: {  	v6 =	vmul.f32 $1.442695020e+00, v58;
	vm14 =	vge.f32 v2, $0.0e+00;
	v61 =	vmul.f32 $2.000000030e-01, v1  }
0xde: {  	(erf) = vpow2.f32 v57;
	v2 =	vsel vm14, v2, v60;
	vm2 =	vge.f32 v1, $0.0e+00  }
0xdf: {  	v62 =	vmul.f32 $2.000000030e-01, v3;
	v2 =	vmul.f32 $1.442695020e+00, v2;
	v1 =	vsel vm2, v1, v61  }
0xe0: {  	vm1 =	vge.f32 v3, $0.0e+00;
	(erf) = vpow2.f32 v6;
	v1 =	vmul.f32 $1.442695020e+00, v1  }
0xe1: {  	(erf) = vpow2.f32 v59;
	v3 =	vsel vm1, v3, v62  }
0xe2: {  	v63 =	vpop (erf);
	v3 =	vmul.f32 $1.442695020e+00, v3;
	(erf) = vpow2.f32 v2  }
0xe3: {  	[tilespmem:s7+$0x0] =	vst v63;
	v2 =	vpop (erf);
	(erf) = vpow2.f32 v1  }
0xe4: {  	[tilespmem:s8+$0xFFFFFFF0] =	vst v2;
	v1 =	vpop (erf);
	(erf) = vpow2.f32 v3  }
0xe5: {  	s11 =	sadd.s32 $0x40, s8;
	v2 =	vpop (erf);
	[tilespmem:s8+$0xFFFFFFE0] =	vst v1  }
0xe6: {  	v1 =	vpop (erf);
	[tilespmem:s11+$0x10] =	vst v2  }
0xe7: {  	v2 =	vpop (erf);
	[tilespmem:s8+$0x0] =	vst v1  }
0xe8: {  	[tilespmem:s11+$0xFFFFFFF0] =	vst v2;
	v1 =	vpop (erf)  }
0xe9: {  	s12 =	sadd.s32 $0x40, s11;
	v2 =	vpop (erf);
	[tilespmem:s11+$0xFFFFFFE0] =	vst v1  }
0xea: {  	[tilespmem:s12+$0x10] =	vst v2;
	v1 =	vpop (erf)  }
0xeb: {  	[tilespmem:s11+$0x0] =	vst v1;
	v1 =	vpop (erf)  }
0xec: {  	[tilespmem:s12+$0xFFFFFFF0] =	vst v1;
	v1 =	vpop (erf)  }
0xed: {  	[tilespmem:s12+$0xFFFFFFE0] =	vst v1;
	v1 =	vpop (erf)  }
0xee: {  	[tilespmem:s12+$0x0] =	vst v1  }
0xef: {  	v1 =	vld [tilespmem:$0x2700]  }
0xf0: {  	v2 =	vld [tilespmem:$0x4F00];
	_ =	sdelay $0x4  }
0xf1: {  	v1 =	vadd.f32 v2, v1;
	_ =	sdelay $0x1  }
0xf2: {  	v2 =	vmul.f32 $2.000000030e-01, v1  }
0xf3: {  	vm15 =	vge.f32 v1, $0.0e+00  }
0xf4: {  	v1 =	vsel vm15, v1, v2  }
0xf5: {  	v1 =	vmul.f32 $1.442695020e+00, v1;
	_ =	sdelay $0x1  }
0xf6: {  	(erf) = vpow2.f32 v1;
	_ =	sdelay $0x8  }
0xf7: {  	v1 =	vpop (erf)  }
0xf8: {  	[tilespmem:$0xEF00] =	vst v1  }
.LBB2_14:
0xf9: {  	[tilespmem:s26], [sflag:$0x1] =	stream.linear.gather [hbm4b:s21+s2], $0xC80, $0x38;
	[tilespmem:$0x17100] =	vst v63  }
0xfa: {  	_ = 	snop  }
0xfb: {  	[tilespmem:s28], [sflag:$0x1] =	stream.linear.gather [hbm4b:s31+s2], $0xC80, $0x38;
	[tilespmem:$0x17100] =	vst v63  }
0xfc: {  	s0 =	rddreg [dreg:$0x3]  }
0xfd: {  	[tilespmem:s29], [sflag:$0x2] =	stream.linear.gather [hbm4b:s0+s2], $0xC80, $0x38;
	[tilespmem:$0x17100] =	vst v63  }
0xfe: {  	s11 =	rddreg [dreg:$0x4];
	s12 =	simm.s32 $0x3  }
0xff: {  	[tilespmem:s30], [sflag:$0x2] =	stream.linear.gather [hbm4b:s11+s2], $0xC80, $0x38;
	[tilespmem:$0x17100] =	vst v63  }
0x100: {  	_ =	swait.ge [sflag:s12], $0x2710  }
0x101: {  	[sflag:s12] =	ssyncset.done $0x0  }
0x102: {  	[sflag:s12] =	ssyncadd.s32 $0xFFFFD8F0  }
0x103: {  	_ =	swait.ge [sflag:s12], $0x2710  }
0x104: {  	[sflag:s12] =	ssyncset.done $0x0  }
0x105: {  	s8 =	simm.s32 $0x12220;
	[sflag:s12] =	ssyncadd.s32 $0xFFFFD8F0  }
0x106: {  	v4 =	vld [tilespmem:s8+$0x10]  }
0x107: {  	s7 =	simm.s32 $0x149A0  }
0x108: {  	v2 =	vld [tilespmem:s7+$0x10]  }
0x109: {  	v1 =	vld [tilespmem:s7+$0xFFFFFFE0]  }
0x10a: {  	v5 =	vld [tilespmem:s8+$0xFFFFFFF0]  }
0x10b: {  	v3 =	vld [tilespmem:s7+$0xFFFFFFF0]  }
0x10c: {  	v6 =	vld [tilespmem:s8+$0x0]  }
0x10d: {  	v7 =	vld [tilespmem:s8+$0xFFFFFFE0]  }
0x10e: {  	v8 =	vld.idx.msk [tilespmem:v4+s2+$0x0], $0xffff  }
0x10f: {  	v4 =	vld [tilespmem:s7+$0x0]  }
0x110: {  	v9 =	vld.idx.msk [tilespmem:v2+s19+$0x0], $0xffff;
	_ =	sdelay $0x1  }
0x111: {  	v10 =	vld.idx.msk [tilespmem:v5+s2+$0x0], $0xffff  }
0x112: {  	v11 =	vld.idx.msk [tilespmem:v3+s19+$0x0], $0xffff  }
0x113: {  	v5 =	vld.idx.msk [tilespmem:v1+s19+$0x0], $0xffff  }
0x114: {  	v6 =	vld.idx.msk [tilespmem:v6+s2+$0x0], $0xffff;
	v12 =	vadd.f32 v9, v8  }
0x115: {  	v8 =	vld.idx.msk [tilespmem:v7+s2+$0x0], $0xffff  }
0x116: {  	v13 =	vmul.f32 $2.000000030e-01, v12;
	v7 =	vld.idx.msk [tilespmem:v4+s19+$0x0], $0xffff  }
0x117: {  	vm0 =	vge.f32 v12, $0.0e+00  }
0x118: {  	s10 =	simm.s32 $0x12260;
	s8 =	simm.s32 $0x0;
	v9 =	vadd.f32 v11, v10;
	v10 =	vsel vm0, v12, v13  }
.LBB2_15:
0x119: {  	v11 =	vld [tilespmem:s10+$0x10];
	v10 =	vmul.f32 $1.442695020e+00, v10;
	s7 =	sadd.s32 $0x40, s7  }
0x11a: {  	s8 =	sadd.s32 $0x4, s8;
	v5 =	vadd.f32 v5, v8;
	v12 =	vld [tilespmem:s7+$0x10];
	vm0 =	vge.f32 v9, $0.0e+00;
	v8 =	vmul.f32 $2.000000030e-01, v9  }
0x11b: {  	p2 =	slt.u32 s8, $0x26C;
	v6 =	vadd.f32 v7, v6;
	v13 =	vld [tilespmem:s7+$0xFFFFFFE0];
	(erf) = vpow2.f32 v10  }
0x11c: {  	vm1 =	vge.f32 v5, $0.0e+00;
	v10 =	vmul.f32 $2.000000030e-01, v5;
	v7 =	vld [tilespmem:s10+$0xFFFFFFF0];
	v8 =	vsel vm0, v9, v8  }
0x11d: {  	vm0 =	vge.f32 v6, $0.0e+00;
	v14 =	vmul.f32 $2.000000030e-01, v6;
	v9 =	vld [tilespmem:s7+$0xFFFFFFF0];
	v8 =	vmul.f32 $1.442695020e+00, v8  }
0x11e: {  	v5 =	vsel vm1, v5, v10;
	v15 =	vld [tilespmem:s10+$0x0]  }
0x11f: {  	v5 =	vmul.f32 $1.442695020e+00, v5;
	v6 =	vsel vm0, v6, v14;
	v16 =	vld [tilespmem:s7+$0x0];
	(erf) = vpow2.f32 v8  }
0x120: {  	v6 =	vmul.f32 $1.442695020e+00, v6;
	v8 =	vld [tilespmem:s10+$0xFFFFFFE0]  }
0x121: {  	v10 =	vld.idx.msk [tilespmem:v11+s2+$0x0], $0xffff;
	(erf) = vpow2.f32 v5  }
0x122: {  	v11 =	vld.idx.msk [tilespmem:v12+s19+$0x0], $0xffff;
	(erf) = vpow2.f32 v6  }
0x123: {  	v5 =	vld.idx.msk [tilespmem:v13+s19+$0x0], $0xffff  }
0x124: {  	v14 =	vld.idx.msk [tilespmem:v7+s2+$0x0], $0xffff;
	v6 =	vpop (erf)  }
0x125: {  	[tilespmem:v2+s1+$0x0] =	vst.idx.add.f32.msk $0xffff, v6;
	v2 =	vmov v12  }
0x126: {  	v12 =	vld.idx.msk [tilespmem:v9+s19+$0x0], $0xffff  }
0x127: {  	v6 =	vld.idx.msk [tilespmem:v15+s2+$0x0], $0xffff  }
.Ltmp7:
0x128: {  	v10 =	vadd.f32 v11, v10;
	v8 =	vld.idx.msk [tilespmem:v8+s2+$0x0], $0xffff;
	v11 =	vpop (erf);
	(pc) =	sbr.rel @p2 .LBB2_15-.Ltmp7, $4  }
0x129: {  	v7 =	vld.idx.msk [tilespmem:v16+s19+$0x0], $0xffff  }
0x12a: {  	v15 =	vmul.f32 $2.000000030e-01, v10;
	[tilespmem:v3+s1+$0x0] =	vst.idx.add.f32.msk $0xffff, v11;
	v11 =	vpop (erf);
	v3 =	vmov v9  }
0x12b: {  	vm0 =	vge.f32 v10, $0.0e+00;
	[tilespmem:v1+s1+$0x0] =	vst.idx.add.f32.msk $0xffff, v11;
	v11 =	vpop (erf);
	v1 =	vmov v13  }
0x12c: {  	s10 =	sadd.s32 $0x40, s10;
	v9 =	vadd.f32 v12, v14;
	v10 =	vsel vm0, v10, v15;
	[tilespmem:v4+s1+$0x0] =	vst.idx.add.f32.msk $0xffff, v11;
	v4 =	vmov v16  }
0x12d: {  	v5 =	vadd.f32 v5, v8  }
0x12e: {  	v59 =	vmul.f32 $2.000000030e-01, v9;
	v6 =	vadd.f32 v7, v6  }
0x12f: {  	v60 =	vmul.f32 $1.442695020e+00, v10;
	vm0 =	vge.f32 v9, $0.0e+00;
	v61 =	vmul.f32 $2.000000030e-01, v5  }
0x130: {  	vm13 =	vge.f32 v5, $0.0e+00;
	v8 =	vsel vm0, v9, v59;
	v62 =	vmul.f32 $2.000000030e-01, v6  }
0x131: {  	vm14 =	vge.f32 v6, $0.0e+00;
	v8 =	vmul.f32 $1.442695020e+00, v8;
	v5 =	vsel vm13, v5, v61  }
0x132: {  	(erf) = vpow2.f32 v60;
	v5 =	vmul.f32 $1.442695020e+00, v5;
	v6 =	vsel vm14, v6, v62  }
0x133: {  	(erf) = vpow2.f32 v8;
	v6 =	vmul.f32 $1.442695020e+00, v6  }
0x134: {  	(erf) = vpow2.f32 v5  }
0x135: {  	(erf) = vpow2.f32 v6;
	_ =	sdelay $0x5  }
0x136: {  	v63 =	vpop (erf)  }
0x137: {  	[tilespmem:v2+s1+$0x0] =	vst.idx.add.f32.msk $0xffff, v63;
	v2 =	vpop (erf)  }
0x138: {  	[tilespmem:v3+s1+$0x0] =	vst.idx.add.f32.msk $0xffff, v2;
	v2 =	vpop (erf)  }
0x139: {  	[tilespmem:v1+s1+$0x0] =	vst.idx.add.f32.msk $0xffff, v2;
	v1 =	vpop (erf)  }
0x13a: {  	[tilespmem:v4+s1+$0x0] =	vst.idx.add.f32.msk $0xffff, v1  }
0x13b: {  	v1 =	vld [tilespmem:$0x14900]  }
0x13c: {  	v2 =	vld [tilespmem:$0x17080];
	_ =	sdelay $0x5  }
0x13d: {  	s7 =	simm.s32 $0x0  }
0x13e: {  	v1 =	vld.idx.msk [tilespmem:v1+s7+$0x0], $0xffff  }
0x13f: {  	v3 =	vld.idx.msk [tilespmem:v2+s19+$0x0], $0xffff;
	_ =	sdelay $0x4  }
0x140: {  	v1 =	vadd.f32 v3, v1;
	_ =	sdelay $0x1  }
0x141: {  	v3 =	vmul.f32 $2.000000030e-01, v1  }
0x142: {  	vm15 =	vge.f32 v1, $0.0e+00  }
0x143: {  	v1 =	vsel vm15, v1, v3  }
0x144: {  	v1 =	vmul.f32 $1.442695020e+00, v1;
	_ =	sdelay $0x1  }
0x145: {  	(erf) = vpow2.f32 v1;
	_ =	sdelay $0x8  }
0x146: {  	v1 =	vpop (erf)  }
0x147: {  	s0 =	rddreg [dreg:$0x5];
	[tilespmem:v2+s1+$0x0] =	vst.idx.add.f32.msk $0xffff, v1  }
0x148: {  	[hbm4b:s0+s13] =	stream.strided.scatter [tilespmem:s1], [sflag:$0x4], $0x2800, s16, s13, $0x38;
	[tilespmem:$0x17100] =	vst v63  }
0x149: {  	s16 =	simm.s32 $0x4  }
0x14a: {  	_ =	swait.ge [sflag:s16], $0x2800  }
0x14b: {  	[sflag:s16] =	ssyncset.done $0x0  }
0x14c: {  	[sflag:s16] =	ssyncadd.s32 $0xFFFFD800  }
.LBB2_17:
0x14d: {  	_ =	swait.ge [sflag:s25], $0xC80  }
0x14e: {  	[sflag:s25] =	ssyncset.done $0x0  }
0x14f: {  	[sflag:s25] =	ssyncadd.s32 $0xFFFFF380  }
0x150: {  	_ =	swait.ge [sflag:s25], $0xC80  }
0x151: {  	[sflag:s25] =	ssyncset.done $0x0  }
0x152: {  	s10 =	simm.s32 $0xF020;
	[sflag:s25] =	ssyncadd.s32 $0xFFFFF380  }
0x153: {  	s8 =	simm.s32 $0x10920;
	v11 =	vld [tilespmem:s10+$0x10]  }
0x154: {  	v4 =	vld [tilespmem:s8+$0x10];
	_ =	sdelay $0x1  }
0x155: {  	v2 =	vld [tilespmem:s8+$0xFFFFFFE0]  }
0x156: {  	v5 =	vld [tilespmem:s10+$0xFFFFFFF0]  }
0x157: {  	v3 =	vld [tilespmem:s8+$0xFFFFFFF0]  }
0x158: {  	v6 =	vld [tilespmem:s10+$0x0]  }
0x159: {  	v9 =	vld [tilespmem:s10+$0xFFFFFFE0]  }
0x15a: {  	v7 =	vld.idx.msk [tilespmem:v11+s2+$0x0], $0xffff  }
0x15b: {  	v8 =	vld.idx.msk [tilespmem:v4+s19+$0x0], $0xffff  }
0x15c: {  	v1 =	vld [tilespmem:s8+$0x0];
	_ =	sdelay $0x1  }
0x15d: {  	v13 =	vld.idx.msk [tilespmem:v2+s19+$0x0], $0xffff  }
0x15e: {  	v10 =	vld.idx.msk [tilespmem:v5+s2+$0x0], $0xffff  }
0x15f: {  	v12 =	vld.idx.msk [tilespmem:v3+s19+$0x0], $0xffff;
	v7 =	vadd.f32 v8, v7  }
0x160: {  	v16 =	vld.idx.msk [tilespmem:v9+s2+$0x0], $0xffff  }
0x161: {  	v14 =	vld.idx.msk [tilespmem:v6+s2+$0x0], $0xffff;
	v8 =	vmul.f32 $2.000000030e-01, v7  }
0x162: {  	v5 =	vld.idx.msk [tilespmem:v5+s22+$0x0], $0xffff;
	vm0 =	vge.f32 v7, $0.0e+00  }
0x163: {  	v15 =	vld.idx.msk [tilespmem:v1+s19+$0x0], $0xffff;
	v7 =	vsel vm0, v7, v8  }
0x164: {  	v12 =	vadd.f32 v12, v10;
	v10 =	vld.idx.msk [tilespmem:v9+s22+$0x0], $0xffff;
	v7 =	vmul.f32 $1.442695020e+00, v7  }
0x165: {  	v6 =	vld.idx.msk [tilespmem:v6+s22+$0x0], $0xffff;
	v13 =	vadd.f32 v13, v16  }
0x166: {  	v9 =	vmul.f32 $2.000000030e-01, v12;
	(erf) = vpow2.f32 v7  }
0x167: {  	vm1 =	vge.f32 v13, $0.0e+00;
	vm0 =	vge.f32 v12, $0.0e+00  }
0x168: {  	v8 =	vshll.u32 v5, $0x10;
	v9 =	vsel vm0, v12, v9;
	v12 =	vadd.f32 v15, v14  }
0x169: {  	v15 =	vmul.f32 $2.000000030e-01, v13;
	v16 =	vmul.f32 $1.442695020e+00, v9;
	v9 =	vshll.u32 v10, $0x10  }
0x16a: {  	v11 =	vld.idx.msk [tilespmem:v11+s22+$0x0], $0xffff;
	v7 =	vand.u32 $0xFFFF0000, v5;
	v5 =	vshll.u32 v6, $0x10;
	v14 =	vmul.f32 $2.000000030e-01, v12  }
0x16b: {  	s11 =	simm.s32 $0xF060;
	s10 =	simm.s32 $0x0;
	v6 =	vand.u32 $0xFFFF0000, v6;
	vm0 =	vge.f32 v12, $0.0e+00;
	(erf) = vpow2.f32 v16  }
.LBB2_18:
0x16c: {  	v16 =	vld [tilespmem:s11+$0x10];
	v10 =	vand.u32 $0xFFFF0000, v10;
	v12 =	vsel vm0, v12, v14;
	s8 =	sadd.s32 $0x40, s8  }
0x16d: {  	v14 =	vld [tilespmem:s8+$0x10];
	v13 =	vsel vm1, v13, v15;
	v19 =	vmul.f32 $1.442695020e+00, v12  }
0x16e: {  	s10 =	sadd.s32 $0x4, s10;
	v15 =	vld [tilespmem:s8+$0xFFFFFFE0];
	v13 =	vmul.f32 $1.442695020e+00, v13  }
0x16f: {  	p2 =	slt.u32 s10, $0xC4;
	v18 =	vshll.u32 v11, $0x10;
	v17 =	vld [tilespmem:s11+$0xFFFFFFF0];
	(erf) = vpow2.f32 v19;
	v12 =	vpop (erf)  }
0x170: {  	v11 =	vand.u32 $0xFFFF0000, v11;
	v19 =	vld [tilespmem:s8+$0xFFFFFFF0];
	v18 =	vmul.f32 v18, v12;
	(erf) = vpow2.f32 v13  }
0x171: {  	v11 =	vmul.f32 v11, v12;
	v13 =	vld [tilespmem:s11+$0x0]  }
0x172: {  	[tilespmem:v4+s23+$0x0] =	vst.idx.add.f32.msk $0xffff, v18  }
0x173: {  	[tilespmem:v4+s24+$0x0] =	vst.idx.add.f32.msk $0xffff, v11;
	v4 =	vmov v14  }
0x174: {  	v11 =	vld.idx.msk [tilespmem:v16+s2+$0x0], $0xffff;
	v12 =	vpop (erf)  }
0x175: {  	v14 =	vld.idx.msk [tilespmem:v14+s19+$0x0], $0xffff;
	v18 =	vmul.f32 v8, v12;
	v20 =	vmul.f32 v7, v12  }
0x176: {  	v21 =	vld [tilespmem:s8+$0x0]  }
0x177: {  	v7 =	vld [tilespmem:s11+$0xFFFFFFE0]  }
0x178: {  	v22 =	vld.idx.msk [tilespmem:v15+s19+$0x0], $0xffff;
	v8 =	vpop (erf)  }
0x179: {  	v12 =	vld.idx.msk [tilespmem:v17+s2+$0x0], $0xffff;
	v23 =	vmul.f32 v5, v8;
	v24 =	vmul.f32 v6, v8;
	v5 =	vpop (erf)  }
0x17a: {  	v6 =	vld.idx.msk [tilespmem:v19+s19+$0x0], $0xffff;
	v8 =	vmul.f32 v9, v5;
	v5 =	vmul.f32 v10, v5  }
0x17b: {  	v10 =	vadd.f32 v14, v11;
	v9 =	vld.idx.msk [tilespmem:v13+s2+$0x0], $0xffff  }
0x17c: {  	v11 =	vld.idx.msk [tilespmem:v17+s22+$0x0], $0xffff  }
0x17d: {  	v14 =	vmul.f32 $2.000000030e-01, v10;
	v13 =	vld.idx.msk [tilespmem:v13+s22+$0x0], $0xffff  }
0x17e: {  	vm0 =	vge.f32 v10, $0.0e+00;
	v17 =	vld.idx.msk [tilespmem:v21+s19+$0x0], $0xffff  }
0x17f: {  	v14 =	vsel vm0, v10, v14;
	v25 =	vld.idx.msk [tilespmem:v7+s2+$0x0], $0xffff  }
0x180: {  	v6 =	vadd.f32 v6, v12;
	v10 =	vld.idx.msk [tilespmem:v7+s22+$0x0], $0xffff;
	v7 =	vmul.f32 $1.442695020e+00, v14  }
0x181: {  	[tilespmem:v2+s23+$0x0] =	vst.idx.add.f32.msk $0xffff, v8  }
0x182: {  	vm0 =	vge.f32 v6, $0.0e+00;
	v12 =	vmul.f32 $2.000000030e-01, v6;
	(erf) = vpow2.f32 v7;
	[tilespmem:v2+s24+$0x0] =	vst.idx.add.f32.msk $0xffff, v5;
	v2 =	vmovc v15  }
.Ltmp8:
0x183: {  	v8 =	vshll.u32 v11, $0x10;
	v7 =	vand.u32 $0xFFFF0000, v11;
	v5 =	vshll.u32 v13, $0x10;
	[tilespmem:v3+s23+$0x0] =	vst.idx.add.f32.msk $0xffff, v18;
	(pc) =	sbr.rel @p2 .LBB2_18-.Ltmp8, $4  }
0x184: {  	v11 =	vsel vm0, v6, v12;
	v6 =	vand.u32 $0xFFFF0000, v13;
	v12 =	vadd.f32 v17, v9;
	[tilespmem:v3+s24+$0x0] =	vst.idx.add.f32.msk $0xffff, v20  }
0x185: {  	v13 =	vadd.f32 v22, v25;
	v17 =	vmul.f32 $1.442695020e+00, v11;
	v3 =	vmov v19;
	v11 =	vld.idx.msk [tilespmem:v16+s22+$0x0], $0xffff  }
0x186: {  	v9 =	vshll.u32 v10, $0x10;
	vm0 =	vge.f32 v12, $0.0e+00;
	v14 =	vmul.f32 $2.000000030e-01, v12;
	[tilespmem:v1+s23+$0x0] =	vst.idx.add.f32.msk $0xffff, v23  }
0x187: {  	s11 =	sadd.s32 $0x40, s11;
	vm1 =	vge.f32 v13, $0.0e+00;
	v15 =	vmul.f32 $2.000000030e-01, v13;
	(erf) = vpow2.f32 v17;
	[tilespmem:v1+s24+$0x0] =	vst.idx.add.f32.msk $0xffff, v24;
	v1 =	vmovc v21  }
0x188: {  	v12 =	vsel vm0, v12, v14  }
0x189: {  	v13 =	vsel vm1, v13, v15;
	v12 =	vmul.f32 $1.442695020e+00, v12  }
0x18a: {  	v13 =	vmul.f32 $1.442695020e+00, v13  }
0x18b: {  	(erf) = vpow2.f32 v12  }
0x18c: {  	(erf) = vpow2.f32 v13;
	_ =	sdelay $0x5  }
0x18d: {  	v13 =	vshll.u32 v11, $0x10;
	v12 =	vpop (erf)  }
0x18e: {  	v11 =	vand.u32 $0xFFFF0000, v11;
	v13 =	vmul.f32 v13, v12;
	v14 =	vpop (erf)  }
0x18f: {  	v11 =	vmul.f32 v11, v12;
	v15 =	vpop (erf)  }
0x190: {  	[tilespmem:v4+s23+$0x0] =	vst.idx.add.f32.msk $0xffff, v13;
	v8 =	vmul.f32 v8, v14;
	v12 =	vpop (erf)  }
0x191: {  	v10 =	vand.u32 $0xFFFF0000, v10;
	[tilespmem:v4+s24+$0x0] =	vst.idx.add.f32.msk $0xffff, v11;
	v9 =	vmul.f32 v9, v12  }
0x192: {  	[tilespmem:v3+s23+$0x0] =	vst.idx.add.f32.msk $0xffff, v8;
	v4 =	vmul.f32 v10, v12  }
0x193: {  	s8 =	smul.u32 $0x1900, s7;
	v7 =	vmul.f32 v7, v14;
	[tilespmem:v2+s23+$0x0] =	vst.idx.add.f32.msk $0xffff, v9  }
0x194: {  	[tilespmem:v2+s24+$0x0] =	vst.idx.add.f32.msk $0xffff, v4;
	v2 =	vmul.f32 v5, v15  }
0x195: {  	s10 =	sadd.s32 s8, s14;
	[tilespmem:v3+s24+$0x0] =	vst.idx.add.f32.msk $0xffff, v7;
	v4 =	vmul.f32 v6, v15  }
0x196: {  	s10 =	sshrl.u32 s10, $0x3;
	[tilespmem:v1+s23+$0x0] =	vst.idx.add.f32.msk $0xffff, v2  }
0x197: {  	s11 =	sadd.s32 s3, s10;
	s10 =	simm.s32 $0x0;
	[tilespmem:v1+s24+$0x0] =	vst.idx.add.f32.msk $0xffff, v4  }
0x198: {  	[tilespmem:s26], [sflag:$0x1] =	stream.linear.gather [hbm4b:s11+s10], $0xC80, $0x38;
	[tilespmem:$0x17100] =	vst v63  }
0x199: {  	s11 =	sadd.s32 $0x9C40, s11  }
0x19a: {  	[tilespmem:s28], [sflag:$0x1] =	stream.linear.gather [hbm4b:s11+s10], $0xC80, $0x38;
	[tilespmem:$0x17100] =	vst v63  }
0x19b: {  	_ =	swait.ge [sflag:s4], $0xC80  }
0x19c: {  	[sflag:s4] =	ssyncset.done $0x0  }
0x19d: {  	[sflag:s4] =	ssyncadd.s32 $0xFFFFF380  }
0x19e: {  	_ =	swait.ge [sflag:s4], $0xC80  }
0x19f: {  	[sflag:s4] =	ssyncset.done $0x0  }
0x1a0: {  	s12 =	simm.s32 $0xFCB0;
	[sflag:s4] =	ssyncadd.s32 $0xFFFFF380  }
0x1a1: {  	s11 =	simm.s32 $0x115B0;
	v6 =	vld [tilespmem:s12+$0x0]  }
0x1a2: {  	s13 =	sand.u32 $0xFC0, s10;
	v4 =	vld [tilespmem:s11+$0x0]  }
0x1a3: {  	v5 =	vld [tilespmem:s13+$0xFC80]  }
0x1a4: {  	v3 =	vld [tilespmem:s13+$0x11580];
	_ =	sdelay $0x1  }
0x1a5: {  	v7 =	vld [tilespmem:s12+$0xFFFFFFE0]  }
0x1a6: {  	v1 =	vld [tilespmem:s11+$0xFFFFFFE0]  }
0x1a7: {  	v11 =	vld [tilespmem:s12+$0xFFFFFFF0]  }
0x1a8: {  	v8 =	vld.idx.msk [tilespmem:v6+s2+$0x0], $0xffff  }
0x1a9: {  	v9 =	vld.idx.msk [tilespmem:v4+s19+$0x0], $0xffff  }
0x1aa: {  	v10 =	vld.idx.msk [tilespmem:v5+s2+$0x0], $0xffff  }
0x1ab: {  	v12 =	vld.idx.msk [tilespmem:v3+s19+$0x0], $0xffff;
	_ =	sdelay $0x1  }
0x1ac: {  	v2 =	vld [tilespmem:s11+$0xFFFFFFF0]  }
0x1ad: {  	v13 =	vld.idx.msk [tilespmem:v7+s2+$0x0], $0xffff;
	v8 =	vadd.f32 v9, v8  }
0x1ae: {  	v14 =	vld.idx.msk [tilespmem:v1+s19+$0x0], $0xffff  }
0x1af: {  	v12 =	vadd.f32 v12, v10;
	v10 =	vmul.f32 $2.000000030e-01, v8  }
0x1b0: {  	vm0 =	vge.f32 v8, $0.0e+00  }
0x1b1: {  	v16 =	vsel vm0, v8, v10;
	v8 =	vld.idx.msk [tilespmem:v7+s22+$0x0], $0xffff  }
0x1b2: {  	v15 =	vmul.f32 $2.000000030e-01, v12;
	v7 =	vld.idx.msk [tilespmem:v11+s22+$0x0], $0xffff  }
0x1b3: {  	v9 =	vld.idx.msk [tilespmem:v11+s2+$0x0], $0xffff;
	vm0 =	vge.f32 v12, $0.0e+00;
	v10 =	vadd.f32 v14, v13;
	v13 =	vmul.f32 $1.442695020e+00, v16  }
0x1b4: {  	v11 =	vld.idx.msk [tilespmem:v2+s19+$0x0], $0xffff;
	v12 =	vsel vm0, v12, v15  }
0x1b5: {  	s12 =	simm.s32 $0x0;
	s13 =	simm.s32 $0xFCF0;
	v12 =	vmul.f32 $1.442695020e+00, v12;
	vm0 =	vge.f32 v10, $0.0e+00;
	(erf) = vpow2.f32 v13  }
.LBB2_20:
0x1b6: {  	v13 =	vld [tilespmem:s13+$0x0];
	v14 =	vshll.u32 v8, $0x10;
	v8 =	vand.u32 $0xFFFF0000, v8;
	v15 =	vmul.f32 $2.000000030e-01, v10;
	s11 =	sadd.s32 $0x40, s11  }
0x1b7: {  	v17 =	vshll.u32 v7, $0x10;
	v7 =	vand.u32 $0xFFFF0000, v7;
	v16 =	vld [tilespmem:s11+$0x0];
	(erf) = vpow2.f32 v12  }
0x1b8: {  	v10 =	vsel vm0, v10, v15;
	v12 =	vld.idx.msk [tilespmem:v6+s22+$0x0], $0xffff  }
0x1b9: {  	v9 =	vadd.f32 v11, v9;
	v15 =	vld [tilespmem:s13+$0xFFFFFFE0];
	v19 =	vmul.f32 $1.442695020e+00, v10  }
0x1ba: {  	v10 =	vld.idx.msk [tilespmem:v5+s22+$0x0], $0xffff  }
0x1bb: {  	s10 =	sadd.s32 $0x40, s10;
	vm0 =	vge.f32 v9, $0.0e+00;
	v18 =	vmul.f32 $2.000000030e-01, v9;
	v11 =	vld [tilespmem:s11+$0xFFFFFFE0];
	(erf) = vpow2.f32 v19;
	v6 =	vmovc v13  }
0x1bc: {  	s16 =	sand.u32 $0xFC0, s10;
	v19 =	vld [tilespmem:s13+$0xFFFFFFF0]  }
0x1bd: {  	v9 =	vsel vm0, v9, v18;
	v5 =	vld [tilespmem:s16+$0xFC80]  }
0x1be: {  	s12 =	sadd.s32 $0x4, s12;
	v9 =	vmul.f32 $1.442695020e+00, v9;
	v20 =	vshll.u32 v12, $0x10;
	v18 =	vld [tilespmem:s16+$0x11580];
	v21 =	vpop (erf)  }
0x1bf: {  	p2 =	slt.u32 s12, $0xC4;
	v12 =	vand.u32 $0xFFFF0000, v12;
	v13 =	vld.idx.msk [tilespmem:v13+s2+$0x0], $0xffff;
	v20 =	vmul.f32 v20, v21  }
0x1c0: {  	v23 =	vshll.u32 v10, $0x10;
	v12 =	vmul.f32 v12, v21;
	v22 =	vld.idx.msk [tilespmem:v16+s19+$0x0], $0xffff;
	v21 =	vpop (erf);
	(erf) = vpow2.f32 v9  }
0x1c1: {  	v9 =	vand.u32 $0xFFFF0000, v10;
	v10 =	vmul.f32 v23, v21;
	[tilespmem:v4+s23+$0x0] =	vst.idx.add.f32.msk $0xffff, v20  }
0x1c2: {  	v20 =	vmul.f32 v9, v21;
	[tilespmem:v4+s24+$0x0] =	vst.idx.add.f32.msk $0xffff, v12;
	v4 =	vmov v16  }
0x1c3: {  	[tilespmem:v3+s23+$0x0] =	vst.idx.add.f32.msk $0xffff, v10  }
0x1c4: {  	[tilespmem:v3+s24+$0x0] =	vst.idx.add.f32.msk $0xffff, v20;
	v9 =	vpop (erf);
	v3 =	vmov v18  }
0x1c5: {  	v10 =	vld.idx.msk [tilespmem:v5+s2+$0x0], $0xffff;
	v12 =	vmul.f32 v14, v9;
	v14 =	vmul.f32 v8, v9  }
0x1c6: {  	v16 =	vld.idx.msk [tilespmem:v18+s19+$0x0], $0xffff  }
0x1c7: {  	v18 =	vld [tilespmem:s11+$0xFFFFFFF0]  }
0x1c8: {  	v20 =	vld.idx.msk [tilespmem:v15+s2+$0x0], $0xffff  }
0x1c9: {  	v21 =	vld.idx.msk [tilespmem:v11+s19+$0x0], $0xffff;
	v8 =	vpop (erf)  }
0x1ca: {  	v13 =	vadd.f32 v22, v13;
	v9 =	vld.idx.msk [tilespmem:v19+s2+$0x0], $0xffff;
	v17 =	vmul.f32 v17, v8;
	v22 =	vmul.f32 v7, v8  }
0x1cb: {  	v8 =	vld.idx.msk [tilespmem:v15+s22+$0x0], $0xffff  }
0x1cc: {  	v15 =	vadd.f32 v16, v10;
	v10 =	vmul.f32 $2.000000030e-01, v13;
	v7 =	vld.idx.msk [tilespmem:v19+s22+$0x0], $0xffff  }
.Ltmp9:
0x1cd: {  	vm0 =	vge.f32 v13, $0.0e+00;
	[tilespmem:v1+s23+$0x0] =	vst.idx.add.f32.msk $0xffff, v12;
	(pc) =	sbr.rel @p2 .LBB2_20-.Ltmp9, $4  }
0x1ce: {  	v12 =	vmul.f32 $2.000000030e-01, v15;
	v13 =	vsel vm0, v13, v10;
	[tilespmem:v1+s24+$0x0] =	vst.idx.add.f32.msk $0xffff, v14;
	v1 =	vmov v11  }
0x1cf: {  	vm0 =	vge.f32 v15, $0.0e+00;
	v10 =	vadd.f32 v21, v20;
	v13 =	vmul.f32 $1.442695020e+00, v13;
	v11 =	vld.idx.msk [tilespmem:v18+s19+$0x0], $0xffff  }
0x1d0: {  	v12 =	vsel vm0, v15, v12;
	[tilespmem:v2+s23+$0x0] =	vst.idx.add.f32.msk $0xffff, v17  }
0x1d1: {  	s13 =	sadd.s32 $0x40, s13;
	v12 =	vmul.f32 $1.442695020e+00, v12;
	vm0 =	vge.f32 v10, $0.0e+00;
	(erf) = vpow2.f32 v13;
	[tilespmem:v2+s24+$0x0] =	vst.idx.add.f32.msk $0xffff, v22;
	v2 =	vmovc v18  }
0x1d2: {  	_ =	sdelay $0x1  }
0x1d3: {  	v13 =	vmul.f32 $2.000000030e-01, v10;
	v9 =	vadd.f32 v11, v9;
	_ =	sdelay $0x1  }
0x1d4: {  	v10 =	vsel vm0, v10, v13;
	v11 =	vmul.f32 $2.000000030e-01, v9  }
0x1d5: {  	(erf) = vpow2.f32 v12;
	v10 =	vmul.f32 $1.442695020e+00, v10;
	vm15 =	vge.f32 v9, $0.0e+00  }
0x1d6: {  	v9 =	vsel vm15, v9, v11  }
0x1d7: {  	v6 =	vld.idx.msk [tilespmem:v6+s22+$0x0], $0xffff;
	(erf) = vpow2.f32 v10;
	v9 =	vmul.f32 $1.442695020e+00, v9;
	_ =	sdelay $0x1  }
0x1d8: {  	v5 =	vld.idx.msk [tilespmem:v5+s22+$0x0], $0xffff;
	(erf) = vpow2.f32 v9;
	_ =	sdelay $0x2  }
0x1d9: {  	v53 =	vshll.u32 v6, $0x10;
	v52 =	vpop (erf)  }
0x1da: {  	v6 =	vand.u32 $0xFFFF0000, v6;
	v10 =	vmul.f32 v53, v52  }
0x1db: {  	v54 =	vshll.u32 v5, $0x10;
	v6 =	vmul.f32 v6, v52;
	v55 =	vpop (erf)  }
0x1dc: {  	v5 =	vand.u32 $0xFFFF0000, v5;
	v11 =	vmul.f32 v54, v55;
	[tilespmem:v4+s23+$0x0] =	vst.idx.add.f32.msk $0xffff, v10  }
0x1dd: {  	v56 =	vshll.u32 v8, $0x10;
	v5 =	vmul.f32 v5, v55;
	[tilespmem:v4+s24+$0x0] =	vst.idx.add.f32.msk $0xffff, v6;
	v57 =	vpop (erf)  }
0x1de: {  	v58 =	vand.u32 $0xFFFF0000, v8;
	[tilespmem:v3+s23+$0x0] =	vst.idx.add.f32.msk $0xffff, v11;
	v59 =	vmul.f32 v56, v57  }
0x1df: {  	v60 =	vshll.u32 v7, $0x10;
	[tilespmem:v3+s24+$0x0] =	vst.idx.add.f32.msk $0xffff, v5;
	v3 =	vmul.f32 v58, v57;
	v61 =	vpop (erf)  }
0x1e0: {  	v62 =	vand.u32 $0xFFFF0000, v7;
	s7 =	sadd.s32 $0x1, s7;
	[tilespmem:v1+s23+$0x0] =	vst.idx.add.f32.msk $0xffff, v59;
	v63 =	vmul.f32 v60, v61  }
0x1e1: {  	s8 =	sadd.s32 s8, s15;
	p2 =	sne.s32 s7, $0x18;
	[tilespmem:v1+s24+$0x0] =	vst.idx.add.f32.msk $0xffff, v3;
	v4 =	vmul.f32 v62, v61  }
.Ltmp10:
0x1e2: {  	s8 =	sshrl.u32 s8, $0x3;
	[tilespmem:v2+s23+$0x0] =	vst.idx.add.f32.msk $0xffff, v63;
	(pc) =	sbr.rel @p2 .LBB2_17-.Ltmp10, $4  }
0x1e3: {  	s8 =	sadd.s32 s3, s8;
	[tilespmem:v2+s24+$0x0] =	vst.idx.add.f32.msk $0xffff, v4  }
0x1e4: {  	[tilespmem:s29], [sflag:$0x2] =	stream.linear.gather [hbm4b:s8+s2], $0xC80, $0x38;
	[tilespmem:$0x17100] =	vst v63  }
0x1e5: {  	s8 =	sadd.s32 $0x9C40, s8  }
0x1e6: {  	[tilespmem:s30], [sflag:$0x2] =	stream.linear.gather [hbm4b:s8+s2], $0xC80, $0x38;
	[tilespmem:$0x17100] =	vst v63  }
0x1e7: {  	_ =	swait.ge [sflag:s25], $0xC80  }
0x1e8: {  	[sflag:s25] =	ssyncset.done $0x0  }
0x1e9: {  	[sflag:s25] =	ssyncadd.s32 $0xFFFFF380  }
0x1ea: {  	_ =	swait.ge [sflag:s25], $0xC80  }
0x1eb: {  	[sflag:s25] =	ssyncset.done $0x0  }
0x1ec: {  	s8 =	simm.s32 $0xF020;
	[sflag:s25] =	ssyncadd.s32 $0xFFFFF380  }
0x1ed: {  	s7 =	simm.s32 $0x10920;
	v11 =	vld [tilespmem:s8+$0x10]  }
0x1ee: {  	v4 =	vld [tilespmem:s7+$0x10];
	_ =	sdelay $0x1  }
0x1ef: {  	v1 =	vld [tilespmem:s7+$0xFFFFFFE0]  }
0x1f0: {  	v5 =	vld [tilespmem:s8+$0xFFFFFFF0]  }
0x1f1: {  	v3 =	vld [tilespmem:s7+$0xFFFFFFF0]  }
0x1f2: {  	v6 =	vld [tilespmem:s8+$0x0]  }
0x1f3: {  	v9 =	vld [tilespmem:s8+$0xFFFFFFE0]  }
0x1f4: {  	v7 =	vld.idx.msk [tilespmem:v11+s2+$0x0], $0xffff  }
0x1f5: {  	v8 =	vld.idx.msk [tilespmem:v4+s19+$0x0], $0xffff  }
0x1f6: {  	v2 =	vld [tilespmem:s7+$0x0];
	_ =	sdelay $0x1  }
0x1f7: {  	v13 =	vld.idx.msk [tilespmem:v1+s19+$0x0], $0xffff  }
0x1f8: {  	v10 =	vld.idx.msk [tilespmem:v5+s2+$0x0], $0xffff  }
0x1f9: {  	v12 =	vld.idx.msk [tilespmem:v3+s19+$0x0], $0xffff;
	v7 =	vadd.f32 v8, v7  }
0x1fa: {  	v16 =	vld.idx.msk [tilespmem:v9+s2+$0x0], $0xffff  }
0x1fb: {  	v14 =	vld.idx.msk [tilespmem:v6+s2+$0x0], $0xffff;
	v8 =	vmul.f32 $2.000000030e-01, v7  }
0x1fc: {  	v5 =	vld.idx.msk [tilespmem:v5+s22+$0x0], $0xffff;
	vm0 =	vge.f32 v7, $0.0e+00  }
0x1fd: {  	v15 =	vld.idx.msk [tilespmem:v2+s19+$0x0], $0xffff;
	v7 =	vsel vm0, v7, v8  }
0x1fe: {  	v12 =	vadd.f32 v12, v10;
	v10 =	vld.idx.msk [tilespmem:v9+s22+$0x0], $0xffff;
	v7 =	vmul.f32 $1.442695020e+00, v7  }
0x1ff: {  	v6 =	vld.idx.msk [tilespmem:v6+s22+$0x0], $0xffff;
	v13 =	vadd.f32 v13, v16  }
0x200: {  	v9 =	vmul.f32 $2.000000030e-01, v12;
	(erf) = vpow2.f32 v7  }
0x201: {  	vm1 =	vge.f32 v13, $0.0e+00;
	vm0 =	vge.f32 v12, $0.0e+00  }
0x202: {  	v8 =	vshll.u32 v5, $0x10;
	v9 =	vsel vm0, v12, v9;
	v12 =	vadd.f32 v15, v14  }
0x203: {  	v15 =	vmul.f32 $2.000000030e-01, v13;
	v16 =	vmul.f32 $1.442695020e+00, v9;
	v9 =	vshll.u32 v10, $0x10  }
0x204: {  	v11 =	vld.idx.msk [tilespmem:v11+s22+$0x0], $0xffff;
	v7 =	vand.u32 $0xFFFF0000, v5;
	v5 =	vshll.u32 v6, $0x10;
	v14 =	vmul.f32 $2.000000030e-01, v12  }
0x205: {  	s10 =	simm.s32 $0xF060;
	s8 =	simm.s32 $0x0;
	v6 =	vand.u32 $0xFFFF0000, v6;
	vm0 =	vge.f32 v12, $0.0e+00;
	(erf) = vpow2.f32 v16  }
.LBB2_23:
0x206: {  	v16 =	vld [tilespmem:s10+$0x10];
	v10 =	vand.u32 $0xFFFF0000, v10;
	v12 =	vsel vm0, v12, v14;
	s7 =	sadd.s32 $0x40, s7  }
0x207: {  	v14 =	vld [tilespmem:s7+$0x10];
	v13 =	vsel vm1, v13, v15;
	v19 =	vmul.f32 $1.442695020e+00, v12  }
0x208: {  	s8 =	sadd.s32 $0x4, s8;
	v15 =	vld [tilespmem:s7+$0xFFFFFFE0];
	v13 =	vmul.f32 $1.442695020e+00, v13  }
0x209: {  	p2 =	slt.u32 s8, $0xC4;
	v18 =	vshll.u32 v11, $0x10;
	v17 =	vld [tilespmem:s10+$0xFFFFFFF0];
	(erf) = vpow2.f32 v19;
	v12 =	vpop (erf)  }
0x20a: {  	v11 =	vand.u32 $0xFFFF0000, v11;
	v19 =	vld [tilespmem:s7+$0xFFFFFFF0];
	v18 =	vmul.f32 v18, v12;
	(erf) = vpow2.f32 v13  }
0x20b: {  	v11 =	vmul.f32 v11, v12;
	v13 =	vld [tilespmem:s10+$0x0]  }
0x20c: {  	[tilespmem:v4+s23+$0x0] =	vst.idx.add.f32.msk $0xffff, v18  }
0x20d: {  	[tilespmem:v4+s24+$0x0] =	vst.idx.add.f32.msk $0xffff, v11;
	v4 =	vmov v14  }
0x20e: {  	v11 =	vld.idx.msk [tilespmem:v16+s2+$0x0], $0xffff;
	v12 =	vpop (erf)  }
0x20f: {  	v14 =	vld.idx.msk [tilespmem:v14+s19+$0x0], $0xffff;
	v18 =	vmul.f32 v8, v12;
	v20 =	vmul.f32 v7, v12  }
0x210: {  	v21 =	vld [tilespmem:s7+$0x0]  }
0x211: {  	v7 =	vld [tilespmem:s10+$0xFFFFFFE0]  }
0x212: {  	v22 =	vld.idx.msk [tilespmem:v15+s19+$0x0], $0xffff;
	v8 =	vpop (erf)  }
0x213: {  	v12 =	vld.idx.msk [tilespmem:v17+s2+$0x0], $0xffff;
	v23 =	vmul.f32 v5, v8;
	v24 =	vmul.f32 v6, v8;
	v5 =	vpop (erf)  }
0x214: {  	v6 =	vld.idx.msk [tilespmem:v19+s19+$0x0], $0xffff;
	v8 =	vmul.f32 v9, v5;
	v5 =	vmul.f32 v10, v5  }
0x215: {  	v10 =	vadd.f32 v14, v11;
	v9 =	vld.idx.msk [tilespmem:v13+s2+$0x0], $0xffff  }
0x216: {  	v11 =	vld.idx.msk [tilespmem:v17+s22+$0x0], $0xffff  }
0x217: {  	v14 =	vmul.f32 $2.000000030e-01, v10;
	v13 =	vld.idx.msk [tilespmem:v13+s22+$0x0], $0xffff  }
0x218: {  	vm0 =	vge.f32 v10, $0.0e+00;
	v17 =	vld.idx.msk [tilespmem:v21+s19+$0x0], $0xffff  }
0x219: {  	v14 =	vsel vm0, v10, v14;
	v25 =	vld.idx.msk [tilespmem:v7+s2+$0x0], $0xffff  }
0x21a: {  	v6 =	vadd.f32 v6, v12;
	v10 =	vld.idx.msk [tilespmem:v7+s22+$0x0], $0xffff;
	v7 =	vmul.f32 $1.442695020e+00, v14  }
0x21b: {  	[tilespmem:v1+s23+$0x0] =	vst.idx.add.f32.msk $0xffff, v8  }
0x21c: {  	vm0 =	vge.f32 v6, $0.0e+00;
	v12 =	vmul.f32 $2.000000030e-01, v6;
	(erf) = vpow2.f32 v7;
	[tilespmem:v1+s24+$0x0] =	vst.idx.add.f32.msk $0xffff, v5;
	v1 =	vmovc v15  }
.Ltmp11:
0x21d: {  	v8 =	vshll.u32 v11, $0x10;
	v7 =	vand.u32 $0xFFFF0000, v11;
	v5 =	vshll.u32 v13, $0x10;
	[tilespmem:v3+s23+$0x0] =	vst.idx.add.f32.msk $0xffff, v18;
	(pc) =	sbr.rel @p2 .LBB2_23-.Ltmp11, $4  }
0x21e: {  	v11 =	vsel vm0, v6, v12;
	v6 =	vand.u32 $0xFFFF0000, v13;
	v12 =	vadd.f32 v17, v9;
	[tilespmem:v3+s24+$0x0] =	vst.idx.add.f32.msk $0xffff, v20  }
0x21f: {  	v13 =	vadd.f32 v22, v25;
	v17 =	vmul.f32 $1.442695020e+00, v11;
	v3 =	vmov v19;
	v11 =	vld.idx.msk [tilespmem:v16+s22+$0x0], $0xffff  }
0x220: {  	v9 =	vshll.u32 v10, $0x10;
	vm0 =	vge.f32 v12, $0.0e+00;
	v14 =	vmul.f32 $2.000000030e-01, v12;
	[tilespmem:v2+s23+$0x0] =	vst.idx.add.f32.msk $0xffff, v23  }
0x221: {  	s10 =	sadd.s32 $0x40, s10;
	vm1 =	vge.f32 v13, $0.0e+00;
	v15 =	vmul.f32 $2.000000030e-01, v13;
	(erf) = vpow2.f32 v17;
	[tilespmem:v2+s24+$0x0] =	vst.idx.add.f32.msk $0xffff, v24;
	v2 =	vmovc v21  }
0x222: {  	v12 =	vsel vm0, v12, v14  }
0x223: {  	v13 =	vsel vm1, v13, v15;
	v12 =	vmul.f32 $1.442695020e+00, v12  }
0x224: {  	v13 =	vmul.f32 $1.442695020e+00, v13  }
0x225: {  	(erf) = vpow2.f32 v12  }
0x226: {  	(erf) = vpow2.f32 v13;
	_ =	sdelay $0x5  }
0x227: {  	v13 =	vshll.u32 v11, $0x10;
	v12 =	vpop (erf)  }
0x228: {  	v11 =	vand.u32 $0xFFFF0000, v11;
	v13 =	vmul.f32 v13, v12;
	v14 =	vpop (erf)  }
0x229: {  	v11 =	vmul.f32 v11, v12;
	v15 =	vpop (erf)  }
0x22a: {  	[tilespmem:v4+s23+$0x0] =	vst.idx.add.f32.msk $0xffff, v13;
	v8 =	vmul.f32 v8, v14;
	v12 =	vpop (erf)  }
0x22b: {  	v10 =	vand.u32 $0xFFFF0000, v10;
	[tilespmem:v4+s24+$0x0] =	vst.idx.add.f32.msk $0xffff, v11;
	v9 =	vmul.f32 v9, v12  }
0x22c: {  	[tilespmem:v3+s23+$0x0] =	vst.idx.add.f32.msk $0xffff, v8;
	v4 =	vmul.f32 v10, v12  }
0x22d: {  	v7 =	vmul.f32 v7, v14;
	[tilespmem:v1+s23+$0x0] =	vst.idx.add.f32.msk $0xffff, v9  }
0x22e: {  	[tilespmem:v1+s24+$0x0] =	vst.idx.add.f32.msk $0xffff, v4;
	v1 =	vmul.f32 v5, v15  }
0x22f: {  	[tilespmem:v3+s24+$0x0] =	vst.idx.add.f32.msk $0xffff, v7;
	v4 =	vmul.f32 v6, v15  }
0x230: {  	[tilespmem:v2+s23+$0x0] =	vst.idx.add.f32.msk $0xffff, v1  }
0x231: {  	[tilespmem:v2+s24+$0x0] =	vst.idx.add.f32.msk $0xffff, v4  }
0x232: {  	_ =	swait.ge [sflag:s4], $0xC80  }
0x233: {  	[sflag:s4] =	ssyncset.done $0x0  }
0x234: {  	[sflag:s4] =	ssyncadd.s32 $0xFFFFF380  }
0x235: {  	_ =	swait.ge [sflag:s4], $0xC80  }
0x236: {  	[sflag:s4] =	ssyncset.done $0x0  }
0x237: {  	s10 =	simm.s32 $0xFCB0;
	[sflag:s4] =	ssyncadd.s32 $0xFFFFF380  }
0x238: {  	s7 =	simm.s32 $0x115B0;
	s8 =	simm.s32 $0x0;
	v6 =	vld [tilespmem:s10+$0x0]  }
0x239: {  	s11 =	sand.u32 $0xFC0, s8;
	v4 =	vld [tilespmem:s7+$0x0]  }
0x23a: {  	v5 =	vld [tilespmem:s11+$0xFC80]  }
0x23b: {  	v3 =	vld [tilespmem:s11+$0x11580];
	_ =	sdelay $0x1  }
0x23c: {  	v7 =	vld [tilespmem:s10+$0xFFFFFFE0]  }
0x23d: {  	v1 =	vld [tilespmem:s7+$0xFFFFFFE0]  }
0x23e: {  	v11 =	vld [tilespmem:s10+$0xFFFFFFF0]  }
0x23f: {  	v8 =	vld.idx.msk [tilespmem:v6+s2+$0x0], $0xffff  }
0x240: {  	v9 =	vld.idx.msk [tilespmem:v4+s19+$0x0], $0xffff  }
0x241: {  	v10 =	vld.idx.msk [tilespmem:v5+s2+$0x0], $0xffff  }
0x242: {  	v12 =	vld.idx.msk [tilespmem:v3+s19+$0x0], $0xffff;
	_ =	sdelay $0x1  }
0x243: {  	v2 =	vld [tilespmem:s7+$0xFFFFFFF0]  }
0x244: {  	v13 =	vld.idx.msk [tilespmem:v7+s2+$0x0], $0xffff;
	v8 =	vadd.f32 v9, v8  }
0x245: {  	v14 =	vld.idx.msk [tilespmem:v1+s19+$0x0], $0xffff  }
0x246: {  	v12 =	vadd.f32 v12, v10;
	v10 =	vmul.f32 $2.000000030e-01, v8  }
0x247: {  	vm0 =	vge.f32 v8, $0.0e+00  }
0x248: {  	v16 =	vsel vm0, v8, v10;
	v8 =	vld.idx.msk [tilespmem:v7+s22+$0x0], $0xffff  }
0x249: {  	v15 =	vmul.f32 $2.000000030e-01, v12;
	v7 =	vld.idx.msk [tilespmem:v11+s22+$0x0], $0xffff  }
0x24a: {  	v9 =	vld.idx.msk [tilespmem:v11+s2+$0x0], $0xffff;
	vm0 =	vge.f32 v12, $0.0e+00;
	v10 =	vadd.f32 v14, v13;
	v13 =	vmul.f32 $1.442695020e+00, v16  }
0x24b: {  	s13 =	simm.s32 $0x80;
	v11 =	vld.idx.msk [tilespmem:v2+s19+$0x0], $0xffff;
	v12 =	vsel vm0, v12, v15  }
0x24c: {  	s16 =	simm.s32 $0x400;
	s10 =	simm.s32 $0x0;
	s11 =	simm.s32 $0xFCF0;
	v12 =	vmul.f32 $1.442695020e+00, v12;
	vm0 =	vge.f32 v10, $0.0e+00;
	(erf) = vpow2.f32 v13  }
.LBB2_25:
0x24d: {  	v13 =	vld [tilespmem:s11+$0x0];
	v14 =	vshll.u32 v8, $0x10;
	v8 =	vand.u32 $0xFFFF0000, v8;
	v15 =	vmul.f32 $2.000000030e-01, v10;
	s7 =	sadd.s32 $0x40, s7  }
0x24e: {  	v17 =	vshll.u32 v7, $0x10;
	v7 =	vand.u32 $0xFFFF0000, v7;
	v16 =	vld [tilespmem:s7+$0x0];
	(erf) = vpow2.f32 v12  }
0x24f: {  	v10 =	vsel vm0, v10, v15;
	v12 =	vld.idx.msk [tilespmem:v6+s22+$0x0], $0xffff  }
0x250: {  	v9 =	vadd.f32 v11, v9;
	v15 =	vld [tilespmem:s11+$0xFFFFFFE0];
	v19 =	vmul.f32 $1.442695020e+00, v10  }
0x251: {  	v10 =	vld.idx.msk [tilespmem:v5+s22+$0x0], $0xffff  }
0x252: {  	s8 =	sadd.s32 $0x40, s8;
	vm0 =	vge.f32 v9, $0.0e+00;
	v18 =	vmul.f32 $2.000000030e-01, v9;
	v11 =	vld [tilespmem:s7+$0xFFFFFFE0];
	(erf) = vpow2.f32 v19;
	v6 =	vmovc v13  }
0x253: {  	s12 =	sand.u32 $0xFC0, s8;
	v19 =	vld [tilespmem:s11+$0xFFFFFFF0]  }
0x254: {  	v9 =	vsel vm0, v9, v18;
	v5 =	vld [tilespmem:s12+$0xFC80]  }
0x255: {  	s10 =	sadd.s32 $0x4, s10;
	v9 =	vmul.f32 $1.442695020e+00, v9;
	v20 =	vshll.u32 v12, $0x10;
	v18 =	vld [tilespmem:s12+$0x11580];
	v21 =	vpop (erf)  }
0x256: {  	p2 =	slt.u32 s10, $0xC4;
	v12 =	vand.u32 $0xFFFF0000, v12;
	v13 =	vld.idx.msk [tilespmem:v13+s2+$0x0], $0xffff;
	v20 =	vmul.f32 v20, v21  }
0x257: {  	v23 =	vshll.u32 v10, $0x10;
	v12 =	vmul.f32 v12, v21;
	v22 =	vld.idx.msk [tilespmem:v16+s19+$0x0], $0xffff;
	v21 =	vpop (erf);
	(erf) = vpow2.f32 v9  }
0x258: {  	v9 =	vand.u32 $0xFFFF0000, v10;
	v10 =	vmul.f32 v23, v21;
	[tilespmem:v4+s23+$0x0] =	vst.idx.add.f32.msk $0xffff, v20  }
0x259: {  	v20 =	vmul.f32 v9, v21;
	[tilespmem:v4+s24+$0x0] =	vst.idx.add.f32.msk $0xffff, v12;
	v4 =	vmov v16  }
0x25a: {  	[tilespmem:v3+s23+$0x0] =	vst.idx.add.f32.msk $0xffff, v10  }
0x25b: {  	[tilespmem:v3+s24+$0x0] =	vst.idx.add.f32.msk $0xffff, v20;
	v9 =	vpop (erf);
	v3 =	vmov v18  }
0x25c: {  	v10 =	vld.idx.msk [tilespmem:v5+s2+$0x0], $0xffff;
	v12 =	vmul.f32 v14, v9;
	v14 =	vmul.f32 v8, v9  }
0x25d: {  	v16 =	vld.idx.msk [tilespmem:v18+s19+$0x0], $0xffff  }
0x25e: {  	v18 =	vld [tilespmem:s7+$0xFFFFFFF0]  }
0x25f: {  	v20 =	vld.idx.msk [tilespmem:v15+s2+$0x0], $0xffff  }
0x260: {  	v21 =	vld.idx.msk [tilespmem:v11+s19+$0x0], $0xffff;
	v8 =	vpop (erf)  }
0x261: {  	v13 =	vadd.f32 v22, v13;
	v9 =	vld.idx.msk [tilespmem:v19+s2+$0x0], $0xffff;
	v17 =	vmul.f32 v17, v8;
	v22 =	vmul.f32 v7, v8  }
0x262: {  	v8 =	vld.idx.msk [tilespmem:v15+s22+$0x0], $0xffff  }
0x263: {  	v15 =	vadd.f32 v16, v10;
	v10 =	vmul.f32 $2.000000030e-01, v13;
	v7 =	vld.idx.msk [tilespmem:v19+s22+$0x0], $0xffff  }
.Ltmp12:
0x264: {  	vm0 =	vge.f32 v13, $0.0e+00;
	[tilespmem:v1+s23+$0x0] =	vst.idx.add.f32.msk $0xffff, v12;
	(pc) =	sbr.rel @p2 .LBB2_25-.Ltmp12, $4  }
0x265: {  	v12 =	vmul.f32 $2.000000030e-01, v15;
	v13 =	vsel vm0, v13, v10;
	[tilespmem:v1+s24+$0x0] =	vst.idx.add.f32.msk $0xffff, v14;
	v1 =	vmov v11  }
0x266: {  	vm0 =	vge.f32 v15, $0.0e+00;
	v10 =	vadd.f32 v21, v20;
	v13 =	vmul.f32 $1.442695020e+00, v13;
	v11 =	vld.idx.msk [tilespmem:v18+s19+$0x0], $0xffff  }
0x267: {  	v12 =	vsel vm0, v15, v12;
	[tilespmem:v2+s23+$0x0] =	vst.idx.add.f32.msk $0xffff, v17  }
0x268: {  	s11 =	sadd.s32 $0x40, s11;
	v12 =	vmul.f32 $1.442695020e+00, v12;
	vm0 =	vge.f32 v10, $0.0e+00;
	(erf) = vpow2.f32 v13;
	[tilespmem:v2+s24+$0x0] =	vst.idx.add.f32.msk $0xffff, v22;
	v2 =	vmovc v18  }
0x269: {  	_ =	sdelay $0x1  }
0x26a: {  	v13 =	vmul.f32 $2.000000030e-01, v10;
	v9 =	vadd.f32 v11, v9;
	_ =	sdelay $0x1  }
0x26b: {  	v10 =	vsel vm0, v10, v13;
	v11 =	vmul.f32 $2.000000030e-01, v9  }
0x26c: {  	(erf) = vpow2.f32 v12;
	v10 =	vmul.f32 $1.442695020e+00, v10;
	vm15 =	vge.f32 v9, $0.0e+00  }
0x26d: {  	v9 =	vsel vm15, v9, v11  }
0x26e: {  	v6 =	vld.idx.msk [tilespmem:v6+s22+$0x0], $0xffff;
	(erf) = vpow2.f32 v10;
	v9 =	vmul.f32 $1.442695020e+00, v9;
	_ =	sdelay $0x1  }
0x26f: {  	v5 =	vld.idx.msk [tilespmem:v5+s22+$0x0], $0xffff;
	(erf) = vpow2.f32 v9;
	_ =	sdelay $0x2  }
0x270: {  	v53 =	vshll.u32 v6, $0x10;
	v52 =	vpop (erf)  }
0x271: {  	v6 =	vand.u32 $0xFFFF0000, v6;
	v10 =	vmul.f32 v53, v52  }
0x272: {  	v54 =	vshll.u32 v5, $0x10;
	v6 =	vmul.f32 v6, v52;
	v55 =	vpop (erf)  }
0x273: {  	v5 =	vand.u32 $0xFFFF0000, v5;
	v11 =	vmul.f32 v54, v55;
	[tilespmem:v4+s23+$0x0] =	vst.idx.add.f32.msk $0xffff, v10  }
0x274: {  	v56 =	vshll.u32 v8, $0x10;
	v5 =	vmul.f32 v5, v55;
	[tilespmem:v4+s24+$0x0] =	vst.idx.add.f32.msk $0xffff, v6;
	v57 =	vpop (erf)  }
0x275: {  	v58 =	vand.u32 $0xFFFF0000, v8;
	[tilespmem:v3+s23+$0x0] =	vst.idx.add.f32.msk $0xffff, v11;
	v59 =	vmul.f32 v56, v57  }
0x276: {  	v60 =	vshll.u32 v7, $0x10;
	[tilespmem:v3+s24+$0x0] =	vst.idx.add.f32.msk $0xffff, v5;
	v3 =	vmul.f32 v58, v57;
	v61 =	vpop (erf)  }
0x277: {  	v62 =	vand.u32 $0xFFFF0000, v7;
	[tilespmem:v1+s23+$0x0] =	vst.idx.add.f32.msk $0xffff, v59;
	v63 =	vmul.f32 v60, v61  }
0x278: {  	[tilespmem:v1+s24+$0x0] =	vst.idx.add.f32.msk $0xffff, v3;
	v4 =	vmul.f32 v62, v61  }
0x279: {  	[tilespmem:v2+s23+$0x0] =	vst.idx.add.f32.msk $0xffff, v63  }
0x27a: {  	[tilespmem:v2+s24+$0x0] =	vst.idx.add.f32.msk $0xffff, v4  }
0x27b: {  	s7 =	simm.s32 $0x4;
	s0 =	rddreg [dreg:$0x6]  }
0x27c: {  	[hbm4b:s0+s13] =	stream.strided.scatter [tilespmem:s23], [sflag:$0x4], $0x2800, s16, s13, $0x38;
	[tilespmem:$0x17100] =	vst v63  }
0x27d: {  	_ =	swait.ge [sflag:s7], $0x2800  }
0x27e: {  	[sflag:s7] =	ssyncset.done $0x0  }
0x27f: {  	s11 =	rddreg [dreg:$0x7];
	[sflag:s7] =	ssyncadd.s32 $0xFFFFD800  }
0x280: {  	[hbm4b:s11+s13] =	stream.strided.scatter [tilespmem:s24], [sflag:$0x4], $0x2800, s16, s13, $0x38;
	[tilespmem:$0x17100] =	vst v63  }
0x281: {  	_ =	swait.ge [sflag:s7], $0x2800  }
0x282: {  	s5 =	sadd.s32 $0x1, s5;
	s12 =	rddreg [dreg:$0x8]  }
0x283: {  	p2 =	sne.s32 s5, s12  }
.Ltmp13:
0x284: {  	_ = 	snop;
	(pc) =	sbr.rel @p2 .LBB2_1-.Ltmp13, $3  }
0x285: {  	_ =	sdelay $0x1  }
0x286: {  	[sflag:s7] =	ssyncset.done $0x0  }
0x287: {  	[sflag:s7] =	ssyncadd.s32 $0xFFFFD800  }
0x288: {  	_ =	sfence.sel $0x180000  }
0x289: {  	[bflag:$0x0] =	sbarrier.arrive $0xFFFF  }
0x28a: {  	_ =	strace $0x9000004A  }
0x28b: {  	s0 =	stileid.u32;
	[bflag:$0x2] =	sbarrier.arrive $0xFFFF  }
0x28c: {  	p0 =	sne.s32 s0, $0x0;
	s0 =	rddreg [dreg:$0x2]  }
0x28d: {  	s0 =	sadd.s32 @!p0 $0x100000, s0  }
0x28e: {  	[sflag:s0] =	ssyncadd.tile.s32 @!p0 $0x1;
	_ =	shalt  }
.Lfunc_end2:
_tile_overlayer_lowered:
.L_overlay_start_2:
0x28f: {  	(tag) =	ssettag $0x2  }
0x290: {  	s0 =	rddreg [dreg:$0x0];
	s2 =	stileid.u32  }
0x291: {  	s1 =	rddreg [dreg:$0x1];
	p0 =	sne.s32 s2, $0x0  }
0x292: {  	s3 =	rddreg [dreg:$0x2];
	[bflag:$0x3] =	sbarrier.arrive $0xFFFF;
	s2 =	simm.s32 @!p0 $0x1C04  }
0x293: {  	[timem:s3], [sflag:s2] =	dma.local @!p0 [hbm:s0], s1  }
0x294: {  	s0 =	simm.s32 @!p0 $0x4  }
0x295: {  	_ =	swait.ge @!p0 [sflag:s0], s1  }
0x296: {  	s1 =	ssub.s32 @!p0 $0x0, s1;
	[sflag:s0] =	ssyncset.done @!p0 $0x0  }
0x297: {  	[sflag:s0] =	ssyncadd.s32 @!p0 s1  }
0x298: {  	[bflag:$0x3] =	sbarrier.arrive $0xFFFF  }
0x299: {  	_ =	shalt  }

// kernel: kernel.7.cloned.1.call-start
scs
__scs_entry_jumppad:
0x0: {  	(pc) =	sbr.rel $0x88, $3  }
0x1: {  	(tag) =	ssettag $0x0;
	lr =	simm.s32 $0x1  }
0x2: {  	[smem:$0x3F95] =	sst lr;
	_ =	strace $0xD0000000  }
0x3: {  	_ = 	snop  }
0x4: {  	_ = 	snop  }
0x5: {  	_ = 	snop  }
0x6: {  	_ = 	snop  }
0x7: {  	_ = 	snop  }
__scs_overlays_trampoline_lowered:
0x8: {  	[smem:$0x3FA4] =	sst s0  }
0x9: {  	[smem:$0x3FA5] =	sst s1  }
0xa: {  	[smem:$0x3FA6] =	sst s2  }
0xb: {  	[smem:$0x3FA7] =	sst s3  }
0xc: {  	[smem:$0x3FA8] =	sst s4  }
0xd: {  	[smem:$0x3FA9] =	sst s5  }
0xe: {  	[smem:$0x3FAA] =	sst s6  }
0xf: {  	[smem:$0x3FAB] =	sst s7  }
0x10: {  	[smem:$0x3FAC] =	sst s8  }
0x11: {  	[smem:$0x3FAD] =	sst s9;
	s0 =	simm.s32 @!p0 $0x0  }
0x12: {  	s1 =	sld [smem:$0x3F93];
	s0 =	simm.s32 @p0 $0x1  }
0x13: {  	[smem:$0x3FAE] =	sst s0;
	s0 =	simm.s32 @!p1 $0x0  }
0x14: {  	s2 =	sld [smem:$0x3F92];
	s0 =	simm.s32 @p1 $0x1  }
0x15: {  	[smem:$0x3FAF] =	sst s0;
	s0 =	simm.s32 @!p2 $0x0  }
0x16: {  	s3 =	sld [smem:$0x3FDB];
	s0 =	simm.s32 @p2 $0x1  }
0x17: {  	s4 =	simm.s32 $0x1BF5;
	[smem:$0x3FB1] =	sst s0  }
0x18: {  	s0 =	sld [smem:$0x3F94];
	_ =	swait.ge [sflag:s4], $0x0  }
0x19: {  	s7 =	sld [smem:$0x3F95]  }
0x1a: {  	s8 =	sadd.s32 $0xFFFFE003, lr  }
0x1b: {  	s9 =	sadd.s32 $0xFFFFFEF7, lr;
	s5 =	simm.s32 $0xFFFFFFFF;
	p2 =	slt.u32 s8, $0xFFFFF086  }
0x1c: {  	p1 =	slt.u32 s9, $0xF7A;
	s5 =	simm.s32 @!p2 $0x0  }
0x1d: {  	s5 =	simm.s32 @p1 $0x1;
	p0 =	seq.s32 s7, s2  }
0x1e: {  	s7 =	smul.u32 @!p0 $0xF7A, s2;
	p2 =	seq.s32 @!p0 s5, $0x0  }
0x1f: {  	s9 =	smul.u32 $0xF7A, s1;
	s8 =	simm.s32 @!p0 $0x1BF5;
	p2 =	por !p2, p0  }
0x20: {  	[sflag:s8] =	ssyncset.s32 @!p0 $0xFFFFF086;
	s6 =	sadd.s32 @!p0 s3, s7;
	s7 =	simm.s32 @!p0 $0x108  }
0x21: {  	s3 =	sadd.s32 s3, s9;
	s6 =	sadd.s32 @!p0 $0x88, s6;
	s7 =	simm.s32 @p2 $0x1082  }
0x22: {  	[simem:s7], [sflag:s8] =	dma.local @!p0 [hbm:s6], $0xF7A  }
0x23: {  	s9 =	sor.u32 $0xD0000000, s2;
	s6 =	simm.s32 $0x108;
	_ =	swait.ge @!p0 [sflag:s8], $0x0  }
0x24: {  	s3 =	sadd.s32 $0x88, s3;
	s6 =	simm.s32 @!p1 $0x1082;
	[sflag:s4] =	ssyncset.s32 $0xFFFFF086  }
0x25: {  	[simem:s6], [sflag:s4] =	dma.local [hbm:s3], $0xF7A  }
0x26: {  	[smem:$0x3F95] =	sst s1;
	(tag) =	ssettag s2;
	_ =	strace s9  }
0x27: {  	s1 =	sld [smem:$0x3FA5]  }
0x28: {  	s2 =	sld [smem:$0x3FA6]  }
0x29: {  	s4 =	sld [smem:$0x3FA8]  }
0x2a: {  	p0 =	seq.s32 s5, $0x0;
	s5 =	sld [smem:$0x3FA9]  }
0x2b: {  	s6 =	sld [smem:$0x3FAA]  }
0x2c: {  	s7 =	sld [smem:$0x3FAB]  }
0x2d: {  	s3 =	simm.s32 $0x108;
	s8 =	sld [smem:$0x3FAC]  }
0x2e: {  	s3 =	simm.s32 @!p0 $0x1082;
	s9 =	sld [smem:$0x3FAD]  }
0x2f: {  	lr =	sadd.s32 s0, s3;
	s0 =	sld [smem:$0x3FA4]  }
0x30: {  	s3 =	sld [smem:$0x3FA7]  }
0x31: {  	[smem:$0x3FB0] =	sst s10  }
0x32: {  	s10 =	sld [smem:$0x3FAE];
	_ =	sdelay $0x3  }
0x33: {  	p0 =	seq.s32 s10, $0x1;
	s10 =	sld [smem:$0x3FB0];
	_ =	sdelay $0x3  }
0x34: {  	[smem:$0x3FB0] =	sst s10  }
0x35: {  	s10 =	sld [smem:$0x3FAF];
	_ =	sdelay $0x3  }
0x36: {  	p1 =	seq.s32 s10, $0x1;
	s10 =	sld [smem:$0x3FB0];
	_ =	sdelay $0x3  }
0x37: {  	[smem:$0x3FB0] =	sst s10  }
0x38: {  	s10 =	sld [smem:$0x3FB1]  }
0x39: {  	_ = 	snop;
	(pc) =	sbr.ind lr, $3  }
0x3a: {  	_ = 	snop  }
0x3b: {  	_ = 	snop  }
0x3c: {  	p2 =	seq.s32 s10, $0x1;
	s10 =	sld [smem:$0x3FB0]  }
0x3d: {  	_ =	shalt  }
0x3e: {  	_ =	shalt  }
0x3f: {  	_ =	shalt  }
0x40: {  	_ =	shalt  }
0x41: {  	_ =	shalt  }
0x42: {  	_ =	shalt  }
0x43: {  	_ =	shalt  }
0x44: {  	_ =	shalt  }
0x45: {  	_ =	shalt  }
0x46: {  	_ =	shalt  }
0x47: {  	_ =	shalt  }
0x48: {  	_ =	shalt  }
0x49: {  	_ =	shalt  }
0x4a: {  	_ =	shalt  }
0x4b: {  	_ =	shalt  }
0x4c: {  	_ =	shalt  }
0x4d: {  	_ =	shalt  }
0x4e: {  	_ =	shalt  }
0x4f: {  	_ =	shalt  }
0x50: {  	_ =	shalt  }
0x51: {  	_ =	shalt  }
0x52: {  	_ =	shalt  }
0x53: {  	_ =	shalt  }
0x54: {  	_ =	shalt  }
0x55: {  	_ =	shalt  }
0x56: {  	_ =	shalt  }
0x57: {  	_ =	shalt  }
0x58: {  	_ =	shalt  }
0x59: {  	_ =	shalt  }
0x5a: {  	_ =	shalt  }
0x5b: {  	_ =	shalt  }
0x5c: {  	_ =	shalt  }
0x5d: {  	_ =	shalt  }
0x5e: {  	_ =	shalt  }
0x5f: {  	_ =	shalt  }
0x60: {  	_ =	shalt  }
0x61: {  	_ =	shalt  }
0x62: {  	_ =	shalt  }
0x63: {  	_ =	shalt  }
0x64: {  	_ =	shalt  }
0x65: {  	_ =	shalt  }
0x66: {  	_ =	shalt  }
0x67: {  	_ =	shalt  }
0x68: {  	_ =	shalt  }
0x69: {  	_ =	shalt  }
0x6a: {  	_ =	shalt  }
0x6b: {  	_ =	shalt  }
0x6c: {  	_ =	shalt  }
0x6d: {  	_ =	shalt  }
0x6e: {  	_ =	shalt  }
0x6f: {  	_ =	shalt  }
0x70: {  	_ =	shalt  }
0x71: {  	_ =	shalt  }
0x72: {  	_ =	shalt  }
0x73: {  	_ =	shalt  }
0x74: {  	_ =	shalt  }
0x75: {  	_ =	shalt  }
0x76: {  	_ =	shalt  }
0x77: {  	_ =	shalt  }
0x78: {  	_ =	shalt  }
0x79: {  	_ =	shalt  }
0x7a: {  	_ =	shalt  }
0x7b: {  	_ =	shalt  }
0x7c: {  	_ =	shalt  }
0x7d: {  	_ =	shalt  }
0x7e: {  	_ =	shalt  }
0x7f: {  	_ =	shalt  }
0x80: {  	_ =	shalt  }
0x81: {  	_ =	shalt  }
0x82: {  	_ =	shalt  }
0x83: {  	_ =	shalt  }
0x84: {  	_ =	shalt  }
0x85: {  	_ =	shalt  }
0x86: {  	_ =	shalt  }
0x87: {  	_ =	shalt  }
.Lfunc_end0:
.L_simem_size_0:
called_computation_lowered:
.L_overlay_start_0:
0x88: {  	s2 =	sld [smem:$0x3FD9]  }
0x89: {  	s3 =	sld [smem:$0x3FFE];
	_ =	sdelay $0x1  }
0x8a: {  	s1 =	srdreg.scid  }
0x8b: {  	s0 =	sand.u32 $0x1, s1  }
0x8c: {  	s17 =	sshll.u32 s0, $0xA;
	s2 =	sadd.s32 s3, s2  }
0x8d: {  	s2 =	sadd.s32 s2, s17  }
0x8e: {  	[smem:$0x3FBC] =	sst s2  }
0x8f: {  	_ = 	snop  }
0x90: {  	s2 =	sld [smem:$0x3FD0];
	(tm) =	ssettm $0x1  }
0x91: {  	s18 =	sld [smem:$0x3FFB];
	_ =	sdelay $0x3  }
0x92: {  	_ =	strace s18  }
0x93: {  	s3 =	sld [smem:$0x3FFC];
	_ =	sdelay $0x3  }
0x94: {  	_ =	strace s3  }
0x95: {  	s3 =	sld [smem:$0x3FFD];
	_ =	sdelay $0x3  }
0x96: {  	_ =	strace s3  }
0x97: {  	_ =	strace $0x8FFFFFFF  }
0x98: {  	s19 =	sld [smem:$0x3FDB];
	_ =	sdelay $0x1  }
0x99: {  	s4 =	simm.s32 $_scs_section_size  }
0x9a: {  	s5 =	simm.s32 $_size__tile_overlayer_lowered;
	s6 =	simm.s32 $_tile_overlayer_lowered  }
0x9b: {  	s22 =	simm.s32 $0x1BFF;
	s21 =	sshll.u32 s6, $0x1;
	s3 =	sadd.s32 s4, s19  }
0x9c: {  	s7 =	simm.s32 $0x0;
	s20 =	sshll.u32 s5, $0x1;
	s5 =	sadd.s32 s21, s3  }
0x9d: {  	[timem:s7], [sflag:s22] =	dma.local [hbm:s5], s20  }
0x9e: {  	_ =	swait.ge [sflag:s22], s20  }
0x9f: {  	s4 =	ssub.s32 $0x0, s20;
	[sflag:s22] =	ssyncset.done $0x0  }
0xa0: {  	[sflag:s22] =	ssyncadd.s32 s4;
	_ =	sdelay $0x1  }
0xa1: {  	s23 =	simm.s32 $0x1B8B  }
0xa2: {  	_ =	swait.ge [sflag:s23], $0x1  }
0xa3: {  	[sflag:s23] =	ssyncset.done $0x0  }
0xa4: {  	s25 =	simm.s32 $0x1B8E;
	s24 =	sld [smem:$0x3FFE];
	[sflag:s23] =	ssyncadd.s32 $0xFFFFFFFF  }
0xa5: {  	s26 =	simm.s32 $execute0_lowered;
	[smem:$0x3FD2] =	sst s25  }
0xa6: {  	s5 =	sshll.u32 s26, $0x1;
	_ =	strace $0x80000046;
	[dreg:$0x1] =	wrdreg $0xFFFFFFFF  }
0xa7: {  	s28 =	simm.s32 $_size_execute0_lowered;
	s3 =	sadd.s32 s3, s5;
	[dreg:$0x0] =	wrdreg $0x0  }
0xa8: {  	s5 =	sshll.u32 s28, $0x1;
	[dreg:$0x2] =	wrdreg s3  }
0xa9: {  	[dreg:$0x3] =	wrdreg s5  }
0xaa: {  	[dreg:$0x4] =	wrdreg $0xC0  }
0xab: {  	_ =	task [dreg:s7], $0x5FFFF  }
0xac: {  	[dreg:$0x1] =	wrdreg $0xFFFFFFFF  }
0xad: {  	[dreg:$0x0] =	wrdreg $0x60  }
0xae: {  	[dreg:$0x2] =	wrdreg s24  }
0xaf: {  	[dreg:$0x3] =	wrdreg s2  }
0xb0: {  	[dreg:$0x4] =	wrdreg $0x9  }
0xb1: {  	_ =	task.clear_ibuf [dreg:s7], $0x5FFFF;
	_ =	strace $0x90000046  }
0xb2: {  	s29 =	simm.s32 $0x9;
	_ =	strace $0x80000048  }
0xb3: {  	_ =	swait.ge [sflag:s29], $0x1  }
0xb4: {  	[sflag:s29] =	ssyncadd.s32 $0xFFFFFFFF  }
0xb5: {  	_ =	strace $0x90000048  }
0xb6: {  	_ =	sfence  }
0xb7: {  	s30 =	sld [smem:$0x0];
	_ =	sdelay $0x2  }
0xb8: {  	s31 =	sshll.u32 s1, $0xD;
	s1 =	sshrl.u32 s1, $0x2  }
0xb9: {  	s3 =	sand.u32 $0x4000, s31;
	s1 =	sadd.s32 s1, s30  }
0xba: {  	s0 =	sor.u32 s3, s0;
	s1 =	sshll.u32 s1, $0x11  }
0xbb: {  	s0 =	sor.u32 s1, s0  }
0xbc: {  	s0 =	sadd.s32 $0x8F2B, s0  }
0xbd: {  	[sflag:s0] =	ssyncadd.remote.s32 $0x1  }
0xbe: {  	_ =	sfence.sel $0xFFFF  }
0xbf: {  	[dreg:$0x0] =	wrdreg $0xFFFFFFFF;
	(pc) =	sbr.abs _section_cstart, $3  }
0xc0: {  	[dreg:$0x1] =	wrdreg $0xFFFFFFFF  }
0xc1: {  	_ =	task.clear_ibuf [dreg:s7], $0x2FFFF;
	_ =	strace $0x9FFFFFFF  }
0xc2: {  	(tm) =	ssettm $0x7FFFFFFF  }
0xc3: {  	_ =	shalt  }
tec
execute0_lowered:
.L_overlay_start_1:
0x0: {  	(tag) =	ssettag $0x1  }
0x1: {  	s14 =	stileid.u32;
	s0 =	rddreg [dreg:$0x0]  }
0x2: {  	s1 =	srdreg.scid;
	s4 =	rddreg [dreg:$0x1]  }
0x3: {  	s28 =	simm.s32 $0x10900;
	s29 =	simm.s32 $0xFC80;
	s30 =	simm.s32 $0x11580  }
0x4: {  	s2 =	sshrl.u32 s14, $0x3;
	s1 =	sand.u32 $0x1, s1;
	s9 =	smul.u32 $0x2710, s14  }
0x5: {  	s6 =	sshll.u32 s14, $0x7;
	s17 =	sadd.s32 $0x17600, s0;
	s5 =	smul.u32 $0x14000, s2  }
0x6: {  	s18 =	sadd.s32 $0x17C00, s0;
	s2 =	simm.s32 $0x0;
	s3 =	smul.u32 $0x28000, s1  }
0x7: {  	s7 =	sand.u32 $0x380, s6;
	s8 =	smul.u32 $0x27100, s1;
	s13 =	ssub.s32 $0x2, s1  }
0x8: {  	p0 =	seq.s32 s1, $0x0;
	[smem:$0x7FF] =	sst s2;
	s11 =	sshrl.u32 s13, $0x1  }
0x9: {  	_ =	strace $0x80000047;
	s12 =	sadd.s32 s3, s5;
	s3 =	sadd.s32 $0x3C00, s0  }
0xa: {  	s9 =	sadd.s32 s9, s8;
	s11 =	ssub.s32 s13, s11;
	s15 =	sor.u32 s7, s5  }
0xb: {  	s13 =	smul.u32 $0x50000, s1;
	s16 =	sshrl.u32 s8, $0x3;
	s6 =	sor.u32 s7, s12  }
0xc: {  	s9 =	sshrl.u32 s9, $0x3;
	s12 =	sshrl.u32 s15, $0x3;
	s21 =	sadd.s32 s3, s16  }
0xd: {  	s15 =	sadd.s32 $0x2580, s8;
	s26 =	smax.u32 s11, $0x1;
	s16 =	simm.s32 $0x400  }
0xe: {  	s6 =	sshrl.u32 s6, $0x3;
	s19 =	sadd.s32 s13, s5;
	s31 =	sadd.s32 $0x9C40, s21  }
0xf: {  	s22 =	sadd.s32 $0x190, s21;
	s23 =	sadd.s32 $0x9DD0, s21;
	[dreg:$0x8] =	wrdreg s26  }
0x10: {  	s13 =	simm.s32 $0x80;
	s26 =	simm.s32 $0xF000;
	s10 =	sadd.s32 s6, s0  }
0x11: {  	s0 =	sadd.s32 $0x18200, s0;
	s6 =	sadd.s32 s3, s9;
	s9 =	sadd.s32 s4, s12  }
0x12: {  	s12 =	sor.u32 s14, s1;
	[dreg:$0x3] =	wrdreg s22;
	s4 =	sor.u32 s7, s19  }
0x13: {  	[dreg:$0x4] =	wrdreg s23;
	s14 =	sadd.s32 $0x1900, s8;
	s19 =	simm.s32 $0x2800  }
0x14: {  	s22 =	simm.s32 $0x5000;
	s1 =	simm.s32 $0xC800;
	s23 =	simm.s32 $0x7800  }
0x15: {  	s20 =	sadd.s32 $0x9C40, s6;
	s24 =	sadd.s32 $0x2C200, s10;
	s25 =	sadd.s32 $0x28000, s4  }
0x16: {  	s4 =	sshrl.u32 s4, $0x3;
	p1 =	sne.s32 s12, $0x0;
	[dreg:$0x5] =	wrdreg s24  }
0x17: {  	s5 =	sshrl.u32 s25, $0x3;
	s4 =	sadd.s32 s0, s4;
	s25 =	simm.s32 $0x1  }
0x18: {  	s24 =	simm.s32 $0xA000;
	[dreg:$0x6] =	wrdreg s4;
	s0 =	sadd.s32 s0, s5  }
0x19: {  	v0 =	vimm.f32 $0.0e+00;
	s4 =	simm.s32 $0x2;
	s5 =	simm.s32 $0x0;
	[dreg:$0x7] =	wrdreg s0  }
.LBB2_1:
0x1a: {  	[tilespmem:s2], [sflag:$0x1] =	stream.linear.gather [hbm4b:s17+s2], $0x2800, $0x38;
	[tilespmem:$0x17100] =	vst v63  }
0x1b: {  	_ = 	snop  }
0x1c: {  	[tilespmem:s19], [sflag:$0x1] =	stream.linear.gather [hbm4b:s18+s2], $0x2800, $0x38;
	[tilespmem:$0x17100] =	vst v63  }
0x1d: {  	_ = 	snop  }
0x1e: {  	[tilespmem:s22], [sflag:$0x1] =	stream.strided.gather [hbm4b:s9+s13], $0x2800, s16, s13, $0x38;
	[tilespmem:$0x17100] =	vst v63  }
0x1f: {  	s0 =	simm.s32 $0x12200  }
0x20: {  	[tilespmem:s0], [sflag:$0x3] =	stream.linear.gather [hbm4b:s6+s2], $0x2710, $0x38;
	[tilespmem:$0x17100] =	vst v63  }
0x21: {  	s12 =	simm.s32 $0x14980;
	s7 =	simm.s32 $0xC820  }
0x22: {  	[tilespmem:s12], [sflag:$0x3] =	stream.linear.gather [hbm4b:s20+s2], $0x2710, $0x38;
	[tilespmem:$0x17100] =	vst v63  }
0x23: {  	[tilespmem:s7+$0xFFFFFFE0] =	vst v0  }
0x24: {  	[tilespmem:s7+$0x10] =	vst v0  }
0x25: {  	s8 =	simm.s32 $0x0;
	[tilespmem:s7+$0x0] =	vst v0  }
.LBB2_2:
0x26: {  	s8 =	sadd.s32 $0x4, s8  }
0x27: {  	[tilespmem:s7+$0xFFFFFFF0] =	vst v0;
	s7 =	sadd.s32 $0x40, s7;
	p2 =	slt.u32 s8, $0x27C  }
.Ltmp0:
0x28: {  	[tilespmem:s7+$0xFFFFFFE0] =	vst v0;
	(pc) =	sbr.rel @p2 .LBB2_2-.Ltmp0, $3  }
0x29: {  	_ =	sdelay $0x1  }
0x2a: {  	[tilespmem:s7+$0x10] =	vst v0  }
0x2b: {  	[tilespmem:s7+$0x0] =	vst v0  }
.Ltmp1:
0x2c: {  	(pc) =	sbr.rel @!p0 .LBB2_4-.Ltmp1, $2  }
0x2d: {  	_ =	sdelay $0x2  }
0x2e: {  	[tilespmem:s7+$0xFFFFFFF0] =	vst v0  }
0x2f: {  	_ =	swait.ge [sflag:s25], $0x2800  }
0x30: {  	[sflag:s25] =	ssyncset.done $0x0  }
0x31: {  	[sflag:s25] =	ssyncadd.s32 $0xFFFFD800  }
0x32: {  	_ =	swait.ge [sflag:s25], $0x2800  }
0x33: {  	[sflag:s25] =	ssyncset.done $0x0  }
0x34: {  	[sflag:s25] =	ssyncadd.s32 $0xFFFFD800  }
0x35: {  	_ =	swait.ge [sflag:s25], $0x2800  }
0x36: {  	[sflag:s25] =	ssyncset.done $0x0  }
0x37: {  	s7 =	simm.s32 $0x20;
	[sflag:s25] =	ssyncadd.s32 $0xFFFFD800  }
0x38: {  	s8 =	simm.s32 $0x2820;
	v1 =	vld [tilespmem:s7+$0x10]  }
0x39: {  	v2 =	vld [tilespmem:s8+$0x10]  }
0x3a: {  	v4 =	vld [tilespmem:s7+$0xFFFFFFF0]  }
0x3b: {  	v5 =	vld [tilespmem:s8+$0xFFFFFFF0]  }
0x3c: {  	v3 =	vld [tilespmem:s8+$0xFFFFFFE0]  }
0x3d: {  	v6 =	vld [tilespmem:s8+$0x0]  }
0x3e: {  	v8 =	vld [tilespmem:s7+$0xFFFFFFE0];
	v1 =	vadd.f32 v2, v1  }
0x3f: {  	v2 =	vld [tilespmem:s7+$0x0]  }
0x40: {  	s13 =	simm.s32 $0x60;
	v4 =	vadd.f32 v5, v4;
	v7 =	vmul.f32 $2.000000030e-01, v1  }
0x41: {  	s16 =	simm.s32 $0x2860;
	v5 =	vld [tilespmem:s13+$0x10];
	vm0 =	vge.f32 v1, $0.0e+00  }
0x42: {  	v9 =	vmul.f32 $2.000000030e-01, v4;
	v1 =	vsel vm0, v1, v7;
	v7 =	vld [tilespmem:s16+$0x10]  }
0x43: {  	vm0 =	vge.f32 v4, $0.0e+00;
	v1 =	vmul.f32 $1.442695020e+00, v1  }
0x44: {  	s10 =	simm.s32 $0x5020;
	v11 =	vld [tilespmem:s16+$0xFFFFFFF0];
	v3 =	vadd.f32 v3, v8;
	v2 =	vadd.f32 v6, v2;
	v4 =	vsel vm0, v4, v9  }
0x45: {  	v6 =	vld [tilespmem:s10+$0x10];
	v4 =	vmul.f32 $1.442695020e+00, v4;
	(erf) = vpow2.f32 v1  }
0x46: {  	v10 =	vmul.f32 $2.000000030e-01, v3;
	v9 =	vld [tilespmem:s13+$0xFFFFFFF0];
	v8 =	vmul.f32 $2.000000030e-01, v2  }
0x47: {  	vm0 =	vge.f32 v2, $0.0e+00;
	(erf) = vpow2.f32 v4;
	v4 =	vld [tilespmem:s16+$0x0];
	v5 =	vadd.f32 v7, v5  }
0x48: {  	vm1 =	vge.f32 v3, $0.0e+00;
	v2 =	vsel vm0, v2, v8;
	v8 =	vld [tilespmem:s13+$0x0]  }
0x49: {  	v3 =	vsel vm1, v3, v10;
	v1 =	vld [tilespmem:s16+$0xFFFFFFE0];
	v2 =	vmul.f32 $1.442695020e+00, v2;
	v10 =	vmul.f32 $2.000000030e-01, v5  }
0x4a: {  	v3 =	vmul.f32 $1.442695020e+00, v3;
	v7 =	vld [tilespmem:s13+$0xFFFFFFE0];
	vm0 =	vge.f32 v5, $0.0e+00  }
0x4b: {  	s8 =	simm.s32 $0x5060;
	v9 =	vadd.f32 v11, v9;
	(erf) = vpow2.f32 v2;
	v2 =	vsel vm0, v5, v10  }
0x4c: {  	v57 =	vld [tilespmem:s8+$0x10];
	(erf) = vpow2.f32 v3;
	v2 =	vmul.f32 $1.442695020e+00, v2  }
0x4d: {  	v11 =	vld [tilespmem:s10+$0xFFFFFFF0];
	v12 =	vmul.f32 $2.000000030e-01, v9;
	v3 =	vshll.u32 v6, $0x10;
	v4 =	vadd.f32 v4, v8  }
0x4e: {  	s0 =	smov.u32 s31;
	s31 =	smov.u32 s21;
	s21 =	smov.u32 s20;
	v10 =	vld [tilespmem:s10+$0xFFFFFFE0];
	v6 =	vand.u32 $0xFFFF0000, v6;
	vm0 =	vge.f32 v9, $0.0e+00;
	v5 =	vpop (erf);
	(erf) = vpow2.f32 v2  }
0x4f: {  	s20 =	smov.u32 s9;
	s9 =	smov.u32 s6;
	v8 =	vld [tilespmem:s10+$0x0];
	v1 =	vadd.f32 v1, v7;
	s10 =	simm.s32 $0x28A0;
	v2 =	vmul.f32 v6, v5;
	v6 =	vmul.f32 $2.000000030e-01, v4  }
0x50: {  	s6 =	smov.u32 s18;
	s18 =	smov.u32 s17;
	s17 =	simm.s32 $0xA0;
	v7 =	vsel vm0, v9, v12;
	v9 =	vld [tilespmem:s10+$0x10]  }
0x51: {  	vm0 =	vge.f32 v4, $0.0e+00;
	v56 =	vmul.f32 $2.000000030e-01, v1;
	v3 =	vmul.f32 v3, v5;
	v5 =	vld [tilespmem:s17+$0x10]  }
0x52: {  	v19 =	vld [tilespmem:s17+$0x0];
	v7 =	vmul.f32 $1.442695020e+00, v7;
	vm1 =	vge.f32 v1, $0.0e+00;
	v4 =	vsel vm0, v4, v6  }
0x53: {  	v58 =	vld [tilespmem:s17+$0xFFFFFFE0];
	v59 =	vshll.u32 v57, $0x10;
	v1 =	vsel vm1, v1, v56;
	v4 =	vmul.f32 $1.442695020e+00, v4;
	v6 =	vpop (erf)  }
0x54: {  	v17 =	vshll.u32 v11, $0x10;
	v18 =	vld [tilespmem:s10+$0xFFFFFFF0];
	v1 =	vmul.f32 $1.442695020e+00, v1;
	v15 =	vpop (erf);
	(erf) = vpow2.f32 v7  }
0x55: {  	s11 =	simm.s32 $0x7820;
	v11 =	vand.u32 $0xFFFF0000, v11;
	v14 =	vshll.u32 v10, $0x10;
	v7 =	vld [tilespmem:s17+$0xFFFFFFF0];
	v16 =	vpop (erf);
	(erf) = vpow2.f32 v4  }
0x56: {  	s13 =	simm.s32 $0xA020;
	v13 =	vld [tilespmem:s10+$0xFFFFFFE0];
	[tilespmem:s11+$0x10] =	vst v3;
	v3 =	vadd.f32 v9, v5;
	(erf) = vpow2.f32 v1;
	v1 =	vmul.f32 v14, v16  }
0x57: {  	v10 =	vand.u32 $0xFFFF0000, v10;
	[tilespmem:s13+$0x10] =	vst v2;
	v9 =	vld [tilespmem:s10+$0x0];
	v5 =	vmul.f32 v17, v6;
	v11 =	vmul.f32 v11, v6  }
0x58: {  	v4 =	vmul.f32 v10, v16;
	v10 =	vmul.f32 $2.000000030e-01, v3;
	v60 =	vpop (erf);
	[tilespmem:s11+$0xFFFFFFE0] =	vst v1;
	v1 =	vand.u32 $0xFFFF0000, v57  }
0x59: {  	v62 =	vand.u32 $0xFFFF0000, v8;
	vm0 =	vge.f32 v3, $0.0e+00;
	[tilespmem:s11+$0xFFFFFFF0] =	vst v5;
	v1 =	vmul.f32 v1, v60  }
0x5a: {  	[tilespmem:s13+$0xFFFFFFF0] =	vst v11;
	v61 =	vmul.f32 v59, v60;
	v3 =	vsel vm0, v3, v10;
	v6 =	vadd.f32 v18, v7  }
0x5b: {  	s7 =	simm.s32 $0x7860;
	v2 =	vshll.u32 v8, $0x10;
	v8 =	vadd.f32 v13, v58;
	[tilespmem:s13+$0xFFFFFFE0] =	vst v4;
	v4 =	vld [tilespmem:s8+$0xFFFFFFE0];
	v63 =	vmul.f32 $1.442695020e+00, v3  }
0x5c: {  	s12 =	simm.s32 $0xA060;
	v5 =	vmul.f32 v2, v15;
	v2 =	vld [tilespmem:s8+$0x0];
	v7 =	vadd.f32 v9, v19;
	[tilespmem:s7+$0x10] =	vst v61;
	v10 =	vmul.f32 $2.000000030e-01, v6  }
0x5d: {  	s16 =	simm.s32 $0x8;
	s17 =	simm.s32 $0xE0;
	v3 =	vld [tilespmem:s8+$0xFFFFFFF0];
	v9 =	vmul.f32 v62, v15;
	vm0 =	vge.f32 v6, $0.0e+00;
	[tilespmem:s12+$0x10] =	vst v1;
	v1 =	vpop (erf);
	(erf) = vpow2.f32 v63  }
.LBB2_8:
0x5e: {  	v11 =	vld [tilespmem:s17+$0x10];
	v6 =	vsel vm0, v6, v10;
	vm0 =	vge.f32 v7, $0.0e+00;
	v10 =	vmul.f32 $2.000000030e-01, v7;
	s10 =	sadd.s32 $0x40, s10;
	v12 =	vpop (erf);
	[tilespmem:s11+$0x0] =	vst v5;
	s11 =	smov.u32 s7  }
0x5f: {  	v5 =	vld [tilespmem:s10+$0x10];
	vm1 =	vge.f32 v8, $0.0e+00;
	v13 =	vmul.f32 $2.000000030e-01, v8;
	v6 =	vmul.f32 $1.442695020e+00, v6;
	v14 =	vpop (erf);
	[tilespmem:s13+$0x0] =	vst v9;
	s13 =	smov.u32 s12  }
0x60: {  	s16 =	sadd.s32 $0x4, s16;
	s8 =	sadd.s32 $0x40, s8;
	v9 =	vld [tilespmem:s10+$0xFFFFFFE0];
	v7 =	vsel vm0, v7, v10;
	v10 =	vshll.u32 v4, $0x10;
	v4 =	vand.u32 $0xFFFF0000, v4  }
0x61: {  	p2 =	slt.u32 s16, $0x26C;
	v8 =	vsel vm1, v8, v13;
	v7 =	vmul.f32 $1.442695020e+00, v7;
	v13 =	vld [tilespmem:s8+$0x10];
	(erf) = vpow2.f32 v6  }
0x62: {  	v15 =	vshll.u32 v3, $0x10;
	v3 =	vand.u32 $0xFFFF0000, v3;
	v6 =	vld [tilespmem:s17+$0xFFFFFFF0];
	v8 =	vmul.f32 $1.442695020e+00, v8  }
0x63: {  	v17 =	vand.u32 $0xFFFF0000, v2;
	v16 =	vld [tilespmem:s10+$0xFFFFFFF0];
	(erf) = vpow2.f32 v7;
	v7 =	vshll.u32 v2, $0x10  }
0x64: {  	v18 =	vld [tilespmem:s17+$0x0];
	v2 =	vadd.f32 v5, v11;
	(erf) = vpow2.f32 v8;
	v5 =	vmul.f32 v10, v14  }
0x65: {  	v10 =	vmul.f32 v4, v14;
	v11 =	vmul.f32 v15, v1;
	v8 =	vld [tilespmem:s10+$0x0]  }
0x66: {  	v21 =	vmul.f32 v3, v1;
	v14 =	vld [tilespmem:s17+$0xFFFFFFE0];
	v15 =	vmul.f32 $2.000000030e-01, v2;
	v19 =	vshll.u32 v13, $0x10;
	v20 =	vpop (erf);
	[tilespmem:s7+$0xFFFFFFE0] =	vst v5  }
.Ltmp2:
0x67: {  	vm0 =	vge.f32 v2, $0.0e+00;
	v1 =	vand.u32 $0xFFFF0000, v13;
	v4 =	vld [tilespmem:s8+$0xFFFFFFE0];
	v5 =	vmul.f32 v19, v20;
	[tilespmem:s12+$0xFFFFFFE0] =	vst v10;
	(pc) =	sbr.rel @p2 .LBB2_8-.Ltmp2, $4  }
0x68: {  	s7 =	sadd.s32 $0x40, s7;
	v13 =	vmul.f32 v1, v20;
	v6 =	vadd.f32 v16, v6;
	v2 =	vsel vm0, v2, v15;
	v3 =	vld [tilespmem:s8+$0xFFFFFFF0];
	[tilespmem:s11+$0xFFFFFFF0] =	vst v11  }
0x69: {  	s12 =	sadd.s32 $0x40, s12;
	v11 =	vmul.f32 $1.442695020e+00, v2;
	v2 =	vld [tilespmem:s8+$0x0];
	[tilespmem:s7+$0x10] =	vst v5;
	v5 =	vmul.f32 v7, v12  }
0x6a: {  	vm0 =	vge.f32 v6, $0.0e+00;
	v10 =	vmul.f32 $2.000000030e-01, v6;
	v7 =	vadd.f32 v8, v18;
	[tilespmem:s12+$0x10] =	vst v13;
	v1 =	vpop (erf)  }
0x6b: {  	s17 =	sadd.s32 $0x40, s17;
	v8 =	vadd.f32 v9, v14;
	(erf) = vpow2.f32 v11;
	[tilespmem:s13+$0xFFFFFFF0] =	vst v21;
	v9 =	vmul.f32 v17, v12  }
0x6c: {  	v11 =	vmul.f32 $2.000000030e-01, v7  }
0x6d: {  	v6 =	vsel vm0, v6, v10;
	vm14 =	vge.f32 v7, $0.0e+00;
	v44 =	vmul.f32 $2.000000030e-01, v8  }
0x6e: {  	vm1 =	vge.f32 v8, $0.0e+00;
	v6 =	vmul.f32 $1.442695020e+00, v6;
	v7 =	vsel vm14, v7, v11  }
0x6f: {  	v8 =	vsel vm1, v8, v44;
	v7 =	vmul.f32 $1.442695020e+00, v7  }
0x70: {  	(erf) = vpow2.f32 v6;
	v45 =	vmul.f32 $1.442695020e+00, v8  }
0x71: {  	v47 =	vpop (erf);
	(erf) = vpow2.f32 v7  }
0x72: {  	s8 =	sadd.s32 $0x40, s8;
	v49 =	vshll.u32 v4, $0x10;
	v48 =	vpop (erf);
	(erf) = vpow2.f32 v45  }
0x73: {  	[tilespmem:s11+$0x0] =	vst v5;
	v46 =	vld [tilespmem:s8+$0x10];
	v52 =	vshll.u32 v3, $0x10;
	v51 =	vmul.f32 v49, v48  }
0x74: {  	v50 =	vand.u32 $0xFFFF0000, v4;
	[tilespmem:s13+$0x0] =	vst v9;
	v53 =	vmul.f32 v52, v1  }
0x75: {  	v3 =	vand.u32 $0xFFFF0000, v3;
	v57 =	vld [tilespmem:s8+$0xFFFFFFF0];
	v4 =	vmul.f32 v50, v48;
	[tilespmem:s7+$0xFFFFFFE0] =	vst v51  }
0x76: {  	v56 =	vld [tilespmem:s8+$0xFFFFFFE0];
	v58 =	vshll.u32 v2, $0x10;
	v1 =	vmul.f32 v3, v1;
	[tilespmem:s7+$0xFFFFFFF0] =	vst v53  }
0x77: {  	v2 =	vand.u32 $0xFFFF0000, v2;
	v6 =	vmul.f32 v58, v47;
	[tilespmem:s12+$0xFFFFFFE0] =	vst v4  }
0x78: {  	[tilespmem:s12+$0xFFFFFFF0] =	vst v1;
	v1 =	vmul.f32 v2, v47;
	v54 =	vshll.u32 v46, $0x10;
	v55 =	vpop (erf)  }
0x79: {  	v59 =	vld [tilespmem:s8+$0x0];
	[tilespmem:s7+$0x0] =	vst v6;
	v8 =	vand.u32 $0xFFFF0000, v46;
	v9 =	vmul.f32 v54, v55;
	v3 =	vpop (erf)  }
0x7a: {  	s10 =	sadd.s32 $0x40, s7;
	[tilespmem:s12+$0x0] =	vst v1;
	v1 =	vshll.u32 v57, $0x10;
	v8 =	vmul.f32 v8, v55;
	v60 =	vpop (erf)  }
0x7b: {  	s17 =	sadd.s32 $0x40, s12;
	v61 =	vshll.u32 v56, $0x10;
	[tilespmem:s10+$0x10] =	vst v9;
	v1 =	vmul.f32 v1, v3;
	v2 =	vpop (erf)  }
0x7c: {  	v5 =	vand.u32 $0xFFFF0000, v56;
	[tilespmem:s17+$0x10] =	vst v8;
	v62 =	vmul.f32 v61, v2  }
0x7d: {  	v4 =	vand.u32 $0xFFFF0000, v57;
	[tilespmem:s10+$0xFFFFFFF0] =	vst v1;
	v2 =	vmul.f32 v5, v2  }
0x7e: {  	v63 =	vshll.u32 v59, $0x10;
	v3 =	vmul.f32 v4, v3;
	[tilespmem:s10+$0xFFFFFFE0] =	vst v62  }
0x7f: {  	v1 =	vmul.f32 v63, v60;
	[tilespmem:s17+$0xFFFFFFE0] =	vst v2;
	v2 =	vand.u32 $0xFFFF0000, v59  }
0x80: {  	[tilespmem:s17+$0xFFFFFFF0] =	vst v3;
	v2 =	vmul.f32 v2, v60  }
0x81: {  	[tilespmem:s10+$0x0] =	vst v1  }
0x82: {  	[tilespmem:s17+$0x0] =	vst v2  }
0x83: {  	v1 =	vld [tilespmem:$0x2700]  }
0x84: {  	v2 =	vld [tilespmem:$0x4F00];
	_ =	sdelay $0x4  }
0x85: {  	v1 =	vadd.f32 v2, v1;
	_ =	sdelay $0x1  }
0x86: {  	v2 =	vmul.f32 $2.000000030e-01, v1  }
0x87: {  	vm15 =	vge.f32 v1, $0.0e+00  }
0x88: {  	v1 =	vsel vm15, v1, v2  }
0x89: {  	v1 =	vmul.f32 $1.442695020e+00, v1;
	_ =	sdelay $0x1  }
0x8a: {  	(erf) = vpow2.f32 v1;
	_ =	sdelay $0x3  }
0x8b: {  	v1 =	vld [tilespmem:$0x7700];
	_ =	sdelay $0x4  }
.Ltmp3:
0x8c: {  	v3 =	vshll.u32 v1, $0x10;
	v2 =	vpop (erf);
	(pc) =	sbr.rel .LBB2_10-.Ltmp3, $4  }
0x8d: {  	v1 =	vand.u32 $0xFFFF0000, v1;
	v3 =	vmul.f32 v3, v2  }
0x8e: {  	s16 =	simm.s32 $0x400;
	s13 =	simm.s32 $0x80;
	s17 =	smov.u32 s18;
	v1 =	vmul.f32 v1, v2  }
0x8f: {  	s18 =	smov.u32 s6;
	s6 =	smov.u32 s9;
	s9 =	smov.u32 s20;
	[tilespmem:$0x9F00] =	vst v3  }
0x90: {  	s20 =	smov.u32 s21;
	s21 =	smov.u32 s31;
	s31 =	smov.u32 s0;
	[tilespmem:$0xC700] =	vst v1  }
.LBB2_4:
0x91: {  	s8 =	simm.s32 $0x7820  }
0x92: {  	[tilespmem:s8+$0xFFFFFFF0] =	vst v0  }
0x93: {  	[tilespmem:s8+$0x0] =	vst v0  }
0x94: {  	[tilespmem:s8+$0x10] =	vst v0  }
0x95: {  	s7 =	simm.s32 $0xA020;
	[tilespmem:s8+$0xFFFFFFE0] =	vst v0  }
0x96: {  	[tilespmem:s7+$0xFFFFFFF0] =	vst v0  }
0x97: {  	[tilespmem:s7+$0x0] =	vst v0  }
0x98: {  	[tilespmem:s7+$0x10] =	vst v0  }
0x99: {  	s10 =	simm.s32 $0x7860;
	s8 =	simm.s32 $0x0;
	[tilespmem:s7+$0xFFFFFFE0] =	vst v0  }
.LBB2_5:
0x9a: {  	[tilespmem:s10+$0xFFFFFFF0] =	vst v0;
	s7 =	sadd.s32 $0x40, s7  }
0x9b: {  	s8 =	sadd.s32 $0x4, s8;
	[tilespmem:s7+$0xFFFFFFF0] =	vst v0  }
0x9c: {  	p2 =	slt.u32 s8, $0x27C;
	[tilespmem:s10+$0x0] =	vst v0  }
.Ltmp4:
0x9d: {  	[tilespmem:s7+$0x0] =	vst v0;
	(pc) =	sbr.rel @p2 .LBB2_5-.Ltmp4, $4  }
0x9e: {  	[tilespmem:s10+$0x10] =	vst v0  }
0x9f: {  	[tilespmem:s7+$0x10] =	vst v0  }
0xa0: {  	[tilespmem:s10+$0xFFFFFFE0] =	vst v0  }
0xa1: {  	s10 =	sadd.s32 $0x40, s10;
	[tilespmem:s7+$0xFFFFFFE0] =	vst v0  }
0xa2: {  	_ =	swait.ge [sflag:s25], $0x2800  }
0xa3: {  	[sflag:s25] =	ssyncset.done $0x0  }
0xa4: {  	[sflag:s25] =	ssyncadd.s32 $0xFFFFD800  }
0xa5: {  	_ =	swait.ge [sflag:s25], $0x2800  }
0xa6: {  	[sflag:s25] =	ssyncset.done $0x0  }
0xa7: {  	[sflag:s25] =	ssyncadd.s32 $0xFFFFD800  }
0xa8: {  	_ =	swait.ge [sflag:s25], $0x2800  }
0xa9: {  	[sflag:s25] =	ssyncset.done $0x0  }
0xaa: {  	[sflag:s25] =	ssyncadd.s32 $0xFFFFD800  }
.LBB2_10:
.Ltmp5:
0xab: {  	(pc) =	sbr.rel @p1 .LBB2_14-.Ltmp5, $1  }
0xac: {  	_ =	sdelay $0x3  }
0xad: {  	s7 =	simm.s32 $0x20  }
0xae: {  	s8 =	simm.s32 $0x2820;
	v1 =	vld [tilespmem:s7+$0x10]  }
0xaf: {  	v2 =	vld [tilespmem:s8+$0x10]  }
0xb0: {  	v3 =	vld [tilespmem:s8+$0xFFFFFFE0]  }
0xb1: {  	v4 =	vld [tilespmem:s7+$0xFFFFFFF0]  }
0xb2: {  	v5 =	vld [tilespmem:s8+$0xFFFFFFF0]  }
0xb3: {  	v6 =	vld [tilespmem:s7+$0x0]  }
0xb4: {  	s0 =	simm.s32 $0x60;
	v7 =	vld [tilespmem:s8+$0x0]  }
0xb5: {  	s10 =	simm.s32 $0x2860;
	v8 =	vld [tilespmem:s0+$0x10]  }
0xb6: {  	v10 =	vld [tilespmem:s10+$0x10]  }
0xb7: {  	v1 =	vadd.f32 v2, v1;
	v2 =	vld [tilespmem:s7+$0xFFFFFFE0];
	_ =	sdelay $0x1  }
0xb8: {  	v11 =	vld [tilespmem:s10+$0xFFFFFFF0];
	v9 =	vmul.f32 $2.000000030e-01, v1  }
0xb9: {  	v13 =	vld [tilespmem:s0+$0xFFFFFFE0];
	v4 =	vadd.f32 v5, v4;
	vm0 =	vge.f32 v1, $0.0e+00  }
0xba: {  	v5 =	vld [tilespmem:s10+$0xFFFFFFE0];
	v6 =	vadd.f32 v7, v6;
	v8 =	vadd.f32 v10, v8;
	v1 =	vsel vm0, v1, v9  }
0xbb: {  	v7 =	vmul.f32 $2.000000030e-01, v4;
	v9 =	vld [tilespmem:s0+$0xFFFFFFF0];
	v1 =	vmul.f32 $1.442695020e+00, v1;
	v2 =	vadd.f32 v3, v2  }
0xbc: {  	vm1 =	vge.f32 v6, $0.0e+00;
	v12 =	vmul.f32 $2.000000030e-01, v6;
	v58 =	vmul.f32 $2.000000030e-01, v8;
	v3 =	vld [tilespmem:s0+$0x0]  }
0xbd: {  	s11 =	simm.s32 $0xA0;
	vm0 =	vge.f32 v4, $0.0e+00;
	(erf) = vpow2.f32 v1;
	v1 =	vld [tilespmem:s10+$0x0];
	v10 =	vmul.f32 $2.000000030e-01, v2  }
0xbe: {  	s12 =	simm.s32 $0x28A0;
	v6 =	vsel vm1, v6, v12;
	v4 =	vsel vm0, v4, v7;
	v7 =	vld [tilespmem:s11+$0x10];
	vm2 =	vge.f32 v2, $0.0e+00  }
0xbf: {  	vm0 =	vge.f32 v8, $0.0e+00;
	v4 =	vmul.f32 $1.442695020e+00, v4;
	v2 =	vsel vm2, v2, v10;
	v10 =	vld [tilespmem:s12+$0x10]  }
0xc0: {  	v6 =	vmul.f32 $1.442695020e+00, v6;
	v5 =	vadd.f32 v5, v13;
	v9 =	vadd.f32 v11, v9  }
0xc1: {  	v60 =	vld [tilespmem:s11+$0x0];
	v8 =	vsel vm0, v8, v58;
	(erf) = vpow2.f32 v4;
	v2 =	vmul.f32 $1.442695020e+00, v2  }
0xc2: {  	v4 =	vld [tilespmem:s11+$0xFFFFFFF0];
	vm2 =	vge.f32 v5, $0.0e+00;
	v59 =	vmul.f32 $2.000000030e-01, v9;
	v1 =	vadd.f32 v1, v3  }
0xc3: {  	vm0 =	vge.f32 v9, $0.0e+00;
	v3 =	vmul.f32 $1.442695020e+00, v8;
	v8 =	vld [tilespmem:s12+$0xFFFFFFF0];
	(erf) = vpow2.f32 v2  }
0xc4: {  	v14 =	vld [tilespmem:s11+$0xFFFFFFE0];
	v9 =	vsel vm0, v9, v59;
	v2 =	vmul.f32 $2.000000030e-01, v1;
	v7 =	vadd.f32 v10, v7  }
0xc5: {  	v11 =	vld [tilespmem:s12+$0xFFFFFFE0];
	vm1 =	vge.f32 v1, $0.0e+00;
	(erf) = vpow2.f32 v3;
	v10 =	vmul.f32 $2.000000030e-01, v5  }
0xc6: {  	v3 =	vld [tilespmem:s12+$0x0];
	(erf) = vpow2.f32 v6;
	v2 =	vsel vm1, v1, v2;
	v6 =	vmul.f32 $2.000000030e-01, v7  }
0xc7: {  	s12 =	simm.s32 $0xE0;
	v1 =	vsel vm2, v5, v10;
	v5 =	vmul.f32 $1.442695020e+00, v9;
	vm0 =	vge.f32 v7, $0.0e+00  }
0xc8: {  	s10 =	simm.s32 $0x28E0;
	v61 =	vld [tilespmem:s12+$0x10];
	v15 =	vadd.f32 v8, v4;
	v4 =	vsel vm0, v7, v6  }
0xc9: {  	v9 =	vld [tilespmem:s10+$0x10];
	v7 =	vmul.f32 $1.442695020e+00, v4  }
0xca: {  	v8 =	vmul.f32 $1.442695020e+00, v1;
	v1 =	vld [tilespmem:s10+$0xFFFFFFE0];
	(erf) = vpow2.f32 v5;
	v6 =	vadd.f32 v11, v14  }
0xcb: {  	s7 =	simm.s32 $0xC820;
	v16 =	vmul.f32 $1.442695020e+00, v2;
	v2 =	vld [tilespmem:s12+$0xFFFFFFF0];
	v17 =	vmul.f32 $2.000000030e-01, v15;
	v13 =	vadd.f32 v3, v60;
	v5 =	vpop (erf)  }
0xcc: {  	v4 =	vld [tilespmem:s10+$0xFFFFFFF0];
	(erf) = vpow2.f32 v8;
	v10 =	vmul.f32 $2.000000030e-01, v6;
	[tilespmem:s7+$0x10] =	vst v5;
	v3 =	vpop (erf)  }
0xcd: {  	vm1 =	vge.f32 v15, $0.0e+00;
	v62 =	vmul.f32 $2.000000030e-01, v13;
	(erf) = vpow2.f32 v7;
	v5 =	vld [tilespmem:s10+$0x0];
	[tilespmem:s7+$0xFFFFFFF0] =	vst v3;
	v7 =	vpop (erf)  }
0xce: {  	s8 =	simm.s32 $0xC860;
	vm2 =	vge.f32 v13, $0.0e+00;
	v8 =	vadd.f32 v9, v61;
	v3 =	vld [tilespmem:s12+$0x0];
	(erf) = vpow2.f32 v16;
	v63 =	vpop (erf);
	[tilespmem:s7+$0xFFFFFFE0] =	vst v7  }
0xcf: {  	s11 =	simm.s32 $0xC;
	vm0 =	vge.f32 v6, $0.0e+00;
	v11 =	vsel vm1, v15, v17;
	v9 =	vsel vm2, v13, v62;
	v7 =	vld [tilespmem:s12+$0xFFFFFFE0];
	s12 =	simm.s32 $0x120;
	[tilespmem:s8+$0x10] =	vst v63  }
.LBB2_12:
0xd0: {  	v12 =	vld [tilespmem:s12+$0x10];
	v13 =	vmul.f32 $2.000000030e-01, v8;
	s10 =	sadd.s32 $0x40, s10;
	v6 =	vsel vm0, v6, v10;
	v10 =	vmul.f32 $1.442695020e+00, v11;
	v11 =	vpop (erf)  }
0xd1: {  	s11 =	sadd.s32 $0x4, s11;
	vm0 =	vge.f32 v8, $0.0e+00;
	v14 =	vld [tilespmem:s10+$0x10];
	v15 =	vadd.f32 v4, v2;
	v16 =	vmul.f32 $1.442695020e+00, v6;
	[tilespmem:s7+$0x0] =	vst v11;
	s7 =	smov.u32 s8  }
0xd2: {  	p2 =	slt.u32 s11, $0x26C;
	v17 =	vld [tilespmem:s10+$0xFFFFFFE0];
	v4 =	vsel vm0, v8, v13;
	v13 =	vmul.f32 $1.442695020e+00, v9;
	(erf) = vpow2.f32 v10  }
.Ltmp6:
0xd3: {  	v2 =	vld [tilespmem:s12+$0xFFFFFFF0];
	v9 =	vmul.f32 $2.000000030e-01, v15;
	v18 =	vadd.f32 v5, v3;
	v5 =	vmul.f32 $1.442695020e+00, v4;
	v3 =	vpop (erf);
	(pc) =	sbr.rel @p2 .LBB2_12-.Ltmp6, $4  }
0xd4: {  	vm1 =	vge.f32 v15, $0.0e+00;
	v4 =	vld [tilespmem:s10+$0xFFFFFFF0];
	v6 =	vadd.f32 v1, v7;
	(erf) = vpow2.f32 v16;
	[tilespmem:s8+$0xFFFFFFF0] =	vst v3  }
0xd5: {  	v3 =	vld [tilespmem:s12+$0x0];
	vm2 =	vge.f32 v18, $0.0e+00;
	v16 =	vmul.f32 $2.000000030e-01, v18;
	(erf) = vpow2.f32 v5;
	v7 =	vpop (erf)  }
0xd6: {  	s8 =	sadd.s32 $0x40, s8;
	v5 =	vld [tilespmem:s10+$0x0];
	v8 =	vadd.f32 v14, v12;
	vm0 =	vge.f32 v6, $0.0e+00;
	v10 =	vmul.f32 $2.000000030e-01, v6;
	v12 =	vpop (erf);
	[tilespmem:s7+$0xFFFFFFE0] =	vst v7  }
0xd7: {  	v11 =	vsel vm1, v15, v9;
	v7 =	vld [tilespmem:s12+$0xFFFFFFE0];
	s12 =	sadd.s32 $0x40, s12;
	v9 =	vsel vm2, v18, v16;
	[tilespmem:s8+$0x10] =	vst v12;
	(erf) = vpow2.f32 v13;
	v1 =	vmovc v17  }
0xd8: {  	_ =	sdelay $0x1  }
0xd9: {  	v12 =	vmul.f32 $2.000000030e-01, v8;
	v6 =	vsel vm0, v6, v10;
	v56 =	vmul.f32 $1.442695020e+00, v11  }
0xda: {  	vm13 =	vge.f32 v8, $0.0e+00;
	v59 =	vmul.f32 $1.442695020e+00, v9;
	v2 =	vadd.f32 v4, v2  }
0xdb: {  	v57 =	vmul.f32 $1.442695020e+00, v6;
	v58 =	vsel vm13, v8, v12;
	v1 =	vadd.f32 v1, v7  }
0xdc: {  	(erf) = vpow2.f32 v56;
	v3 =	vadd.f32 v5, v3;
	v60 =	vmul.f32 $2.000000030e-01, v2  }
0xdd: {  	v6 =	vmul.f32 $1.442695020e+00, v58;
	vm14 =	vge.f32 v2, $0.0e+00;
	v61 =	vmul.f32 $2.000000030e-01, v1  }
0xde: {  	(erf) = vpow2.f32 v57;
	v2 =	vsel vm14, v2, v60;
	vm2 =	vge.f32 v1, $0.0e+00  }
0xdf: {  	v62 =	vmul.f32 $2.000000030e-01, v3;
	v2 =	vmul.f32 $1.442695020e+00, v2;
	v1 =	vsel vm2, v1, v61  }
0xe0: {  	vm1 =	vge.f32 v3, $0.0e+00;
	(erf) = vpow2.f32 v6;
	v1 =	vmul.f32 $1.442695020e+00, v1  }
0xe1: {  	(erf) = vpow2.f32 v59;
	v3 =	vsel vm1, v3, v62  }
0xe2: {  	v63 =	vpop (erf);
	v3 =	vmul.f32 $1.442695020e+00, v3;
	(erf) = vpow2.f32 v2  }
0xe3: {  	[tilespmem:s7+$0x0] =	vst v63;
	v2 =	vpop (erf);
	(erf) = vpow2.f32 v1  }
0xe4: {  	[tilespmem:s8+$0xFFFFFFF0] =	vst v2;
	v1 =	vpop (erf);
	(erf) = vpow2.f32 v3  }
0xe5: {  	s11 =	sadd.s32 $0x40, s8;
	v2 =	vpop (erf);
	[tilespmem:s8+$0xFFFFFFE0] =	vst v1  }
0xe6: {  	v1 =	vpop (erf);
	[tilespmem:s11+$0x10] =	vst v2  }
0xe7: {  	v2 =	vpop (erf);
	[tilespmem:s8+$0x0] =	vst v1  }
0xe8: {  	[tilespmem:s11+$0xFFFFFFF0] =	vst v2;
	v1 =	vpop (erf)  }
0xe9: {  	s12 =	sadd.s32 $0x40, s11;
	v2 =	vpop (erf);
	[tilespmem:s11+$0xFFFFFFE0] =	vst v1  }
0xea: {  	[tilespmem:s12+$0x10] =	vst v2;
	v1 =	vpop (erf)  }
0xeb: {  	[tilespmem:s11+$0x0] =	vst v1;
	v1 =	vpop (erf)  }
0xec: {  	[tilespmem:s12+$0xFFFFFFF0] =	vst v1;
	v1 =	vpop (erf)  }
0xed: {  	[tilespmem:s12+$0xFFFFFFE0] =	vst v1;
	v1 =	vpop (erf)  }
0xee: {  	[tilespmem:s12+$0x0] =	vst v1  }
0xef: {  	v1 =	vld [tilespmem:$0x2700]  }
0xf0: {  	v2 =	vld [tilespmem:$0x4F00];
	_ =	sdelay $0x4  }
0xf1: {  	v1 =	vadd.f32 v2, v1;
	_ =	sdelay $0x1  }
0xf2: {  	v2 =	vmul.f32 $2.000000030e-01, v1  }
0xf3: {  	vm15 =	vge.f32 v1, $0.0e+00  }
0xf4: {  	v1 =	vsel vm15, v1, v2  }
0xf5: {  	v1 =	vmul.f32 $1.442695020e+00, v1;
	_ =	sdelay $0x1  }
0xf6: {  	(erf) = vpow2.f32 v1;
	_ =	sdelay $0x8  }
0xf7: {  	v1 =	vpop (erf)  }
0xf8: {  	[tilespmem:$0xEF00] =	vst v1  }
.LBB2_14:
0xf9: {  	[tilespmem:s26], [sflag:$0x1] =	stream.linear.gather [hbm4b:s21+s2], $0xC80, $0x38;
	[tilespmem:$0x17100] =	vst v63  }
0xfa: {  	_ = 	snop  }
0xfb: {  	[tilespmem:s28], [sflag:$0x1] =	stream.linear.gather [hbm4b:s31+s2], $0xC80, $0x38;
	[tilespmem:$0x17100] =	vst v63  }
0xfc: {  	s0 =	rddreg [dreg:$0x3]  }
0xfd: {  	[tilespmem:s29], [sflag:$0x2] =	stream.linear.gather [hbm4b:s0+s2], $0xC80, $0x38;
	[tilespmem:$0x17100] =	vst v63  }
0xfe: {  	s11 =	rddreg [dreg:$0x4];
	s12 =	simm.s32 $0x3  }
0xff: {  	[tilespmem:s30], [sflag:$0x2] =	stream.linear.gather [hbm4b:s11+s2], $0xC80, $0x38;
	[tilespmem:$0x17100] =	vst v63  }
0x100: {  	_ =	swait.ge [sflag:s12], $0x2710  }
0x101: {  	[sflag:s12] =	ssyncset.done $0x0  }
0x102: {  	[sflag:s12] =	ssyncadd.s32 $0xFFFFD8F0  }
0x103: {  	_ =	swait.ge [sflag:s12], $0x2710  }
0x104: {  	[sflag:s12] =	ssyncset.done $0x0  }
0x105: {  	s8 =	simm.s32 $0x12220;
	[sflag:s12] =	ssyncadd.s32 $0xFFFFD8F0  }
0x106: {  	v4 =	vld [tilespmem:s8+$0x10]  }
0x107: {  	s7 =	simm.s32 $0x149A0  }
0x108: {  	v2 =	vld [tilespmem:s7+$0x10]  }
0x109: {  	v1 =	vld [tilespmem:s7+$0xFFFFFFE0]  }
0x10a: {  	v5 =	vld [tilespmem:s8+$0xFFFFFFF0]  }
0x10b: {  	v3 =	vld [tilespmem:s7+$0xFFFFFFF0]  }
0x10c: {  	v6 =	vld [tilespmem:s8+$0x0]  }
0x10d: {  	v7 =	vld [tilespmem:s8+$0xFFFFFFE0]  }
0x10e: {  	v8 =	vld.idx.msk [tilespmem:v4+s2+$0x0], $0xffff  }
0x10f: {  	v4 =	vld [tilespmem:s7+$0x0]  }
0x110: {  	v9 =	vld.idx.msk [tilespmem:v2+s19+$0x0], $0xffff;
	_ =	sdelay $0x1  }
0x111: {  	v10 =	vld.idx.msk [tilespmem:v5+s2+$0x0], $0xffff  }
0x112: {  	v11 =	vld.idx.msk [tilespmem:v3+s19+$0x0], $0xffff  }
0x113: {  	v5 =	vld.idx.msk [tilespmem:v1+s19+$0x0], $0xffff  }
0x114: {  	v6 =	vld.idx.msk [tilespmem:v6+s2+$0x0], $0xffff;
	v12 =	vadd.f32 v9, v8  }
0x115: {  	v8 =	vld.idx.msk [tilespmem:v7+s2+$0x0], $0xffff  }
0x116: {  	v13 =	vmul.f32 $2.000000030e-01, v12;
	v7 =	vld.idx.msk [tilespmem:v4+s19+$0x0], $0xffff  }
0x117: {  	vm0 =	vge.f32 v12, $0.0e+00  }
0x118: {  	s10 =	simm.s32 $0x12260;
	s8 =	simm.s32 $0x0;
	v9 =	vadd.f32 v11, v10;
	v10 =	vsel vm0, v12, v13  }
.LBB2_15:
0x119: {  	v11 =	vld [tilespmem:s10+$0x10];
	v10 =	vmul.f32 $1.442695020e+00, v10;
	s7 =	sadd.s32 $0x40, s7  }
0x11a: {  	s8 =	sadd.s32 $0x4, s8;
	v5 =	vadd.f32 v5, v8;
	v12 =	vld [tilespmem:s7+$0x10];
	vm0 =	vge.f32 v9, $0.0e+00;
	v8 =	vmul.f32 $2.000000030e-01, v9  }
0x11b: {  	p2 =	slt.u32 s8, $0x26C;
	v6 =	vadd.f32 v7, v6;
	v13 =	vld [tilespmem:s7+$0xFFFFFFE0];
	(erf) = vpow2.f32 v10  }
0x11c: {  	vm1 =	vge.f32 v5, $0.0e+00;
	v10 =	vmul.f32 $2.000000030e-01, v5;
	v7 =	vld [tilespmem:s10+$0xFFFFFFF0];
	v8 =	vsel vm0, v9, v8  }
0x11d: {  	vm0 =	vge.f32 v6, $0.0e+00;
	v14 =	vmul.f32 $2.000000030e-01, v6;
	v9 =	vld [tilespmem:s7+$0xFFFFFFF0];
	v8 =	vmul.f32 $1.442695020e+00, v8  }
0x11e: {  	v5 =	vsel vm1, v5, v10;
	v15 =	vld [tilespmem:s10+$0x0]  }
0x11f: {  	v5 =	vmul.f32 $1.442695020e+00, v5;
	v6 =	vsel vm0, v6, v14;
	v16 =	vld [tilespmem:s7+$0x0];
	(erf) = vpow2.f32 v8  }
0x120: {  	v6 =	vmul.f32 $1.442695020e+00, v6;
	v8 =	vld [tilespmem:s10+$0xFFFFFFE0]  }
0x121: {  	v10 =	vld.idx.msk [tilespmem:v11+s2+$0x0], $0xffff;
	(erf) = vpow2.f32 v5  }
0x122: {  	v11 =	vld.idx.msk [tilespmem:v12+s19+$0x0], $0xffff;
	(erf) = vpow2.f32 v6  }
0x123: {  	v5 =	vld.idx.msk [tilespmem:v13+s19+$0x0], $0xffff  }
0x124: {  	v14 =	vld.idx.msk [tilespmem:v7+s2+$0x0], $0xffff;
	v6 =	vpop (erf)  }
0x125: {  	[tilespmem:v2+s1+$0x0] =	vst.idx.add.f32.msk $0xffff, v6;
	v2 =	vmov v12  }
0x126: {  	v12 =	vld.idx.msk [tilespmem:v9+s19+$0x0], $0xffff  }
0x127: {  	v6 =	vld.idx.msk [tilespmem:v15+s2+$0x0], $0xffff  }
.Ltmp7:
0x128: {  	v10 =	vadd.f32 v11, v10;
	v8 =	vld.idx.msk [tilespmem:v8+s2+$0x0], $0xffff;
	v11 =	vpop (erf);
	(pc) =	sbr.rel @p2 .LBB2_15-.Ltmp7, $4  }
0x129: {  	v7 =	vld.idx.msk [tilespmem:v16+s19+$0x0], $0xffff  }
0x12a: {  	v15 =	vmul.f32 $2.000000030e-01, v10;
	[tilespmem:v3+s1+$0x0] =	vst.idx.add.f32.msk $0xffff, v11;
	v11 =	vpop (erf);
	v3 =	vmov v9  }
0x12b: {  	vm0 =	vge.f32 v10, $0.0e+00;
	[tilespmem:v1+s1+$0x0] =	vst.idx.add.f32.msk $0xffff, v11;
	v11 =	vpop (erf);
	v1 =	vmov v13  }
0x12c: {  	s10 =	sadd.s32 $0x40, s10;
	v9 =	vadd.f32 v12, v14;
	v10 =	vsel vm0, v10, v15;
	[tilespmem:v4+s1+$0x0] =	vst.idx.add.f32.msk $0xffff, v11;
	v4 =	vmov v16  }
0x12d: {  	v5 =	vadd.f32 v5, v8  }
0x12e: {  	v59 =	vmul.f32 $2.000000030e-01, v9;
	v6 =	vadd.f32 v7, v6  }
0x12f: {  	v60 =	vmul.f32 $1.442695020e+00, v10;
	vm0 =	vge.f32 v9, $0.0e+00;
	v61 =	vmul.f32 $2.000000030e-01, v5  }
0x130: {  	vm13 =	vge.f32 v5, $0.0e+00;
	v8 =	vsel vm0, v9, v59;
	v62 =	vmul.f32 $2.000000030e-01, v6  }
0x131: {  	vm14 =	vge.f32 v6, $0.0e+00;
	v8 =	vmul.f32 $1.442695020e+00, v8;
	v5 =	vsel vm13, v5, v61  }
0x132: {  	(erf) = vpow2.f32 v60;
	v5 =	vmul.f32 $1.442695020e+00, v5;
	v6 =	vsel vm14, v6, v62  }
0x133: {  	(erf) = vpow2.f32 v8;
	v6 =	vmul.f32 $1.442695020e+00, v6  }
0x134: {  	(erf) = vpow2.f32 v5  }
0x135: {  	(erf) = vpow2.f32 v6;
	_ =	sdelay $0x5  }
0x136: {  	v63 =	vpop (erf)  }
0x137: {  	[tilespmem:v2+s1+$0x0] =	vst.idx.add.f32.msk $0xffff, v63;
	v2 =	vpop (erf)  }
0x138: {  	[tilespmem:v3+s1+$0x0] =	vst.idx.add.f32.msk $0xffff, v2;
	v2 =	vpop (erf)  }
0x139: {  	[tilespmem:v1+s1+$0x0] =	vst.idx.add.f32.msk $0xffff, v2;
	v1 =	vpop (erf)  }
0x13a: {  	[tilespmem:v4+s1+$0x0] =	vst.idx.add.f32.msk $0xffff, v1  }
0x13b: {  	v1 =	vld [tilespmem:$0x14900]  }
0x13c: {  	v2 =	vld [tilespmem:$0x17080];
	_ =	sdelay $0x5  }
0x13d: {  	s7 =	simm.s32 $0x0  }
0x13e: {  	v1 =	vld.idx.msk [tilespmem:v1+s7+$0x0], $0xffff  }
0x13f: {  	v3 =	vld.idx.msk [tilespmem:v2+s19+$0x0], $0xffff;
	_ =	sdelay $0x4  }
0x140: {  	v1 =	vadd.f32 v3, v1;
	_ =	sdelay $0x1  }
0x141: {  	v3 =	vmul.f32 $2.000000030e-01, v1  }
0x142: {  	vm15 =	vge.f32 v1, $0.0e+00  }
0x143: {  	v1 =	vsel vm15, v1, v3  }
0x144: {  	v1 =	vmul.f32 $1.442695020e+00, v1;
	_ =	sdelay $0x1  }
0x145: {  	(erf) = vpow2.f32 v1;
	_ =	sdelay $0x8  }
0x146: {  	v1 =	vpop (erf)  }
0x147: {  	s0 =	rddreg [dreg:$0x5];
	[tilespmem:v2+s1+$0x0] =	vst.idx.add.f32.msk $0xffff, v1  }
0x148: {  	[hbm4b:s0+s13] =	stream.strided.scatter [tilespmem:s1], [sflag:$0x4], $0x2800, s16, s13, $0x38;
	[tilespmem:$0x17100] =	vst v63  }
0x149: {  	s16 =	simm.s32 $0x4  }
0x14a: {  	_ =	swait.ge [sflag:s16], $0x2800  }
0x14b: {  	[sflag:s16] =	ssyncset.done $0x0  }
0x14c: {  	[sflag:s16] =	ssyncadd.s32 $0xFFFFD800  }
.LBB2_17:
0x14d: {  	_ =	swait.ge [sflag:s25], $0xC80  }
0x14e: {  	[sflag:s25] =	ssyncset.done $0x0  }
0x14f: {  	[sflag:s25] =	ssyncadd.s32 $0xFFFFF380  }
0x150: {  	_ =	swait.ge [sflag:s25], $0xC80  }
0x151: {  	[sflag:s25] =	ssyncset.done $0x0  }
0x152: {  	s10 =	simm.s32 $0xF020;
	[sflag:s25] =	ssyncadd.s32 $0xFFFFF380  }
0x153: {  	s8 =	simm.s32 $0x10920;
	v11 =	vld [tilespmem:s10+$0x10]  }
0x154: {  	v4 =	vld [tilespmem:s8+$0x10];
	_ =	sdelay $0x1  }
0x155: {  	v2 =	vld [tilespmem:s8+$0xFFFFFFE0]  }
0x156: {  	v5 =	vld [tilespmem:s10+$0xFFFFFFF0]  }
0x157: {  	v3 =	vld [tilespmem:s8+$0xFFFFFFF0]  }
0x158: {  	v6 =	vld [tilespmem:s10+$0x0]  }
0x159: {  	v9 =	vld [tilespmem:s10+$0xFFFFFFE0]  }
0x15a: {  	v7 =	vld.idx.msk [tilespmem:v11+s2+$0x0], $0xffff  }
0x15b: {  	v8 =	vld.idx.msk [tilespmem:v4+s19+$0x0], $0xffff  }
0x15c: {  	v1 =	vld [tilespmem:s8+$0x0];
	_ =	sdelay $0x1  }
0x15d: {  	v13 =	vld.idx.msk [tilespmem:v2+s19+$0x0], $0xffff  }
0x15e: {  	v10 =	vld.idx.msk [tilespmem:v5+s2+$0x0], $0xffff  }
0x15f: {  	v12 =	vld.idx.msk [tilespmem:v3+s19+$0x0], $0xffff;
	v7 =	vadd.f32 v8, v7  }
0x160: {  	v16 =	vld.idx.msk [tilespmem:v9+s2+$0x0], $0xffff  }
0x161: {  	v14 =	vld.idx.msk [tilespmem:v6+s2+$0x0], $0xffff;
	v8 =	vmul.f32 $2.000000030e-01, v7  }
0x162: {  	v5 =	vld.idx.msk [tilespmem:v5+s22+$0x0], $0xffff;
	vm0 =	vge.f32 v7, $0.0e+00  }
0x163: {  	v15 =	vld.idx.msk [tilespmem:v1+s19+$0x0], $0xffff;
	v7 =	vsel vm0, v7, v8  }
0x164: {  	v12 =	vadd.f32 v12, v10;
	v10 =	vld.idx.msk [tilespmem:v9+s22+$0x0], $0xffff;
	v7 =	vmul.f32 $1.442695020e+00, v7  }
0x165: {  	v6 =	vld.idx.msk [tilespmem:v6+s22+$0x0], $0xffff;
	v13 =	vadd.f32 v13, v16  }
0x166: {  	v9 =	vmul.f32 $2.000000030e-01, v12;
	(erf) = vpow2.f32 v7  }
0x167: {  	vm1 =	vge.f32 v13, $0.0e+00;
	vm0 =	vge.f32 v12, $0.0e+00  }
0x168: {  	v8 =	vshll.u32 v5, $0x10;
	v9 =	vsel vm0, v12, v9;
	v12 =	vadd.f32 v15, v14  }
0x169: {  	v15 =	vmul.f32 $2.000000030e-01, v13;
	v16 =	vmul.f32 $1.442695020e+00, v9;
	v9 =	vshll.u32 v10, $0x10  }
0x16a: {  	v11 =	vld.idx.msk [tilespmem:v11+s22+$0x0], $0xffff;
	v7 =	vand.u32 $0xFFFF0000, v5;
	v5 =	vshll.u32 v6, $0x10;
	v14 =	vmul.f32 $2.000000030e-01, v12  }
0x16b: {  	s11 =	simm.s32 $0xF060;
	s10 =	simm.s32 $0x0;
	v6 =	vand.u32 $0xFFFF0000, v6;
	vm0 =	vge.f32 v12, $0.0e+00;
	(erf) = vpow2.f32 v16  }
.LBB2_18:
0x16c: {  	v16 =	vld [tilespmem:s11+$0x10];
	v10 =	vand.u32 $0xFFFF0000, v10;
	v12 =	vsel vm0, v12, v14;
	s8 =	sadd.s32 $0x40, s8  }
0x16d: {  	v14 =	vld [tilespmem:s8+$0x10];
	v13 =	vsel vm1, v13, v15;
	v19 =	vmul.f32 $1.442695020e+00, v12  }
0x16e: {  	s10 =	sadd.s32 $0x4, s10;
	v15 =	vld [tilespmem:s8+$0xFFFFFFE0];
	v13 =	vmul.f32 $1.442695020e+00, v13  }
0x16f: {  	p2 =	slt.u32 s10, $0xC4;
	v18 =	vshll.u32 v11, $0x10;
	v17 =	vld [tilespmem:s11+$0xFFFFFFF0];
	(erf) = vpow2.f32 v19;
	v12 =	vpop (erf)  }
0x170: {  	v11 =	vand.u32 $0xFFFF0000, v11;
	v19 =	vld [tilespmem:s8+$0xFFFFFFF0];
	v18 =	vmul.f32 v18, v12;
	(erf) = vpow2.f32 v13  }
0x171: {  	v11 =	vmul.f32 v11, v12;
	v13 =	vld [tilespmem:s11+$0x0]  }
0x172: {  	[tilespmem:v4+s23+$0x0] =	vst.idx.add.f32.msk $0xffff, v18  }
0x173: {  	[tilespmem:v4+s24+$0x0] =	vst.idx.add.f32.msk $0xffff, v11;
	v4 =	vmov v14  }
0x174: {  	v11 =	vld.idx.msk [tilespmem:v16+s2+$0x0], $0xffff;
	v12 =	vpop (erf)  }
0x175: {  	v14 =	vld.idx.msk [tilespmem:v14+s19+$0x0], $0xffff;
	v18 =	vmul.f32 v8, v12;
	v20 =	vmul.f32 v7, v12  }
0x176: {  	v21 =	vld [tilespmem:s8+$0x0]  }
0x177: {  	v7 =	vld [tilespmem:s11+$0xFFFFFFE0]  }
0x178: {  	v22 =	vld.idx.msk [tilespmem:v15+s19+$0x0], $0xffff;
	v8 =	vpop (erf)  }
0x179: {  	v12 =	vld.idx.msk [tilespmem:v17+s2+$0x0], $0xffff;
	v23 =	vmul.f32 v5, v8;
	v24 =	vmul.f32 v6, v8;
	v5 =	vpop (erf)  }
0x17a: {  	v6 =	vld.idx.msk [tilespmem:v19+s19+$0x0], $0xffff;
	v8 =	vmul.f32 v9, v5;
	v5 =	vmul.f32 v10, v5  }
0x17b: {  	v10 =	vadd.f32 v14, v11;
	v9 =	vld.idx.msk [tilespmem:v13+s2+$0x0], $0xffff  }
0x17c: {  	v11 =	vld.idx.msk [tilespmem:v17+s22+$0x0], $0xffff  }
0x17d: {  	v14 =	vmul.f32 $2.000000030e-01, v10;
	v13 =	vld.idx.msk [tilespmem:v13+s22+$0x0], $0xffff  }
0x17e: {  	vm0 =	vge.f32 v10, $0.0e+00;
	v17 =	vld.idx.msk [tilespmem:v21+s19+$0x0], $0xffff  }
0x17f: {  	v14 =	vsel vm0, v10, v14;
	v25 =	vld.idx.msk [tilespmem:v7+s2+$0x0], $0xffff  }
0x180: {  	v6 =	vadd.f32 v6, v12;
	v10 =	vld.idx.msk [tilespmem:v7+s22+$0x0], $0xffff;
	v7 =	vmul.f32 $1.442695020e+00, v14  }
0x181: {  	[tilespmem:v2+s23+$0x0] =	vst.idx.add.f32.msk $0xffff, v8  }
0x182: {  	vm0 =	vge.f32 v6, $0.0e+00;
	v12 =	vmul.f32 $2.000000030e-01, v6;
	(erf) = vpow2.f32 v7;
	[tilespmem:v2+s24+$0x0] =	vst.idx.add.f32.msk $0xffff, v5;
	v2 =	vmovc v15  }
.Ltmp8:
0x183: {  	v8 =	vshll.u32 v11, $0x10;
	v7 =	vand.u32 $0xFFFF0000, v11;
	v5 =	vshll.u32 v13, $0x10;
	[tilespmem:v3+s23+$0x0] =	vst.idx.add.f32.msk $0xffff, v18;
	(pc) =	sbr.rel @p2 .LBB2_18-.Ltmp8, $4  }
0x184: {  	v11 =	vsel vm0, v6, v12;
	v6 =	vand.u32 $0xFFFF0000, v13;
	v12 =	vadd.f32 v17, v9;
	[tilespmem:v3+s24+$0x0] =	vst.idx.add.f32.msk $0xffff, v20  }
0x185: {  	v13 =	vadd.f32 v22, v25;
	v17 =	vmul.f32 $1.442695020e+00, v11;
	v3 =	vmov v19;
	v11 =	vld.idx.msk [tilespmem:v16+s22+$0x0], $0xffff  }
0x186: {  	v9 =	vshll.u32 v10, $0x10;
	vm0 =	vge.f32 v12, $0.0e+00;
	v14 =	vmul.f32 $2.000000030e-01, v12;
	[tilespmem:v1+s23+$0x0] =	vst.idx.add.f32.msk $0xffff, v23  }
0x187: {  	s11 =	sadd.s32 $0x40, s11;
	vm1 =	vge.f32 v13, $0.0e+00;
	v15 =	vmul.f32 $2.000000030e-01, v13;
	(erf) = vpow2.f32 v17;
	[tilespmem:v1+s24+$0x0] =	vst.idx.add.f32.msk $0xffff, v24;
	v1 =	vmovc v21  }
0x188: {  	v12 =	vsel vm0, v12, v14  }
0x189: {  	v13 =	vsel vm1, v13, v15;
	v12 =	vmul.f32 $1.442695020e+00, v12  }
0x18a: {  	v13 =	vmul.f32 $1.442695020e+00, v13  }
0x18b: {  	(erf) = vpow2.f32 v12  }
0x18c: {  	(erf) = vpow2.f32 v13;
	_ =	sdelay $0x5  }
0x18d: {  	v13 =	vshll.u32 v11, $0x10;
	v12 =	vpop (erf)  }
0x18e: {  	v11 =	vand.u32 $0xFFFF0000, v11;
	v13 =	vmul.f32 v13, v12;
	v14 =	vpop (erf)  }
0x18f: {  	v11 =	vmul.f32 v11, v12;
	v15 =	vpop (erf)  }
0x190: {  	[tilespmem:v4+s23+$0x0] =	vst.idx.add.f32.msk $0xffff, v13;
	v8 =	vmul.f32 v8, v14;
	v12 =	vpop (erf)  }
0x191: {  	v10 =	vand.u32 $0xFFFF0000, v10;
	[tilespmem:v4+s24+$0x0] =	vst.idx.add.f32.msk $0xffff, v11;
	v9 =	vmul.f32 v9, v12  }
0x192: {  	[tilespmem:v3+s23+$0x0] =	vst.idx.add.f32.msk $0xffff, v8;
	v4 =	vmul.f32 v10, v12  }
0x193: {  	s8 =	smul.u32 $0x1900, s7;
	v7 =	vmul.f32 v7, v14;
	[tilespmem:v2+s23+$0x0] =	vst.idx.add.f32.msk $0xffff, v9  }
0x194: {  	[tilespmem:v2+s24+$0x0] =	vst.idx.add.f32.msk $0xffff, v4;
	v2 =	vmul.f32 v5, v15  }
0x195: {  	s10 =	sadd.s32 s8, s14;
	[tilespmem:v3+s24+$0x0] =	vst.idx.add.f32.msk $0xffff, v7;
	v4 =	vmul.f32 v6, v15  }
0x196: {  	s10 =	sshrl.u32 s10, $0x3;
	[tilespmem:v1+s23+$0x0] =	vst.idx.add.f32.msk $0xffff, v2  }
0x197: {  	s11 =	sadd.s32 s3, s10;
	s10 =	simm.s32 $0x0;
	[tilespmem:v1+s24+$0x0] =	vst.idx.add.f32.msk $0xffff, v4  }
0x198: {  	[tilespmem:s26], [sflag:$0x1] =	stream.linear.gather [hbm4b:s11+s10], $0xC80, $0x38;
	[tilespmem:$0x17100] =	vst v63  }
0x199: {  	s11 =	sadd.s32 $0x9C40, s11  }
0x19a: {  	[tilespmem:s28], [sflag:$0x1] =	stream.linear.gather [hbm4b:s11+s10], $0xC80, $0x38;
	[tilespmem:$0x17100] =	vst v63  }
0x19b: {  	_ =	swait.ge [sflag:s4], $0xC80  }
0x19c: {  	[sflag:s4] =	ssyncset.done $0x0  }
0x19d: {  	[sflag:s4] =	ssyncadd.s32 $0xFFFFF380  }
0x19e: {  	_ =	swait.ge [sflag:s4], $0xC80  }
0x19f: {  	[sflag:s4] =	ssyncset.done $0x0  }
0x1a0: {  	s12 =	simm.s32 $0xFCB0;
	[sflag:s4] =	ssyncadd.s32 $0xFFFFF380  }
0x1a1: {  	s11 =	simm.s32 $0x115B0;
	v6 =	vld [tilespmem:s12+$0x0]  }
0x1a2: {  	s13 =	sand.u32 $0xFC0, s10;
	v4 =	vld [tilespmem:s11+$0x0]  }
0x1a3: {  	v5 =	vld [tilespmem:s13+$0xFC80]  }
0x1a4: {  	v3 =	vld [tilespmem:s13+$0x11580];
	_ =	sdelay $0x1  }
0x1a5: {  	v7 =	vld [tilespmem:s12+$0xFFFFFFE0]  }
0x1a6: {  	v1 =	vld [tilespmem:s11+$0xFFFFFFE0]  }
0x1a7: {  	v11 =	vld [tilespmem:s12+$0xFFFFFFF0]  }
0x1a8: {  	v8 =	vld.idx.msk [tilespmem:v6+s2+$0x0], $0xffff  }
0x1a9: {  	v9 =	vld.idx.msk [tilespmem:v4+s19+$0x0], $0xffff  }
0x1aa: {  	v10 =	vld.idx.msk [tilespmem:v5+s2+$0x0], $0xffff  }
0x1ab: {  	v12 =	vld.idx.msk [tilespmem:v3+s19+$0x0], $0xffff;
	_ =	sdelay $0x1  }
0x1ac: {  	v2 =	vld [tilespmem:s11+$0xFFFFFFF0]  }
0x1ad: {  	v13 =	vld.idx.msk [tilespmem:v7+s2+$0x0], $0xffff;
	v8 =	vadd.f32 v9, v8  }
0x1ae: {  	v14 =	vld.idx.msk [tilespmem:v1+s19+$0x0], $0xffff  }
0x1af: {  	v12 =	vadd.f32 v12, v10;
	v10 =	vmul.f32 $2.000000030e-01, v8  }
0x1b0: {  	vm0 =	vge.f32 v8, $0.0e+00  }
0x1b1: {  	v16 =	vsel vm0, v8, v10;
	v8 =	vld.idx.msk [tilespmem:v7+s22+$0x0], $0xffff  }
0x1b2: {  	v15 =	vmul.f32 $2.000000030e-01, v12;
	v7 =	vld.idx.msk [tilespmem:v11+s22+$0x0], $0xffff  }
0x1b3: {  	v9 =	vld.idx.msk [tilespmem:v11+s2+$0x0], $0xffff;
	vm0 =	vge.f32 v12, $0.0e+00;
	v10 =	vadd.f32 v14, v13;
	v13 =	vmul.f32 $1.442695020e+00, v16  }
0x1b4: {  	v11 =	vld.idx.msk [tilespmem:v2+s19+$0x0], $0xffff;
	v12 =	vsel vm0, v12, v15  }
0x1b5: {  	s12 =	simm.s32 $0x0;
	s13 =	simm.s32 $0xFCF0;
	v12 =	vmul.f32 $1.442695020e+00, v12;
	vm0 =	vge.f32 v10, $0.0e+00;
	(erf) = vpow2.f32 v13  }
.LBB2_20:
0x1b6: {  	v13 =	vld [tilespmem:s13+$0x0];
	v14 =	vshll.u32 v8, $0x10;
	v8 =	vand.u32 $0xFFFF0000, v8;
	v15 =	vmul.f32 $2.000000030e-01, v10;
	s11 =	sadd.s32 $0x40, s11  }
0x1b7: {  	v17 =	vshll.u32 v7, $0x10;
	v7 =	vand.u32 $0xFFFF0000, v7;
	v16 =	vld [tilespmem:s11+$0x0];
	(erf) = vpow2.f32 v12  }
0x1b8: {  	v10 =	vsel vm0, v10, v15;
	v12 =	vld.idx.msk [tilespmem:v6+s22+$0x0], $0xffff  }
0x1b9: {  	v9 =	vadd.f32 v11, v9;
	v15 =	vld [tilespmem:s13+$0xFFFFFFE0];
	v19 =	vmul.f32 $1.442695020e+00, v10  }
0x1ba: {  	v10 =	vld.idx.msk [tilespmem:v5+s22+$0x0], $0xffff  }
0x1bb: {  	s10 =	sadd.s32 $0x40, s10;
	vm0 =	vge.f32 v9, $0.0e+00;
	v18 =	vmul.f32 $2.000000030e-01, v9;
	v11 =	vld [tilespmem:s11+$0xFFFFFFE0];
	(erf) = vpow2.f32 v19;
	v6 =	vmovc v13  }
0x1bc: {  	s16 =	sand.u32 $0xFC0, s10;
	v19 =	vld [tilespmem:s13+$0xFFFFFFF0]  }
0x1bd: {  	v9 =	vsel vm0, v9, v18;
	v5 =	vld [tilespmem:s16+$0xFC80]  }
0x1be: {  	s12 =	sadd.s32 $0x4, s12;
	v9 =	vmul.f32 $1.442695020e+00, v9;
	v20 =	vshll.u32 v12, $0x10;
	v18 =	vld [tilespmem:s16+$0x11580];
	v21 =	vpop (erf)  }
0x1bf: {  	p2 =	slt.u32 s12, $0xC4;
	v12 =	vand.u32 $0xFFFF0000, v12;
	v13 =	vld.idx.msk [tilespmem:v13+s2+$0x0], $0xffff;
	v20 =	vmul.f32 v20, v21  }
0x1c0: {  	v23 =	vshll.u32 v10, $0x10;
	v12 =	vmul.f32 v12, v21;
	v22 =	vld.idx.msk [tilespmem:v16+s19+$0x0], $0xffff;
	v21 =	vpop (erf);
	(erf) = vpow2.f32 v9  }
0x1c1: {  	v9 =	vand.u32 $0xFFFF0000, v10;
	v10 =	vmul.f32 v23, v21;
	[tilespmem:v4+s23+$0x0] =	vst.idx.add.f32.msk $0xffff, v20  }
0x1c2: {  	v20 =	vmul.f32 v9, v21;
	[tilespmem:v4+s24+$0x0] =	vst.idx.add.f32.msk $0xffff, v12;
	v4 =	vmov v16  }
0x1c3: {  	[tilespmem:v3+s23+$0x0] =	vst.idx.add.f32.msk $0xffff, v10  }
0x1c4: {  	[tilespmem:v3+s24+$0x0] =	vst.idx.add.f32.msk $0xffff, v20;
	v9 =	vpop (erf);
	v3 =	vmov v18  }
0x1c5: {  	v10 =	vld.idx.msk [tilespmem:v5+s2+$0x0], $0xffff;
	v12 =	vmul.f32 v14, v9;
	v14 =	vmul.f32 v8, v9  }
0x1c6: {  	v16 =	vld.idx.msk [tilespmem:v18+s19+$0x0], $0xffff  }
0x1c7: {  	v18 =	vld [tilespmem:s11+$0xFFFFFFF0]  }
0x1c8: {  	v20 =	vld.idx.msk [tilespmem:v15+s2+$0x0], $0xffff  }
0x1c9: {  	v21 =	vld.idx.msk [tilespmem:v11+s19+$0x0], $0xffff;
	v8 =	vpop (erf)  }
0x1ca: {  	v13 =	vadd.f32 v22, v13;
	v9 =	vld.idx.msk [tilespmem:v19+s2+$0x0], $0xffff;
	v17 =	vmul.f32 v17, v8;
	v22 =	vmul.f32 v7, v8  }
0x1cb: {  	v8 =	vld.idx.msk [tilespmem:v15+s22+$0x0], $0xffff  }
0x1cc: {  	v15 =	vadd.f32 v16, v10;
	v10 =	vmul.f32 $2.000000030e-01, v13;
	v7 =	vld.idx.msk [tilespmem:v19+s22+$0x0], $0xffff  }
.Ltmp9:
0x1cd: {  	vm0 =	vge.f32 v13, $0.0e+00;
	[tilespmem:v1+s23+$0x0] =	vst.idx.add.f32.msk $0xffff, v12;
	(pc) =	sbr.rel @p2 .LBB2_20-.Ltmp9, $4  }
0x1ce: {  	v12 =	vmul.f32 $2.000000030e-01, v15;
	v13 =	vsel vm0, v13, v10;
	[tilespmem:v1+s24+$0x0] =	vst.idx.add.f32.msk $0xffff, v14;
	v1 =	vmov v11  }
0x1cf: {  	vm0 =	vge.f32 v15, $0.0e+00;
	v10 =	vadd.f32 v21, v20;
	v13 =	vmul.f32 $1.442695020e+00, v13;
	v11 =	vld.idx.msk [tilespmem:v18+s19+$0x0], $0xffff  }
0x1d0: {  	v12 =	vsel vm0, v15, v12;
	[tilespmem:v2+s23+$0x0] =	vst.idx.add.f32.msk $0xffff, v17  }
0x1d1: {  	s13 =	sadd.s32 $0x40, s13;
	v12 =	vmul.f32 $1.442695020e+00, v12;
	vm0 =	vge.f32 v10, $0.0e+00;
	(erf) = vpow2.f32 v13;
	[tilespmem:v2+s24+$0x0] =	vst.idx.add.f32.msk $0xffff, v22;
	v2 =	vmovc v18  }
0x1d2: {  	_ =	sdelay $0x1  }
0x1d3: {  	v13 =	vmul.f32 $2.000000030e-01, v10;
	v9 =	vadd.f32 v11, v9;
	_ =	sdelay $0x1  }
0x1d4: {  	v10 =	vsel vm0, v10, v13;
	v11 =	vmul.f32 $2.000000030e-01, v9  }
0x1d5: {  	(erf) = vpow2.f32 v12;
	v10 =	vmul.f32 $1.442695020e+00, v10;
	vm15 =	vge.f32 v9, $0.0e+00  }
0x1d6: {  	v9 =	vsel vm15, v9, v11  }
0x1d7: {  	v6 =	vld.idx.msk [tilespmem:v6+s22+$0x0], $0xffff;
	(erf) = vpow2.f32 v10;
	v9 =	vmul.f32 $1.442695020e+00, v9;
	_ =	sdelay $0x1  }
0x1d8: {  	v5 =	vld.idx.msk [tilespmem:v5+s22+$0x0], $0xffff;
	(erf) = vpow2.f32 v9;
	_ =	sdelay $0x2  }
0x1d9: {  	v53 =	vshll.u32 v6, $0x10;
	v52 =	vpop (erf)  }
0x1da: {  	v6 =	vand.u32 $0xFFFF0000, v6;
	v10 =	vmul.f32 v53, v52  }
0x1db: {  	v54 =	vshll.u32 v5, $0x10;
	v6 =	vmul.f32 v6, v52;
	v55 =	vpop (erf)  }
0x1dc: {  	v5 =	vand.u32 $0xFFFF0000, v5;
	v11 =	vmul.f32 v54, v55;
	[tilespmem:v4+s23+$0x0] =	vst.idx.add.f32.msk $0xffff, v10  }
0x1dd: {  	v56 =	vshll.u32 v8, $0x10;
	v5 =	vmul.f32 v5, v55;
	[tilespmem:v4+s24+$0x0] =	vst.idx.add.f32.msk $0xffff, v6;
	v57 =	vpop (erf)  }
0x1de: {  	v58 =	vand.u32 $0xFFFF0000, v8;
	[tilespmem:v3+s23+$0x0] =	vst.idx.add.f32.msk $0xffff, v11;
	v59 =	vmul.f32 v56, v57  }
0x1df: {  	v60 =	vshll.u32 v7, $0x10;
	[tilespmem:v3+s24+$0x0] =	vst.idx.add.f32.msk $0xffff, v5;
	v3 =	vmul.f32 v58, v57;
	v61 =	vpop (erf)  }
0x1e0: {  	v62 =	vand.u32 $0xFFFF0000, v7;
	s7 =	sadd.s32 $0x1, s7;
	[tilespmem:v1+s23+$0x0] =	vst.idx.add.f32.msk $0xffff, v59;
	v63 =	vmul.f32 v60, v61  }
0x1e1: {  	s8 =	sadd.s32 s8, s15;
	p2 =	sne.s32 s7, $0x18;
	[tilespmem:v1+s24+$0x0] =	vst.idx.add.f32.msk $0xffff, v3;
	v4 =	vmul.f32 v62, v61  }
.Ltmp10:
0x1e2: {  	s8 =	sshrl.u32 s8, $0x3;
	[tilespmem:v2+s23+$0x0] =	vst.idx.add.f32.msk $0xffff, v63;
	(pc) =	sbr.rel @p2 .LBB2_17-.Ltmp10, $4  }
0x1e3: {  	s8 =	sadd.s32 s3, s8;
	[tilespmem:v2+s24+$0x0] =	vst.idx.add.f32.msk $0xffff, v4  }
0x1e4: {  	[tilespmem:s29], [sflag:$0x2] =	stream.linear.gather [hbm4b:s8+s2], $0xC80, $0x38;
	[tilespmem:$0x17100] =	vst v63  }
0x1e5: {  	s8 =	sadd.s32 $0x9C40, s8  }
0x1e6: {  	[tilespmem:s30], [sflag:$0x2] =	stream.linear.gather [hbm4b:s8+s2], $0xC80, $0x38;
	[tilespmem:$0x17100] =	vst v63  }
0x1e7: {  	_ =	swait.ge [sflag:s25], $0xC80  }
0x1e8: {  	[sflag:s25] =	ssyncset.done $0x0  }
0x1e9: {  	[sflag:s25] =	ssyncadd.s32 $0xFFFFF380  }
0x1ea: {  	_ =	swait.ge [sflag:s25], $0xC80  }
0x1eb: {  	[sflag:s25] =	ssyncset.done $0x0  }
0x1ec: {  	s8 =	simm.s32 $0xF020;
	[sflag:s25] =	ssyncadd.s32 $0xFFFFF380  }
0x1ed: {  	s7 =	simm.s32 $0x10920;
	v11 =	vld [tilespmem:s8+$0x10]  }
0x1ee: {  	v4 =	vld [tilespmem:s7+$0x10];
	_ =	sdelay $0x1  }
0x1ef: {  	v1 =	vld [tilespmem:s7+$0xFFFFFFE0]  }
0x1f0: {  	v5 =	vld [tilespmem:s8+$0xFFFFFFF0]  }
0x1f1: {  	v3 =	vld [tilespmem:s7+$0xFFFFFFF0]  }
0x1f2: {  	v6 =	vld [tilespmem:s8+$0x0]  }
0x1f3: {  	v9 =	vld [tilespmem:s8+$0xFFFFFFE0]  }
0x1f4: {  	v7 =	vld.idx.msk [tilespmem:v11+s2+$0x0], $0xffff  }
0x1f5: {  	v8 =	vld.idx.msk [tilespmem:v4+s19+$0x0], $0xffff  }
0x1f6: {  	v2 =	vld [tilespmem:s7+$0x0];
	_ =	sdelay $0x1  }
0x1f7: {  	v13 =	vld.idx.msk [tilespmem:v1+s19+$0x0], $0xffff  }
0x1f8: {  	v10 =	vld.idx.msk [tilespmem:v5+s2+$0x0], $0xffff  }
0x1f9: {  	v12 =	vld.idx.msk [tilespmem:v3+s19+$0x0], $0xffff;
	v7 =	vadd.f32 v8, v7  }
0x1fa: {  	v16 =	vld.idx.msk [tilespmem:v9+s2+$0x0], $0xffff  }
0x1fb: {  	v14 =	vld.idx.msk [tilespmem:v6+s2+$0x0], $0xffff;
	v8 =	vmul.f32 $2.000000030e-01, v7  }
0x1fc: {  	v5 =	vld.idx.msk [tilespmem:v5+s22+$0x0], $0xffff;
	vm0 =	vge.f32 v7, $0.0e+00  }
0x1fd: {  	v15 =	vld.idx.msk [tilespmem:v2+s19+$0x0], $0xffff;
	v7 =	vsel vm0, v7, v8  }
0x1fe: {  	v12 =	vadd.f32 v12, v10;
	v10 =	vld.idx.msk [tilespmem:v9+s22+$0x0], $0xffff;
	v7 =	vmul.f32 $1.442695020e+00, v7  }
0x1ff: {  	v6 =	vld.idx.msk [tilespmem:v6+s22+$0x0], $0xffff;
	v13 =	vadd.f32 v13, v16  }
0x200: {  	v9 =	vmul.f32 $2.000000030e-01, v12;
	(erf) = vpow2.f32 v7  }
0x201: {  	vm1 =	vge.f32 v13, $0.0e+00;
	vm0 =	vge.f32 v12, $0.0e+00  }
0x202: {  	v8 =	vshll.u32 v5, $0x10;
	v9 =	vsel vm0, v12, v9;
	v12 =	vadd.f32 v15, v14  }
0x203: {  	v15 =	vmul.f32 $2.000000030e-01, v13;
	v16 =	vmul.f32 $1.442695020e+00, v9;
	v9 =	vshll.u32 v10, $0x10  }
0x204: {  	v11 =	vld.idx.msk [tilespmem:v11+s22+$0x0], $0xffff;
	v7 =	vand.u32 $0xFFFF0000, v5;
	v5 =	vshll.u32 v6, $0x10;
	v14 =	vmul.f32 $2.000000030e-01, v12  }
0x205: {  	s10 =	simm.s32 $0xF060;
	s8 =	simm.s32 $0x0;
	v6 =	vand.u32 $0xFFFF0000, v6;
	vm0 =	vge.f32 v12, $0.0e+00;
	(erf) = vpow2.f32 v16  }
.LBB2_23:
0x206: {  	v16 =	vld [tilespmem:s10+$0x10];
	v10 =	vand.u32 $0xFFFF0000, v10;
	v12 =	vsel vm0, v12, v14;
	s7 =	sadd.s32 $0x40, s7  }
0x207: {  	v14 =	vld [tilespmem:s7+$0x10];
	v13 =	vsel vm1, v13, v15;
	v19 =	vmul.f32 $1.442695020e+00, v12  }
0x208: {  	s8 =	sadd.s32 $0x4, s8;
	v15 =	vld [tilespmem:s7+$0xFFFFFFE0];
	v13 =	vmul.f32 $1.442695020e+00, v13  }
0x209: {  	p2 =	slt.u32 s8, $0xC4;
	v18 =	vshll.u32 v11, $0x10;
	v17 =	vld [tilespmem:s10+$0xFFFFFFF0];
	(erf) = vpow2.f32 v19;
	v12 =	vpop (erf)  }
0x20a: {  	v11 =	vand.u32 $0xFFFF0000, v11;
	v19 =	vld [tilespmem:s7+$0xFFFFFFF0];
	v18 =	vmul.f32 v18, v12;
	(erf) = vpow2.f32 v13  }
0x20b: {  	v11 =	vmul.f32 v11, v12;
	v13 =	vld [tilespmem:s10+$0x0]  }
0x20c: {  	[tilespmem:v4+s23+$0x0] =	vst.idx.add.f32.msk $0xffff, v18  }
0x20d: {  	[tilespmem:v4+s24+$0x0] =	vst.idx.add.f32.msk $0xffff, v11;
	v4 =	vmov v14  }
0x20e: {  	v11 =	vld.idx.msk [tilespmem:v16+s2+$0x0], $0xffff;
	v12 =	vpop (erf)  }
0x20f: {  	v14 =	vld.idx.msk [tilespmem:v14+s19+$0x0], $0xffff;
	v18 =	vmul.f32 v8, v12;
	v20 =	vmul.f32 v7, v12  }
0x210: {  	v21 =	vld [tilespmem:s7+$0x0]  }
0x211: {  	v7 =	vld [tilespmem:s10+$0xFFFFFFE0]  }
0x212: {  	v22 =	vld.idx.msk [tilespmem:v15+s19+$0x0], $0xffff;
	v8 =	vpop (erf)  }
0x213: {  	v12 =	vld.idx.msk [tilespmem:v17+s2+$0x0], $0xffff;
	v23 =	vmul.f32 v5, v8;
	v24 =	vmul.f32 v6, v8;
	v5 =	vpop (erf)  }
0x214: {  	v6 =	vld.idx.msk [tilespmem:v19+s19+$0x0], $0xffff;
	v8 =	vmul.f32 v9, v5;
	v5 =	vmul.f32 v10, v5  }
0x215: {  	v10 =	vadd.f32 v14, v11;
	v9 =	vld.idx.msk [tilespmem:v13+s2+$0x0], $0xffff  }
0x216: {  	v11 =	vld.idx.msk [tilespmem:v17+s22+$0x0], $0xffff  }
0x217: {  	v14 =	vmul.f32 $2.000000030e-01, v10;
	v13 =	vld.idx.msk [tilespmem:v13+s22+$0x0], $0xffff  }
0x218: {  	vm0 =	vge.f32 v10, $0.0e+00;
	v17 =	vld.idx.msk [tilespmem:v21+s19+$0x0], $0xffff  }
0x219: {  	v14 =	vsel vm0, v10, v14;
	v25 =	vld.idx.msk [tilespmem:v7+s2+$0x0], $0xffff  }
0x21a: {  	v6 =	vadd.f32 v6, v12;
	v10 =	vld.idx.msk [tilespmem:v7+s22+$0x0], $0xffff;
	v7 =	vmul.f32 $1.442695020e+00, v14  }
0x21b: {  	[tilespmem:v1+s23+$0x0] =	vst.idx.add.f32.msk $0xffff, v8  }
0x21c: {  	vm0 =	vge.f32 v6, $0.0e+00;
	v12 =	vmul.f32 $2.000000030e-01, v6;
	(erf) = vpow2.f32 v7;
	[tilespmem:v1+s24+$0x0] =	vst.idx.add.f32.msk $0xffff, v5;
	v1 =	vmovc v15  }
.Ltmp11:
0x21d: {  	v8 =	vshll.u32 v11, $0x10;
	v7 =	vand.u32 $0xFFFF0000, v11;
	v5 =	vshll.u32 v13, $0x10;
	[tilespmem:v3+s23+$0x0] =	vst.idx.add.f32.msk $0xffff, v18;
	(pc) =	sbr.rel @p2 .LBB2_23-.Ltmp11, $4  }
0x21e: {  	v11 =	vsel vm0, v6, v12;
	v6 =	vand.u32 $0xFFFF0000, v13;
	v12 =	vadd.f32 v17, v9;
	[tilespmem:v3+s24+$0x0] =	vst.idx.add.f32.msk $0xffff, v20  }
0x21f: {  	v13 =	vadd.f32 v22, v25;
	v17 =	vmul.f32 $1.442695020e+00, v11;
	v3 =	vmov v19;
	v11 =	vld.idx.msk [tilespmem:v16+s22+$0x0], $0xffff  }
0x220: {  	v9 =	vshll.u32 v10, $0x10;
	vm0 =	vge.f32 v12, $0.0e+00;
	v14 =	vmul.f32 $2.000000030e-01, v12;
	[tilespmem:v2+s23+$0x0] =	vst.idx.add.f32.msk $0xffff, v23  }
0x221: {  	s10 =	sadd.s32 $0x40, s10;
	vm1 =	vge.f32 v13, $0.0e+00;
	v15 =	vmul.f32 $2.000000030e-01, v13;
	(erf) = vpow2.f32 v17;
	[tilespmem:v2+s24+$0x0] =	vst.idx.add.f32.msk $0xffff, v24;
	v2 =	vmovc v21  }
0x222: {  	v12 =	vsel vm0, v12, v14  }
0x223: {  	v13 =	vsel vm1, v13, v15;
	v12 =	vmul.f32 $1.442695020e+00, v12  }
0x224: {  	v13 =	vmul.f32 $1.442695020e+00, v13  }
0x225: {  	(erf) = vpow2.f32 v12  }
0x226: {  	(erf) = vpow2.f32 v13;
	_ =	sdelay $0x5  }
0x227: {  	v13 =	vshll.u32 v11, $0x10;
	v12 =	vpop (erf)  }
0x228: {  	v11 =	vand.u32 $0xFFFF0000, v11;
	v13 =	vmul.f32 v13, v12;
	v14 =	vpop (erf)  }
0x229: {  	v11 =	vmul.f32 v11, v12;
	v15 =	vpop (erf)  }
0x22a: {  	[tilespmem:v4+s23+$0x0] =	vst.idx.add.f32.msk $0xffff, v13;
	v8 =	vmul.f32 v8, v14;
	v12 =	vpop (erf)  }
0x22b: {  	v10 =	vand.u32 $0xFFFF0000, v10;
	[tilespmem:v4+s24+$0x0] =	vst.idx.add.f32.msk $0xffff, v11;
	v9 =	vmul.f32 v9, v12  }
0x22c: {  	[tilespmem:v3+s23+$0x0] =	vst.idx.add.f32.msk $0xffff, v8;
	v4 =	vmul.f32 v10, v12  }
0x22d: {  	v7 =	vmul.f32 v7, v14;
	[tilespmem:v1+s23+$0x0] =	vst.idx.add.f32.msk $0xffff, v9  }
0x22e: {  	[tilespmem:v1+s24+$0x0] =	vst.idx.add.f32.msk $0xffff, v4;
	v1 =	vmul.f32 v5, v15  }
0x22f: {  	[tilespmem:v3+s24+$0x0] =	vst.idx.add.f32.msk $0xffff, v7;
	v4 =	vmul.f32 v6, v15  }
0x230: {  	[tilespmem:v2+s23+$0x0] =	vst.idx.add.f32.msk $0xffff, v1  }
0x231: {  	[tilespmem:v2+s24+$0x0] =	vst.idx.add.f32.msk $0xffff, v4  }
0x232: {  	_ =	swait.ge [sflag:s4], $0xC80  }
0x233: {  	[sflag:s4] =	ssyncset.done $0x0  }
0x234: {  	[sflag:s4] =	ssyncadd.s32 $0xFFFFF380  }
0x235: {  	_ =	swait.ge [sflag:s4], $0xC80  }
0x236: {  	[sflag:s4] =	ssyncset.done $0x0  }
0x237: {  	s10 =	simm.s32 $0xFCB0;
	[sflag:s4] =	ssyncadd.s32 $0xFFFFF380  }
0x238: {  	s7 =	simm.s32 $0x115B0;
	s8 =	simm.s32 $0x0;
	v6 =	vld [tilespmem:s10+$0x0]  }
0x239: {  	s11 =	sand.u32 $0xFC0, s8;
	v4 =	vld [tilespmem:s7+$0x0]  }
0x23a: {  	v5 =	vld [tilespmem:s11+$0xFC80]  }
0x23b: {  	v3 =	vld [tilespmem:s11+$0x11580];
	_ =	sdelay $0x1  }
0x23c: {  	v7 =	vld [tilespmem:s10+$0xFFFFFFE0]  }
0x23d: {  	v1 =	vld [tilespmem:s7+$0xFFFFFFE0]  }
0x23e: {  	v11 =	vld [tilespmem:s10+$0xFFFFFFF0]  }
0x23f: {  	v8 =	vld.idx.msk [tilespmem:v6+s2+$0x0], $0xffff  }
0x240: {  	v9 =	vld.idx.msk [tilespmem:v4+s19+$0x0], $0xffff  }
0x241: {  	v10 =	vld.idx.msk [tilespmem:v5+s2+$0x0], $0xffff  }
0x242: {  	v12 =	vld.idx.msk [tilespmem:v3+s19+$0x0], $0xffff;
	_ =	sdelay $0x1  }
0x243: {  	v2 =	vld [tilespmem:s7+$0xFFFFFFF0]  }
0x244: {  	v13 =	vld.idx.msk [tilespmem:v7+s2+$0x0], $0xffff;
	v8 =	vadd.f32 v9, v8  }
0x245: {  	v14 =	vld.idx.msk [tilespmem:v1+s19+$0x0], $0xffff  }
0x246: {  	v12 =	vadd.f32 v12, v10;
	v10 =	vmul.f32 $2.000000030e-01, v8  }
0x247: {  	vm0 =	vge.f32 v8, $0.0e+00  }
0x248: {  	v16 =	vsel vm0, v8, v10;
	v8 =	vld.idx.msk [tilespmem:v7+s22+$0x0], $0xffff  }
0x249: {  	v15 =	vmul.f32 $2.000000030e-01, v12;
	v7 =	vld.idx.msk [tilespmem:v11+s22+$0x0], $0xffff  }
0x24a: {  	v9 =	vld.idx.msk [tilespmem:v11+s2+$0x0], $0xffff;
	vm0 =	vge.f32 v12, $0.0e+00;
	v10 =	vadd.f32 v14, v13;
	v13 =	vmul.f32 $1.442695020e+00, v16  }
0x24b: {  	s13 =	simm.s32 $0x80;
	v11 =	vld.idx.msk [tilespmem:v2+s19+$0x0], $0xffff;
	v12 =	vsel vm0, v12, v15  }
0x24c: {  	s16 =	simm.s32 $0x400;
	s10 =	simm.s32 $0x0;
	s11 =	simm.s32 $0xFCF0;
	v12 =	vmul.f32 $1.442695020e+00, v12;
	vm0 =	vge.f32 v10, $0.0e+00;
	(erf) = vpow2.f32 v13  }
.LBB2_25:
0x24d: {  	v13 =	vld [tilespmem:s11+$0x0];
	v14 =	vshll.u32 v8, $0x10;
	v8 =	vand.u32 $0xFFFF0000, v8;
	v15 =	vmul.f32 $2.000000030e-01, v10;
	s7 =	sadd.s32 $0x40, s7  }
0x24e: {  	v17 =	vshll.u32 v7, $0x10;
	v7 =	vand.u32 $0xFFFF0000, v7;
	v16 =	vld [tilespmem:s7+$0x0];
	(erf) = vpow2.f32 v12  }
0x24f: {  	v10 =	vsel vm0, v10, v15;
	v12 =	vld.idx.msk [tilespmem:v6+s22+$0x0], $0xffff  }
0x250: {  	v9 =	vadd.f32 v11, v9;
	v15 =	vld [tilespmem:s11+$0xFFFFFFE0];
	v19 =	vmul.f32 $1.442695020e+00, v10  }
0x251: {  	v10 =	vld.idx.msk [tilespmem:v5+s22+$0x0], $0xffff  }
0x252: {  	s8 =	sadd.s32 $0x40, s8;
	vm0 =	vge.f32 v9, $0.0e+00;
	v18 =	vmul.f32 $2.000000030e-01, v9;
	v11 =	vld [tilespmem:s7+$0xFFFFFFE0];
	(erf) = vpow2.f32 v19;
	v6 =	vmovc v13  }
0x253: {  	s12 =	sand.u32 $0xFC0, s8;
	v19 =	vld [tilespmem:s11+$0xFFFFFFF0]  }
0x254: {  	v9 =	vsel vm0, v9, v18;
	v5 =	vld [tilespmem:s12+$0xFC80]  }
0x255: {  	s10 =	sadd.s32 $0x4, s10;
	v9 =	vmul.f32 $1.442695020e+00, v9;
	v20 =	vshll.u32 v12, $0x10;
	v18 =	vld [tilespmem:s12+$0x11580];
	v21 =	vpop (erf)  }
0x256: {  	p2 =	slt.u32 s10, $0xC4;
	v12 =	vand.u32 $0xFFFF0000, v12;
	v13 =	vld.idx.msk [tilespmem:v13+s2+$0x0], $0xffff;
	v20 =	vmul.f32 v20, v21  }
0x257: {  	v23 =	vshll.u32 v10, $0x10;
	v12 =	vmul.f32 v12, v21;
	v22 =	vld.idx.msk [tilespmem:v16+s19+$0x0], $0xffff;
	v21 =	vpop (erf);
	(erf) = vpow2.f32 v9  }
0x258: {  	v9 =	vand.u32 $0xFFFF0000, v10;
	v10 =	vmul.f32 v23, v21;
	[tilespmem:v4+s23+$0x0] =	vst.idx.add.f32.msk $0xffff, v20  }
0x259: {  	v20 =	vmul.f32 v9, v21;
	[tilespmem:v4+s24+$0x0] =	vst.idx.add.f32.msk $0xffff, v12;
	v4 =	vmov v16  }
0x25a: {  	[tilespmem:v3+s23+$0x0] =	vst.idx.add.f32.msk $0xffff, v10  }
0x25b: {  	[tilespmem:v3+s24+$0x0] =	vst.idx.add.f32.msk $0xffff, v20;
	v9 =	vpop (erf);
	v3 =	vmov v18  }
0x25c: {  	v10 =	vld.idx.msk [tilespmem:v5+s2+$0x0], $0xffff;
	v12 =	vmul.f32 v14, v9;
	v14 =	vmul.f32 v8, v9  }
0x25d: {  	v16 =	vld.idx.msk [tilespmem:v18+s19+$0x0], $0xffff  }
0x25e: {  	v18 =	vld [tilespmem:s7+$0xFFFFFFF0]  }
0x25f: {  	v20 =	vld.idx.msk [tilespmem:v15+s2+$0x0], $0xffff  }
0x260: {  	v21 =	vld.idx.msk [tilespmem:v11+s19+$0x0], $0xffff;
	v8 =	vpop (erf)  }
0x261: {  	v13 =	vadd.f32 v22, v13;
	v9 =	vld.idx.msk [tilespmem:v19+s2+$0x0], $0xffff;
	v17 =	vmul.f32 v17, v8;
	v22 =	vmul.f32 v7, v8  }
0x262: {  	v8 =	vld.idx.msk [tilespmem:v15+s22+$0x0], $0xffff  }
0x263: {  	v15 =	vadd.f32 v16, v10;
	v10 =	vmul.f32 $2.000000030e-01, v13;
	v7 =	vld.idx.msk [tilespmem:v19+s22+$0x0], $0xffff  }
.Ltmp12:
0x264: {  	vm0 =	vge.f32 v13, $0.0e+00;
	[tilespmem:v1+s23+$0x0] =	vst.idx.add.f32.msk $0xffff, v12;
	(pc) =	sbr.rel @p2 .LBB2_25-.Ltmp12, $4  }
0x265: {  	v12 =	vmul.f32 $2.000000030e-01, v15;
	v13 =	vsel vm0, v13, v10;
	[tilespmem:v1+s24+$0x0] =	vst.idx.add.f32.msk $0xffff, v14;
	v1 =	vmov v11  }
0x266: {  	vm0 =	vge.f32 v15, $0.0e+00;
	v10 =	vadd.f32 v21, v20;
	v13 =	vmul.f32 $1.442695020e+00, v13;
	v11 =	vld.idx.msk [tilespmem:v18+s19+$0x0], $0xffff  }
0x267: {  	v12 =	vsel vm0, v15, v12;
	[tilespmem:v2+s23+$0x0] =	vst.idx.add.f32.msk $0xffff, v17  }
0x268: {  	s11 =	sadd.s32 $0x40, s11;
	v12 =	vmul.f32 $1.442695020e+00, v12;
	vm0 =	vge.f32 v10, $0.0e+00;
	(erf) = vpow2.f32 v13;
	[tilespmem:v2+s24+$0x0] =	vst.idx.add.f32.msk $0xffff, v22;
	v2 =	vmovc v18  }
0x269: {  	_ =	sdelay $0x1  }
0x26a: {  	v13 =	vmul.f32 $2.000000030e-01, v10;
	v9 =	vadd.f32 v11, v9;
	_ =	sdelay $0x1  }
0x26b: {  	v10 =	vsel vm0, v10, v13;
	v11 =	vmul.f32 $2.000000030e-01, v9  }
0x26c: {  	(erf) = vpow2.f32 v12;
	v10 =	vmul.f32 $1.442695020e+00, v10;
	vm15 =	vge.f32 v9, $0.0e+00  }
0x26d: {  	v9 =	vsel vm15, v9, v11  }
0x26e: {  	v6 =	vld.idx.msk [tilespmem:v6+s22+$0x0], $0xffff;
	(erf) = vpow2.f32 v10;
	v9 =	vmul.f32 $1.442695020e+00, v9;
	_ =	sdelay $0x1  }
0x26f: {  	v5 =	vld.idx.msk [tilespmem:v5+s22+$0x0], $0xffff;
	(erf) = vpow2.f32 v9;
	_ =	sdelay $0x2  }
0x270: {  	v53 =	vshll.u32 v6, $0x10;
	v52 =	vpop (erf)  }
0x271: {  	v6 =	vand.u32 $0xFFFF0000, v6;
	v10 =	vmul.f32 v53, v52  }
0x272: {  	v54 =	vshll.u32 v5, $0x10;
	v6 =	vmul.f32 v6, v52;
	v55 =	vpop (erf)  }
0x273: {  	v5 =	vand.u32 $0xFFFF0000, v5;
	v11 =	vmul.f32 v54, v55;
	[tilespmem:v4+s23+$0x0] =	vst.idx.add.f32.msk $0xffff, v10  }
0x274: {  	v56 =	vshll.u32 v8, $0x10;
	v5 =	vmul.f32 v5, v55;
	[tilespmem:v4+s24+$0x0] =	vst.idx.add.f32.msk $0xffff, v6;
	v57 =	vpop (erf)  }
0x275: {  	v58 =	vand.u32 $0xFFFF0000, v8;
	[tilespmem:v3+s23+$0x0] =	vst.idx.add.f32.msk $0xffff, v11;
	v59 =	vmul.f32 v56, v57  }
0x276: {  	v60 =	vshll.u32 v7, $0x10;
	[tilespmem:v3+s24+$0x0] =	vst.idx.add.f32.msk $0xffff, v5;
	v3 =	vmul.f32 v58, v57;
	v61 =	vpop (erf)  }
0x277: {  	v62 =	vand.u32 $0xFFFF0000, v7;
	[tilespmem:v1+s23+$0x0] =	vst.idx.add.f32.msk $0xffff, v59;
	v63 =	vmul.f32 v60, v61  }
0x278: {  	[tilespmem:v1+s24+$0x0] =	vst.idx.add.f32.msk $0xffff, v3;
	v4 =	vmul.f32 v62, v61  }
0x279: {  	[tilespmem:v2+s23+$0x0] =	vst.idx.add.f32.msk $0xffff, v63  }
0x27a: {  	[tilespmem:v2+s24+$0x0] =	vst.idx.add.f32.msk $0xffff, v4  }
0x27b: {  	s7 =	simm.s32 $0x4;
	s0 =	rddreg [dreg:$0x6]  }
0x27c: {  	[hbm4b:s0+s13] =	stream.strided.scatter [tilespmem:s23], [sflag:$0x4], $0x2800, s16, s13, $0x38;
	[tilespmem:$0x17100] =	vst v63  }
0x27d: {  	_ =	swait.ge [sflag:s7], $0x2800  }
0x27e: {  	[sflag:s7] =	ssyncset.done $0x0  }
0x27f: {  	s11 =	rddreg [dreg:$0x7];
	[sflag:s7] =	ssyncadd.s32 $0xFFFFD800  }
0x280: {  	[hbm4b:s11+s13] =	stream.strided.scatter [tilespmem:s24], [sflag:$0x4], $0x2800, s16, s13, $0x38;
	[tilespmem:$0x17100] =	vst v63  }
0x281: {  	_ =	swait.ge [sflag:s7], $0x2800  }
0x282: {  	s5 =	sadd.s32 $0x1, s5;
	s12 =	rddreg [dreg:$0x8]  }
0x283: {  	p2 =	sne.s32 s5, s12  }
.Ltmp13:
0x284: {  	_ = 	snop;
	(pc) =	sbr.rel @p2 .LBB2_1-.Ltmp13, $3  }
0x285: {  	_ =	sdelay $0x1  }
0x286: {  	[sflag:s7] =	ssyncset.done $0x0  }
0x287: {  	[sflag:s7] =	ssyncadd.s32 $0xFFFFD800  }
0x288: {  	_ =	sfence.sel $0x180000  }
0x289: {  	[bflag:$0x0] =	sbarrier.arrive $0xFFFF  }
0x28a: {  	_ =	strace $0x90000047  }
0x28b: {  	s0 =	stileid.u32;
	[bflag:$0x2] =	sbarrier.arrive $0xFFFF  }
0x28c: {  	p0 =	sne.s32 s0, $0x0;
	s0 =	rddreg [dreg:$0x2]  }
0x28d: {  	s0 =	sadd.s32 @!p0 $0x100000, s0  }
0x28e: {  	[sflag:s0] =	ssyncadd.tile.s32 @!p0 $0x1;
	_ =	shalt  }
.Lfunc_end2:
_tile_overlayer_lowered:
.L_overlay_start_2:
0x28f: {  	(tag) =	ssettag $0x2  }
0x290: {  	s0 =	rddreg [dreg:$0x0];
	s2 =	stileid.u32  }
0x291: {  	s1 =	rddreg [dreg:$0x1];
	p0 =	sne.s32 s2, $0x0  }
0x292: {  	s3 =	rddreg [dreg:$0x2];
	[bflag:$0x3] =	sbarrier.arrive $0xFFFF;
	s2 =	simm.s32 @!p0 $0x1C04  }
0x293: {  	[timem:s3], [sflag:s2] =	dma.local @!p0 [hbm:s0], s1  }
0x294: {  	s0 =	simm.s32 @!p0 $0x4  }
0x295: {  	_ =	swait.ge @!p0 [sflag:s0], s1  }
0x296: {  	s1 =	ssub.s32 @!p0 $0x0, s1;
	[sflag:s0] =	ssyncset.done @!p0 $0x0  }
0x297: {  	[sflag:s0] =	ssyncadd.s32 @!p0 s1  }
0x298: {  	[bflag:$0x3] =	sbarrier.arrive $0xFFFF  }
0x299: {  	_ =	shalt  }

</sc_bundles>
